<compile_context>
chip_gen: v7x
topology: tpu7x:2x2x1
jax: 0.10.2.dev20260603
libtpu: 0.0.44.dev20260713+nightly
codegen_flags: <defaults>
</compile_context>

<pallas_src>
import functools

import jax
import jax.numpy as jnp
from jax import lax
from jax.experimental import pallas as pl
from jax.experimental.pallas import tpu as pltpu
from jax.experimental.pallas import tpu_sc as plsc

N = 10000
E = 320000
D = 128
G = 64

_INFO = plsc.get_sparse_core_info()
NC = _INFO.num_cores
NS = _INFO.num_subcores
NW = NC * NS
CHUNK = 128
E_PAD = 327680
NCHUNK_TOT = E_PAD // CHUNK
CPS = NCHUNK_TOT // NS
C0 = 120
BLK0 = 40
NST0 = C0 // BLK0
BLK1 = 40
NST1 = (CPS - C0) // BLK1
BLKMAX = max(BLK0, BLK1)
N_ACC = 10112
RPT = N_ACC // NS


NBUF = 2


def _seg_sum_body(h0_hbm, h1_hbm, src_hbm, dst_hbm, zero_hbm, out_hbm,
                  src_v, dst_v, r0, r1, agg_sh, s0, s1):
    bufs = (r0, r1)
    sems = (s0, s1)
    c = lax.axis_index("c")
    s = lax.axis_index("s")

    pltpu.sync_copy(zero_hbm.at[pl.ds(s * RPT, RPT)],
                    agg_sh.at[pl.ds(s * RPT, RPT)])
    plsc.subcore_barrier()

    def run_stages(h_hbm, nstages, blk, base):
        for st in range(nstages):
            start = base + st * blk
            pltpu.sync_copy(src_hbm.at[pl.ds(start, blk)],
                            src_v.at[pl.ds(0, blk)])
            pltpu.sync_copy(dst_hbm.at[pl.ds(start, blk)],
                            dst_v.at[pl.ds(0, blk)])
            for b in range(NBUF):
                pltpu.async_copy(h_hbm.at[src_v.at[b]], bufs[b], sems[b])

            def body(g, _):
                for b in range(NBUF):
                    j = g * NBUF + b
                    pltpu.make_async_copy(h_hbm.at[src_v.at[j]], bufs[b],
                                          sems[b]).wait()
                    pltpu.sync_copy(bufs[b], agg_sh.at[dst_v.at[j]],
                                    add=True)

                    @pl.when(j + NBUF < blk)
                    def _prefetch():
                        pltpu.async_copy(h_hbm.at[src_v.at[j + NBUF]],
                                         bufs[b], sems[b])
                return _

            lax.fori_loop(0, blk // NBUF, body, None)

    @pl.when(c == 0)
    def _core0():
        run_stages(h0_hbm, NST0, BLK0, s * CPS)

    @pl.when(c == 1)
    def _core1():
        run_stages(h1_hbm, NST1, BLK1, s * CPS + C0)

    plsc.subcore_barrier()

    pltpu.sync_copy(agg_sh.at[pl.ds(s * RPT, RPT)],
                    out_hbm.at[c, pl.ds(s * RPT, RPT)])


_seg_sum = functools.partial(
    pl.kernel,
    mesh=plsc.VectorSubcoreMesh(core_axis_name="c", subcore_axis_name="s"),
    out_type=jax.ShapeDtypeStruct((NC, N_ACC, D), jnp.float32),
    scratch_types=[
        pltpu.VMEM((BLKMAX, CHUNK), jnp.int32),
        pltpu.VMEM((BLKMAX, CHUNK), jnp.int32),
        pltpu.VMEM((CHUNK, D), jnp.float32),
        pltpu.VMEM((CHUNK, D), jnp.float32),
        pltpu.VMEM_SHARED((N_ACC, D), jnp.float32),
        pltpu.SemaphoreType.DMA,
        pltpu.SemaphoreType.DMA,
    ],
)(_seg_sum_body)


def _dense_layer_body(h_ref, p_ref, w1_ref, b1_ref, w2_ref, b2_ref,
                      g_ref, beta_ref, o_ref, o2_ref, *, apply_ln):
    z = h_ref[...] + p_ref[0] + p_ref[1]
    z = jnp.maximum(jnp.dot(z, w1_ref[...],
                            preferred_element_type=jnp.float32) + b1_ref[...], 0.0)
    z = jnp.dot(z, w2_ref[...], preferred_element_type=jnp.float32) + b2_ref[...]
    h = jnp.maximum(z, 0.0)
    if apply_ln:
        mu = jnp.mean(h, axis=-1, keepdims=True)
        var = jnp.mean((h - mu) ** 2, axis=-1, keepdims=True)
        h = (h - mu) / jnp.sqrt(var + 1e-5) * g_ref[...] + beta_ref[...]
    o_ref[...] = h
    o2_ref[...] = h


def _dense_layer(h, p, w1, b1, w2, b2, g, beta, apply_ln):
    blk = 1000
    grid = N // blk
    return pl.pallas_call(
        functools.partial(_dense_layer_body, apply_ln=apply_ln),
        grid=(grid,),
        in_specs=[
            pl.BlockSpec((blk, D), lambda i: (i, 0)),
            pl.BlockSpec((NC, blk, D), lambda i: (0, i, 0)),
            pl.BlockSpec((D, D), lambda i: (0, 0)),
            pl.BlockSpec((1, D), lambda i: (0, 0)),
            pl.BlockSpec((D, D), lambda i: (0, 0)),
            pl.BlockSpec((1, D), lambda i: (0, 0)),
            pl.BlockSpec((1, D), lambda i: (0, 0)),
            pl.BlockSpec((1, D), lambda i: (0, 0)),
        ],
        out_specs=[pl.BlockSpec((blk, D), lambda i: (i, 0)),
                   pl.BlockSpec((blk, D), lambda i: (i, 0))],
        out_shape=[jax.ShapeDtypeStruct((N, D), jnp.float32),
                   jax.ShapeDtypeStruct((N, D), jnp.float32)],
    )(h, p, w1, b1.reshape(1, D), w2, b2.reshape(1, D),
      g.reshape(1, D), beta.reshape(1, D))


def _dup_body(x_ref, o_ref, o2_ref):
    v = x_ref[...]
    o_ref[...] = v
    o2_ref[...] = v


def _dup(x):
    blk = 1000
    return pl.pallas_call(
        _dup_body,
        grid=(N // blk,),
        in_specs=[pl.BlockSpec((blk, D), lambda i: (i, 0))],
        out_specs=[pl.BlockSpec((blk, D), lambda i: (i, 0)),
                   pl.BlockSpec((blk, D), lambda i: (i, 0))],
        out_shape=[jax.ShapeDtypeStruct((N, D), jnp.float32),
                   jax.ShapeDtypeStruct((N, D), jnp.float32)],
    )(x)


def _pool_head_body(h_ref, batch_ref, wp1_ref, bp1_ref, wp2_ref, bp2_ref,
                    emb_ref, out_ref):
    gids = lax.broadcasted_iota(jnp.int32, (N, G), 1)
    onehot = jnp.where(batch_ref[...] == gids, 1.0, 0.0)
    pooled = lax.dot_general(onehot, h_ref[...], (((0,), (0,)), ((), ())),
                             preferred_element_type=jnp.float32)
    counts = jnp.sum(onehot, axis=0).reshape(G, 1)
    pooled = pooled / jnp.maximum(counts, 1.0)
    z = jnp.dot(pooled, wp1_ref[...],
                preferred_element_type=jnp.float32) + bp1_ref[...]
    z = jnp.dot(z, wp2_ref[...],
                preferred_element_type=jnp.float32) + bp2_ref[...]
    emb_ref[...] = z
    m = jnp.max(z, axis=1, keepdims=True)
    lse = m + jnp.log(jnp.sum(jnp.exp(z - m), axis=1, keepdims=True))
    out_ref[...] = z - lse


def _pool_head(h, batch, wp1, bp1, wp2, bp2):
    return pl.pallas_call(
        _pool_head_body,
        out_shape=(jax.ShapeDtypeStruct((G, 2), jnp.float32),
                   jax.ShapeDtypeStruct((G, 2), jnp.float32)),
    )(h, batch.reshape(N, 1), wp1, bp1.reshape(1, D), wp2, bp2.reshape(1, 2))


@jax.jit
def kernel(x, edge_index, batch, params):
    src = edge_index[0]
    dst = edge_index[1]
    pad = E_PAD - E
    srcp = jnp.concatenate([src, jnp.zeros((pad,), jnp.int32)]
                           ).reshape(NCHUNK_TOT, CHUNK)
    dstp = jnp.concatenate([dst, jnp.full((pad,), N, jnp.int32)]
                           ).reshape(NCHUNK_TOT, CHUNK)
    zero = jnp.zeros((N_ACC, D), jnp.float32)

    h, h2 = _dup(x)
    for i in range(3):
        parts = _seg_sum(h, h2, srcp, dstp, zero)
        h, h2 = _dense_layer(h, parts,
                         params[f"W1_{i}"], params[f"b1_{i}"],
                         params[f"W2_{i}"], params[f"b2_{i}"],
                         params[f"ln_g_{i}"] if i != 2 else params["ln_g_0"],
                         params[f"ln_b_{i}"] if i != 2 else params["ln_b_0"],
                         apply_ln=(i != 2))
    emb, out = _pool_head(h, batch, params["Wp1"], params["bp1"],
                          params["Wp2"], params["bp2"])
    return (emb, out)

# --- scband reference (transcript-rebuilt; emitter-appended) ---
"""Pipeline reference for scband-ms-droid-50775103373746 (READ-ONLY COPY).

The authoritative reference and input builder live on the scoring server;
editing this copy changes nothing except your own understanding.
"""

import jax, jax.numpy as jnp
import numpy as np

N = 10000
E = 320000
D = 128
H = 128
O = 2
G = 64


def _layer_norm(h, g, b):
    mu = jnp.mean(h, axis=-1, keepdims=True)
    var = jnp.mean((h - mu) ** 2, axis=-1, keepdims=True)
    return (h - mu) / jnp.sqrt(var + 1e-5) * g + b


def setup_inputs(seed: int = 0) -> dict:
    key = jax.random.key(seed)
    ks = jax.random.split(key, 32)
    x = jax.random.normal(ks[0], (N, D), dtype=jnp.float32)
    edge_index = jax.random.randint(ks[1], (2, E), 0, N, dtype=jnp.int32)
    batch = jnp.sort(jax.random.randint(ks[2], (N,), 0, G, dtype=jnp.int32))
    params = {}
    ki = 3
    in_dims = [D, H, H]
    for i in range(3):
        s1 = 1.0 / np.sqrt(in_dims[i])
        s2 = 1.0 / np.sqrt(H)
        params[f"W1_{i}"] = jax.random.uniform(ks[ki], (in_dims[i], H), jnp.float32, -s1, s1); ki += 1
        params[f"b1_{i}"] = jax.random.uniform(ks[ki], (H,), jnp.float32, -s1, s1); ki += 1
        params[f"W2_{i}"] = jax.random.uniform(ks[ki], (H, H), jnp.float32, -s2, s2); ki += 1
        params[f"b2_{i}"] = jax.random.uniform(ks[ki], (H,), jnp.float32, -s2, s2); ki += 1
    for i in range(2):
        params[f"ln_g_{i}"] = jnp.ones((H,), jnp.float32)
        params[f"ln_b_{i}"] = jnp.zeros((H,), jnp.float32)
    sp = 1.0 / np.sqrt(H)
    params["Wp1"] = jax.random.uniform(ks[ki], (H, H), jnp.float32, -sp, sp); ki += 1
    params["bp1"] = jax.random.uniform(ks[ki], (H,), jnp.float32, -sp, sp); ki += 1
    params["Wp2"] = jax.random.uniform(ks[ki], (H, O), jnp.float32, -sp, sp); ki += 1
    params["bp2"] = jax.random.uniform(ks[ki], (O,), jnp.float32, -sp, sp); ki += 1
    return {"x": x, "edge_index": edge_index, "batch": batch, "params": params}


def reference(x, edge_index, batch, params):
    # MsDroid forward (eval mode: dropout = identity), GINConv with eps=0,
    # LayerNorm between layers, global mean pool, post MLP, log_softmax.
    src = edge_index[0]
    dst = edge_index[1]
    h = x
    n_nodes = x.shape[0]
    for i in range(3):
        agg = jax.ops.segment_sum(h[src], dst, num_segments=n_nodes)
        z = h + agg  # (1 + eps) * x + sum_{j in N(i)} x_j, eps = 0
        z = jnp.maximum(z @ params[f"W1_{i}"] + params[f"b1_{i}"], 0.0)
        z = z @ params[f"W2_{i}"] + params[f"b2_{i}"]
        h = jnp.maximum(z, 0.0)  # F.relu after conv
        if i != 2:
            h = _layer_norm(h, params[f"ln_g_{i}"], params[f"ln_b_{i}"])
    counts = jax.ops.segment_sum(jnp.ones((n_nodes,), h.dtype), batch, num_segments=G)
    pooled = jax.ops.segment_sum(h, batch, num_segments=G)
    pooled = pooled / jnp.maximum(counts, 1.0)[:, None]
    z = pooled @ params["Wp1"] + params["bp1"]
    z = z @ params["Wp2"] + params["bp2"]
    emb = z
    out = jax.nn.log_softmax(z, axis=1)
    return (emb, out)

if __name__ == "__main__":
    import jax
    _d = setup_inputs()
    print(jax.jit(kernel)(*tuple(_d.values())))

</pallas_src>

<mosaic_0001>
#map = affine_map<(d0, d1) -> (0, 0)>
#map1 = affine_map<(d0, d1) -> (0, 0, 0)>
module attributes {stable_mosaic.version = 14 : i64} {
  func.func @_seg_sum_body(%arg0: i32, %arg1: i32, %arg2: memref<10000x128xf32, #tpu.memory_space<hbm>>, %arg3: memref<10000x128xf32, #tpu.memory_space<hbm>>, %arg4: memref<2560x128xi32, #tpu.memory_space<hbm>>, %arg5: memref<2560x128xi32, #tpu.memory_space<hbm>>, %arg6: memref<10112x128xf32, #tpu.memory_space<hbm>>, %arg7: memref<2x10112x128xf32, #tpu.memory_space<hbm>>, %arg8: memref<40x128xi32, #tpu.memory_space<vmem>>, %arg9: memref<40x128xi32, #tpu.memory_space<vmem>>, %arg10: memref<128x128xf32, #tpu.memory_space<vmem>>, %arg11: memref<128x128xf32, #tpu.memory_space<vmem>>, %arg12: memref<10112x128xf32, #tpu.memory_space<vmem_shared>>, %arg13: memref<!tpu.dma_semaphore, #tpu.memory_space<semaphore_mem>>, %arg14: memref<!tpu.dma_semaphore, #tpu.memory_space<semaphore_mem>>) attributes {dimension_semantics = [#tpu.dimension_semantics<core_parallel>, #tpu.dimension_semantics<subcore_parallel>], iteration_bounds = array<i64: 2, 16>, scalar_prefetch = 0 : i64, scratch_operands = 7 : i64, tpu.core_type = #tpu.core_type<sc_vector_subcore>, window_params = [{transform_indices = #map}, {transform_indices = #map}, {transform_indices = #map}, {transform_indices = #map}, {transform_indices = #map}, {transform_indices = #map1}]} {
    %mul3A = arith.constant 632 : i32
    %mul3A_0 = arith.muli %arg1, %mul3A : i32
    %mul3A_1 = arith.constant 632 : i32
    %mul3A_2 = arith.muli %arg1, %mul3A_1 : i32
    "tpu.region"() ({
      %run_scoped3A = tpu.sem_alloc : memref<!tpu.dma_semaphore, #tpu.memory_space<semaphore_mem>>
      %dma_start3A = arith.constant 0 : i32
      %dma_start3A_15 = tpu.memref_slice %arg12[%mul3A_2, %dma_start3A] : memref<10112x128xf32, #tpu.memory_space<vmem_shared>> -> memref<632x128xf32, #tpu.memory_space<vmem_shared>>
      %dma_start3A_16 = arith.constant 0 : i32
      %dma_start3A_17 = tpu.memref_slice %arg6[%mul3A_0, %dma_start3A_16] : memref<10112x128xf32, #tpu.memory_space<hbm>> -> memref<632x128xf32, #tpu.memory_space<hbm>>
      tpu.enqueue_dma source(%dma_start3A_17 : memref<632x128xf32, #tpu.memory_space<hbm>>) target(%dma_start3A_15 : memref<632x128xf32, #tpu.memory_space<vmem_shared>>) target_semaphore(%run_scoped3A : memref<!tpu.dma_semaphore, #tpu.memory_space<semaphore_mem>>)
      %dma_wait3A = arith.constant 0 : i32
      %dma_wait3A_18 = tpu.memref_slice %arg12[%mul3A_2, %dma_wait3A] : memref<10112x128xf32, #tpu.memory_space<vmem_shared>> -> memref<632x128xf32, #tpu.memory_space<vmem_shared>>
      %dma_wait3A_19 = arith.constant 0 : i32
      %dma_wait3A_20 = tpu.memref_slice %arg6[%mul3A_0, %dma_wait3A_19] : memref<10112x128xf32, #tpu.memory_space<hbm>> -> memref<632x128xf32, #tpu.memory_space<hbm>>
      tpu.wait_dma2 semaphore(%run_scoped3A : memref<!tpu.dma_semaphore, #tpu.memory_space<semaphore_mem>>) src(%dma_wait3A_20 : memref<632x128xf32, #tpu.memory_space<hbm>>) dst(%dma_wait3A_18 : memref<632x128xf32, #tpu.memory_space<vmem_shared>>)
      tpu.yield
    }) : () -> ()
    %barrier3A = arith.constant 0 : index
    tpu.barrier barrier_id(%barrier3A)
    %eq3A = arith.constant 0 : i32
    %eq3A_3 = arith.cmpi eq, %arg0, %eq3A : i32
    %convert_element_type3A = arith.extui %eq3A_3 : i1 to i32
    %cond3A = arith.constant 0 : i32
    %cond3A_4 = arith.cmpi ne, %convert_element_type3A, %cond3A : i32
    scf.if %cond3A_4 {
      %mul3A_15 = arith.constant 160 : i32
      %mul3A_16 = arith.muli %arg1, %mul3A_15 : i32
      %add3A = arith.constant 0 : i32
      %add3A_17 = arith.addi %mul3A_16, %add3A : i32
      "tpu.region"() ({
        %run_scoped3A = tpu.sem_alloc : memref<!tpu.dma_semaphore, #tpu.memory_space<semaphore_mem>>
        %dma_start3A_77 = arith.constant 0 : i32
        %dma_start3A_78 = arith.constant 0 : i32
        %dma_start3A_79 = tpu.memref_slice %arg8[%dma_start3A_77, %dma_start3A_78] : memref<40x128xi32, #tpu.memory_space<vmem>> -> memref<40x128xi32, #tpu.memory_space<vmem>>
        %dma_start3A_80 = arith.constant 0 : i32
        %dma_start3A_81 = tpu.memref_slice %arg4[%add3A_17, %dma_start3A_80] : memref<2560x128xi32, #tpu.memory_space<hbm>> -> memref<40x128xi32, #tpu.memory_space<hbm>>
        %dma_start3A_82 = arith.constant 0 : i32
        %dma_start3A_83 = arith.constant 0 : i32
        %dma_start3A_84 = tpu.memref_slice %arg8[%dma_start3A_82, %dma_start3A_83] : memref<40x128xi32, #tpu.memory_space<vmem>> -> memref<40x128xi32, #tpu.memory_space<vmem>>
        %dma_start3A_85 = arith.constant 0 : i32
        %dma_start3A_86 = tpu.memref_slice %arg4[%add3A_17, %dma_start3A_85] : memref<2560x128xi32, #tpu.memory_space<hbm>> -> memref<40x128xi32, #tpu.memory_space<hbm>>
        tpu.enqueue_dma source(%dma_start3A_86 : memref<40x128xi32, #tpu.memory_space<hbm>>) target(%dma_start3A_84 : memref<40x128xi32, #tpu.memory_space<vmem>>) target_semaphore(%run_scoped3A : memref<!tpu.dma_semaphore, #tpu.memory_space<semaphore_mem>>)
        %dma_wait3A = arith.constant 0 : i32
        %dma_wait3A_87 = arith.constant 0 : i32
        %dma_wait3A_88 = tpu.memref_slice %arg8[%dma_wait3A, %dma_wait3A_87] : memref<40x128xi32, #tpu.memory_space<vmem>> -> memref<40x128xi32, #tpu.memory_space<vmem>>
        %dma_wait3A_89 = arith.constant 0 : i32
        %dma_wait3A_90 = tpu.memref_slice %arg4[%add3A_17, %dma_wait3A_89] : memref<2560x128xi32, #tpu.memory_space<hbm>> -> memref<40x128xi32, #tpu.memory_space<hbm>>
        %dma_wait3A_91 = arith.constant 0 : i32
        %dma_wait3A_92 = arith.constant 0 : i32
        %dma_wait3A_93 = tpu.memref_slice %arg8[%dma_wait3A_91, %dma_wait3A_92] : memref<40x128xi32, #tpu.memory_space<vmem>> -> memref<40x128xi32, #tpu.memory_space<vmem>>
        %dma_wait3A_94 = arith.constant 0 : i32
        %dma_wait3A_95 = tpu.memref_slice %arg4[%add3A_17, %dma_wait3A_94] : memref<2560x128xi32, #tpu.memory_space<hbm>> -> memref<40x128xi32, #tpu.memory_space<hbm>>
        tpu.wait_dma2 semaphore(%run_scoped3A : memref<!tpu.dma_semaphore, #tpu.memory_space<semaphore_mem>>) src(%dma_wait3A_95 : memref<40x128xi32, #tpu.memory_space<hbm>>) dst(%dma_wait3A_93 : memref<40x128xi32, #tpu.memory_space<vmem>>)
        tpu.yield
      }) : () -> ()
      "tpu.region"() ({
        %run_scoped3A = tpu.sem_alloc : memref<!tpu.dma_semaphore, #tpu.memory_space<semaphore_mem>>
        %dma_start3A_77 = arith.constant 0 : i32
        %dma_start3A_78 = arith.constant 0 : i32
        %dma_start3A_79 = tpu.memref_slice %arg9[%dma_start3A_77, %dma_start3A_78] : memref<40x128xi32, #tpu.memory_space<vmem>> -> memref<40x128xi32, #tpu.memory_space<vmem>>
        %dma_start3A_80 = arith.constant 0 : i32
        %dma_start3A_81 = tpu.memref_slice %arg5[%add3A_17, %dma_start3A_80] : memref<2560x128xi32, #tpu.memory_space<hbm>> -> memref<40x128xi32, #tpu.memory_space<hbm>>
        %dma_start3A_82 = arith.constant 0 : i32
        %dma_start3A_83 = arith.constant 0 : i32
        %dma_start3A_84 = tpu.memref_slice %arg9[%dma_start3A_82, %dma_start3A_83] : memref<40x128xi32, #tpu.memory_space<vmem>> -> memref<40x128xi32, #tpu.memory_space<vmem>>
        %dma_start3A_85 = arith.constant 0 : i32
        %dma_start3A_86 = tpu.memref_slice %arg5[%add3A_17, %dma_start3A_85] : memref<2560x128xi32, #tpu.memory_space<hbm>> -> memref<40x128xi32, #tpu.memory_space<hbm>>
        tpu.enqueue_dma source(%dma_start3A_86 : memref<40x128xi32, #tpu.memory_space<hbm>>) target(%dma_start3A_84 : memref<40x128xi32, #tpu.memory_space<vmem>>) target_semaphore(%run_scoped3A : memref<!tpu.dma_semaphore, #tpu.memory_space<semaphore_mem>>)
        %dma_wait3A = arith.constant 0 : i32
        %dma_wait3A_87 = arith.constant 0 : i32
        %dma_wait3A_88 = tpu.memref_slice %arg9[%dma_wait3A, %dma_wait3A_87] : memref<40x128xi32, #tpu.memory_space<vmem>> -> memref<40x128xi32, #tpu.memory_space<vmem>>
        %dma_wait3A_89 = arith.constant 0 : i32
        %dma_wait3A_90 = tpu.memref_slice %arg5[%add3A_17, %dma_wait3A_89] : memref<2560x128xi32, #tpu.memory_space<hbm>> -> memref<40x128xi32, #tpu.memory_space<hbm>>
        %dma_wait3A_91 = arith.constant 0 : i32
        %dma_wait3A_92 = arith.constant 0 : i32
        %dma_wait3A_93 = tpu.memref_slice %arg9[%dma_wait3A_91, %dma_wait3A_92] : memref<40x128xi32, #tpu.memory_space<vmem>> -> memref<40x128xi32, #tpu.memory_space<vmem>>
        %dma_wait3A_94 = arith.constant 0 : i32
        %dma_wait3A_95 = tpu.memref_slice %arg5[%add3A_17, %dma_wait3A_94] : memref<2560x128xi32, #tpu.memory_space<hbm>> -> memref<40x128xi32, #tpu.memory_space<hbm>>
        tpu.wait_dma2 semaphore(%run_scoped3A : memref<!tpu.dma_semaphore, #tpu.memory_space<semaphore_mem>>) src(%dma_wait3A_95 : memref<40x128xi32, #tpu.memory_space<hbm>>) dst(%dma_wait3A_93 : memref<40x128xi32, #tpu.memory_space<vmem>>)
        tpu.yield
      }) : () -> ()
      %dma_start3A = arith.constant 0 : i32
      %dma_start3A_18 = arith.constant 0 : i32
      %dma_start3A_19 = tpu.memref_slice %arg8[%dma_start3A, %dma_start3A_18] : memref<40x128xi32, #tpu.memory_space<vmem>> -> memref<1x128xi32, #tpu.memory_space<vmem>>
      %dma_start3A_20 = tpu.memref_squeeze %dma_start3A_19 : memref<1x128xi32, #tpu.memory_space<vmem>> -> memref<128xi32, #tpu.memory_space<vmem>>
      %dma_start3A_21 = arith.constant 0 : i32
      %dma_start3A_22 = arith.constant 0 : i32
      %dma_start3A_23 = tpu.memref_slice %arg2[%dma_start3A_21, %dma_start3A_22] : memref<10000x128xf32, #tpu.memory_space<hbm>> -> memref<10000x128xf32, #tpu.memory_space<hbm>>
      tpu.enqueue_indirect_dma source(%dma_start3A_23 : memref<10000x128xf32, #tpu.memory_space<hbm>>) target(%arg10 : memref<128x128xf32, #tpu.memory_space<vmem>>) offsets(%dma_start3A_20 : memref<128xi32, #tpu.memory_space<vmem>>) semaphore(%arg13 : memref<!tpu.dma_semaphore, #tpu.memory_space<semaphore_mem>>)
      %dma_start3A_24 = arith.constant 1 : i32
      %dma_start3A_25 = arith.constant 0 : i32
      %dma_start3A_26 = tpu.memref_slice %arg8[%dma_start3A_24, %dma_start3A_25] : memref<40x128xi32, #tpu.memory_space<vmem>> -> memref<1x128xi32, #tpu.memory_space<vmem>>
      %dma_start3A_27 = tpu.memref_squeeze %dma_start3A_26 : memref<1x128xi32, #tpu.memory_space<vmem>> -> memref<128xi32, #tpu.memory_space<vmem>>
      %dma_start3A_28 = arith.constant 0 : i32
      %dma_start3A_29 = arith.constant 0 : i32
      %dma_start3A_30 = tpu.memref_slice %arg2[%dma_start3A_28, %dma_start3A_29] : memref<10000x128xf32, #tpu.memory_space<hbm>> -> memref<10000x128xf32, #tpu.memory_space<hbm>>
      tpu.enqueue_indirect_dma source(%dma_start3A_30 : memref<10000x128xf32, #tpu.memory_space<hbm>>) target(%arg11 : memref<128x128xf32, #tpu.memory_space<vmem>>) offsets(%dma_start3A_27 : memref<128xi32, #tpu.memory_space<vmem>>) semaphore(%arg14 : memref<!tpu.dma_semaphore, #tpu.memory_space<semaphore_mem>>)
      %scan3A = arith.constant 0 : i32
      %scan3A_31 = arith.constant 20 : i32
      %scan3A_32 = arith.addi %scan3A, %scan3A_31 : i32
      %scan3A_33 = arith.constant 1 : i32
      scf.for %scan3A_77 = %scan3A to %scan3A_32 step %scan3A_33  : i32 {
        %mul3A_78 = arith.constant 2 : i32
        %mul3A_79 = arith.muli %scan3A_77, %mul3A_78 : i32
        %add3A_80 = arith.constant 0 : i32
        %add3A_81 = arith.addi %mul3A_79, %add3A_80 : i32
        %dma_wait3A = arith.constant 0 : i32
        %dma_wait3A_82 = tpu.memref_slice %arg8[%add3A_81, %dma_wait3A] : memref<40x128xi32, #tpu.memory_space<vmem>> -> memref<1x128xi32, #tpu.memory_space<vmem>>
        %dma_wait3A_83 = tpu.memref_squeeze %dma_wait3A_82 : memref<1x128xi32, #tpu.memory_space<vmem>> -> memref<128xi32, #tpu.memory_space<vmem>>
        %dma_wait3A_84 = arith.constant 0 : i32
        %dma_wait3A_85 = arith.constant 0 : i32
        %dma_wait3A_86 = tpu.memref_slice %arg2[%dma_wait3A_84, %dma_wait3A_85] : memref<10000x128xf32, #tpu.memory_space<hbm>> -> memref<10000x128xf32, #tpu.memory_space<hbm>>
        tpu.wait_indirect_dma semaphore(%arg13 : memref<!tpu.dma_semaphore, #tpu.memory_space<semaphore_mem>>) src(%dma_wait3A_86 : memref<10000x128xf32, #tpu.memory_space<hbm>>) dst(%arg10 : memref<128x128xf32, #tpu.memory_space<vmem>>)
        "tpu.region"() ({
          %run_scoped3A = tpu.sem_alloc : memref<!tpu.dma_semaphore, #tpu.memory_space<semaphore_mem>>
          %dma_start3A_110 = arith.constant 0 : i32
          %dma_start3A_111 = tpu.memref_slice %arg9[%add3A_81, %dma_start3A_110] : memref<40x128xi32, #tpu.memory_space<vmem>> -> memref<1x128xi32, #tpu.memory_space<vmem>>
          %dma_start3A_112 = tpu.memref_squeeze %dma_start3A_111 : memref<1x128xi32, #tpu.memory_space<vmem>> -> memref<128xi32, #tpu.memory_space<vmem>>
          %dma_start3A_113 = arith.constant 0 : i32
          %dma_start3A_114 = arith.constant 0 : i32
          %dma_start3A_115 = tpu.memref_slice %arg12[%dma_start3A_113, %dma_start3A_114] : memref<10112x128xf32, #tpu.memory_space<vmem_shared>> -> memref<10112x128xf32, #tpu.memory_space<vmem_shared>>
          tpu.enqueue_indirect_dma source(%arg10 : memref<128x128xf32, #tpu.memory_space<vmem>>) target(%dma_start3A_115 : memref<10112x128xf32, #tpu.memory_space<vmem_shared>>) offsets(%dma_start3A_112 : memref<128xi32, #tpu.memory_space<vmem>>) semaphore(%run_scoped3A : memref<!tpu.dma_semaphore, #tpu.memory_space<semaphore_mem>>) {add = true}
          %dma_wait3A_116 = arith.constant 0 : i32
          %dma_wait3A_117 = tpu.memref_slice %arg9[%add3A_81, %dma_wait3A_116] : memref<40x128xi32, #tpu.memory_space<vmem>> -> memref<1x128xi32, #tpu.memory_space<vmem>>
          %dma_wait3A_118 = tpu.memref_squeeze %dma_wait3A_117 : memref<1x128xi32, #tpu.memory_space<vmem>> -> memref<128xi32, #tpu.memory_space<vmem>>
          %dma_wait3A_119 = arith.constant 0 : i32
          %dma_wait3A_120 = arith.constant 0 : i32
          %dma_wait3A_121 = tpu.memref_slice %arg12[%dma_wait3A_119, %dma_wait3A_120] : memref<10112x128xf32, #tpu.memory_space<vmem_shared>> -> memref<10112x128xf32, #tpu.memory_space<vmem_shared>>
          tpu.wait_indirect_dma semaphore(%run_scoped3A : memref<!tpu.dma_semaphore, #tpu.memory_space<semaphore_mem>>) src(%arg10 : memref<128x128xf32, #tpu.memory_space<vmem>>) dst(%dma_wait3A_121 : memref<10112x128xf32, #tpu.memory_space<vmem_shared>>)
          tpu.yield
        }) : () -> ()
        %add3A_87 = arith.constant 2 : i32
        %add3A_88 = arith.addi %add3A_81, %add3A_87 : i32
        %lt3A = arith.constant 40 : i32
        %lt3A_89 = arith.cmpi slt, %add3A_88, %lt3A : i32
        %convert_element_type3A_90 = arith.extui %lt3A_89 : i1 to i32
        %cond3A_91 = arith.constant 0 : i32
        %cond3A_92 = arith.cmpi ne, %convert_element_type3A_90, %cond3A_91 : i32
        scf.if %cond3A_92 {
          %add3A_110 = arith.constant 2 : i32
          %add3A_111 = arith.addi %add3A_81, %add3A_110 : i32
          %dma_start3A_112 = arith.constant 0 : i32
          %dma_start3A_113 = tpu.memref_slice %arg8[%add3A_111, %dma_start3A_112] : memref<40x128xi32, #tpu.memory_space<vmem>> -> memref<1x128xi32, #tpu.memory_space<vmem>>
          %dma_start3A_114 = tpu.memref_squeeze %dma_start3A_113 : memref<1x128xi32, #tpu.memory_space<vmem>> -> memref<128xi32, #tpu.memory_space<vmem>>
          %dma_start3A_115 = arith.constant 0 : i32
          %dma_start3A_116 = arith.constant 0 : i32
          %dma_start3A_117 = tpu.memref_slice %arg2[%dma_start3A_115, %dma_start3A_116] : memref<10000x128xf32, #tpu.memory_space<hbm>> -> memref<10000x128xf32, #tpu.memory_space<hbm>>
          tpu.enqueue_indirect_dma source(%dma_start3A_117 : memref<10000x128xf32, #tpu.memory_space<hbm>>) target(%arg10 : memref<128x128xf32, #tpu.memory_space<vmem>>) offsets(%dma_start3A_114 : memref<128xi32, #tpu.memory_space<vmem>>) semaphore(%arg13 : memref<!tpu.dma_semaphore, #tpu.memory_space<semaphore_mem>>)
        } else {
        }
        %mul3A_93 = arith.constant 2 : i32
        %mul3A_94 = arith.muli %scan3A_77, %mul3A_93 : i32
        %add3A_95 = arith.constant 1 : i32
        %add3A_96 = arith.addi %mul3A_94, %add3A_95 : i32
        %dma_wait3A_97 = arith.constant 0 : i32
        %dma_wait3A_98 = tpu.memref_slice %arg8[%add3A_96, %dma_wait3A_97] : memref<40x128xi32, #tpu.memory_space<vmem>> -> memref<1x128xi32, #tpu.memory_space<vmem>>
        %dma_wait3A_99 = tpu.memref_squeeze %dma_wait3A_98 : memref<1x128xi32, #tpu.memory_space<vmem>> -> memref<128xi32, #tpu.memory_space<vmem>>
        %dma_wait3A_100 = arith.constant 0 : i32
        %dma_wait3A_101 = arith.constant 0 : i32
        %dma_wait3A_102 = tpu.memref_slice %arg2[%dma_wait3A_100, %dma_wait3A_101] : memref<10000x128xf32, #tpu.memory_space<hbm>> -> memref<10000x128xf32, #tpu.memory_space<hbm>>
        tpu.wait_indirect_dma semaphore(%arg14 : memref<!tpu.dma_semaphore, #tpu.memory_space<semaphore_mem>>) src(%dma_wait3A_102 : memref<10000x128xf32, #tpu.memory_space<hbm>>) dst(%arg11 : memref<128x128xf32, #tpu.memory_space<vmem>>)
        "tpu.region"() ({
          %run_scoped3A = tpu.sem_alloc : memref<!tpu.dma_semaphore, #tpu.memory_space<semaphore_mem>>
          %dma_start3A_110 = arith.constant 0 : i32
          %dma_start3A_111 = tpu.memref_slice %arg9[%add3A_96, %dma_start3A_110] : memref<40x128xi32, #tpu.memory_space<vmem>> -> memref<1x128xi32, #tpu.memory_space<vmem>>
          %dma_start3A_112 = tpu.memref_squeeze %dma_start3A_111 : memref<1x128xi32, #tpu.memory_space<vmem>> -> memref<128xi32, #tpu.memory_space<vmem>>
          %dma_start3A_113 = arith.constant 0 : i32
          %dma_start3A_114 = arith.constant 0 : i32
          %dma_start3A_115 = tpu.memref_slice %arg12[%dma_start3A_113, %dma_start3A_114] : memref<10112x128xf32, #tpu.memory_space<vmem_shared>> -> memref<10112x128xf32, #tpu.memory_space<vmem_shared>>
          tpu.enqueue_indirect_dma source(%arg11 : memref<128x128xf32, #tpu.memory_space<vmem>>) target(%dma_start3A_115 : memref<10112x128xf32, #tpu.memory_space<vmem_shared>>) offsets(%dma_start3A_112 : memref<128xi32, #tpu.memory_space<vmem>>) semaphore(%run_scoped3A : memref<!tpu.dma_semaphore, #tpu.memory_space<semaphore_mem>>) {add = true}
          %dma_wait3A_116 = arith.constant 0 : i32
          %dma_wait3A_117 = tpu.memref_slice %arg9[%add3A_96, %dma_wait3A_116] : memref<40x128xi32, #tpu.memory_space<vmem>> -> memref<1x128xi32, #tpu.memory_space<vmem>>
          %dma_wait3A_118 = tpu.memref_squeeze %dma_wait3A_117 : memref<1x128xi32, #tpu.memory_space<vmem>> -> memref<128xi32, #tpu.memory_space<vmem>>
          %dma_wait3A_119 = arith.constant 0 : i32
          %dma_wait3A_120 = arith.constant 0 : i32
          %dma_wait3A_121 = tpu.memref_slice %arg12[%dma_wait3A_119, %dma_wait3A_120] : memref<10112x128xf32, #tpu.memory_space<vmem_shared>> -> memref<10112x128xf32, #tpu.memory_space<vmem_shared>>
          tpu.wait_indirect_dma semaphore(%run_scoped3A : memref<!tpu.dma_semaphore, #tpu.memory_space<semaphore_mem>>) src(%arg11 : memref<128x128xf32, #tpu.memory_space<vmem>>) dst(%dma_wait3A_121 : memref<10112x128xf32, #tpu.memory_space<vmem_shared>>)
          tpu.yield
        }) : () -> ()
        %add3A_103 = arith.constant 2 : i32
        %add3A_104 = arith.addi %add3A_96, %add3A_103 : i32
        %lt3A_105 = arith.constant 40 : i32
        %lt3A_106 = arith.cmpi slt, %add3A_104, %lt3A_105 : i32
        %convert_element_type3A_107 = arith.extui %lt3A_106 : i1 to i32
        %cond3A_108 = arith.constant 0 : i32
        %cond3A_109 = arith.cmpi ne, %convert_element_type3A_107, %cond3A_108 : i32
        scf.if %cond3A_109 {
          %add3A_110 = arith.constant 2 : i32
          %add3A_111 = arith.addi %add3A_96, %add3A_110 : i32
          %dma_start3A_112 = arith.constant 0 : i32
          %dma_start3A_113 = tpu.memref_slice %arg8[%add3A_111, %dma_start3A_112] : memref<40x128xi32, #tpu.memory_space<vmem>> -> memref<1x128xi32, #tpu.memory_space<vmem>>
          %dma_start3A_114 = tpu.memref_squeeze %dma_start3A_113 : memref<1x128xi32, #tpu.memory_space<vmem>> -> memref<128xi32, #tpu.memory_space<vmem>>
          %dma_start3A_115 = arith.constant 0 : i32
          %dma_start3A_116 = arith.constant 0 : i32
          %dma_start3A_117 = tpu.memref_slice %arg2[%dma_start3A_115, %dma_start3A_116] : memref<10000x128xf32, #tpu.memory_space<hbm>> -> memref<10000x128xf32, #tpu.memory_space<hbm>>
          tpu.enqueue_indirect_dma source(%dma_start3A_117 : memref<10000x128xf32, #tpu.memory_space<hbm>>) target(%arg11 : memref<128x128xf32, #tpu.memory_space<vmem>>) offsets(%dma_start3A_114 : memref<128xi32, #tpu.memory_space<vmem>>) semaphore(%arg14 : memref<!tpu.dma_semaphore, #tpu.memory_space<semaphore_mem>>)
        } else {
        }
      }
      %scan3A_34 = arith.constant 20 : i32
      %add3A_35 = arith.constant 40 : i32
      %add3A_36 = arith.addi %mul3A_16, %add3A_35 : i32
      "tpu.region"() ({
        %run_scoped3A = tpu.sem_alloc : memref<!tpu.dma_semaphore, #tpu.memory_space<semaphore_mem>>
        %dma_start3A_77 = arith.constant 0 : i32
        %dma_start3A_78 = arith.constant 0 : i32
        %dma_start3A_79 = tpu.memref_slice %arg8[%dma_start3A_77, %dma_start3A_78] : memref<40x128xi32, #tpu.memory_space<vmem>> -> memref<40x128xi32, #tpu.memory_space<vmem>>
        %dma_start3A_80 = arith.constant 0 : i32
        %dma_start3A_81 = tpu.memref_slice %arg4[%add3A_36, %dma_start3A_80] : memref<2560x128xi32, #tpu.memory_space<hbm>> -> memref<40x128xi32, #tpu.memory_space<hbm>>
        %dma_start3A_82 = arith.constant 0 : i32
        %dma_start3A_83 = arith.constant 0 : i32
        %dma_start3A_84 = tpu.memref_slice %arg8[%dma_start3A_82, %dma_start3A_83] : memref<40x128xi32, #tpu.memory_space<vmem>> -> memref<40x128xi32, #tpu.memory_space<vmem>>
        %dma_start3A_85 = arith.constant 0 : i32
        %dma_start3A_86 = tpu.memref_slice %arg4[%add3A_36, %dma_start3A_85] : memref<2560x128xi32, #tpu.memory_space<hbm>> -> memref<40x128xi32, #tpu.memory_space<hbm>>
        tpu.enqueue_dma source(%dma_start3A_86 : memref<40x128xi32, #tpu.memory_space<hbm>>) target(%dma_start3A_84 : memref<40x128xi32, #tpu.memory_space<vmem>>) target_semaphore(%run_scoped3A : memref<!tpu.dma_semaphore, #tpu.memory_space<semaphore_mem>>)
        %dma_wait3A = arith.constant 0 : i32
        %dma_wait3A_87 = arith.constant 0 : i32
        %dma_wait3A_88 = tpu.memref_slice %arg8[%dma_wait3A, %dma_wait3A_87] : memref<40x128xi32, #tpu.memory_space<vmem>> -> memref<40x128xi32, #tpu.memory_space<vmem>>
        %dma_wait3A_89 = arith.constant 0 : i32
        %dma_wait3A_90 = tpu.memref_slice %arg4[%add3A_36, %dma_wait3A_89] : memref<2560x128xi32, #tpu.memory_space<hbm>> -> memref<40x128xi32, #tpu.memory_space<hbm>>
        %dma_wait3A_91 = arith.constant 0 : i32
        %dma_wait3A_92 = arith.constant 0 : i32
        %dma_wait3A_93 = tpu.memref_slice %arg8[%dma_wait3A_91, %dma_wait3A_92] : memref<40x128xi32, #tpu.memory_space<vmem>> -> memref<40x128xi32, #tpu.memory_space<vmem>>
        %dma_wait3A_94 = arith.constant 0 : i32
        %dma_wait3A_95 = tpu.memref_slice %arg4[%add3A_36, %dma_wait3A_94] : memref<2560x128xi32, #tpu.memory_space<hbm>> -> memref<40x128xi32, #tpu.memory_space<hbm>>
        tpu.wait_dma2 semaphore(%run_scoped3A : memref<!tpu.dma_semaphore, #tpu.memory_space<semaphore_mem>>) src(%dma_wait3A_95 : memref<40x128xi32, #tpu.memory_space<hbm>>) dst(%dma_wait3A_93 : memref<40x128xi32, #tpu.memory_space<vmem>>)
        tpu.yield
      }) : () -> ()
      "tpu.region"() ({
        %run_scoped3A = tpu.sem_alloc : memref<!tpu.dma_semaphore, #tpu.memory_space<semaphore_mem>>
        %dma_start3A_77 = arith.constant 0 : i32
        %dma_start3A_78 = arith.constant 0 : i32
        %dma_start3A_79 = tpu.memref_slice %arg9[%dma_start3A_77, %dma_start3A_78] : memref<40x128xi32, #tpu.memory_space<vmem>> -> memref<40x128xi32, #tpu.memory_space<vmem>>
        %dma_start3A_80 = arith.constant 0 : i32
        %dma_start3A_81 = tpu.memref_slice %arg5[%add3A_36, %dma_start3A_80] : memref<2560x128xi32, #tpu.memory_space<hbm>> -> memref<40x128xi32, #tpu.memory_space<hbm>>
        %dma_start3A_82 = arith.constant 0 : i32
        %dma_start3A_83 = arith.constant 0 : i32
        %dma_start3A_84 = tpu.memref_slice %arg9[%dma_start3A_82, %dma_start3A_83] : memref<40x128xi32, #tpu.memory_space<vmem>> -> memref<40x128xi32, #tpu.memory_space<vmem>>
        %dma_start3A_85 = arith.constant 0 : i32
        %dma_start3A_86 = tpu.memref_slice %arg5[%add3A_36, %dma_start3A_85] : memref<2560x128xi32, #tpu.memory_space<hbm>> -> memref<40x128xi32, #tpu.memory_space<hbm>>
        tpu.enqueue_dma source(%dma_start3A_86 : memref<40x128xi32, #tpu.memory_space<hbm>>) target(%dma_start3A_84 : memref<40x128xi32, #tpu.memory_space<vmem>>) target_semaphore(%run_scoped3A : memref<!tpu.dma_semaphore, #tpu.memory_space<semaphore_mem>>)
        %dma_wait3A = arith.constant 0 : i32
        %dma_wait3A_87 = arith.constant 0 : i32
        %dma_wait3A_88 = tpu.memref_slice %arg9[%dma_wait3A, %dma_wait3A_87] : memref<40x128xi32, #tpu.memory_space<vmem>> -> memref<40x128xi32, #tpu.memory_space<vmem>>
        %dma_wait3A_89 = arith.constant 0 : i32
        %dma_wait3A_90 = tpu.memref_slice %arg5[%add3A_36, %dma_wait3A_89] : memref<2560x128xi32, #tpu.memory_space<hbm>> -> memref<40x128xi32, #tpu.memory_space<hbm>>
        %dma_wait3A_91 = arith.constant 0 : i32
        %dma_wait3A_92 = arith.constant 0 : i32
        %dma_wait3A_93 = tpu.memref_slice %arg9[%dma_wait3A_91, %dma_wait3A_92] : memref<40x128xi32, #tpu.memory_space<vmem>> -> memref<40x128xi32, #tpu.memory_space<vmem>>
        %dma_wait3A_94 = arith.constant 0 : i32
        %dma_wait3A_95 = tpu.memref_slice %arg5[%add3A_36, %dma_wait3A_94] : memref<2560x128xi32, #tpu.memory_space<hbm>> -> memref<40x128xi32, #tpu.memory_space<hbm>>
        tpu.wait_dma2 semaphore(%run_scoped3A : memref<!tpu.dma_semaphore, #tpu.memory_space<semaphore_mem>>) src(%dma_wait3A_95 : memref<40x128xi32, #tpu.memory_space<hbm>>) dst(%dma_wait3A_93 : memref<40x128xi32, #tpu.memory_space<vmem>>)
        tpu.yield
      }) : () -> ()
      %dma_start3A_37 = arith.constant 0 : i32
      %dma_start3A_38 = arith.constant 0 : i32
      %dma_start3A_39 = tpu.memref_slice %arg8[%dma_start3A_37, %dma_start3A_38] : memref<40x128xi32, #tpu.memory_space<vmem>> -> memref<1x128xi32, #tpu.memory_space<vmem>>
      %dma_start3A_40 = tpu.memref_squeeze %dma_start3A_39 : memref<1x128xi32, #tpu.memory_space<vmem>> -> memref<128xi32, #tpu.memory_space<vmem>>
      %dma_start3A_41 = arith.constant 0 : i32
      %dma_start3A_42 = arith.constant 0 : i32
      %dma_start3A_43 = tpu.memref_slice %arg2[%dma_start3A_41, %dma_start3A_42] : memref<10000x128xf32, #tpu.memory_space<hbm>> -> memref<10000x128xf32, #tpu.memory_space<hbm>>
      tpu.enqueue_indirect_dma source(%dma_start3A_43 : memref<10000x128xf32, #tpu.memory_space<hbm>>) target(%arg10 : memref<128x128xf32, #tpu.memory_space<vmem>>) offsets(%dma_start3A_40 : memref<128xi32, #tpu.memory_space<vmem>>) semaphore(%arg13 : memref<!tpu.dma_semaphore, #tpu.memory_space<semaphore_mem>>)
      %dma_start3A_44 = arith.constant 1 : i32
      %dma_start3A_45 = arith.constant 0 : i32
      %dma_start3A_46 = tpu.memref_slice %arg8[%dma_start3A_44, %dma_start3A_45] : memref<40x128xi32, #tpu.memory_space<vmem>> -> memref<1x128xi32, #tpu.memory_space<vmem>>
      %dma_start3A_47 = tpu.memref_squeeze %dma_start3A_46 : memref<1x128xi32, #tpu.memory_space<vmem>> -> memref<128xi32, #tpu.memory_space<vmem>>
      %dma_start3A_48 = arith.constant 0 : i32
      %dma_start3A_49 = arith.constant 0 : i32
      %dma_start3A_50 = tpu.memref_slice %arg2[%dma_start3A_48, %dma_start3A_49] : memref<10000x128xf32, #tpu.memory_space<hbm>> -> memref<10000x128xf32, #tpu.memory_space<hbm>>
      tpu.enqueue_indirect_dma source(%dma_start3A_50 : memref<10000x128xf32, #tpu.memory_space<hbm>>) target(%arg11 : memref<128x128xf32, #tpu.memory_space<vmem>>) offsets(%dma_start3A_47 : memref<128xi32, #tpu.memory_space<vmem>>) semaphore(%arg14 : memref<!tpu.dma_semaphore, #tpu.memory_space<semaphore_mem>>)
      %scan3A_51 = arith.constant 0 : i32
      %scan3A_52 = arith.constant 20 : i32
      %scan3A_53 = arith.addi %scan3A_51, %scan3A_52 : i32
      %scan3A_54 = arith.constant 1 : i32
      scf.for %scan3A_77 = %scan3A_51 to %scan3A_53 step %scan3A_54  : i32 {
        %mul3A_78 = arith.constant 2 : i32
        %mul3A_79 = arith.muli %scan3A_77, %mul3A_78 : i32
        %add3A_80 = arith.constant 0 : i32
        %add3A_81 = arith.addi %mul3A_79, %add3A_80 : i32
        %dma_wait3A = arith.constant 0 : i32
        %dma_wait3A_82 = tpu.memref_slice %arg8[%add3A_81, %dma_wait3A] : memref<40x128xi32, #tpu.memory_space<vmem>> -> memref<1x128xi32, #tpu.memory_space<vmem>>
        %dma_wait3A_83 = tpu.memref_squeeze %dma_wait3A_82 : memref<1x128xi32, #tpu.memory_space<vmem>> -> memref<128xi32, #tpu.memory_space<vmem>>
        %dma_wait3A_84 = arith.constant 0 : i32
        %dma_wait3A_85 = arith.constant 0 : i32
        %dma_wait3A_86 = tpu.memref_slice %arg2[%dma_wait3A_84, %dma_wait3A_85] : memref<10000x128xf32, #tpu.memory_space<hbm>> -> memref<10000x128xf32, #tpu.memory_space<hbm>>
        tpu.wait_indirect_dma semaphore(%arg13 : memref<!tpu.dma_semaphore, #tpu.memory_space<semaphore_mem>>) src(%dma_wait3A_86 : memref<10000x128xf32, #tpu.memory_space<hbm>>) dst(%arg10 : memref<128x128xf32, #tpu.memory_space<vmem>>)
        "tpu.region"() ({
          %run_scoped3A = tpu.sem_alloc : memref<!tpu.dma_semaphore, #tpu.memory_space<semaphore_mem>>
          %dma_start3A_110 = arith.constant 0 : i32
          %dma_start3A_111 = tpu.memref_slice %arg9[%add3A_81, %dma_start3A_110] : memref<40x128xi32, #tpu.memory_space<vmem>> -> memref<1x128xi32, #tpu.memory_space<vmem>>
          %dma_start3A_112 = tpu.memref_squeeze %dma_start3A_111 : memref<1x128xi32, #tpu.memory_space<vmem>> -> memref<128xi32, #tpu.memory_space<vmem>>
          %dma_start3A_113 = arith.constant 0 : i32
          %dma_start3A_114 = arith.constant 0 : i32
          %dma_start3A_115 = tpu.memref_slice %arg12[%dma_start3A_113, %dma_start3A_114] : memref<10112x128xf32, #tpu.memory_space<vmem_shared>> -> memref<10112x128xf32, #tpu.memory_space<vmem_shared>>
          tpu.enqueue_indirect_dma source(%arg10 : memref<128x128xf32, #tpu.memory_space<vmem>>) target(%dma_start3A_115 : memref<10112x128xf32, #tpu.memory_space<vmem_shared>>) offsets(%dma_start3A_112 : memref<128xi32, #tpu.memory_space<vmem>>) semaphore(%run_scoped3A : memref<!tpu.dma_semaphore, #tpu.memory_space<semaphore_mem>>) {add = true}
          %dma_wait3A_116 = arith.constant 0 : i32
          %dma_wait3A_117 = tpu.memref_slice %arg9[%add3A_81, %dma_wait3A_116] : memref<40x128xi32, #tpu.memory_space<vmem>> -> memref<1x128xi32, #tpu.memory_space<vmem>>
          %dma_wait3A_118 = tpu.memref_squeeze %dma_wait3A_117 : memref<1x128xi32, #tpu.memory_space<vmem>> -> memref<128xi32, #tpu.memory_space<vmem>>
          %dma_wait3A_119 = arith.constant 0 : i32
          %dma_wait3A_120 = arith.constant 0 : i32
          %dma_wait3A_121 = tpu.memref_slice %arg12[%dma_wait3A_119, %dma_wait3A_120] : memref<10112x128xf32, #tpu.memory_space<vmem_shared>> -> memref<10112x128xf32, #tpu.memory_space<vmem_shared>>
          tpu.wait_indirect_dma semaphore(%run_scoped3A : memref<!tpu.dma_semaphore, #tpu.memory_space<semaphore_mem>>) src(%arg10 : memref<128x128xf32, #tpu.memory_space<vmem>>) dst(%dma_wait3A_121 : memref<10112x128xf32, #tpu.memory_space<vmem_shared>>)
          tpu.yield
        }) : () -> ()
        %add3A_87 = arith.constant 2 : i32
        %add3A_88 = arith.addi %add3A_81, %add3A_87 : i32
        %lt3A = arith.constant 40 : i32
        %lt3A_89 = arith.cmpi slt, %add3A_88, %lt3A : i32
        %convert_element_type3A_90 = arith.extui %lt3A_89 : i1 to i32
        %cond3A_91 = arith.constant 0 : i32
        %cond3A_92 = arith.cmpi ne, %convert_element_type3A_90, %cond3A_91 : i32
        scf.if %cond3A_92 {
          %add3A_110 = arith.constant 2 : i32
          %add3A_111 = arith.addi %add3A_81, %add3A_110 : i32
          %dma_start3A_112 = arith.constant 0 : i32
          %dma_start3A_113 = tpu.memref_slice %arg8[%add3A_111, %dma_start3A_112] : memref<40x128xi32, #tpu.memory_space<vmem>> -> memref<1x128xi32, #tpu.memory_space<vmem>>
          %dma_start3A_114 = tpu.memref_squeeze %dma_start3A_113 : memref<1x128xi32, #tpu.memory_space<vmem>> -> memref<128xi32, #tpu.memory_space<vmem>>
          %dma_start3A_115 = arith.constant 0 : i32
          %dma_start3A_116 = arith.constant 0 : i32
          %dma_start3A_117 = tpu.memref_slice %arg2[%dma_start3A_115, %dma_start3A_116] : memref<10000x128xf32, #tpu.memory_space<hbm>> -> memref<10000x128xf32, #tpu.memory_space<hbm>>
          tpu.enqueue_indirect_dma source(%dma_start3A_117 : memref<10000x128xf32, #tpu.memory_space<hbm>>) target(%arg10 : memref<128x128xf32, #tpu.memory_space<vmem>>) offsets(%dma_start3A_114 : memref<128xi32, #tpu.memory_space<vmem>>) semaphore(%arg13 : memref<!tpu.dma_semaphore, #tpu.memory_space<semaphore_mem>>)
        } else {
        }
        %mul3A_93 = arith.constant 2 : i32
        %mul3A_94 = arith.muli %scan3A_77, %mul3A_93 : i32
        %add3A_95 = arith.constant 1 : i32
        %add3A_96 = arith.addi %mul3A_94, %add3A_95 : i32
        %dma_wait3A_97 = arith.constant 0 : i32
        %dma_wait3A_98 = tpu.memref_slice %arg8[%add3A_96, %dma_wait3A_97] : memref<40x128xi32, #tpu.memory_space<vmem>> -> memref<1x128xi32, #tpu.memory_space<vmem>>
        %dma_wait3A_99 = tpu.memref_squeeze %dma_wait3A_98 : memref<1x128xi32, #tpu.memory_space<vmem>> -> memref<128xi32, #tpu.memory_space<vmem>>
        %dma_wait3A_100 = arith.constant 0 : i32
        %dma_wait3A_101 = arith.constant 0 : i32
        %dma_wait3A_102 = tpu.memref_slice %arg2[%dma_wait3A_100, %dma_wait3A_101] : memref<10000x128xf32, #tpu.memory_space<hbm>> -> memref<10000x128xf32, #tpu.memory_space<hbm>>
        tpu.wait_indirect_dma semaphore(%arg14 : memref<!tpu.dma_semaphore, #tpu.memory_space<semaphore_mem>>) src(%dma_wait3A_102 : memref<10000x128xf32, #tpu.memory_space<hbm>>) dst(%arg11 : memref<128x128xf32, #tpu.memory_space<vmem>>)
        "tpu.region"() ({
          %run_scoped3A = tpu.sem_alloc : memref<!tpu.dma_semaphore, #tpu.memory_space<semaphore_mem>>
          %dma_start3A_110 = arith.constant 0 : i32
          %dma_start3A_111 = tpu.memref_slice %arg9[%add3A_96, %dma_start3A_110] : memref<40x128xi32, #tpu.memory_space<vmem>> -> memref<1x128xi32, #tpu.memory_space<vmem>>
          %dma_start3A_112 = tpu.memref_squeeze %dma_start3A_111 : memref<1x128xi32, #tpu.memory_space<vmem>> -> memref<128xi32, #tpu.memory_space<vmem>>
          %dma_start3A_113 = arith.constant 0 : i32
          %dma_start3A_114 = arith.constant 0 : i32
          %dma_start3A_115 = tpu.memref_slice %arg12[%dma_start3A_113, %dma_start3A_114] : memref<10112x128xf32, #tpu.memory_space<vmem_shared>> -> memref<10112x128xf32, #tpu.memory_space<vmem_shared>>
          tpu.enqueue_indirect_dma source(%arg11 : memref<128x128xf32, #tpu.memory_space<vmem>>) target(%dma_start3A_115 : memref<10112x128xf32, #tpu.memory_space<vmem_shared>>) offsets(%dma_start3A_112 : memref<128xi32, #tpu.memory_space<vmem>>) semaphore(%run_scoped3A : memref<!tpu.dma_semaphore, #tpu.memory_space<semaphore_mem>>) {add = true}
          %dma_wait3A_116 = arith.constant 0 : i32
          %dma_wait3A_117 = tpu.memref_slice %arg9[%add3A_96, %dma_wait3A_116] : memref<40x128xi32, #tpu.memory_space<vmem>> -> memref<1x128xi32, #tpu.memory_space<vmem>>
          %dma_wait3A_118 = tpu.memref_squeeze %dma_wait3A_117 : memref<1x128xi32, #tpu.memory_space<vmem>> -> memref<128xi32, #tpu.memory_space<vmem>>
          %dma_wait3A_119 = arith.constant 0 : i32
          %dma_wait3A_120 = arith.constant 0 : i32
          %dma_wait3A_121 = tpu.memref_slice %arg12[%dma_wait3A_119, %dma_wait3A_120] : memref<10112x128xf32, #tpu.memory_space<vmem_shared>> -> memref<10112x128xf32, #tpu.memory_space<vmem_shared>>
          tpu.wait_indirect_dma semaphore(%run_scoped3A : memref<!tpu.dma_semaphore, #tpu.memory_space<semaphore_mem>>) src(%arg11 : memref<128x128xf32, #tpu.memory_space<vmem>>) dst(%dma_wait3A_121 : memref<10112x128xf32, #tpu.memory_space<vmem_shared>>)
          tpu.yield
        }) : () -> ()
        %add3A_103 = arith.constant 2 : i32
        %add3A_104 = arith.addi %add3A_96, %add3A_103 : i32
        %lt3A_105 = arith.constant 40 : i32
        %lt3A_106 = arith.cmpi slt, %add3A_104, %lt3A_105 : i32
        %convert_element_type3A_107 = arith.extui %lt3A_106 : i1 to i32
        %cond3A_108 = arith.constant 0 : i32
        %cond3A_109 = arith.cmpi ne, %convert_element_type3A_107, %cond3A_108 : i32
        scf.if %cond3A_109 {
          %add3A_110 = arith.constant 2 : i32
          %add3A_111 = arith.addi %add3A_96, %add3A_110 : i32
          %dma_start3A_112 = arith.constant 0 : i32
          %dma_start3A_113 = tpu.memref_slice %arg8[%add3A_111, %dma_start3A_112] : memref<40x128xi32, #tpu.memory_space<vmem>> -> memref<1x128xi32, #tpu.memory_space<vmem>>
          %dma_start3A_114 = tpu.memref_squeeze %dma_start3A_113 : memref<1x128xi32, #tpu.memory_space<vmem>> -> memref<128xi32, #tpu.memory_space<vmem>>
          %dma_start3A_115 = arith.constant 0 : i32
          %dma_start3A_116 = arith.constant 0 : i32
          %dma_start3A_117 = tpu.memref_slice %arg2[%dma_start3A_115, %dma_start3A_116] : memref<10000x128xf32, #tpu.memory_space<hbm>> -> memref<10000x128xf32, #tpu.memory_space<hbm>>
          tpu.enqueue_indirect_dma source(%dma_start3A_117 : memref<10000x128xf32, #tpu.memory_space<hbm>>) target(%arg11 : memref<128x128xf32, #tpu.memory_space<vmem>>) offsets(%dma_start3A_114 : memref<128xi32, #tpu.memory_space<vmem>>) semaphore(%arg14 : memref<!tpu.dma_semaphore, #tpu.memory_space<semaphore_mem>>)
        } else {
        }
      }
      %scan3A_55 = arith.constant 20 : i32
      %add3A_56 = arith.constant 80 : i32
      %add3A_57 = arith.addi %mul3A_16, %add3A_56 : i32
      "tpu.region"() ({
        %run_scoped3A = tpu.sem_alloc : memref<!tpu.dma_semaphore, #tpu.memory_space<semaphore_mem>>
        %dma_start3A_77 = arith.constant 0 : i32
        %dma_start3A_78 = arith.constant 0 : i32
        %dma_start3A_79 = tpu.memref_slice %arg8[%dma_start3A_77, %dma_start3A_78] : memref<40x128xi32, #tpu.memory_space<vmem>> -> memref<40x128xi32, #tpu.memory_space<vmem>>
        %dma_start3A_80 = arith.constant 0 : i32
        %dma_start3A_81 = tpu.memref_slice %arg4[%add3A_57, %dma_start3A_80] : memref<2560x128xi32, #tpu.memory_space<hbm>> -> memref<40x128xi32, #tpu.memory_space<hbm>>
        %dma_start3A_82 = arith.constant 0 : i32
        %dma_start3A_83 = arith.constant 0 : i32
        %dma_start3A_84 = tpu.memref_slice %arg8[%dma_start3A_82, %dma_start3A_83] : memref<40x128xi32, #tpu.memory_space<vmem>> -> memref<40x128xi32, #tpu.memory_space<vmem>>
        %dma_start3A_85 = arith.constant 0 : i32
        %dma_start3A_86 = tpu.memref_slice %arg4[%add3A_57, %dma_start3A_85] : memref<2560x128xi32, #tpu.memory_space<hbm>> -> memref<40x128xi32, #tpu.memory_space<hbm>>
        tpu.enqueue_dma source(%dma_start3A_86 : memref<40x128xi32, #tpu.memory_space<hbm>>) target(%dma_start3A_84 : memref<40x128xi32, #tpu.memory_space<vmem>>) target_semaphore(%run_scoped3A : memref<!tpu.dma_semaphore, #tpu.memory_space<semaphore_mem>>)
        %dma_wait3A = arith.constant 0 : i32
        %dma_wait3A_87 = arith.constant 0 : i32
        %dma_wait3A_88 = tpu.memref_slice %arg8[%dma_wait3A, %dma_wait3A_87] : memref<40x128xi32, #tpu.memory_space<vmem>> -> memref<40x128xi32, #tpu.memory_space<vmem>>
        %dma_wait3A_89 = arith.constant 0 : i32
        %dma_wait3A_90 = tpu.memref_slice %arg4[%add3A_57, %dma_wait3A_89] : memref<2560x128xi32, #tpu.memory_space<hbm>> -> memref<40x128xi32, #tpu.memory_space<hbm>>
        %dma_wait3A_91 = arith.constant 0 : i32
        %dma_wait3A_92 = arith.constant 0 : i32
        %dma_wait3A_93 = tpu.memref_slice %arg8[%dma_wait3A_91, %dma_wait3A_92] : memref<40x128xi32, #tpu.memory_space<vmem>> -> memref<40x128xi32, #tpu.memory_space<vmem>>
        %dma_wait3A_94 = arith.constant 0 : i32
        %dma_wait3A_95 = tpu.memref_slice %arg4[%add3A_57, %dma_wait3A_94] : memref<2560x128xi32, #tpu.memory_space<hbm>> -> memref<40x128xi32, #tpu.memory_space<hbm>>
        tpu.wait_dma2 semaphore(%run_scoped3A : memref<!tpu.dma_semaphore, #tpu.memory_space<semaphore_mem>>) src(%dma_wait3A_95 : memref<40x128xi32, #tpu.memory_space<hbm>>) dst(%dma_wait3A_93 : memref<40x128xi32, #tpu.memory_space<vmem>>)
        tpu.yield
      }) : () -> ()
      "tpu.region"() ({
        %run_scoped3A = tpu.sem_alloc : memref<!tpu.dma_semaphore, #tpu.memory_space<semaphore_mem>>
        %dma_start3A_77 = arith.constant 0 : i32
        %dma_start3A_78 = arith.constant 0 : i32
        %dma_start3A_79 = tpu.memref_slice %arg9[%dma_start3A_77, %dma_start3A_78] : memref<40x128xi32, #tpu.memory_space<vmem>> -> memref<40x128xi32, #tpu.memory_space<vmem>>
        %dma_start3A_80 = arith.constant 0 : i32
        %dma_start3A_81 = tpu.memref_slice %arg5[%add3A_57, %dma_start3A_80] : memref<2560x128xi32, #tpu.memory_space<hbm>> -> memref<40x128xi32, #tpu.memory_space<hbm>>
        %dma_start3A_82 = arith.constant 0 : i32
        %dma_start3A_83 = arith.constant 0 : i32
        %dma_start3A_84 = tpu.memref_slice %arg9[%dma_start3A_82, %dma_start3A_83] : memref<40x128xi32, #tpu.memory_space<vmem>> -> memref<40x128xi32, #tpu.memory_space<vmem>>
        %dma_start3A_85 = arith.constant 0 : i32
        %dma_start3A_86 = tpu.memref_slice %arg5[%add3A_57, %dma_start3A_85] : memref<2560x128xi32, #tpu.memory_space<hbm>> -> memref<40x128xi32, #tpu.memory_space<hbm>>
        tpu.enqueue_dma source(%dma_start3A_86 : memref<40x128xi32, #tpu.memory_space<hbm>>) target(%dma_start3A_84 : memref<40x128xi32, #tpu.memory_space<vmem>>) target_semaphore(%run_scoped3A : memref<!tpu.dma_semaphore, #tpu.memory_space<semaphore_mem>>)
        %dma_wait3A = arith.constant 0 : i32
        %dma_wait3A_87 = arith.constant 0 : i32
        %dma_wait3A_88 = tpu.memref_slice %arg9[%dma_wait3A, %dma_wait3A_87] : memref<40x128xi32, #tpu.memory_space<vmem>> -> memref<40x128xi32, #tpu.memory_space<vmem>>
        %dma_wait3A_89 = arith.constant 0 : i32
        %dma_wait3A_90 = tpu.memref_slice %arg5[%add3A_57, %dma_wait3A_89] : memref<2560x128xi32, #tpu.memory_space<hbm>> -> memref<40x128xi32, #tpu.memory_space<hbm>>
        %dma_wait3A_91 = arith.constant 0 : i32
        %dma_wait3A_92 = arith.constant 0 : i32
        %dma_wait3A_93 = tpu.memref_slice %arg9[%dma_wait3A_91, %dma_wait3A_92] : memref<40x128xi32, #tpu.memory_space<vmem>> -> memref<40x128xi32, #tpu.memory_space<vmem>>
        %dma_wait3A_94 = arith.constant 0 : i32
        %dma_wait3A_95 = tpu.memref_slice %arg5[%add3A_57, %dma_wait3A_94] : memref<2560x128xi32, #tpu.memory_space<hbm>> -> memref<40x128xi32, #tpu.memory_space<hbm>>
        tpu.wait_dma2 semaphore(%run_scoped3A : memref<!tpu.dma_semaphore, #tpu.memory_space<semaphore_mem>>) src(%dma_wait3A_95 : memref<40x128xi32, #tpu.memory_space<hbm>>) dst(%dma_wait3A_93 : memref<40x128xi32, #tpu.memory_space<vmem>>)
        tpu.yield
      }) : () -> ()
      %dma_start3A_58 = arith.constant 0 : i32
      %dma_start3A_59 = arith.constant 0 : i32
      %dma_start3A_60 = tpu.memref_slice %arg8[%dma_start3A_58, %dma_start3A_59] : memref<40x128xi32, #tpu.memory_space<vmem>> -> memref<1x128xi32, #tpu.memory_space<vmem>>
      %dma_start3A_61 = tpu.memref_squeeze %dma_start3A_60 : memref<1x128xi32, #tpu.memory_space<vmem>> -> memref<128xi32, #tpu.memory_space<vmem>>
      %dma_start3A_62 = arith.constant 0 : i32
      %dma_start3A_63 = arith.constant 0 : i32
      %dma_start3A_64 = tpu.memref_slice %arg2[%dma_start3A_62, %dma_start3A_63] : memref<10000x128xf32, #tpu.memory_space<hbm>> -> memref<10000x128xf32, #tpu.memory_space<hbm>>
      tpu.enqueue_indirect_dma source(%dma_start3A_64 : memref<10000x128xf32, #tpu.memory_space<hbm>>) target(%arg10 : memref<128x128xf32, #tpu.memory_space<vmem>>) offsets(%dma_start3A_61 : memref<128xi32, #tpu.memory_space<vmem>>) semaphore(%arg13 : memref<!tpu.dma_semaphore, #tpu.memory_space<semaphore_mem>>)
      %dma_start3A_65 = arith.constant 1 : i32
      %dma_start3A_66 = arith.constant 0 : i32
      %dma_start3A_67 = tpu.memref_slice %arg8[%dma_start3A_65, %dma_start3A_66] : memref<40x128xi32, #tpu.memory_space<vmem>> -> memref<1x128xi32, #tpu.memory_space<vmem>>
      %dma_start3A_68 = tpu.memref_squeeze %dma_start3A_67 : memref<1x128xi32, #tpu.memory_space<vmem>> -> memref<128xi32, #tpu.memory_space<vmem>>
      %dma_start3A_69 = arith.constant 0 : i32
      %dma_start3A_70 = arith.constant 0 : i32
      %dma_start3A_71 = tpu.memref_slice %arg2[%dma_start3A_69, %dma_start3A_70] : memref<10000x128xf32, #tpu.memory_space<hbm>> -> memref<10000x128xf32, #tpu.memory_space<hbm>>
      tpu.enqueue_indirect_dma source(%dma_start3A_71 : memref<10000x128xf32, #tpu.memory_space<hbm>>) target(%arg11 : memref<128x128xf32, #tpu.memory_space<vmem>>) offsets(%dma_start3A_68 : memref<128xi32, #tpu.memory_space<vmem>>) semaphore(%arg14 : memref<!tpu.dma_semaphore, #tpu.memory_space<semaphore_mem>>)
      %scan3A_72 = arith.constant 0 : i32
      %scan3A_73 = arith.constant 20 : i32
      %scan3A_74 = arith.addi %scan3A_72, %scan3A_73 : i32
      %scan3A_75 = arith.constant 1 : i32
      scf.for %scan3A_77 = %scan3A_72 to %scan3A_74 step %scan3A_75  : i32 {
        %mul3A_78 = arith.constant 2 : i32
        %mul3A_79 = arith.muli %scan3A_77, %mul3A_78 : i32
        %add3A_80 = arith.constant 0 : i32
        %add3A_81 = arith.addi %mul3A_79, %add3A_80 : i32
        %dma_wait3A = arith.constant 0 : i32
        %dma_wait3A_82 = tpu.memref_slice %arg8[%add3A_81, %dma_wait3A] : memref<40x128xi32, #tpu.memory_space<vmem>> -> memref<1x128xi32, #tpu.memory_space<vmem>>
        %dma_wait3A_83 = tpu.memref_squeeze %dma_wait3A_82 : memref<1x128xi32, #tpu.memory_space<vmem>> -> memref<128xi32, #tpu.memory_space<vmem>>
        %dma_wait3A_84 = arith.constant 0 : i32
        %dma_wait3A_85 = arith.constant 0 : i32
        %dma_wait3A_86 = tpu.memref_slice %arg2[%dma_wait3A_84, %dma_wait3A_85] : memref<10000x128xf32, #tpu.memory_space<hbm>> -> memref<10000x128xf32, #tpu.memory_space<hbm>>
        tpu.wait_indirect_dma semaphore(%arg13 : memref<!tpu.dma_semaphore, #tpu.memory_space<semaphore_mem>>) src(%dma_wait3A_86 : memref<10000x128xf32, #tpu.memory_space<hbm>>) dst(%arg10 : memref<128x128xf32, #tpu.memory_space<vmem>>)
        "tpu.region"() ({
          %run_scoped3A = tpu.sem_alloc : memref<!tpu.dma_semaphore, #tpu.memory_space<semaphore_mem>>
          %dma_start3A_110 = arith.constant 0 : i32
          %dma_start3A_111 = tpu.memref_slice %arg9[%add3A_81, %dma_start3A_110] : memref<40x128xi32, #tpu.memory_space<vmem>> -> memref<1x128xi32, #tpu.memory_space<vmem>>
          %dma_start3A_112 = tpu.memref_squeeze %dma_start3A_111 : memref<1x128xi32, #tpu.memory_space<vmem>> -> memref<128xi32, #tpu.memory_space<vmem>>
          %dma_start3A_113 = arith.constant 0 : i32
          %dma_start3A_114 = arith.constant 0 : i32
          %dma_start3A_115 = tpu.memref_slice %arg12[%dma_start3A_113, %dma_start3A_114] : memref<10112x128xf32, #tpu.memory_space<vmem_shared>> -> memref<10112x128xf32, #tpu.memory_space<vmem_shared>>
          tpu.enqueue_indirect_dma source(%arg10 : memref<128x128xf32, #tpu.memory_space<vmem>>) target(%dma_start3A_115 : memref<10112x128xf32, #tpu.memory_space<vmem_shared>>) offsets(%dma_start3A_112 : memref<128xi32, #tpu.memory_space<vmem>>) semaphore(%run_scoped3A : memref<!tpu.dma_semaphore, #tpu.memory_space<semaphore_mem>>) {add = true}
          %dma_wait3A_116 = arith.constant 0 : i32
          %dma_wait3A_117 = tpu.memref_slice %arg9[%add3A_81, %dma_wait3A_116] : memref<40x128xi32, #tpu.memory_space<vmem>> -> memref<1x128xi32, #tpu.memory_space<vmem>>
          %dma_wait3A_118 = tpu.memref_squeeze %dma_wait3A_117 : memref<1x128xi32, #tpu.memory_space<vmem>> -> memref<128xi32, #tpu.memory_space<vmem>>
          %dma_wait3A_119 = arith.constant 0 : i32
          %dma_wait3A_120 = arith.constant 0 : i32
          %dma_wait3A_121 = tpu.memref_slice %arg12[%dma_wait3A_119, %dma_wait3A_120] : memref<10112x128xf32, #tpu.memory_space<vmem_shared>> -> memref<10112x128xf32, #tpu.memory_space<vmem_shared>>
          tpu.wait_indirect_dma semaphore(%run_scoped3A : memref<!tpu.dma_semaphore, #tpu.memory_space<semaphore_mem>>) src(%arg10 : memref<128x128xf32, #tpu.memory_space<vmem>>) dst(%dma_wait3A_121 : memref<10112x128xf32, #tpu.memory_space<vmem_shared>>)
          tpu.yield
        }) : () -> ()
        %add3A_87 = arith.constant 2 : i32
        %add3A_88 = arith.addi %add3A_81, %add3A_87 : i32
        %lt3A = arith.constant 40 : i32
        %lt3A_89 = arith.cmpi slt, %add3A_88, %lt3A : i32
        %convert_element_type3A_90 = arith.extui %lt3A_89 : i1 to i32
        %cond3A_91 = arith.constant 0 : i32
        %cond3A_92 = arith.cmpi ne, %convert_element_type3A_90, %cond3A_91 : i32
        scf.if %cond3A_92 {
          %add3A_110 = arith.constant 2 : i32
          %add3A_111 = arith.addi %add3A_81, %add3A_110 : i32
          %dma_start3A_112 = arith.constant 0 : i32
          %dma_start3A_113 = tpu.memref_slice %arg8[%add3A_111, %dma_start3A_112] : memref<40x128xi32, #tpu.memory_space<vmem>> -> memref<1x128xi32, #tpu.memory_space<vmem>>
          %dma_start3A_114 = tpu.memref_squeeze %dma_start3A_113 : memref<1x128xi32, #tpu.memory_space<vmem>> -> memref<128xi32, #tpu.memory_space<vmem>>
          %dma_start3A_115 = arith.constant 0 : i32
          %dma_start3A_116 = arith.constant 0 : i32
          %dma_start3A_117 = tpu.memref_slice %arg2[%dma_start3A_115, %dma_start3A_116] : memref<10000x128xf32, #tpu.memory_space<hbm>> -> memref<10000x128xf32, #tpu.memory_space<hbm>>
          tpu.enqueue_indirect_dma source(%dma_start3A_117 : memref<10000x128xf32, #tpu.memory_space<hbm>>) target(%arg10 : memref<128x128xf32, #tpu.memory_space<vmem>>) offsets(%dma_start3A_114 : memref<128xi32, #tpu.memory_space<vmem>>) semaphore(%arg13 : memref<!tpu.dma_semaphore, #tpu.memory_space<semaphore_mem>>)
        } else {
        }
        %mul3A_93 = arith.constant 2 : i32
        %mul3A_94 = arith.muli %scan3A_77, %mul3A_93 : i32
        %add3A_95 = arith.constant 1 : i32
        %add3A_96 = arith.addi %mul3A_94, %add3A_95 : i32
        %dma_wait3A_97 = arith.constant 0 : i32
        %dma_wait3A_98 = tpu.memref_slice %arg8[%add3A_96, %dma_wait3A_97] : memref<40x128xi32, #tpu.memory_space<vmem>> -> memref<1x128xi32, #tpu.memory_space<vmem>>
        %dma_wait3A_99 = tpu.memref_squeeze %dma_wait3A_98 : memref<1x128xi32, #tpu.memory_space<vmem>> -> memref<128xi32, #tpu.memory_space<vmem>>
        %dma_wait3A_100 = arith.constant 0 : i32
        %dma_wait3A_101 = arith.constant 0 : i32
        %dma_wait3A_102 = tpu.memref_slice %arg2[%dma_wait3A_100, %dma_wait3A_101] : memref<10000x128xf32, #tpu.memory_space<hbm>> -> memref<10000x128xf32, #tpu.memory_space<hbm>>
        tpu.wait_indirect_dma semaphore(%arg14 : memref<!tpu.dma_semaphore, #tpu.memory_space<semaphore_mem>>) src(%dma_wait3A_102 : memref<10000x128xf32, #tpu.memory_space<hbm>>) dst(%arg11 : memref<128x128xf32, #tpu.memory_space<vmem>>)
        "tpu.region"() ({
          %run_scoped3A = tpu.sem_alloc : memref<!tpu.dma_semaphore, #tpu.memory_space<semaphore_mem>>
          %dma_start3A_110 = arith.constant 0 : i32
          %dma_start3A_111 = tpu.memref_slice %arg9[%add3A_96, %dma_start3A_110] : memref<40x128xi32, #tpu.memory_space<vmem>> -> memref<1x128xi32, #tpu.memory_space<vmem>>
          %dma_start3A_112 = tpu.memref_squeeze %dma_start3A_111 : memref<1x128xi32, #tpu.memory_space<vmem>> -> memref<128xi32, #tpu.memory_space<vmem>>
          %dma_start3A_113 = arith.constant 0 : i32
          %dma_start3A_114 = arith.constant 0 : i32
          %dma_start3A_115 = tpu.memref_slice %arg12[%dma_start3A_113, %dma_start3A_114] : memref<10112x128xf32, #tpu.memory_space<vmem_shared>> -> memref<10112x128xf32, #tpu.memory_space<vmem_shared>>
          tpu.enqueue_indirect_dma source(%arg11 : memref<128x128xf32, #tpu.memory_space<vmem>>) target(%dma_start3A_115 : memref<10112x128xf32, #tpu.memory_space<vmem_shared>>) offsets(%dma_start3A_112 : memref<128xi32, #tpu.memory_space<vmem>>) semaphore(%run_scoped3A : memref<!tpu.dma_semaphore, #tpu.memory_space<semaphore_mem>>) {add = true}
          %dma_wait3A_116 = arith.constant 0 : i32
          %dma_wait3A_117 = tpu.memref_slice %arg9[%add3A_96, %dma_wait3A_116] : memref<40x128xi32, #tpu.memory_space<vmem>> -> memref<1x128xi32, #tpu.memory_space<vmem>>
          %dma_wait3A_118 = tpu.memref_squeeze %dma_wait3A_117 : memref<1x128xi32, #tpu.memory_space<vmem>> -> memref<128xi32, #tpu.memory_space<vmem>>
          %dma_wait3A_119 = arith.constant 0 : i32
          %dma_wait3A_120 = arith.constant 0 : i32
          %dma_wait3A_121 = tpu.memref_slice %arg12[%dma_wait3A_119, %dma_wait3A_120] : memref<10112x128xf32, #tpu.memory_space<vmem_shared>> -> memref<10112x128xf32, #tpu.memory_space<vmem_shared>>
          tpu.wait_indirect_dma semaphore(%run_scoped3A : memref<!tpu.dma_semaphore, #tpu.memory_space<semaphore_mem>>) src(%arg11 : memref<128x128xf32, #tpu.memory_space<vmem>>) dst(%dma_wait3A_121 : memref<10112x128xf32, #tpu.memory_space<vmem_shared>>)
          tpu.yield
        }) : () -> ()
        %add3A_103 = arith.constant 2 : i32
        %add3A_104 = arith.addi %add3A_96, %add3A_103 : i32
        %lt3A_105 = arith.constant 40 : i32
        %lt3A_106 = arith.cmpi slt, %add3A_104, %lt3A_105 : i32
        %convert_element_type3A_107 = arith.extui %lt3A_106 : i1 to i32
        %cond3A_108 = arith.constant 0 : i32
        %cond3A_109 = arith.cmpi ne, %convert_element_type3A_107, %cond3A_108 : i32
        scf.if %cond3A_109 {
          %add3A_110 = arith.constant 2 : i32
          %add3A_111 = arith.addi %add3A_96, %add3A_110 : i32
          %dma_start3A_112 = arith.constant 0 : i32
          %dma_start3A_113 = tpu.memref_slice %arg8[%add3A_111, %dma_start3A_112] : memref<40x128xi32, #tpu.memory_space<vmem>> -> memref<1x128xi32, #tpu.memory_space<vmem>>
          %dma_start3A_114 = tpu.memref_squeeze %dma_start3A_113 : memref<1x128xi32, #tpu.memory_space<vmem>> -> memref<128xi32, #tpu.memory_space<vmem>>
          %dma_start3A_115 = arith.constant 0 : i32
          %dma_start3A_116 = arith.constant 0 : i32
          %dma_start3A_117 = tpu.memref_slice %arg2[%dma_start3A_115, %dma_start3A_116] : memref<10000x128xf32, #tpu.memory_space<hbm>> -> memref<10000x128xf32, #tpu.memory_space<hbm>>
          tpu.enqueue_indirect_dma source(%dma_start3A_117 : memref<10000x128xf32, #tpu.memory_space<hbm>>) target(%arg11 : memref<128x128xf32, #tpu.memory_space<vmem>>) offsets(%dma_start3A_114 : memref<128xi32, #tpu.memory_space<vmem>>) semaphore(%arg14 : memref<!tpu.dma_semaphore, #tpu.memory_space<semaphore_mem>>)
        } else {
        }
      }
      %scan3A_76 = arith.constant 20 : i32
    } else {
    }
    %eq3A_5 = arith.constant 1 : i32
    %eq3A_6 = arith.cmpi eq, %arg0, %eq3A_5 : i32
    %convert_element_type3A_7 = arith.extui %eq3A_6 : i1 to i32
    %cond3A_8 = arith.constant 0 : i32
    %cond3A_9 = arith.cmpi ne, %convert_element_type3A_7, %cond3A_8 : i32
    scf.if %cond3A_9 {
      %mul3A_15 = arith.constant 160 : i32
      %mul3A_16 = arith.muli %arg1, %mul3A_15 : i32
      %add3A = arith.constant 120 : i32
      %add3A_17 = arith.addi %mul3A_16, %add3A : i32
      %add3A_18 = arith.constant 0 : i32
      %add3A_19 = arith.addi %add3A_17, %add3A_18 : i32
      "tpu.region"() ({
        %run_scoped3A = tpu.sem_alloc : memref<!tpu.dma_semaphore, #tpu.memory_space<semaphore_mem>>
        %dma_start3A_37 = arith.constant 0 : i32
        %dma_start3A_38 = arith.constant 0 : i32
        %dma_start3A_39 = tpu.memref_slice %arg8[%dma_start3A_37, %dma_start3A_38] : memref<40x128xi32, #tpu.memory_space<vmem>> -> memref<40x128xi32, #tpu.memory_space<vmem>>
        %dma_start3A_40 = arith.constant 0 : i32
        %dma_start3A_41 = tpu.memref_slice %arg4[%add3A_19, %dma_start3A_40] : memref<2560x128xi32, #tpu.memory_space<hbm>> -> memref<40x128xi32, #tpu.memory_space<hbm>>
        %dma_start3A_42 = arith.constant 0 : i32
        %dma_start3A_43 = arith.constant 0 : i32
        %dma_start3A_44 = tpu.memref_slice %arg8[%dma_start3A_42, %dma_start3A_43] : memref<40x128xi32, #tpu.memory_space<vmem>> -> memref<40x128xi32, #tpu.memory_space<vmem>>
        %dma_start3A_45 = arith.constant 0 : i32
        %dma_start3A_46 = tpu.memref_slice %arg4[%add3A_19, %dma_start3A_45] : memref<2560x128xi32, #tpu.memory_space<hbm>> -> memref<40x128xi32, #tpu.memory_space<hbm>>
        tpu.enqueue_dma source(%dma_start3A_46 : memref<40x128xi32, #tpu.memory_space<hbm>>) target(%dma_start3A_44 : memref<40x128xi32, #tpu.memory_space<vmem>>) target_semaphore(%run_scoped3A : memref<!tpu.dma_semaphore, #tpu.memory_space<semaphore_mem>>)
        %dma_wait3A = arith.constant 0 : i32
        %dma_wait3A_47 = arith.constant 0 : i32
        %dma_wait3A_48 = tpu.memref_slice %arg8[%dma_wait3A, %dma_wait3A_47] : memref<40x128xi32, #tpu.memory_space<vmem>> -> memref<40x128xi32, #tpu.memory_space<vmem>>
        %dma_wait3A_49 = arith.constant 0 : i32
        %dma_wait3A_50 = tpu.memref_slice %arg4[%add3A_19, %dma_wait3A_49] : memref<2560x128xi32, #tpu.memory_space<hbm>> -> memref<40x128xi32, #tpu.memory_space<hbm>>
        %dma_wait3A_51 = arith.constant 0 : i32
        %dma_wait3A_52 = arith.constant 0 : i32
        %dma_wait3A_53 = tpu.memref_slice %arg8[%dma_wait3A_51, %dma_wait3A_52] : memref<40x128xi32, #tpu.memory_space<vmem>> -> memref<40x128xi32, #tpu.memory_space<vmem>>
        %dma_wait3A_54 = arith.constant 0 : i32
        %dma_wait3A_55 = tpu.memref_slice %arg4[%add3A_19, %dma_wait3A_54] : memref<2560x128xi32, #tpu.memory_space<hbm>> -> memref<40x128xi32, #tpu.memory_space<hbm>>
        tpu.wait_dma2 semaphore(%run_scoped3A : memref<!tpu.dma_semaphore, #tpu.memory_space<semaphore_mem>>) src(%dma_wait3A_55 : memref<40x128xi32, #tpu.memory_space<hbm>>) dst(%dma_wait3A_53 : memref<40x128xi32, #tpu.memory_space<vmem>>)
        tpu.yield
      }) : () -> ()
      "tpu.region"() ({
        %run_scoped3A = tpu.sem_alloc : memref<!tpu.dma_semaphore, #tpu.memory_space<semaphore_mem>>
        %dma_start3A_37 = arith.constant 0 : i32
        %dma_start3A_38 = arith.constant 0 : i32
        %dma_start3A_39 = tpu.memref_slice %arg9[%dma_start3A_37, %dma_start3A_38] : memref<40x128xi32, #tpu.memory_space<vmem>> -> memref<40x128xi32, #tpu.memory_space<vmem>>
        %dma_start3A_40 = arith.constant 0 : i32
        %dma_start3A_41 = tpu.memref_slice %arg5[%add3A_19, %dma_start3A_40] : memref<2560x128xi32, #tpu.memory_space<hbm>> -> memref<40x128xi32, #tpu.memory_space<hbm>>
        %dma_start3A_42 = arith.constant 0 : i32
        %dma_start3A_43 = arith.constant 0 : i32
        %dma_start3A_44 = tpu.memref_slice %arg9[%dma_start3A_42, %dma_start3A_43] : memref<40x128xi32, #tpu.memory_space<vmem>> -> memref<40x128xi32, #tpu.memory_space<vmem>>
        %dma_start3A_45 = arith.constant 0 : i32
        %dma_start3A_46 = tpu.memref_slice %arg5[%add3A_19, %dma_start3A_45] : memref<2560x128xi32, #tpu.memory_space<hbm>> -> memref<40x128xi32, #tpu.memory_space<hbm>>
        tpu.enqueue_dma source(%dma_start3A_46 : memref<40x128xi32, #tpu.memory_space<hbm>>) target(%dma_start3A_44 : memref<40x128xi32, #tpu.memory_space<vmem>>) target_semaphore(%run_scoped3A : memref<!tpu.dma_semaphore, #tpu.memory_space<semaphore_mem>>)
        %dma_wait3A = arith.constant 0 : i32
        %dma_wait3A_47 = arith.constant 0 : i32
        %dma_wait3A_48 = tpu.memref_slice %arg9[%dma_wait3A, %dma_wait3A_47] : memref<40x128xi32, #tpu.memory_space<vmem>> -> memref<40x128xi32, #tpu.memory_space<vmem>>
        %dma_wait3A_49 = arith.constant 0 : i32
        %dma_wait3A_50 = tpu.memref_slice %arg5[%add3A_19, %dma_wait3A_49] : memref<2560x128xi32, #tpu.memory_space<hbm>> -> memref<40x128xi32, #tpu.memory_space<hbm>>
        %dma_wait3A_51 = arith.constant 0 : i32
        %dma_wait3A_52 = arith.constant 0 : i32
        %dma_wait3A_53 = tpu.memref_slice %arg9[%dma_wait3A_51, %dma_wait3A_52] : memref<40x128xi32, #tpu.memory_space<vmem>> -> memref<40x128xi32, #tpu.memory_space<vmem>>
        %dma_wait3A_54 = arith.constant 0 : i32
        %dma_wait3A_55 = tpu.memref_slice %arg5[%add3A_19, %dma_wait3A_54] : memref<2560x128xi32, #tpu.memory_space<hbm>> -> memref<40x128xi32, #tpu.memory_space<hbm>>
        tpu.wait_dma2 semaphore(%run_scoped3A : memref<!tpu.dma_semaphore, #tpu.memory_space<semaphore_mem>>) src(%dma_wait3A_55 : memref<40x128xi32, #tpu.memory_space<hbm>>) dst(%dma_wait3A_53 : memref<40x128xi32, #tpu.memory_space<vmem>>)
        tpu.yield
      }) : () -> ()
      %dma_start3A = arith.constant 0 : i32
      %dma_start3A_20 = arith.constant 0 : i32
      %dma_start3A_21 = tpu.memref_slice %arg8[%dma_start3A, %dma_start3A_20] : memref<40x128xi32, #tpu.memory_space<vmem>> -> memref<1x128xi32, #tpu.memory_space<vmem>>
      %dma_start3A_22 = tpu.memref_squeeze %dma_start3A_21 : memref<1x128xi32, #tpu.memory_space<vmem>> -> memref<128xi32, #tpu.memory_space<vmem>>
      %dma_start3A_23 = arith.constant 0 : i32
      %dma_start3A_24 = arith.constant 0 : i32
      %dma_start3A_25 = tpu.memref_slice %arg3[%dma_start3A_23, %dma_start3A_24] : memref<10000x128xf32, #tpu.memory_space<hbm>> -> memref<10000x128xf32, #tpu.memory_space<hbm>>
      tpu.enqueue_indirect_dma source(%dma_start3A_25 : memref<10000x128xf32, #tpu.memory_space<hbm>>) target(%arg10 : memref<128x128xf32, #tpu.memory_space<vmem>>) offsets(%dma_start3A_22 : memref<128xi32, #tpu.memory_space<vmem>>) semaphore(%arg13 : memref<!tpu.dma_semaphore, #tpu.memory_space<semaphore_mem>>)
      %dma_start3A_26 = arith.constant 1 : i32
      %dma_start3A_27 = arith.constant 0 : i32
      %dma_start3A_28 = tpu.memref_slice %arg8[%dma_start3A_26, %dma_start3A_27] : memref<40x128xi32, #tpu.memory_space<vmem>> -> memref<1x128xi32, #tpu.memory_space<vmem>>
      %dma_start3A_29 = tpu.memref_squeeze %dma_start3A_28 : memref<1x128xi32, #tpu.memory_space<vmem>> -> memref<128xi32, #tpu.memory_space<vmem>>
      %dma_start3A_30 = arith.constant 0 : i32
      %dma_start3A_31 = arith.constant 0 : i32
      %dma_start3A_32 = tpu.memref_slice %arg3[%dma_start3A_30, %dma_start3A_31] : memref<10000x128xf32, #tpu.memory_space<hbm>> -> memref<10000x128xf32, #tpu.memory_space<hbm>>
      tpu.enqueue_indirect_dma source(%dma_start3A_32 : memref<10000x128xf32, #tpu.memory_space<hbm>>) target(%arg11 : memref<128x128xf32, #tpu.memory_space<vmem>>) offsets(%dma_start3A_29 : memref<128xi32, #tpu.memory_space<vmem>>) semaphore(%arg14 : memref<!tpu.dma_semaphore, #tpu.memory_space<semaphore_mem>>)
      %scan3A = arith.constant 0 : i32
      %scan3A_33 = arith.constant 20 : i32
      %scan3A_34 = arith.addi %scan3A, %scan3A_33 : i32
      %scan3A_35 = arith.constant 1 : i32
      scf.for %scan3A_37 = %scan3A to %scan3A_34 step %scan3A_35  : i32 {
        %mul3A_38 = arith.constant 2 : i32
        %mul3A_39 = arith.muli %scan3A_37, %mul3A_38 : i32
        %add3A_40 = arith.constant 0 : i32
        %add3A_41 = arith.addi %mul3A_39, %add3A_40 : i32
        %dma_wait3A = arith.constant 0 : i32
        %dma_wait3A_42 = tpu.memref_slice %arg8[%add3A_41, %dma_wait3A] : memref<40x128xi32, #tpu.memory_space<vmem>> -> memref<1x128xi32, #tpu.memory_space<vmem>>
        %dma_wait3A_43 = tpu.memref_squeeze %dma_wait3A_42 : memref<1x128xi32, #tpu.memory_space<vmem>> -> memref<128xi32, #tpu.memory_space<vmem>>
        %dma_wait3A_44 = arith.constant 0 : i32
        %dma_wait3A_45 = arith.constant 0 : i32
        %dma_wait3A_46 = tpu.memref_slice %arg3[%dma_wait3A_44, %dma_wait3A_45] : memref<10000x128xf32, #tpu.memory_space<hbm>> -> memref<10000x128xf32, #tpu.memory_space<hbm>>
        tpu.wait_indirect_dma semaphore(%arg13 : memref<!tpu.dma_semaphore, #tpu.memory_space<semaphore_mem>>) src(%dma_wait3A_46 : memref<10000x128xf32, #tpu.memory_space<hbm>>) dst(%arg10 : memref<128x128xf32, #tpu.memory_space<vmem>>)
        "tpu.region"() ({
          %run_scoped3A = tpu.sem_alloc : memref<!tpu.dma_semaphore, #tpu.memory_space<semaphore_mem>>
          %dma_start3A_70 = arith.constant 0 : i32
          %dma_start3A_71 = tpu.memref_slice %arg9[%add3A_41, %dma_start3A_70] : memref<40x128xi32, #tpu.memory_space<vmem>> -> memref<1x128xi32, #tpu.memory_space<vmem>>
          %dma_start3A_72 = tpu.memref_squeeze %dma_start3A_71 : memref<1x128xi32, #tpu.memory_space<vmem>> -> memref<128xi32, #tpu.memory_space<vmem>>
          %dma_start3A_73 = arith.constant 0 : i32
          %dma_start3A_74 = arith.constant 0 : i32
          %dma_start3A_75 = tpu.memref_slice %arg12[%dma_start3A_73, %dma_start3A_74] : memref<10112x128xf32, #tpu.memory_space<vmem_shared>> -> memref<10112x128xf32, #tpu.memory_space<vmem_shared>>
          tpu.enqueue_indirect_dma source(%arg10 : memref<128x128xf32, #tpu.memory_space<vmem>>) target(%dma_start3A_75 : memref<10112x128xf32, #tpu.memory_space<vmem_shared>>) offsets(%dma_start3A_72 : memref<128xi32, #tpu.memory_space<vmem>>) semaphore(%run_scoped3A : memref<!tpu.dma_semaphore, #tpu.memory_space<semaphore_mem>>) {add = true}
          %dma_wait3A_76 = arith.constant 0 : i32
          %dma_wait3A_77 = tpu.memref_slice %arg9[%add3A_41, %dma_wait3A_76] : memref<40x128xi32, #tpu.memory_space<vmem>> -> memref<1x128xi32, #tpu.memory_space<vmem>>
          %dma_wait3A_78 = tpu.memref_squeeze %dma_wait3A_77 : memref<1x128xi32, #tpu.memory_space<vmem>> -> memref<128xi32, #tpu.memory_space<vmem>>
          %dma_wait3A_79 = arith.constant 0 : i32
          %dma_wait3A_80 = arith.constant 0 : i32
          %dma_wait3A_81 = tpu.memref_slice %arg12[%dma_wait3A_79, %dma_wait3A_80] : memref<10112x128xf32, #tpu.memory_space<vmem_shared>> -> memref<10112x128xf32, #tpu.memory_space<vmem_shared>>
          tpu.wait_indirect_dma semaphore(%run_scoped3A : memref<!tpu.dma_semaphore, #tpu.memory_space<semaphore_mem>>) src(%arg10 : memref<128x128xf32, #tpu.memory_space<vmem>>) dst(%dma_wait3A_81 : memref<10112x128xf32, #tpu.memory_space<vmem_shared>>)
          tpu.yield
        }) : () -> ()
        %add3A_47 = arith.constant 2 : i32
        %add3A_48 = arith.addi %add3A_41, %add3A_47 : i32
        %lt3A = arith.constant 40 : i32
        %lt3A_49 = arith.cmpi slt, %add3A_48, %lt3A : i32
        %convert_element_type3A_50 = arith.extui %lt3A_49 : i1 to i32
        %cond3A_51 = arith.constant 0 : i32
        %cond3A_52 = arith.cmpi ne, %convert_element_type3A_50, %cond3A_51 : i32
        scf.if %cond3A_52 {
          %add3A_70 = arith.constant 2 : i32
          %add3A_71 = arith.addi %add3A_41, %add3A_70 : i32
          %dma_start3A_72 = arith.constant 0 : i32
          %dma_start3A_73 = tpu.memref_slice %arg8[%add3A_71, %dma_start3A_72] : memref<40x128xi32, #tpu.memory_space<vmem>> -> memref<1x128xi32, #tpu.memory_space<vmem>>
          %dma_start3A_74 = tpu.memref_squeeze %dma_start3A_73 : memref<1x128xi32, #tpu.memory_space<vmem>> -> memref<128xi32, #tpu.memory_space<vmem>>
          %dma_start3A_75 = arith.constant 0 : i32
          %dma_start3A_76 = arith.constant 0 : i32
          %dma_start3A_77 = tpu.memref_slice %arg3[%dma_start3A_75, %dma_start3A_76] : memref<10000x128xf32, #tpu.memory_space<hbm>> -> memref<10000x128xf32, #tpu.memory_space<hbm>>
          tpu.enqueue_indirect_dma source(%dma_start3A_77 : memref<10000x128xf32, #tpu.memory_space<hbm>>) target(%arg10 : memref<128x128xf32, #tpu.memory_space<vmem>>) offsets(%dma_start3A_74 : memref<128xi32, #tpu.memory_space<vmem>>) semaphore(%arg13 : memref<!tpu.dma_semaphore, #tpu.memory_space<semaphore_mem>>)
        } else {
        }
        %mul3A_53 = arith.constant 2 : i32
        %mul3A_54 = arith.muli %scan3A_37, %mul3A_53 : i32
        %add3A_55 = arith.constant 1 : i32
        %add3A_56 = arith.addi %mul3A_54, %add3A_55 : i32
        %dma_wait3A_57 = arith.constant 0 : i32
        %dma_wait3A_58 = tpu.memref_slice %arg8[%add3A_56, %dma_wait3A_57] : memref<40x128xi32, #tpu.memory_space<vmem>> -> memref<1x128xi32, #tpu.memory_space<vmem>>
        %dma_wait3A_59 = tpu.memref_squeeze %dma_wait3A_58 : memref<1x128xi32, #tpu.memory_space<vmem>> -> memref<128xi32, #tpu.memory_space<vmem>>
        %dma_wait3A_60 = arith.constant 0 : i32
        %dma_wait3A_61 = arith.constant 0 : i32
        %dma_wait3A_62 = tpu.memref_slice %arg3[%dma_wait3A_60, %dma_wait3A_61] : memref<10000x128xf32, #tpu.memory_space<hbm>> -> memref<10000x128xf32, #tpu.memory_space<hbm>>
        tpu.wait_indirect_dma semaphore(%arg14 : memref<!tpu.dma_semaphore, #tpu.memory_space<semaphore_mem>>) src(%dma_wait3A_62 : memref<10000x128xf32, #tpu.memory_space<hbm>>) dst(%arg11 : memref<128x128xf32, #tpu.memory_space<vmem>>)
        "tpu.region"() ({
          %run_scoped3A = tpu.sem_alloc : memref<!tpu.dma_semaphore, #tpu.memory_space<semaphore_mem>>
          %dma_start3A_70 = arith.constant 0 : i32
          %dma_start3A_71 = tpu.memref_slice %arg9[%add3A_56, %dma_start3A_70] : memref<40x128xi32, #tpu.memory_space<vmem>> -> memref<1x128xi32, #tpu.memory_space<vmem>>
          %dma_start3A_72 = tpu.memref_squeeze %dma_start3A_71 : memref<1x128xi32, #tpu.memory_space<vmem>> -> memref<128xi32, #tpu.memory_space<vmem>>
          %dma_start3A_73 = arith.constant 0 : i32
          %dma_start3A_74 = arith.constant 0 : i32
          %dma_start3A_75 = tpu.memref_slice %arg12[%dma_start3A_73, %dma_start3A_74] : memref<10112x128xf32, #tpu.memory_space<vmem_shared>> -> memref<10112x128xf32, #tpu.memory_space<vmem_shared>>
          tpu.enqueue_indirect_dma source(%arg11 : memref<128x128xf32, #tpu.memory_space<vmem>>) target(%dma_start3A_75 : memref<10112x128xf32, #tpu.memory_space<vmem_shared>>) offsets(%dma_start3A_72 : memref<128xi32, #tpu.memory_space<vmem>>) semaphore(%run_scoped3A : memref<!tpu.dma_semaphore, #tpu.memory_space<semaphore_mem>>) {add = true}
          %dma_wait3A_76 = arith.constant 0 : i32
          %dma_wait3A_77 = tpu.memref_slice %arg9[%add3A_56, %dma_wait3A_76] : memref<40x128xi32, #tpu.memory_space<vmem>> -> memref<1x128xi32, #tpu.memory_space<vmem>>
          %dma_wait3A_78 = tpu.memref_squeeze %dma_wait3A_77 : memref<1x128xi32, #tpu.memory_space<vmem>> -> memref<128xi32, #tpu.memory_space<vmem>>
          %dma_wait3A_79 = arith.constant 0 : i32
          %dma_wait3A_80 = arith.constant 0 : i32
          %dma_wait3A_81 = tpu.memref_slice %arg12[%dma_wait3A_79, %dma_wait3A_80] : memref<10112x128xf32, #tpu.memory_space<vmem_shared>> -> memref<10112x128xf32, #tpu.memory_space<vmem_shared>>
          tpu.wait_indirect_dma semaphore(%run_scoped3A : memref<!tpu.dma_semaphore, #tpu.memory_space<semaphore_mem>>) src(%arg11 : memref<128x128xf32, #tpu.memory_space<vmem>>) dst(%dma_wait3A_81 : memref<10112x128xf32, #tpu.memory_space<vmem_shared>>)
          tpu.yield
        }) : () -> ()
        %add3A_63 = arith.constant 2 : i32
        %add3A_64 = arith.addi %add3A_56, %add3A_63 : i32
        %lt3A_65 = arith.constant 40 : i32
        %lt3A_66 = arith.cmpi slt, %add3A_64, %lt3A_65 : i32
        %convert_element_type3A_67 = arith.extui %lt3A_66 : i1 to i32
        %cond3A_68 = arith.constant 0 : i32
        %cond3A_69 = arith.cmpi ne, %convert_element_type3A_67, %cond3A_68 : i32
        scf.if %cond3A_69 {
          %add3A_70 = arith.constant 2 : i32
          %add3A_71 = arith.addi %add3A_56, %add3A_70 : i32
          %dma_start3A_72 = arith.constant 0 : i32
          %dma_start3A_73 = tpu.memref_slice %arg8[%add3A_71, %dma_start3A_72] : memref<40x128xi32, #tpu.memory_space<vmem>> -> memref<1x128xi32, #tpu.memory_space<vmem>>
          %dma_start3A_74 = tpu.memref_squeeze %dma_start3A_73 : memref<1x128xi32, #tpu.memory_space<vmem>> -> memref<128xi32, #tpu.memory_space<vmem>>
          %dma_start3A_75 = arith.constant 0 : i32
          %dma_start3A_76 = arith.constant 0 : i32
          %dma_start3A_77 = tpu.memref_slice %arg3[%dma_start3A_75, %dma_start3A_76] : memref<10000x128xf32, #tpu.memory_space<hbm>> -> memref<10000x128xf32, #tpu.memory_space<hbm>>
          tpu.enqueue_indirect_dma source(%dma_start3A_77 : memref<10000x128xf32, #tpu.memory_space<hbm>>) target(%arg11 : memref<128x128xf32, #tpu.memory_space<vmem>>) offsets(%dma_start3A_74 : memref<128xi32, #tpu.memory_space<vmem>>) semaphore(%arg14 : memref<!tpu.dma_semaphore, #tpu.memory_space<semaphore_mem>>)
        } else {
        }
      }
      %scan3A_36 = arith.constant 20 : i32
    } else {
    }
    %barrier3A_10 = arith.constant 0 : index
    tpu.barrier barrier_id(%barrier3A_10)
    %mul3A_11 = arith.constant 632 : i32
    %mul3A_12 = arith.muli %arg1, %mul3A_11 : i32
    %mul3A_13 = arith.constant 632 : i32
    %mul3A_14 = arith.muli %arg1, %mul3A_13 : i32
    "tpu.region"() ({
      %run_scoped3A = tpu.sem_alloc : memref<!tpu.dma_semaphore, #tpu.memory_space<semaphore_mem>>
      %dma_start3A = arith.constant 0 : i32
      %dma_start3A_15 = tpu.memref_slice %arg7[%arg0, %mul3A_14, %dma_start3A] : memref<2x10112x128xf32, #tpu.memory_space<hbm>> -> memref<1x632x128xf32, #tpu.memory_space<hbm>>
      %dma_start3A_16 = tpu.memref_squeeze %dma_start3A_15 : memref<1x632x128xf32, #tpu.memory_space<hbm>> -> memref<632x128xf32, #tpu.memory_space<hbm>>
      %dma_start3A_17 = arith.constant 0 : i32
      %dma_start3A_18 = tpu.memref_slice %arg12[%mul3A_12, %dma_start3A_17] : memref<10112x128xf32, #tpu.memory_space<vmem_shared>> -> memref<632x128xf32, #tpu.memory_space<vmem_shared>>
      tpu.enqueue_dma source(%dma_start3A_18 : memref<632x128xf32, #tpu.memory_space<vmem_shared>>) target(%dma_start3A_16 : memref<632x128xf32, #tpu.memory_space<hbm>>) target_semaphore(%run_scoped3A : memref<!tpu.dma_semaphore, #tpu.memory_space<semaphore_mem>>)
      %dma_wait3A = arith.constant 0 : i32
      %dma_wait3A_19 = tpu.memref_slice %arg7[%arg0, %mul3A_14, %dma_wait3A] : memref<2x10112x128xf32, #tpu.memory_space<hbm>> -> memref<1x632x128xf32, #tpu.memory_space<hbm>>
      %dma_wait3A_20 = tpu.memref_squeeze %dma_wait3A_19 : memref<1x632x128xf32, #tpu.memory_space<hbm>> -> memref<632x128xf32, #tpu.memory_space<hbm>>
      %dma_wait3A_21 = arith.constant 0 : i32
      %dma_wait3A_22 = tpu.memref_slice %arg12[%mul3A_12, %dma_wait3A_21] : memref<10112x128xf32, #tpu.memory_space<vmem_shared>> -> memref<632x128xf32, #tpu.memory_space<vmem_shared>>
      tpu.wait_dma2 semaphore(%run_scoped3A : memref<!tpu.dma_semaphore, #tpu.memory_space<semaphore_mem>>) src(%dma_wait3A_22 : memref<632x128xf32, #tpu.memory_space<vmem_shared>>) dst(%dma_wait3A_20 : memref<632x128xf32, #tpu.memory_space<hbm>>)
      tpu.yield
    }) : () -> ()
    return
  }
}

#map = affine_map<(d0, d1) -> (0, 0)>
#map1 = affine_map<(d0, d1) -> (0, 0, 0)>
module attributes {stable_mosaic.version = 14 : i64} {
  func.func @_seg_sum_body(%arg0: i32, %arg1: i32, %arg2: memref<10000x128xf32, #tpu.memory_space<hbm>>, %arg3: memref<10000x128xf32, #tpu.memory_space<hbm>>, %arg4: memref<2560x128xi32, #tpu.memory_space<hbm>>, %arg5: memref<2560x128xi32, #tpu.memory_space<hbm>>, %arg6: memref<10112x128xf32, #tpu.memory_space<hbm>>, %arg7: memref<2x10112x128xf32, #tpu.memory_space<hbm>>, %arg8: memref<40x128xi32, #tpu.memory_space<vmem>>, %arg9: memref<40x128xi32, #tpu.memory_space<vmem>>, %arg10: memref<128x128xf32, #tpu.memory_space<vmem>>, %arg11: memref<128x128xf32, #tpu.memory_space<vmem>>, %arg12: memref<10112x128xf32, #tpu.memory_space<vmem_shared>>, %arg13: memref<!tpu.dma_semaphore, #tpu.memory_space<semaphore_mem>>, %arg14: memref<!tpu.dma_semaphore, #tpu.memory_space<semaphore_mem>>) attributes {dimension_semantics = [#tpu.dimension_semantics<core_parallel>, #tpu.dimension_semantics<subcore_parallel>], iteration_bounds = array<i64: 2, 16>, scalar_prefetch = 0 : i64, scratch_operands = 7 : i64, tpu.core_type = #tpu.core_type<sc_vector_subcore>, window_params = [{transform_indices = #map}, {transform_indices = #map}, {transform_indices = #map}, {transform_indices = #map}, {transform_indices = #map}, {transform_indices = #map1}]} {
    %mul3A = arith.constant 632 : i32
    %mul3A_0 = arith.muli %arg1, %mul3A : i32
    %mul3A_1 = arith.constant 632 : i32
    %mul3A_2 = arith.muli %arg1, %mul3A_1 : i32
    "tpu.region"() ({
      %run_scoped3A = tpu.sem_alloc : memref<!tpu.dma_semaphore, #tpu.memory_space<semaphore_mem>>
      %dma_start3A = arith.constant 0 : i32
      %dma_start3A_15 = tpu.memref_slice %arg12[%mul3A_2, %dma_start3A] : memref<10112x128xf32, #tpu.memory_space<vmem_shared>> -> memref<632x128xf32, #tpu.memory_space<vmem_shared>>
      %dma_start3A_16 = arith.constant 0 : i32
      %dma_start3A_17 = tpu.memref_slice %arg6[%mul3A_0, %dma_start3A_16] : memref<10112x128xf32, #tpu.memory_space<hbm>> -> memref<632x128xf32, #tpu.memory_space<hbm>>
      tpu.enqueue_dma source(%dma_start3A_17 : memref<632x128xf32, #tpu.memory_space<hbm>>) target(%dma_start3A_15 : memref<632x128xf32, #tpu.memory_space<vmem_shared>>) target_semaphore(%run_scoped3A : memref<!tpu.dma_semaphore, #tpu.memory_space<semaphore_mem>>)
      %dma_wait3A = arith.constant 0 : i32
      %dma_wait3A_18 = tpu.memref_slice %arg12[%mul3A_2, %dma_wait3A] : memref<10112x128xf32, #tpu.memory_space<vmem_shared>> -> memref<632x128xf32, #tpu.memory_space<vmem_shared>>
      %dma_wait3A_19 = arith.constant 0 : i32
      %dma_wait3A_20 = tpu.memref_slice %arg6[%mul3A_0, %dma_wait3A_19] : memref<10112x128xf32, #tpu.memory_space<hbm>> -> memref<632x128xf32, #tpu.memory_space<hbm>>
      tpu.wait_dma2 semaphore(%run_scoped3A : memref<!tpu.dma_semaphore, #tpu.memory_space<semaphore_mem>>) src(%dma_wait3A_20 : memref<632x128xf32, #tpu.memory_space<hbm>>) dst(%dma_wait3A_18 : memref<632x128xf32, #tpu.memory_space<vmem_shared>>)
      tpu.yield
    }) : () -> ()
    %barrier3A = arith.constant 0 : index
    tpu.barrier barrier_id(%barrier3A)
    %eq3A = arith.constant 0 : i32
    %eq3A_3 = arith.cmpi eq, %arg0, %eq3A : i32
    %convert_element_type3A = arith.extui %eq3A_3 : i1 to i32
    %cond3A = arith.constant 0 : i32
    %cond3A_4 = arith.cmpi ne, %convert_element_type3A, %cond3A : i32
    scf.if %cond3A_4 {
      %mul3A_15 = arith.constant 160 : i32
      %mul3A_16 = arith.muli %arg1, %mul3A_15 : i32
      %add3A = arith.constant 0 : i32
      %add3A_17 = arith.addi %mul3A_16, %add3A : i32
      "tpu.region"() ({
        %run_scoped3A = tpu.sem_alloc : memref<!tpu.dma_semaphore, #tpu.memory_space<semaphore_mem>>
        %dma_start3A_77 = arith.constant 0 : i32
        %dma_start3A_78 = arith.constant 0 : i32
        %dma_start3A_79 = tpu.memref_slice %arg8[%dma_start3A_77, %dma_start3A_78] : memref<40x128xi32, #tpu.memory_space<vmem>> -> memref<40x128xi32, #tpu.memory_space<vmem>>
        %dma_start3A_80 = arith.constant 0 : i32
        %dma_start3A_81 = tpu.memref_slice %arg4[%add3A_17, %dma_start3A_80] : memref<2560x128xi32, #tpu.memory_space<hbm>> -> memref<40x128xi32, #tpu.memory_space<hbm>>
        %dma_start3A_82 = arith.constant 0 : i32
        %dma_start3A_83 = arith.constant 0 : i32
        %dma_start3A_84 = tpu.memref_slice %arg8[%dma_start3A_82, %dma_start3A_83] : memref<40x128xi32, #tpu.memory_space<vmem>> -> memref<40x128xi32, #tpu.memory_space<vmem>>
        %dma_start3A_85 = arith.constant 0 : i32
        %dma_start3A_86 = tpu.memref_slice %arg4[%add3A_17, %dma_start3A_85] : memref<2560x128xi32, #tpu.memory_space<hbm>> -> memref<40x128xi32, #tpu.memory_space<hbm>>
        tpu.enqueue_dma source(%dma_start3A_86 : memref<40x128xi32, #tpu.memory_space<hbm>>) target(%dma_start3A_84 : memref<40x128xi32, #tpu.memory_space<vmem>>) target_semaphore(%run_scoped3A : memref<!tpu.dma_semaphore, #tpu.memory_space<semaphore_mem>>)
        %dma_wait3A = arith.constant 0 : i32
        %dma_wait3A_87 = arith.constant 0 : i32
        %dma_wait3A_88 = tpu.memref_slice %arg8[%dma_wait3A, %dma_wait3A_87] : memref<40x128xi32, #tpu.memory_space<vmem>> -> memref<40x128xi32, #tpu.memory_space<vmem>>
        %dma_wait3A_89 = arith.constant 0 : i32
        %dma_wait3A_90 = tpu.memref_slice %arg4[%add3A_17, %dma_wait3A_89] : memref<2560x128xi32, #tpu.memory_space<hbm>> -> memref<40x128xi32, #tpu.memory_space<hbm>>
        %dma_wait3A_91 = arith.constant 0 : i32
        %dma_wait3A_92 = arith.constant 0 : i32
        %dma_wait3A_93 = tpu.memref_slice %arg8[%dma_wait3A_91, %dma_wait3A_92] : memref<40x128xi32, #tpu.memory_space<vmem>> -> memref<40x128xi32, #tpu.memory_space<vmem>>
        %dma_wait3A_94 = arith.constant 0 : i32
        %dma_wait3A_95 = tpu.memref_slice %arg4[%add3A_17, %dma_wait3A_94] : memref<2560x128xi32, #tpu.memory_space<hbm>> -> memref<40x128xi32, #tpu.memory_space<hbm>>
        tpu.wait_dma2 semaphore(%run_scoped3A : memref<!tpu.dma_semaphore, #tpu.memory_space<semaphore_mem>>) src(%dma_wait3A_95 : memref<40x128xi32, #tpu.memory_space<hbm>>) dst(%dma_wait3A_93 : memref<40x128xi32, #tpu.memory_space<vmem>>)
        tpu.yield
      }) : () -> ()
      "tpu.region"() ({
        %run_scoped3A = tpu.sem_alloc : memref<!tpu.dma_semaphore, #tpu.memory_space<semaphore_mem>>
        %dma_start3A_77 = arith.constant 0 : i32
        %dma_start3A_78 = arith.constant 0 : i32
        %dma_start3A_79 = tpu.memref_slice %arg9[%dma_start3A_77, %dma_start3A_78] : memref<40x128xi32, #tpu.memory_space<vmem>> -> memref<40x128xi32, #tpu.memory_space<vmem>>
        %dma_start3A_80 = arith.constant 0 : i32
        %dma_start3A_81 = tpu.memref_slice %arg5[%add3A_17, %dma_start3A_80] : memref<2560x128xi32, #tpu.memory_space<hbm>> -> memref<40x128xi32, #tpu.memory_space<hbm>>
        %dma_start3A_82 = arith.constant 0 : i32
        %dma_start3A_83 = arith.constant 0 : i32
        %dma_start3A_84 = tpu.memref_slice %arg9[%dma_start3A_82, %dma_start3A_83] : memref<40x128xi32, #tpu.memory_space<vmem>> -> memref<40x128xi32, #tpu.memory_space<vmem>>
        %dma_start3A_85 = arith.constant 0 : i32
        %dma_start3A_86 = tpu.memref_slice %arg5[%add3A_17, %dma_start3A_85] : memref<2560x128xi32, #tpu.memory_space<hbm>> -> memref<40x128xi32, #tpu.memory_space<hbm>>
        tpu.enqueue_dma source(%dma_start3A_86 : memref<40x128xi32, #tpu.memory_space<hbm>>) target(%dma_start3A_84 : memref<40x128xi32, #tpu.memory_space<vmem>>) target_semaphore(%run_scoped3A : memref<!tpu.dma_semaphore, #tpu.memory_space<semaphore_mem>>)
        %dma_wait3A = arith.constant 0 : i32
        %dma_wait3A_87 = arith.constant 0 : i32
        %dma_wait3A_88 = tpu.memref_slice %arg9[%dma_wait3A, %dma_wait3A_87] : memref<40x128xi32, #tpu.memory_space<vmem>> -> memref<40x128xi32, #tpu.memory_space<vmem>>
        %dma_wait3A_89 = arith.constant 0 : i32
        %dma_wait3A_90 = tpu.memref_slice %arg5[%add3A_17, %dma_wait3A_89] : memref<2560x128xi32, #tpu.memory_space<hbm>> -> memref<40x128xi32, #tpu.memory_space<hbm>>
        %dma_wait3A_91 = arith.constant 0 : i32
        %dma_wait3A_92 = arith.constant 0 : i32
        %dma_wait3A_93 = tpu.memref_slice %arg9[%dma_wait3A_91, %dma_wait3A_92] : memref<40x128xi32, #tpu.memory_space<vmem>> -> memref<40x128xi32, #tpu.memory_space<vmem>>
        %dma_wait3A_94 = arith.constant 0 : i32
        %dma_wait3A_95 = tpu.memref_slice %arg5[%add3A_17, %dma_wait3A_94] : memref<2560x128xi32, #tpu.memory_space<hbm>> -> memref<40x128xi32, #tpu.memory_space<hbm>>
        tpu.wait_dma2 semaphore(%run_scoped3A : memref<!tpu.dma_semaphore, #tpu.memory_space<semaphore_mem>>) src(%dma_wait3A_95 : memref<40x128xi32, #tpu.memory_space<hbm>>) dst(%dma_wait3A_93 : memref<40x128xi32, #tpu.memory_space<vmem>>)
        tpu.yield
      }) : () -> ()
      %dma_start3A = arith.constant 0 : i32
      %dma_start3A_18 = arith.constant 0 : i32
      %dma_start3A_19 = tpu.memref_slice %arg8[%dma_start3A, %dma_start3A_18] : memref<40x128xi32, #tpu.memory_space<vmem>> -> memref<1x128xi32, #tpu.memory_space<vmem>>
      %dma_start3A_20 = tpu.memref_squeeze %dma_start3A_19 : memref<1x128xi32, #tpu.memory_space<vmem>> -> memref<128xi32, #tpu.memory_space<vmem>>
      %dma_start3A_21 = arith.constant 0 : i32
      %dma_start3A_22 = arith.constant 0 : i32
      %dma_start3A_23 = tpu.memref_slice %arg2[%dma_start3A_21, %dma_start3A_22] : memref<10000x128xf32, #tpu.memory_space<hbm>> -> memref<10000x128xf32, #tpu.memory_space<hbm>>
      tpu.enqueue_indirect_dma source(%dma_start3A_23 : memref<10000x128xf32, #tpu.memory_space<hbm>>) target(%arg10 : memref<128x128xf32, #tpu.memory_space<vmem>>) offsets(%dma_start3A_20 : memref<128xi32, #tpu.memory_space<vmem>>) semaphore(%arg13 : memref<!tpu.dma_semaphore, #tpu.memory_space<semaphore_mem>>)
      %dma_start3A_24 = arith.constant 1 : i32
      %dma_start3A_25 = arith.constant 0 : i32
      %dma_start3A_26 = tpu.memref_slice %arg8[%dma_start3A_24, %dma_start3A_25] : memref<40x128xi32, #tpu.memory_space<vmem>> -> memref<1x128xi32, #tpu.memory_space<vmem>>
      %dma_start3A_27 = tpu.memref_squeeze %dma_start3A_26 : memref<1x128xi32, #tpu.memory_space<vmem>> -> memref<128xi32, #tpu.memory_space<vmem>>
      %dma_start3A_28 = arith.constant 0 : i32
      %dma_start3A_29 = arith.constant 0 : i32
      %dma_start3A_30 = tpu.memref_slice %arg2[%dma_start3A_28, %dma_start3A_29] : memref<10000x128xf32, #tpu.memory_space<hbm>> -> memref<10000x128xf32, #tpu.memory_space<hbm>>
      tpu.enqueue_indirect_dma source(%dma_start3A_30 : memref<10000x128xf32, #tpu.memory_space<hbm>>) target(%arg11 : memref<128x128xf32, #tpu.memory_space<vmem>>) offsets(%dma_start3A_27 : memref<128xi32, #tpu.memory_space<vmem>>) semaphore(%arg14 : memref<!tpu.dma_semaphore, #tpu.memory_space<semaphore_mem>>)
      %scan3A = arith.constant 0 : i32
      %scan3A_31 = arith.constant 20 : i32
      %scan3A_32 = arith.addi %scan3A, %scan3A_31 : i32
      %scan3A_33 = arith.constant 1 : i32
      scf.for %scan3A_77 = %scan3A to %scan3A_32 step %scan3A_33  : i32 {
        %mul3A_78 = arith.constant 2 : i32
        %mul3A_79 = arith.muli %scan3A_77, %mul3A_78 : i32
        %add3A_80 = arith.constant 0 : i32
        %add3A_81 = arith.addi %mul3A_79, %add3A_80 : i32
        %dma_wait3A = arith.constant 0 : i32
        %dma_wait3A_82 = tpu.memref_slice %arg8[%add3A_81, %dma_wait3A] : memref<40x128xi32, #tpu.memory_space<vmem>> -> memref<1x128xi32, #tpu.memory_space<vmem>>
        %dma_wait3A_83 = tpu.memref_squeeze %dma_wait3A_82 : memref<1x128xi32, #tpu.memory_space<vmem>> -> memref<128xi32, #tpu.memory_space<vmem>>
        %dma_wait3A_84 = arith.constant 0 : i32
        %dma_wait3A_85 = arith.constant 0 : i32
        %dma_wait3A_86 = tpu.memref_slice %arg2[%dma_wait3A_84, %dma_wait3A_85] : memref<10000x128xf32, #tpu.memory_space<hbm>> -> memref<10000x128xf32, #tpu.memory_space<hbm>>
        tpu.wait_indirect_dma semaphore(%arg13 : memref<!tpu.dma_semaphore, #tpu.memory_space<semaphore_mem>>) src(%dma_wait3A_86 : memref<10000x128xf32, #tpu.memory_space<hbm>>) dst(%arg10 : memref<128x128xf32, #tpu.memory_space<vmem>>)
        "tpu.region"() ({
          %run_scoped3A = tpu.sem_alloc : memref<!tpu.dma_semaphore, #tpu.memory_space<semaphore_mem>>
          %dma_start3A_110 = arith.constant 0 : i32
          %dma_start3A_111 = tpu.memref_slice %arg9[%add3A_81, %dma_start3A_110] : memref<40x128xi32, #tpu.memory_space<vmem>> -> memref<1x128xi32, #tpu.memory_space<vmem>>
          %dma_start3A_112 = tpu.memref_squeeze %dma_start3A_111 : memref<1x128xi32, #tpu.memory_space<vmem>> -> memref<128xi32, #tpu.memory_space<vmem>>
          %dma_start3A_113 = arith.constant 0 : i32
          %dma_start3A_114 = arith.constant 0 : i32
          %dma_start3A_115 = tpu.memref_slice %arg12[%dma_start3A_113, %dma_start3A_114] : memref<10112x128xf32, #tpu.memory_space<vmem_shared>> -> memref<10112x128xf32, #tpu.memory_space<vmem_shared>>
          tpu.enqueue_indirect_dma source(%arg10 : memref<128x128xf32, #tpu.memory_space<vmem>>) target(%dma_start3A_115 : memref<10112x128xf32, #tpu.memory_space<vmem_shared>>) offsets(%dma_start3A_112 : memref<128xi32, #tpu.memory_space<vmem>>) semaphore(%run_scoped3A : memref<!tpu.dma_semaphore, #tpu.memory_space<semaphore_mem>>) {add = true}
          %dma_wait3A_116 = arith.constant 0 : i32
          %dma_wait3A_117 = tpu.memref_slice %arg9[%add3A_81, %dma_wait3A_116] : memref<40x128xi32, #tpu.memory_space<vmem>> -> memref<1x128xi32, #tpu.memory_space<vmem>>
          %dma_wait3A_118 = tpu.memref_squeeze %dma_wait3A_117 : memref<1x128xi32, #tpu.memory_space<vmem>> -> memref<128xi32, #tpu.memory_space<vmem>>
          %dma_wait3A_119 = arith.constant 0 : i32
          %dma_wait3A_120 = arith.constant 0 : i32
          %dma_wait3A_121 = tpu.memref_slice %arg12[%dma_wait3A_119, %dma_wait3A_120] : memref<10112x128xf32, #tpu.memory_space<vmem_shared>> -> memref<10112x128xf32, #tpu.memory_space<vmem_shared>>
          tpu.wait_indirect_dma semaphore(%run_scoped3A : memref<!tpu.dma_semaphore, #tpu.memory_space<semaphore_mem>>) src(%arg10 : memref<128x128xf32, #tpu.memory_space<vmem>>) dst(%dma_wait3A_121 : memref<10112x128xf32, #tpu.memory_space<vmem_shared>>)
          tpu.yield
        }) : () -> ()
        %add3A_87 = arith.constant 2 : i32
        %add3A_88 = arith.addi %add3A_81, %add3A_87 : i32
        %lt3A = arith.constant 40 : i32
        %lt3A_89 = arith.cmpi slt, %add3A_88, %lt3A : i32
        %convert_element_type3A_90 = arith.extui %lt3A_89 : i1 to i32
        %cond3A_91 = arith.constant 0 : i32
        %cond3A_92 = arith.cmpi ne, %convert_element_type3A_90, %cond3A_91 : i32
        scf.if %cond3A_92 {
          %add3A_110 = arith.constant 2 : i32
          %add3A_111 = arith.addi %add3A_81, %add3A_110 : i32
          %dma_start3A_112 = arith.constant 0 : i32
          %dma_start3A_113 = tpu.memref_slice %arg8[%add3A_111, %dma_start3A_112] : memref<40x128xi32, #tpu.memory_space<vmem>> -> memref<1x128xi32, #tpu.memory_space<vmem>>
          %dma_start3A_114 = tpu.memref_squeeze %dma_start3A_113 : memref<1x128xi32, #tpu.memory_space<vmem>> -> memref<128xi32, #tpu.memory_space<vmem>>
          %dma_start3A_115 = arith.constant 0 : i32
          %dma_start3A_116 = arith.constant 0 : i32
          %dma_start3A_117 = tpu.memref_slice %arg2[%dma_start3A_115, %dma_start3A_116] : memref<10000x128xf32, #tpu.memory_space<hbm>> -> memref<10000x128xf32, #tpu.memory_space<hbm>>
          tpu.enqueue_indirect_dma source(%dma_start3A_117 : memref<10000x128xf32, #tpu.memory_space<hbm>>) target(%arg10 : memref<128x128xf32, #tpu.memory_space<vmem>>) offsets(%dma_start3A_114 : memref<128xi32, #tpu.memory_space<vmem>>) semaphore(%arg13 : memref<!tpu.dma_semaphore, #tpu.memory_space<semaphore_mem>>)
        } else {
        }
        %mul3A_93 = arith.constant 2 : i32
        %mul3A_94 = arith.muli %scan3A_77, %mul3A_93 : i32
        %add3A_95 = arith.constant 1 : i32
        %add3A_96 = arith.addi %mul3A_94, %add3A_95 : i32
        %dma_wait3A_97 = arith.constant 0 : i32
        %dma_wait3A_98 = tpu.memref_slice %arg8[%add3A_96, %dma_wait3A_97] : memref<40x128xi32, #tpu.memory_space<vmem>> -> memref<1x128xi32, #tpu.memory_space<vmem>>
        %dma_wait3A_99 = tpu.memref_squeeze %dma_wait3A_98 : memref<1x128xi32, #tpu.memory_space<vmem>> -> memref<128xi32, #tpu.memory_space<vmem>>
        %dma_wait3A_100 = arith.constant 0 : i32
        %dma_wait3A_101 = arith.constant 0 : i32
        %dma_wait3A_102 = tpu.memref_slice %arg2[%dma_wait3A_100, %dma_wait3A_101] : memref<10000x128xf32, #tpu.memory_space<hbm>> -> memref<10000x128xf32, #tpu.memory_space<hbm>>
        tpu.wait_indirect_dma semaphore(%arg14 : memref<!tpu.dma_semaphore, #tpu.memory_space<semaphore_mem>>) src(%dma_wait3A_102 : memref<10000x128xf32, #tpu.memory_space<hbm>>) dst(%arg11 : memref<128x128xf32, #tpu.memory_space<vmem>>)
        "tpu.region"() ({
          %run_scoped3A = tpu.sem_alloc : memref<!tpu.dma_semaphore, #tpu.memory_space<semaphore_mem>>
          %dma_start3A_110 = arith.constant 0 : i32
          %dma_start3A_111 = tpu.memref_slice %arg9[%add3A_96, %dma_start3A_110] : memref<40x128xi32, #tpu.memory_space<vmem>> -> memref<1x128xi32, #tpu.memory_space<vmem>>
          %dma_start3A_112 = tpu.memref_squeeze %dma_start3A_111 : memref<1x128xi32, #tpu.memory_space<vmem>> -> memref<128xi32, #tpu.memory_space<vmem>>
          %dma_start3A_113 = arith.constant 0 : i32
          %dma_start3A_114 = arith.constant 0 : i32
          %dma_start3A_115 = tpu.memref_slice %arg12[%dma_start3A_113, %dma_start3A_114] : memref<10112x128xf32, #tpu.memory_space<vmem_shared>> -> memref<10112x128xf32, #tpu.memory_space<vmem_shared>>
          tpu.enqueue_indirect_dma source(%arg11 : memref<128x128xf32, #tpu.memory_space<vmem>>) target(%dma_start3A_115 : memref<10112x128xf32, #tpu.memory_space<vmem_shared>>) offsets(%dma_start3A_112 : memref<128xi32, #tpu.memory_space<vmem>>) semaphore(%run_scoped3A : memref<!tpu.dma_semaphore, #tpu.memory_space<semaphore_mem>>) {add = true}
          %dma_wait3A_116 = arith.constant 0 : i32
          %dma_wait3A_117 = tpu.memref_slice %arg9[%add3A_96, %dma_wait3A_116] : memref<40x128xi32, #tpu.memory_space<vmem>> -> memref<1x128xi32, #tpu.memory_space<vmem>>
          %dma_wait3A_118 = tpu.memref_squeeze %dma_wait3A_117 : memref<1x128xi32, #tpu.memory_space<vmem>> -> memref<128xi32, #tpu.memory_space<vmem>>
          %dma_wait3A_119 = arith.constant 0 : i32
          %dma_wait3A_120 = arith.constant 0 : i32
          %dma_wait3A_121 = tpu.memref_slice %arg12[%dma_wait3A_119, %dma_wait3A_120] : memref<10112x128xf32, #tpu.memory_space<vmem_shared>> -> memref<10112x128xf32, #tpu.memory_space<vmem_shared>>
          tpu.wait_indirect_dma semaphore(%run_scoped3A : memref<!tpu.dma_semaphore, #tpu.memory_space<semaphore_mem>>) src(%arg11 : memref<128x128xf32, #tpu.memory_space<vmem>>) dst(%dma_wait3A_121 : memref<10112x128xf32, #tpu.memory_space<vmem_shared>>)
          tpu.yield
        }) : () -> ()
        %add3A_103 = arith.constant 2 : i32
        %add3A_104 = arith.addi %add3A_96, %add3A_103 : i32
        %lt3A_105 = arith.constant 40 : i32
        %lt3A_106 = arith.cmpi slt, %add3A_104, %lt3A_105 : i32
        %convert_element_type3A_107 = arith.extui %lt3A_106 : i1 to i32
        %cond3A_108 = arith.constant 0 : i32
        %cond3A_109 = arith.cmpi ne, %convert_element_type3A_107, %cond3A_108 : i32
        scf.if %cond3A_109 {
          %add3A_110 = arith.constant 2 : i32
          %add3A_111 = arith.addi %add3A_96, %add3A_110 : i32
          %dma_start3A_112 = arith.constant 0 : i32
          %dma_start3A_113 = tpu.memref_slice %arg8[%add3A_111, %dma_start3A_112] : memref<40x128xi32, #tpu.memory_space<vmem>> -> memref<1x128xi32, #tpu.memory_space<vmem>>
          %dma_start3A_114 = tpu.memref_squeeze %dma_start3A_113 : memref<1x128xi32, #tpu.memory_space<vmem>> -> memref<128xi32, #tpu.memory_space<vmem>>
          %dma_start3A_115 = arith.constant 0 : i32
          %dma_start3A_116 = arith.constant 0 : i32
          %dma_start3A_117 = tpu.memref_slice %arg2[%dma_start3A_115, %dma_start3A_116] : memref<10000x128xf32, #tpu.memory_space<hbm>> -> memref<10000x128xf32, #tpu.memory_space<hbm>>
          tpu.enqueue_indirect_dma source(%dma_start3A_117 : memref<10000x128xf32, #tpu.memory_space<hbm>>) target(%arg11 : memref<128x128xf32, #tpu.memory_space<vmem>>) offsets(%dma_start3A_114 : memref<128xi32, #tpu.memory_space<vmem>>) semaphore(%arg14 : memref<!tpu.dma_semaphore, #tpu.memory_space<semaphore_mem>>)
        } else {
        }
      }
      %scan3A_34 = arith.constant 20 : i32
      %add3A_35 = arith.constant 40 : i32
      %add3A_36 = arith.addi %mul3A_16, %add3A_35 : i32
      "tpu.region"() ({
        %run_scoped3A = tpu.sem_alloc : memref<!tpu.dma_semaphore, #tpu.memory_space<semaphore_mem>>
        %dma_start3A_77 = arith.constant 0 : i32
        %dma_start3A_78 = arith.constant 0 : i32
        %dma_start3A_79 = tpu.memref_slice %arg8[%dma_start3A_77, %dma_start3A_78] : memref<40x128xi32, #tpu.memory_space<vmem>> -> memref<40x128xi32, #tpu.memory_space<vmem>>
        %dma_start3A_80 = arith.constant 0 : i32
        %dma_start3A_81 = tpu.memref_slice %arg4[%add3A_36, %dma_start3A_80] : memref<2560x128xi32, #tpu.memory_space<hbm>> -> memref<40x128xi32, #tpu.memory_space<hbm>>
        %dma_start3A_82 = arith.constant 0 : i32
        %dma_start3A_83 = arith.constant 0 : i32
        %dma_start3A_84 = tpu.memref_slice %arg8[%dma_start3A_82, %dma_start3A_83] : memref<40x128xi32, #tpu.memory_space<vmem>> -> memref<40x128xi32, #tpu.memory_space<vmem>>
        %dma_start3A_85 = arith.constant 0 : i32
        %dma_start3A_86 = tpu.memref_slice %arg4[%add3A_36, %dma_start3A_85] : memref<2560x128xi32, #tpu.memory_space<hbm>> -> memref<40x128xi32, #tpu.memory_space<hbm>>
        tpu.enqueue_dma source(%dma_start3A_86 : memref<40x128xi32, #tpu.memory_space<hbm>>) target(%dma_start3A_84 : memref<40x128xi32, #tpu.memory_space<vmem>>) target_semaphore(%run_scoped3A : memref<!tpu.dma_semaphore, #tpu.memory_space<semaphore_mem>>)
        %dma_wait3A = arith.constant 0 : i32
        %dma_wait3A_87 = arith.constant 0 : i32
        %dma_wait3A_88 = tpu.memref_slice %arg8[%dma_wait3A, %dma_wait3A_87] : memref<40x128xi32, #tpu.memory_space<vmem>> -> memref<40x128xi32, #tpu.memory_space<vmem>>
        %dma_wait3A_89 = arith.constant 0 : i32
        %dma_wait3A_90 = tpu.memref_slice %arg4[%add3A_36, %dma_wait3A_89] : memref<2560x128xi32, #tpu.memory_space<hbm>> -> memref<40x128xi32, #tpu.memory_space<hbm>>
        %dma_wait3A_91 = arith.constant 0 : i32
        %dma_wait3A_92 = arith.constant 0 : i32
        %dma_wait3A_93 = tpu.memref_slice %arg8[%dma_wait3A_91, %dma_wait3A_92] : memref<40x128xi32, #tpu.memory_space<vmem>> -> memref<40x128xi32, #tpu.memory_space<vmem>>
        %dma_wait3A_94 = arith.constant 0 : i32
        %dma_wait3A_95 = tpu.memref_slice %arg4[%add3A_36, %dma_wait3A_94] : memref<2560x128xi32, #tpu.memory_space<hbm>> -> memref<40x128xi32, #tpu.memory_space<hbm>>
        tpu.wait_dma2 semaphore(%run_scoped3A : memref<!tpu.dma_semaphore, #tpu.memory_space<semaphore_mem>>) src(%dma_wait3A_95 : memref<40x128xi32, #tpu.memory_space<hbm>>) dst(%dma_wait3A_93 : memref<40x128xi32, #tpu.memory_space<vmem>>)
        tpu.yield
      }) : () -> ()
      "tpu.region"() ({
        %run_scoped3A = tpu.sem_alloc : memref<!tpu.dma_semaphore, #tpu.memory_space<semaphore_mem>>
        %dma_start3A_77 = arith.constant 0 : i32
        %dma_start3A_78 = arith.constant 0 : i32
        %dma_start3A_79 = tpu.memref_slice %arg9[%dma_start3A_77, %dma_start3A_78] : memref<40x128xi32, #tpu.memory_space<vmem>> -> memref<40x128xi32, #tpu.memory_space<vmem>>
        %dma_start3A_80 = arith.constant 0 : i32
        %dma_start3A_81 = tpu.memref_slice %arg5[%add3A_36, %dma_start3A_80] : memref<2560x128xi32, #tpu.memory_space<hbm>> -> memref<40x128xi32, #tpu.memory_space<hbm>>
        %dma_start3A_82 = arith.constant 0 : i32
        %dma_start3A_83 = arith.constant 0 : i32
        %dma_start3A_84 = tpu.memref_slice %arg9[%dma_start3A_82, %dma_start3A_83] : memref<40x128xi32, #tpu.memory_space<vmem>> -> memref<40x128xi32, #tpu.memory_space<vmem>>
        %dma_start3A_85 = arith.constant 0 : i32
        %dma_start3A_86 = tpu.memref_slice %arg5[%add3A_36, %dma_start3A_85] : memref<2560x128xi32, #tpu.memory_space<hbm>> -> memref<40x128xi32, #tpu.memory_space<hbm>>
        tpu.enqueue_dma source(%dma_start3A_86 : memref<40x128xi32, #tpu.memory_space<hbm>>) target(%dma_start3A_84 : memref<40x128xi32, #tpu.memory_space<vmem>>) target_semaphore(%run_scoped3A : memref<!tpu.dma_semaphore, #tpu.memory_space<semaphore_mem>>)
        %dma_wait3A = arith.constant 0 : i32
        %dma_wait3A_87 = arith.constant 0 : i32
        %dma_wait3A_88 = tpu.memref_slice %arg9[%dma_wait3A, %dma_wait3A_87] : memref<40x128xi32, #tpu.memory_space<vmem>> -> memref<40x128xi32, #tpu.memory_space<vmem>>
        %dma_wait3A_89 = arith.constant 0 : i32
        %dma_wait3A_90 = tpu.memref_slice %arg5[%add3A_36, %dma_wait3A_89] : memref<2560x128xi32, #tpu.memory_space<hbm>> -> memref<40x128xi32, #tpu.memory_space<hbm>>
        %dma_wait3A_91 = arith.constant 0 : i32
        %dma_wait3A_92 = arith.constant 0 : i32
        %dma_wait3A_93 = tpu.memref_slice %arg9[%dma_wait3A_91, %dma_wait3A_92] : memref<40x128xi32, #tpu.memory_space<vmem>> -> memref<40x128xi32, #tpu.memory_space<vmem>>
        %dma_wait3A_94 = arith.constant 0 : i32
        %dma_wait3A_95 = tpu.memref_slice %arg5[%add3A_36, %dma_wait3A_94] : memref<2560x128xi32, #tpu.memory_space<hbm>> -> memref<40x128xi32, #tpu.memory_space<hbm>>
        tpu.wait_dma2 semaphore(%run_scoped3A : memref<!tpu.dma_semaphore, #tpu.memory_space<semaphore_mem>>) src(%dma_wait3A_95 : memref<40x128xi32, #tpu.memory_space<hbm>>) dst(%dma_wait3A_93 : memref<40x128xi32, #tpu.memory_space<vmem>>)
        tpu.yield
      }) : () -> ()
      %dma_start3A_37 = arith.constant 0 : i32
      %dma_start3A_38 = arith.constant 0 : i32
      %dma_start3A_39 = tpu.memref_slice %arg8[%dma_start3A_37, %dma_start3A_38] : memref<40x128xi32, #tpu.memory_space<vmem>> -> memref<1x128xi32, #tpu.memory_space<vmem>>
      %dma_start3A_40 = tpu.memref_squeeze %dma_start3A_39 : memref<1x128xi32, #tpu.memory_space<vmem>> -> memref<128xi32, #tpu.memory_space<vmem>>
      %dma_start3A_41 = arith.constant 0 : i32
      %dma_start3A_42 = arith.constant 0 : i32
      %dma_start3A_43 = tpu.memref_slice %arg2[%dma_start3A_41, %dma_start3A_42] : memref<10000x128xf32, #tpu.memory_space<hbm>> -> memref<10000x128xf32, #tpu.memory_space<hbm>>
      tpu.enqueue_indirect_dma source(%dma_start3A_43 : memref<10000x128xf32, #tpu.memory_space<hbm>>) target(%arg10 : memref<128x128xf32, #tpu.memory_space<vmem>>) offsets(%dma_start3A_40 : memref<128xi32, #tpu.memory_space<vmem>>) semaphore(%arg13 : memref<!tpu.dma_semaphore, #tpu.memory_space<semaphore_mem>>)
      %dma_start3A_44 = arith.constant 1 : i32
      %dma_start3A_45 = arith.constant 0 : i32
      %dma_start3A_46 = tpu.memref_slice %arg8[%dma_start3A_44, %dma_start3A_45] : memref<40x128xi32, #tpu.memory_space<vmem>> -> memref<1x128xi32, #tpu.memory_space<vmem>>
      %dma_start3A_47 = tpu.memref_squeeze %dma_start3A_46 : memref<1x128xi32, #tpu.memory_space<vmem>> -> memref<128xi32, #tpu.memory_space<vmem>>
      %dma_start3A_48 = arith.constant 0 : i32
      %dma_start3A_49 = arith.constant 0 : i32
      %dma_start3A_50 = tpu.memref_slice %arg2[%dma_start3A_48, %dma_start3A_49] : memref<10000x128xf32, #tpu.memory_space<hbm>> -> memref<10000x128xf32, #tpu.memory_space<hbm>>
      tpu.enqueue_indirect_dma source(%dma_start3A_50 : memref<10000x128xf32, #tpu.memory_space<hbm>>) target(%arg11 : memref<128x128xf32, #tpu.memory_space<vmem>>) offsets(%dma_start3A_47 : memref<128xi32, #tpu.memory_space<vmem>>) semaphore(%arg14 : memref<!tpu.dma_semaphore, #tpu.memory_space<semaphore_mem>>)
      %scan3A_51 = arith.constant 0 : i32
      %scan3A_52 = arith.constant 20 : i32
      %scan3A_53 = arith.addi %scan3A_51, %scan3A_52 : i32
      %scan3A_54 = arith.constant 1 : i32
      scf.for %scan3A_77 = %scan3A_51 to %scan3A_53 step %scan3A_54  : i32 {
        %mul3A_78 = arith.constant 2 : i32
        %mul3A_79 = arith.muli %scan3A_77, %mul3A_78 : i32
        %add3A_80 = arith.constant 0 : i32
        %add3A_81 = arith.addi %mul3A_79, %add3A_80 : i32
        %dma_wait3A = arith.constant 0 : i32
        %dma_wait3A_82 = tpu.memref_slice %arg8[%add3A_81, %dma_wait3A] : memref<40x128xi32, #tpu.memory_space<vmem>> -> memref<1x128xi32, #tpu.memory_space<vmem>>
        %dma_wait3A_83 = tpu.memref_squeeze %dma_wait3A_82 : memref<1x128xi32, #tpu.memory_space<vmem>> -> memref<128xi32, #tpu.memory_space<vmem>>
        %dma_wait3A_84 = arith.constant 0 : i32
        %dma_wait3A_85 = arith.constant 0 : i32
        %dma_wait3A_86 = tpu.memref_slice %arg2[%dma_wait3A_84, %dma_wait3A_85] : memref<10000x128xf32, #tpu.memory_space<hbm>> -> memref<10000x128xf32, #tpu.memory_space<hbm>>
        tpu.wait_indirect_dma semaphore(%arg13 : memref<!tpu.dma_semaphore, #tpu.memory_space<semaphore_mem>>) src(%dma_wait3A_86 : memref<10000x128xf32, #tpu.memory_space<hbm>>) dst(%arg10 : memref<128x128xf32, #tpu.memory_space<vmem>>)
        "tpu.region"() ({
          %run_scoped3A = tpu.sem_alloc : memref<!tpu.dma_semaphore, #tpu.memory_space<semaphore_mem>>
          %dma_start3A_110 = arith.constant 0 : i32
          %dma_start3A_111 = tpu.memref_slice %arg9[%add3A_81, %dma_start3A_110] : memref<40x128xi32, #tpu.memory_space<vmem>> -> memref<1x128xi32, #tpu.memory_space<vmem>>
          %dma_start3A_112 = tpu.memref_squeeze %dma_start3A_111 : memref<1x128xi32, #tpu.memory_space<vmem>> -> memref<128xi32, #tpu.memory_space<vmem>>
          %dma_start3A_113 = arith.constant 0 : i32
          %dma_start3A_114 = arith.constant 0 : i32
          %dma_start3A_115 = tpu.memref_slice %arg12[%dma_start3A_113, %dma_start3A_114] : memref<10112x128xf32, #tpu.memory_space<vmem_shared>> -> memref<10112x128xf32, #tpu.memory_space<vmem_shared>>
          tpu.enqueue_indirect_dma source(%arg10 : memref<128x128xf32, #tpu.memory_space<vmem>>) target(%dma_start3A_115 : memref<10112x128xf32, #tpu.memory_space<vmem_shared>>) offsets(%dma_start3A_112 : memref<128xi32, #tpu.memory_space<vmem>>) semaphore(%run_scoped3A : memref<!tpu.dma_semaphore, #tpu.memory_space<semaphore_mem>>) {add = true}
          %dma_wait3A_116 = arith.constant 0 : i32
          %dma_wait3A_117 = tpu.memref_slice %arg9[%add3A_81, %dma_wait3A_116] : memref<40x128xi32, #tpu.memory_space<vmem>> -> memref<1x128xi32, #tpu.memory_space<vmem>>
          %dma_wait3A_118 = tpu.memref_squeeze %dma_wait3A_117 : memref<1x128xi32, #tpu.memory_space<vmem>> -> memref<128xi32, #tpu.memory_space<vmem>>
          %dma_wait3A_119 = arith.constant 0 : i32
          %dma_wait3A_120 = arith.constant 0 : i32
          %dma_wait3A_121 = tpu.memref_slice %arg12[%dma_wait3A_119, %dma_wait3A_120] : memref<10112x128xf32, #tpu.memory_space<vmem_shared>> -> memref<10112x128xf32, #tpu.memory_space<vmem_shared>>
          tpu.wait_indirect_dma semaphore(%run_scoped3A : memref<!tpu.dma_semaphore, #tpu.memory_space<semaphore_mem>>) src(%arg10 : memref<128x128xf32, #tpu.memory_space<vmem>>) dst(%dma_wait3A_121 : memref<10112x128xf32, #tpu.memory_space<vmem_shared>>)
          tpu.yield
        }) : () -> ()
        %add3A_87 = arith.constant 2 : i32
        %add3A_88 = arith.addi %add3A_81, %add3A_87 : i32
        %lt3A = arith.constant 40 : i32
        %lt3A_89 = arith.cmpi slt, %add3A_88, %lt3A : i32
        %convert_element_type3A_90 = arith.extui %lt3A_89 : i1 to i32
        %cond3A_91 = arith.constant 0 : i32
        %cond3A_92 = arith.cmpi ne, %convert_element_type3A_90, %cond3A_91 : i32
        scf.if %cond3A_92 {
          %add3A_110 = arith.constant 2 : i32
          %add3A_111 = arith.addi %add3A_81, %add3A_110 : i32
          %dma_start3A_112 = arith.constant 0 : i32
          %dma_start3A_113 = tpu.memref_slice %arg8[%add3A_111, %dma_start3A_112] : memref<40x128xi32, #tpu.memory_space<vmem>> -> memref<1x128xi32, #tpu.memory_space<vmem>>
          %dma_start3A_114 = tpu.memref_squeeze %dma_start3A_113 : memref<1x128xi32, #tpu.memory_space<vmem>> -> memref<128xi32, #tpu.memory_space<vmem>>
          %dma_start3A_115 = arith.constant 0 : i32
          %dma_start3A_116 = arith.constant 0 : i32
          %dma_start3A_117 = tpu.memref_slice %arg2[%dma_start3A_115, %dma_start3A_116] : memref<10000x128xf32, #tpu.memory_space<hbm>> -> memref<10000x128xf32, #tpu.memory_space<hbm>>
          tpu.enqueue_indirect_dma source(%dma_start3A_117 : memref<10000x128xf32, #tpu.memory_space<hbm>>) target(%arg10 : memref<128x128xf32, #tpu.memory_space<vmem>>) offsets(%dma_start3A_114 : memref<128xi32, #tpu.memory_space<vmem>>) semaphore(%arg13 : memref<!tpu.dma_semaphore, #tpu.memory_space<semaphore_mem>>)
        } else {
        }
        %mul3A_93 = arith.constant 2 : i32
        %mul3A_94 = arith.muli %scan3A_77, %mul3A_93 : i32
        %add3A_95 = arith.constant 1 : i32
        %add3A_96 = arith.addi %mul3A_94, %add3A_95 : i32
        %dma_wait3A_97 = arith.constant 0 : i32
        %dma_wait3A_98 = tpu.memref_slice %arg8[%add3A_96, %dma_wait3A_97] : memref<40x128xi32, #tpu.memory_space<vmem>> -> memref<1x128xi32, #tpu.memory_space<vmem>>
        %dma_wait3A_99 = tpu.memref_squeeze %dma_wait3A_98 : memref<1x128xi32, #tpu.memory_space<vmem>> -> memref<128xi32, #tpu.memory_space<vmem>>
        %dma_wait3A_100 = arith.constant 0 : i32
        %dma_wait3A_101 = arith.constant 0 : i32
        %dma_wait3A_102 = tpu.memref_slice %arg2[%dma_wait3A_100, %dma_wait3A_101] : memref<10000x128xf32, #tpu.memory_space<hbm>> -> memref<10000x128xf32, #tpu.memory_space<hbm>>
        tpu.wait_indirect_dma semaphore(%arg14 : memref<!tpu.dma_semaphore, #tpu.memory_space<semaphore_mem>>) src(%dma_wait3A_102 : memref<10000x128xf32, #tpu.memory_space<hbm>>) dst(%arg11 : memref<128x128xf32, #tpu.memory_space<vmem>>)
        "tpu.region"() ({
          %run_scoped3A = tpu.sem_alloc : memref<!tpu.dma_semaphore, #tpu.memory_space<semaphore_mem>>
          %dma_start3A_110 = arith.constant 0 : i32
          %dma_start3A_111 = tpu.memref_slice %arg9[%add3A_96, %dma_start3A_110] : memref<40x128xi32, #tpu.memory_space<vmem>> -> memref<1x128xi32, #tpu.memory_space<vmem>>
          %dma_start3A_112 = tpu.memref_squeeze %dma_start3A_111 : memref<1x128xi32, #tpu.memory_space<vmem>> -> memref<128xi32, #tpu.memory_space<vmem>>
          %dma_start3A_113 = arith.constant 0 : i32
          %dma_start3A_114 = arith.constant 0 : i32
          %dma_start3A_115 = tpu.memref_slice %arg12[%dma_start3A_113, %dma_start3A_114] : memref<10112x128xf32, #tpu.memory_space<vmem_shared>> -> memref<10112x128xf32, #tpu.memory_space<vmem_shared>>
          tpu.enqueue_indirect_dma source(%arg11 : memref<128x128xf32, #tpu.memory_space<vmem>>) target(%dma_start3A_115 : memref<10112x128xf32, #tpu.memory_space<vmem_shared>>) offsets(%dma_start3A_112 : memref<128xi32, #tpu.memory_space<vmem>>) semaphore(%run_scoped3A : memref<!tpu.dma_semaphore, #tpu.memory_space<semaphore_mem>>) {add = true}
          %dma_wait3A_116 = arith.constant 0 : i32
          %dma_wait3A_117 = tpu.memref_slice %arg9[%add3A_96, %dma_wait3A_116] : memref<40x128xi32, #tpu.memory_space<vmem>> -> memref<1x128xi32, #tpu.memory_space<vmem>>
          %dma_wait3A_118 = tpu.memref_squeeze %dma_wait3A_117 : memref<1x128xi32, #tpu.memory_space<vmem>> -> memref<128xi32, #tpu.memory_space<vmem>>
          %dma_wait3A_119 = arith.constant 0 : i32
          %dma_wait3A_120 = arith.constant 0 : i32
          %dma_wait3A_121 = tpu.memref_slice %arg12[%dma_wait3A_119, %dma_wait3A_120] : memref<10112x128xf32, #tpu.memory_space<vmem_shared>> -> memref<10112x128xf32, #tpu.memory_space<vmem_shared>>
          tpu.wait_indirect_dma semaphore(%run_scoped3A : memref<!tpu.dma_semaphore, #tpu.memory_space<semaphore_mem>>) src(%arg11 : memref<128x128xf32, #tpu.memory_space<vmem>>) dst(%dma_wait3A_121 : memref<10112x128xf32, #tpu.memory_space<vmem_shared>>)
          tpu.yield
        }) : () -> ()
        %add3A_103 = arith.constant 2 : i32
        %add3A_104 = arith.addi %add3A_96, %add3A_103 : i32
        %lt3A_105 = arith.constant 40 : i32
        %lt3A_106 = arith.cmpi slt, %add3A_104, %lt3A_105 : i32
        %convert_element_type3A_107 = arith.extui %lt3A_106 : i1 to i32
        %cond3A_108 = arith.constant 0 : i32
        %cond3A_109 = arith.cmpi ne, %convert_element_type3A_107, %cond3A_108 : i32
        scf.if %cond3A_109 {
          %add3A_110 = arith.constant 2 : i32
          %add3A_111 = arith.addi %add3A_96, %add3A_110 : i32
          %dma_start3A_112 = arith.constant 0 : i32
          %dma_start3A_113 = tpu.memref_slice %arg8[%add3A_111, %dma_start3A_112] : memref<40x128xi32, #tpu.memory_space<vmem>> -> memref<1x128xi32, #tpu.memory_space<vmem>>
          %dma_start3A_114 = tpu.memref_squeeze %dma_start3A_113 : memref<1x128xi32, #tpu.memory_space<vmem>> -> memref<128xi32, #tpu.memory_space<vmem>>
          %dma_start3A_115 = arith.constant 0 : i32
          %dma_start3A_116 = arith.constant 0 : i32
          %dma_start3A_117 = tpu.memref_slice %arg2[%dma_start3A_115, %dma_start3A_116] : memref<10000x128xf32, #tpu.memory_space<hbm>> -> memref<10000x128xf32, #tpu.memory_space<hbm>>
          tpu.enqueue_indirect_dma source(%dma_start3A_117 : memref<10000x128xf32, #tpu.memory_space<hbm>>) target(%arg11 : memref<128x128xf32, #tpu.memory_space<vmem>>) offsets(%dma_start3A_114 : memref<128xi32, #tpu.memory_space<vmem>>) semaphore(%arg14 : memref<!tpu.dma_semaphore, #tpu.memory_space<semaphore_mem>>)
        } else {
        }
      }
      %scan3A_55 = arith.constant 20 : i32
      %add3A_56 = arith.constant 80 : i32
      %add3A_57 = arith.addi %mul3A_16, %add3A_56 : i32
      "tpu.region"() ({
        %run_scoped3A = tpu.sem_alloc : memref<!tpu.dma_semaphore, #tpu.memory_space<semaphore_mem>>
        %dma_start3A_77 = arith.constant 0 : i32
        %dma_start3A_78 = arith.constant 0 : i32
        %dma_start3A_79 = tpu.memref_slice %arg8[%dma_start3A_77, %dma_start3A_78] : memref<40x128xi32, #tpu.memory_space<vmem>> -> memref<40x128xi32, #tpu.memory_space<vmem>>
        %dma_start3A_80 = arith.constant 0 : i32
        %dma_start3A_81 = tpu.memref_slice %arg4[%add3A_57, %dma_start3A_80] : memref<2560x128xi32, #tpu.memory_space<hbm>> -> memref<40x128xi32, #tpu.memory_space<hbm>>
        %dma_start3A_82 = arith.constant 0 : i32
        %dma_start3A_83 = arith.constant 0 : i32
        %dma_start3A_84 = tpu.memref_slice %arg8[%dma_start3A_82, %dma_start3A_83] : memref<40x128xi32, #tpu.memory_space<vmem>> -> memref<40x128xi32, #tpu.memory_space<vmem>>
        %dma_start3A_85 = arith.constant 0 : i32
        %dma_start3A_86 = tpu.memref_slice %arg4[%add3A_57, %dma_start3A_85] : memref<2560x128xi32, #tpu.memory_space<hbm>> -> memref<40x128xi32, #tpu.memory_space<hbm>>
        tpu.enqueue_dma source(%dma_start3A_86 : memref<40x128xi32, #tpu.memory_space<hbm>>) target(%dma_start3A_84 : memref<40x128xi32, #tpu.memory_space<vmem>>) target_semaphore(%run_scoped3A : memref<!tpu.dma_semaphore, #tpu.memory_space<semaphore_mem>>)
        %dma_wait3A = arith.constant 0 : i32
        %dma_wait3A_87 = arith.constant 0 : i32
        %dma_wait3A_88 = tpu.memref_slice %arg8[%dma_wait3A, %dma_wait3A_87] : memref<40x128xi32, #tpu.memory_space<vmem>> -> memref<40x128xi32, #tpu.memory_space<vmem>>
        %dma_wait3A_89 = arith.constant 0 : i32
        %dma_wait3A_90 = tpu.memref_slice %arg4[%add3A_57, %dma_wait3A_89] : memref<2560x128xi32, #tpu.memory_space<hbm>> -> memref<40x128xi32, #tpu.memory_space<hbm>>
        %dma_wait3A_91 = arith.constant 0 : i32
        %dma_wait3A_92 = arith.constant 0 : i32
        %dma_wait3A_93 = tpu.memref_slice %arg8[%dma_wait3A_91, %dma_wait3A_92] : memref<40x128xi32, #tpu.memory_space<vmem>> -> memref<40x128xi32, #tpu.memory_space<vmem>>
        %dma_wait3A_94 = arith.constant 0 : i32
        %dma_wait3A_95 = tpu.memref_slice %arg4[%add3A_57, %dma_wait3A_94] : memref<2560x128xi32, #tpu.memory_space<hbm>> -> memref<40x128xi32, #tpu.memory_space<hbm>>
        tpu.wait_dma2 semaphore(%run_scoped3A : memref<!tpu.dma_semaphore, #tpu.memory_space<semaphore_mem>>) src(%dma_wait3A_95 : memref<40x128xi32, #tpu.memory_space<hbm>>) dst(%dma_wait3A_93 : memref<40x128xi32, #tpu.memory_space<vmem>>)
        tpu.yield
      }) : () -> ()
      "tpu.region"() ({
        %run_scoped3A = tpu.sem_alloc : memref<!tpu.dma_semaphore, #tpu.memory_space<semaphore_mem>>
        %dma_start3A_77 = arith.constant 0 : i32
        %dma_start3A_78 = arith.constant 0 : i32
        %dma_start3A_79 = tpu.memref_slice %arg9[%dma_start3A_77, %dma_start3A_78] : memref<40x128xi32, #tpu.memory_space<vmem>> -> memref<40x128xi32, #tpu.memory_space<vmem>>
        %dma_start3A_80 = arith.constant 0 : i32
        %dma_start3A_81 = tpu.memref_slice %arg5[%add3A_57, %dma_start3A_80] : memref<2560x128xi32, #tpu.memory_space<hbm>> -> memref<40x128xi32, #tpu.memory_space<hbm>>
        %dma_start3A_82 = arith.constant 0 : i32
        %dma_start3A_83 = arith.constant 0 : i32
        %dma_start3A_84 = tpu.memref_slice %arg9[%dma_start3A_82, %dma_start3A_83] : memref<40x128xi32, #tpu.memory_space<vmem>> -> memref<40x128xi32, #tpu.memory_space<vmem>>
        %dma_start3A_85 = arith.constant 0 : i32
        %dma_start3A_86 = tpu.memref_slice %arg5[%add3A_57, %dma_start3A_85] : memref<2560x128xi32, #tpu.memory_space<hbm>> -> memref<40x128xi32, #tpu.memory_space<hbm>>
        tpu.enqueue_dma source(%dma_start3A_86 : memref<40x128xi32, #tpu.memory_space<hbm>>) target(%dma_start3A_84 : memref<40x128xi32, #tpu.memory_space<vmem>>) target_semaphore(%run_scoped3A : memref<!tpu.dma_semaphore, #tpu.memory_space<semaphore_mem>>)
        %dma_wait3A = arith.constant 0 : i32
        %dma_wait3A_87 = arith.constant 0 : i32
        %dma_wait3A_88 = tpu.memref_slice %arg9[%dma_wait3A, %dma_wait3A_87] : memref<40x128xi32, #tpu.memory_space<vmem>> -> memref<40x128xi32, #tpu.memory_space<vmem>>
        %dma_wait3A_89 = arith.constant 0 : i32
        %dma_wait3A_90 = tpu.memref_slice %arg5[%add3A_57, %dma_wait3A_89] : memref<2560x128xi32, #tpu.memory_space<hbm>> -> memref<40x128xi32, #tpu.memory_space<hbm>>
        %dma_wait3A_91 = arith.constant 0 : i32
        %dma_wait3A_92 = arith.constant 0 : i32
        %dma_wait3A_93 = tpu.memref_slice %arg9[%dma_wait3A_91, %dma_wait3A_92] : memref<40x128xi32, #tpu.memory_space<vmem>> -> memref<40x128xi32, #tpu.memory_space<vmem>>
        %dma_wait3A_94 = arith.constant 0 : i32
        %dma_wait3A_95 = tpu.memref_slice %arg5[%add3A_57, %dma_wait3A_94] : memref<2560x128xi32, #tpu.memory_space<hbm>> -> memref<40x128xi32, #tpu.memory_space<hbm>>
        tpu.wait_dma2 semaphore(%run_scoped3A : memref<!tpu.dma_semaphore, #tpu.memory_space<semaphore_mem>>) src(%dma_wait3A_95 : memref<40x128xi32, #tpu.memory_space<hbm>>) dst(%dma_wait3A_93 : memref<40x128xi32, #tpu.memory_space<vmem>>)
        tpu.yield
      }) : () -> ()
      %dma_start3A_58 = arith.constant 0 : i32
      %dma_start3A_59 = arith.constant 0 : i32
      %dma_start3A_60 = tpu.memref_slice %arg8[%dma_start3A_58, %dma_start3A_59] : memref<40x128xi32, #tpu.memory_space<vmem>> -> memref<1x128xi32, #tpu.memory_space<vmem>>
      %dma_start3A_61 = tpu.memref_squeeze %dma_start3A_60 : memref<1x128xi32, #tpu.memory_space<vmem>> -> memref<128xi32, #tpu.memory_space<vmem>>
      %dma_start3A_62 = arith.constant 0 : i32
      %dma_start3A_63 = arith.constant 0 : i32
      %dma_start3A_64 = tpu.memref_slice %arg2[%dma_start3A_62, %dma_start3A_63] : memref<10000x128xf32, #tpu.memory_space<hbm>> -> memref<10000x128xf32, #tpu.memory_space<hbm>>
      tpu.enqueue_indirect_dma source(%dma_start3A_64 : memref<10000x128xf32, #tpu.memory_space<hbm>>) target(%arg10 : memref<128x128xf32, #tpu.memory_space<vmem>>) offsets(%dma_start3A_61 : memref<128xi32, #tpu.memory_space<vmem>>) semaphore(%arg13 : memref<!tpu.dma_semaphore, #tpu.memory_space<semaphore_mem>>)
      %dma_start3A_65 = arith.constant 1 : i32
      %dma_start3A_66 = arith.constant 0 : i32
      %dma_start3A_67 = tpu.memref_slice %arg8[%dma_start3A_65, %dma_start3A_66] : memref<40x128xi32, #tpu.memory_space<vmem>> -> memref<1x128xi32, #tpu.memory_space<vmem>>
      %dma_start3A_68 = tpu.memref_squeeze %dma_start3A_67 : memref<1x128xi32, #tpu.memory_space<vmem>> -> memref<128xi32, #tpu.memory_space<vmem>>
      %dma_start3A_69 = arith.constant 0 : i32
      %dma_start3A_70 = arith.constant 0 : i32
      %dma_start3A_71 = tpu.memref_slice %arg2[%dma_start3A_69, %dma_start3A_70] : memref<10000x128xf32, #tpu.memory_space<hbm>> -> memref<10000x128xf32, #tpu.memory_space<hbm>>
      tpu.enqueue_indirect_dma source(%dma_start3A_71 : memref<10000x128xf32, #tpu.memory_space<hbm>>) target(%arg11 : memref<128x128xf32, #tpu.memory_space<vmem>>) offsets(%dma_start3A_68 : memref<128xi32, #tpu.memory_space<vmem>>) semaphore(%arg14 : memref<!tpu.dma_semaphore, #tpu.memory_space<semaphore_mem>>)
      %scan3A_72 = arith.constant 0 : i32
      %scan3A_73 = arith.constant 20 : i32
      %scan3A_74 = arith.addi %scan3A_72, %scan3A_73 : i32
      %scan3A_75 = arith.constant 1 : i32
      scf.for %scan3A_77 = %scan3A_72 to %scan3A_74 step %scan3A_75  : i32 {
        %mul3A_78 = arith.constant 2 : i32
        %mul3A_79 = arith.muli %scan3A_77, %mul3A_78 : i32
        %add3A_80 = arith.constant 0 : i32
        %add3A_81 = arith.addi %mul3A_79, %add3A_80 : i32
        %dma_wait3A = arith.constant 0 : i32
        %dma_wait3A_82 = tpu.memref_slice %arg8[%add3A_81, %dma_wait3A] : memref<40x128xi32, #tpu.memory_space<vmem>> -> memref<1x128xi32, #tpu.memory_space<vmem>>
        %dma_wait3A_83 = tpu.memref_squeeze %dma_wait3A_82 : memref<1x128xi32, #tpu.memory_space<vmem>> -> memref<128xi32, #tpu.memory_space<vmem>>
        %dma_wait3A_84 = arith.constant 0 : i32
        %dma_wait3A_85 = arith.constant 0 : i32
        %dma_wait3A_86 = tpu.memref_slice %arg2[%dma_wait3A_84, %dma_wait3A_85] : memref<10000x128xf32, #tpu.memory_space<hbm>> -> memref<10000x128xf32, #tpu.memory_space<hbm>>
        tpu.wait_indirect_dma semaphore(%arg13 : memref<!tpu.dma_semaphore, #tpu.memory_space<semaphore_mem>>) src(%dma_wait3A_86 : memref<10000x128xf32, #tpu.memory_space<hbm>>) dst(%arg10 : memref<128x128xf32, #tpu.memory_space<vmem>>)
        "tpu.region"() ({
          %run_scoped3A = tpu.sem_alloc : memref<!tpu.dma_semaphore, #tpu.memory_space<semaphore_mem>>
          %dma_start3A_110 = arith.constant 0 : i32
          %dma_start3A_111 = tpu.memref_slice %arg9[%add3A_81, %dma_start3A_110] : memref<40x128xi32, #tpu.memory_space<vmem>> -> memref<1x128xi32, #tpu.memory_space<vmem>>
          %dma_start3A_112 = tpu.memref_squeeze %dma_start3A_111 : memref<1x128xi32, #tpu.memory_space<vmem>> -> memref<128xi32, #tpu.memory_space<vmem>>
          %dma_start3A_113 = arith.constant 0 : i32
          %dma_start3A_114 = arith.constant 0 : i32
          %dma_start3A_115 = tpu.memref_slice %arg12[%dma_start3A_113, %dma_start3A_114] : memref<10112x128xf32, #tpu.memory_space<vmem_shared>> -> memref<10112x128xf32, #tpu.memory_space<vmem_shared>>
          tpu.enqueue_indirect_dma source(%arg10 : memref<128x128xf32, #tpu.memory_space<vmem>>) target(%dma_start3A_115 : memref<10112x128xf32, #tpu.memory_space<vmem_shared>>) offsets(%dma_start3A_112 : memref<128xi32, #tpu.memory_space<vmem>>) semaphore(%run_scoped3A : memref<!tpu.dma_semaphore, #tpu.memory_space<semaphore_mem>>) {add = true}
          %dma_wait3A_116 = arith.constant 0 : i32
          %dma_wait3A_117 = tpu.memref_slice %arg9[%add3A_81, %dma_wait3A_116] : memref<40x128xi32, #tpu.memory_space<vmem>> -> memref<1x128xi32, #tpu.memory_space<vmem>>
          %dma_wait3A_118 = tpu.memref_squeeze %dma_wait3A_117 : memref<1x128xi32, #tpu.memory_space<vmem>> -> memref<128xi32, #tpu.memory_space<vmem>>
          %dma_wait3A_119 = arith.constant 0 : i32
          %dma_wait3A_120 = arith.constant 0 : i32
          %dma_wait3A_121 = tpu.memref_slice %arg12[%dma_wait3A_119, %dma_wait3A_120] : memref<10112x128xf32, #tpu.memory_space<vmem_shared>> -> memref<10112x128xf32, #tpu.memory_space<vmem_shared>>
          tpu.wait_indirect_dma semaphore(%run_scoped3A : memref<!tpu.dma_semaphore, #tpu.memory_space<semaphore_mem>>) src(%arg10 : memref<128x128xf32, #tpu.memory_space<vmem>>) dst(%dma_wait3A_121 : memref<10112x128xf32, #tpu.memory_space<vmem_shared>>)
          tpu.yield
        }) : () -> ()
        %add3A_87 = arith.constant 2 : i32
        %add3A_88 = arith.addi %add3A_81, %add3A_87 : i32
        %lt3A = arith.constant 40 : i32
        %lt3A_89 = arith.cmpi slt, %add3A_88, %lt3A : i32
        %convert_element_type3A_90 = arith.extui %lt3A_89 : i1 to i32
        %cond3A_91 = arith.constant 0 : i32
        %cond3A_92 = arith.cmpi ne, %convert_element_type3A_90, %cond3A_91 : i32
        scf.if %cond3A_92 {
          %add3A_110 = arith.constant 2 : i32
          %add3A_111 = arith.addi %add3A_81, %add3A_110 : i32
          %dma_start3A_112 = arith.constant 0 : i32
          %dma_start3A_113 = tpu.memref_slice %arg8[%add3A_111, %dma_start3A_112] : memref<40x128xi32, #tpu.memory_space<vmem>> -> memref<1x128xi32, #tpu.memory_space<vmem>>
          %dma_start3A_114 = tpu.memref_squeeze %dma_start3A_113 : memref<1x128xi32, #tpu.memory_space<vmem>> -> memref<128xi32, #tpu.memory_space<vmem>>
          %dma_start3A_115 = arith.constant 0 : i32
          %dma_start3A_116 = arith.constant 0 : i32
          %dma_start3A_117 = tpu.memref_slice %arg2[%dma_start3A_115, %dma_start3A_116] : memref<10000x128xf32, #tpu.memory_space<hbm>> -> memref<10000x128xf32, #tpu.memory_space<hbm>>
          tpu.enqueue_indirect_dma source(%dma_start3A_117 : memref<10000x128xf32, #tpu.memory_space<hbm>>) target(%arg10 : memref<128x128xf32, #tpu.memory_space<vmem>>) offsets(%dma_start3A_114 : memref<128xi32, #tpu.memory_space<vmem>>) semaphore(%arg13 : memref<!tpu.dma_semaphore, #tpu.memory_space<semaphore_mem>>)
        } else {
        }
        %mul3A_93 = arith.constant 2 : i32
        %mul3A_94 = arith.muli %scan3A_77, %mul3A_93 : i32
        %add3A_95 = arith.constant 1 : i32
        %add3A_96 = arith.addi %mul3A_94, %add3A_95 : i32
        %dma_wait3A_97 = arith.constant 0 : i32
        %dma_wait3A_98 = tpu.memref_slice %arg8[%add3A_96, %dma_wait3A_97] : memref<40x128xi32, #tpu.memory_space<vmem>> -> memref<1x128xi32, #tpu.memory_space<vmem>>
        %dma_wait3A_99 = tpu.memref_squeeze %dma_wait3A_98 : memref<1x128xi32, #tpu.memory_space<vmem>> -> memref<128xi32, #tpu.memory_space<vmem>>
        %dma_wait3A_100 = arith.constant 0 : i32
        %dma_wait3A_101 = arith.constant 0 : i32
        %dma_wait3A_102 = tpu.memref_slice %arg2[%dma_wait3A_100, %dma_wait3A_101] : memref<10000x128xf32, #tpu.memory_space<hbm>> -> memref<10000x128xf32, #tpu.memory_space<hbm>>
        tpu.wait_indirect_dma semaphore(%arg14 : memref<!tpu.dma_semaphore, #tpu.memory_space<semaphore_mem>>) src(%dma_wait3A_102 : memref<10000x128xf32, #tpu.memory_space<hbm>>) dst(%arg11 : memref<128x128xf32, #tpu.memory_space<vmem>>)
        "tpu.region"() ({
          %run_scoped3A = tpu.sem_alloc : memref<!tpu.dma_semaphore, #tpu.memory_space<semaphore_mem>>
          %dma_start3A_110 = arith.constant 0 : i32
          %dma_start3A_111 = tpu.memref_slice %arg9[%add3A_96, %dma_start3A_110] : memref<40x128xi32, #tpu.memory_space<vmem>> -> memref<1x128xi32, #tpu.memory_space<vmem>>
          %dma_start3A_112 = tpu.memref_squeeze %dma_start3A_111 : memref<1x128xi32, #tpu.memory_space<vmem>> -> memref<128xi32, #tpu.memory_space<vmem>>
          %dma_start3A_113 = arith.constant 0 : i32
          %dma_start3A_114 = arith.constant 0 : i32
          %dma_start3A_115 = tpu.memref_slice %arg12[%dma_start3A_113, %dma_start3A_114] : memref<10112x128xf32, #tpu.memory_space<vmem_shared>> -> memref<10112x128xf32, #tpu.memory_space<vmem_shared>>
          tpu.enqueue_indirect_dma source(%arg11 : memref<128x128xf32, #tpu.memory_space<vmem>>) target(%dma_start3A_115 : memref<10112x128xf32, #tpu.memory_space<vmem_shared>>) offsets(%dma_start3A_112 : memref<128xi32, #tpu.memory_space<vmem>>) semaphore(%run_scoped3A : memref<!tpu.dma_semaphore, #tpu.memory_space<semaphore_mem>>) {add = true}
          %dma_wait3A_116 = arith.constant 0 : i32
          %dma_wait3A_117 = tpu.memref_slice %arg9[%add3A_96, %dma_wait3A_116] : memref<40x128xi32, #tpu.memory_space<vmem>> -> memref<1x128xi32, #tpu.memory_space<vmem>>
          %dma_wait3A_118 = tpu.memref_squeeze %dma_wait3A_117 : memref<1x128xi32, #tpu.memory_space<vmem>> -> memref<128xi32, #tpu.memory_space<vmem>>
          %dma_wait3A_119 = arith.constant 0 : i32
          %dma_wait3A_120 = arith.constant 0 : i32
          %dma_wait3A_121 = tpu.memref_slice %arg12[%dma_wait3A_119, %dma_wait3A_120] : memref<10112x128xf32, #tpu.memory_space<vmem_shared>> -> memref<10112x128xf32, #tpu.memory_space<vmem_shared>>
          tpu.wait_indirect_dma semaphore(%run_scoped3A : memref<!tpu.dma_semaphore, #tpu.memory_space<semaphore_mem>>) src(%arg11 : memref<128x128xf32, #tpu.memory_space<vmem>>) dst(%dma_wait3A_121 : memref<10112x128xf32, #tpu.memory_space<vmem_shared>>)
          tpu.yield
        }) : () -> ()
        %add3A_103 = arith.constant 2 : i32
        %add3A_104 = arith.addi %add3A_96, %add3A_103 : i32
        %lt3A_105 = arith.constant 40 : i32
        %lt3A_106 = arith.cmpi slt, %add3A_104, %lt3A_105 : i32
        %convert_element_type3A_107 = arith.extui %lt3A_106 : i1 to i32
        %cond3A_108 = arith.constant 0 : i32
        %cond3A_109 = arith.cmpi ne, %convert_element_type3A_107, %cond3A_108 : i32
        scf.if %cond3A_109 {
          %add3A_110 = arith.constant 2 : i32
          %add3A_111 = arith.addi %add3A_96, %add3A_110 : i32
          %dma_start3A_112 = arith.constant 0 : i32
          %dma_start3A_113 = tpu.memref_slice %arg8[%add3A_111, %dma_start3A_112] : memref<40x128xi32, #tpu.memory_space<vmem>> -> memref<1x128xi32, #tpu.memory_space<vmem>>
          %dma_start3A_114 = tpu.memref_squeeze %dma_start3A_113 : memref<1x128xi32, #tpu.memory_space<vmem>> -> memref<128xi32, #tpu.memory_space<vmem>>
          %dma_start3A_115 = arith.constant 0 : i32
          %dma_start3A_116 = arith.constant 0 : i32
          %dma_start3A_117 = tpu.memref_slice %arg2[%dma_start3A_115, %dma_start3A_116] : memref<10000x128xf32, #tpu.memory_space<hbm>> -> memref<10000x128xf32, #tpu.memory_space<hbm>>
          tpu.enqueue_indirect_dma source(%dma_start3A_117 : memref<10000x128xf32, #tpu.memory_space<hbm>>) target(%arg11 : memref<128x128xf32, #tpu.memory_space<vmem>>) offsets(%dma_start3A_114 : memref<128xi32, #tpu.memory_space<vmem>>) semaphore(%arg14 : memref<!tpu.dma_semaphore, #tpu.memory_space<semaphore_mem>>)
        } else {
        }
      }
      %scan3A_76 = arith.constant 20 : i32
    } else {
    }
    %eq3A_5 = arith.constant 1 : i32
    %eq3A_6 = arith.cmpi eq, %arg0, %eq3A_5 : i32
    %convert_element_type3A_7 = arith.extui %eq3A_6 : i1 to i32
    %cond3A_8 = arith.constant 0 : i32
    %cond3A_9 = arith.cmpi ne, %convert_element_type3A_7, %cond3A_8 : i32
    scf.if %cond3A_9 {
      %mul3A_15 = arith.constant 160 : i32
      %mul3A_16 = arith.muli %arg1, %mul3A_15 : i32
      %add3A = arith.constant 120 : i32
      %add3A_17 = arith.addi %mul3A_16, %add3A : i32
      %add3A_18 = arith.constant 0 : i32
      %add3A_19 = arith.addi %add3A_17, %add3A_18 : i32
      "tpu.region"() ({
        %run_scoped3A = tpu.sem_alloc : memref<!tpu.dma_semaphore, #tpu.memory_space<semaphore_mem>>
        %dma_start3A_37 = arith.constant 0 : i32
        %dma_start3A_38 = arith.constant 0 : i32
        %dma_start3A_39 = tpu.memref_slice %arg8[%dma_start3A_37, %dma_start3A_38] : memref<40x128xi32, #tpu.memory_space<vmem>> -> memref<40x128xi32, #tpu.memory_space<vmem>>
        %dma_start3A_40 = arith.constant 0 : i32
        %dma_start3A_41 = tpu.memref_slice %arg4[%add3A_19, %dma_start3A_40] : memref<2560x128xi32, #tpu.memory_space<hbm>> -> memref<40x128xi32, #tpu.memory_space<hbm>>
        %dma_start3A_42 = arith.constant 0 : i32
        %dma_start3A_43 = arith.constant 0 : i32
        %dma_start3A_44 = tpu.memref_slice %arg8[%dma_start3A_42, %dma_start3A_43] : memref<40x128xi32, #tpu.memory_space<vmem>> -> memref<40x128xi32, #tpu.memory_space<vmem>>
        %dma_start3A_45 = arith.constant 0 : i32
        %dma_start3A_46 = tpu.memref_slice %arg4[%add3A_19, %dma_start3A_45] : memref<2560x128xi32, #tpu.memory_space<hbm>> -> memref<40x128xi32, #tpu.memory_space<hbm>>
        tpu.enqueue_dma source(%dma_start3A_46 : memref<40x128xi32, #tpu.memory_space<hbm>>) target(%dma_start3A_44 : memref<40x128xi32, #tpu.memory_space<vmem>>) target_semaphore(%run_scoped3A : memref<!tpu.dma_semaphore, #tpu.memory_space<semaphore_mem>>)
        %dma_wait3A = arith.constant 0 : i32
        %dma_wait3A_47 = arith.constant 0 : i32
        %dma_wait3A_48 = tpu.memref_slice %arg8[%dma_wait3A, %dma_wait3A_47] : memref<40x128xi32, #tpu.memory_space<vmem>> -> memref<40x128xi32, #tpu.memory_space<vmem>>
        %dma_wait3A_49 = arith.constant 0 : i32
        %dma_wait3A_50 = tpu.memref_slice %arg4[%add3A_19, %dma_wait3A_49] : memref<2560x128xi32, #tpu.memory_space<hbm>> -> memref<40x128xi32, #tpu.memory_space<hbm>>
        %dma_wait3A_51 = arith.constant 0 : i32
        %dma_wait3A_52 = arith.constant 0 : i32
        %dma_wait3A_53 = tpu.memref_slice %arg8[%dma_wait3A_51, %dma_wait3A_52] : memref<40x128xi32, #tpu.memory_space<vmem>> -> memref<40x128xi32, #tpu.memory_space<vmem>>
        %dma_wait3A_54 = arith.constant 0 : i32
        %dma_wait3A_55 = tpu.memref_slice %arg4[%add3A_19, %dma_wait3A_54] : memref<2560x128xi32, #tpu.memory_space<hbm>> -> memref<40x128xi32, #tpu.memory_space<hbm>>
        tpu.wait_dma2 semaphore(%run_scoped3A : memref<!tpu.dma_semaphore, #tpu.memory_space<semaphore_mem>>) src(%dma_wait3A_55 : memref<40x128xi32, #tpu.memory_space<hbm>>) dst(%dma_wait3A_53 : memref<40x128xi32, #tpu.memory_space<vmem>>)
        tpu.yield
      }) : () -> ()
      "tpu.region"() ({
        %run_scoped3A = tpu.sem_alloc : memref<!tpu.dma_semaphore, #tpu.memory_space<semaphore_mem>>
        %dma_start3A_37 = arith.constant 0 : i32
        %dma_start3A_38 = arith.constant 0 : i32
        %dma_start3A_39 = tpu.memref_slice %arg9[%dma_start3A_37, %dma_start3A_38] : memref<40x128xi32, #tpu.memory_space<vmem>> -> memref<40x128xi32, #tpu.memory_space<vmem>>
        %dma_start3A_40 = arith.constant 0 : i32
        %dma_start3A_41 = tpu.memref_slice %arg5[%add3A_19, %dma_start3A_40] : memref<2560x128xi32, #tpu.memory_space<hbm>> -> memref<40x128xi32, #tpu.memory_space<hbm>>
        %dma_start3A_42 = arith.constant 0 : i32
        %dma_start3A_43 = arith.constant 0 : i32
        %dma_start3A_44 = tpu.memref_slice %arg9[%dma_start3A_42, %dma_start3A_43] : memref<40x128xi32, #tpu.memory_space<vmem>> -> memref<40x128xi32, #tpu.memory_space<vmem>>
        %dma_start3A_45 = arith.constant 0 : i32
        %dma_start3A_46 = tpu.memref_slice %arg5[%add3A_19, %dma_start3A_45] : memref<2560x128xi32, #tpu.memory_space<hbm>> -> memref<40x128xi32, #tpu.memory_space<hbm>>
        tpu.enqueue_dma source(%dma_start3A_46 : memref<40x128xi32, #tpu.memory_space<hbm>>) target(%dma_start3A_44 : memref<40x128xi32, #tpu.memory_space<vmem>>) target_semaphore(%run_scoped3A : memref<!tpu.dma_semaphore, #tpu.memory_space<semaphore_mem>>)
        %dma_wait3A = arith.constant 0 : i32
        %dma_wait3A_47 = arith.constant 0 : i32
        %dma_wait3A_48 = tpu.memref_slice %arg9[%dma_wait3A, %dma_wait3A_47] : memref<40x128xi32, #tpu.memory_space<vmem>> -> memref<40x128xi32, #tpu.memory_space<vmem>>
        %dma_wait3A_49 = arith.constant 0 : i32
        %dma_wait3A_50 = tpu.memref_slice %arg5[%add3A_19, %dma_wait3A_49] : memref<2560x128xi32, #tpu.memory_space<hbm>> -> memref<40x128xi32, #tpu.memory_space<hbm>>
        %dma_wait3A_51 = arith.constant 0 : i32
        %dma_wait3A_52 = arith.constant 0 : i32
        %dma_wait3A_53 = tpu.memref_slice %arg9[%dma_wait3A_51, %dma_wait3A_52] : memref<40x128xi32, #tpu.memory_space<vmem>> -> memref<40x128xi32, #tpu.memory_space<vmem>>
        %dma_wait3A_54 = arith.constant 0 : i32
        %dma_wait3A_55 = tpu.memref_slice %arg5[%add3A_19, %dma_wait3A_54] : memref<2560x128xi32, #tpu.memory_space<hbm>> -> memref<40x128xi32, #tpu.memory_space<hbm>>
        tpu.wait_dma2 semaphore(%run_scoped3A : memref<!tpu.dma_semaphore, #tpu.memory_space<semaphore_mem>>) src(%dma_wait3A_55 : memref<40x128xi32, #tpu.memory_space<hbm>>) dst(%dma_wait3A_53 : memref<40x128xi32, #tpu.memory_space<vmem>>)
        tpu.yield
      }) : () -> ()
      %dma_start3A = arith.constant 0 : i32
      %dma_start3A_20 = arith.constant 0 : i32
      %dma_start3A_21 = tpu.memref_slice %arg8[%dma_start3A, %dma_start3A_20] : memref<40x128xi32, #tpu.memory_space<vmem>> -> memref<1x128xi32, #tpu.memory_space<vmem>>
      %dma_start3A_22 = tpu.memref_squeeze %dma_start3A_21 : memref<1x128xi32, #tpu.memory_space<vmem>> -> memref<128xi32, #tpu.memory_space<vmem>>
      %dma_start3A_23 = arith.constant 0 : i32
      %dma_start3A_24 = arith.constant 0 : i32
      %dma_start3A_25 = tpu.memref_slice %arg3[%dma_start3A_23, %dma_start3A_24] : memref<10000x128xf32, #tpu.memory_space<hbm>> -> memref<10000x128xf32, #tpu.memory_space<hbm>>
      tpu.enqueue_indirect_dma source(%dma_start3A_25 : memref<10000x128xf32, #tpu.memory_space<hbm>>) target(%arg10 : memref<128x128xf32, #tpu.memory_space<vmem>>) offsets(%dma_start3A_22 : memref<128xi32, #tpu.memory_space<vmem>>) semaphore(%arg13 : memref<!tpu.dma_semaphore, #tpu.memory_space<semaphore_mem>>)
      %dma_start3A_26 = arith.constant 1 : i32
      %dma_start3A_27 = arith.constant 0 : i32
      %dma_start3A_28 = tpu.memref_slice %arg8[%dma_start3A_26, %dma_start3A_27] : memref<40x128xi32, #tpu.memory_space<vmem>> -> memref<1x128xi32, #tpu.memory_space<vmem>>
      %dma_start3A_29 = tpu.memref_squeeze %dma_start3A_28 : memref<1x128xi32, #tpu.memory_space<vmem>> -> memref<128xi32, #tpu.memory_space<vmem>>
      %dma_start3A_30 = arith.constant 0 : i32
      %dma_start3A_31 = arith.constant 0 : i32
      %dma_start3A_32 = tpu.memref_slice %arg3[%dma_start3A_30, %dma_start3A_31] : memref<10000x128xf32, #tpu.memory_space<hbm>> -> memref<10000x128xf32, #tpu.memory_space<hbm>>
      tpu.enqueue_indirect_dma source(%dma_start3A_32 : memref<10000x128xf32, #tpu.memory_space<hbm>>) target(%arg11 : memref<128x128xf32, #tpu.memory_space<vmem>>) offsets(%dma_start3A_29 : memref<128xi32, #tpu.memory_space<vmem>>) semaphore(%arg14 : memref<!tpu.dma_semaphore, #tpu.memory_space<semaphore_mem>>)
      %scan3A = arith.constant 0 : i32
      %scan3A_33 = arith.constant 20 : i32
      %scan3A_34 = arith.addi %scan3A, %scan3A_33 : i32
      %scan3A_35 = arith.constant 1 : i32
      scf.for %scan3A_37 = %scan3A to %scan3A_34 step %scan3A_35  : i32 {
        %mul3A_38 = arith.constant 2 : i32
        %mul3A_39 = arith.muli %scan3A_37, %mul3A_38 : i32
        %add3A_40 = arith.constant 0 : i32
        %add3A_41 = arith.addi %mul3A_39, %add3A_40 : i32
        %dma_wait3A = arith.constant 0 : i32
        %dma_wait3A_42 = tpu.memref_slice %arg8[%add3A_41, %dma_wait3A] : memref<40x128xi32, #tpu.memory_space<vmem>> -> memref<1x128xi32, #tpu.memory_space<vmem>>
        %dma_wait3A_43 = tpu.memref_squeeze %dma_wait3A_42 : memref<1x128xi32, #tpu.memory_space<vmem>> -> memref<128xi32, #tpu.memory_space<vmem>>
        %dma_wait3A_44 = arith.constant 0 : i32
        %dma_wait3A_45 = arith.constant 0 : i32
        %dma_wait3A_46 = tpu.memref_slice %arg3[%dma_wait3A_44, %dma_wait3A_45] : memref<10000x128xf32, #tpu.memory_space<hbm>> -> memref<10000x128xf32, #tpu.memory_space<hbm>>
        tpu.wait_indirect_dma semaphore(%arg13 : memref<!tpu.dma_semaphore, #tpu.memory_space<semaphore_mem>>) src(%dma_wait3A_46 : memref<10000x128xf32, #tpu.memory_space<hbm>>) dst(%arg10 : memref<128x128xf32, #tpu.memory_space<vmem>>)
        "tpu.region"() ({
          %run_scoped3A = tpu.sem_alloc : memref<!tpu.dma_semaphore, #tpu.memory_space<semaphore_mem>>
          %dma_start3A_70 = arith.constant 0 : i32
          %dma_start3A_71 = tpu.memref_slice %arg9[%add3A_41, %dma_start3A_70] : memref<40x128xi32, #tpu.memory_space<vmem>> -> memref<1x128xi32, #tpu.memory_space<vmem>>
          %dma_start3A_72 = tpu.memref_squeeze %dma_start3A_71 : memref<1x128xi32, #tpu.memory_space<vmem>> -> memref<128xi32, #tpu.memory_space<vmem>>
          %dma_start3A_73 = arith.constant 0 : i32
          %dma_start3A_74 = arith.constant 0 : i32
          %dma_start3A_75 = tpu.memref_slice %arg12[%dma_start3A_73, %dma_start3A_74] : memref<10112x128xf32, #tpu.memory_space<vmem_shared>> -> memref<10112x128xf32, #tpu.memory_space<vmem_shared>>
          tpu.enqueue_indirect_dma source(%arg10 : memref<128x128xf32, #tpu.memory_space<vmem>>) target(%dma_start3A_75 : memref<10112x128xf32, #tpu.memory_space<vmem_shared>>) offsets(%dma_start3A_72 : memref<128xi32, #tpu.memory_space<vmem>>) semaphore(%run_scoped3A : memref<!tpu.dma_semaphore, #tpu.memory_space<semaphore_mem>>) {add = true}
          %dma_wait3A_76 = arith.constant 0 : i32
          %dma_wait3A_77 = tpu.memref_slice %arg9[%add3A_41, %dma_wait3A_76] : memref<40x128xi32, #tpu.memory_space<vmem>> -> memref<1x128xi32, #tpu.memory_space<vmem>>
          %dma_wait3A_78 = tpu.memref_squeeze %dma_wait3A_77 : memref<1x128xi32, #tpu.memory_space<vmem>> -> memref<128xi32, #tpu.memory_space<vmem>>
          %dma_wait3A_79 = arith.constant 0 : i32
          %dma_wait3A_80 = arith.constant 0 : i32
          %dma_wait3A_81 = tpu.memref_slice %arg12[%dma_wait3A_79, %dma_wait3A_80] : memref<10112x128xf32, #tpu.memory_space<vmem_shared>> -> memref<10112x128xf32, #tpu.memory_space<vmem_shared>>
          tpu.wait_indirect_dma semaphore(%run_scoped3A : memref<!tpu.dma_semaphore, #tpu.memory_space<semaphore_mem>>) src(%arg10 : memref<128x128xf32, #tpu.memory_space<vmem>>) dst(%dma_wait3A_81 : memref<10112x128xf32, #tpu.memory_space<vmem_shared>>)
          tpu.yield
        }) : () -> ()
        %add3A_47 = arith.constant 2 : i32
        %add3A_48 = arith.addi %add3A_41, %add3A_47 : i32
        %lt3A = arith.constant 40 : i32
        %lt3A_49 = arith.cmpi slt, %add3A_48, %lt3A : i32
        %convert_element_type3A_50 = arith.extui %lt3A_49 : i1 to i32
        %cond3A_51 = arith.constant 0 : i32
        %cond3A_52 = arith.cmpi ne, %convert_element_type3A_50, %cond3A_51 : i32
        scf.if %cond3A_52 {
          %add3A_70 = arith.constant 2 : i32
          %add3A_71 = arith.addi %add3A_41, %add3A_70 : i32
          %dma_start3A_72 = arith.constant 0 : i32
          %dma_start3A_73 = tpu.memref_slice %arg8[%add3A_71, %dma_start3A_72] : memref<40x128xi32, #tpu.memory_space<vmem>> -> memref<1x128xi32, #tpu.memory_space<vmem>>
          %dma_start3A_74 = tpu.memref_squeeze %dma_start3A_73 : memref<1x128xi32, #tpu.memory_space<vmem>> -> memref<128xi32, #tpu.memory_space<vmem>>
          %dma_start3A_75 = arith.constant 0 : i32
          %dma_start3A_76 = arith.constant 0 : i32
          %dma_start3A_77 = tpu.memref_slice %arg3[%dma_start3A_75, %dma_start3A_76] : memref<10000x128xf32, #tpu.memory_space<hbm>> -> memref<10000x128xf32, #tpu.memory_space<hbm>>
          tpu.enqueue_indirect_dma source(%dma_start3A_77 : memref<10000x128xf32, #tpu.memory_space<hbm>>) target(%arg10 : memref<128x128xf32, #tpu.memory_space<vmem>>) offsets(%dma_start3A_74 : memref<128xi32, #tpu.memory_space<vmem>>) semaphore(%arg13 : memref<!tpu.dma_semaphore, #tpu.memory_space<semaphore_mem>>)
        } else {
        }
        %mul3A_53 = arith.constant 2 : i32
        %mul3A_54 = arith.muli %scan3A_37, %mul3A_53 : i32
        %add3A_55 = arith.constant 1 : i32
        %add3A_56 = arith.addi %mul3A_54, %add3A_55 : i32
        %dma_wait3A_57 = arith.constant 0 : i32
        %dma_wait3A_58 = tpu.memref_slice %arg8[%add3A_56, %dma_wait3A_57] : memref<40x128xi32, #tpu.memory_space<vmem>> -> memref<1x128xi32, #tpu.memory_space<vmem>>
        %dma_wait3A_59 = tpu.memref_squeeze %dma_wait3A_58 : memref<1x128xi32, #tpu.memory_space<vmem>> -> memref<128xi32, #tpu.memory_space<vmem>>
        %dma_wait3A_60 = arith.constant 0 : i32
        %dma_wait3A_61 = arith.constant 0 : i32
        %dma_wait3A_62 = tpu.memref_slice %arg3[%dma_wait3A_60, %dma_wait3A_61] : memref<10000x128xf32, #tpu.memory_space<hbm>> -> memref<10000x128xf32, #tpu.memory_space<hbm>>
        tpu.wait_indirect_dma semaphore(%arg14 : memref<!tpu.dma_semaphore, #tpu.memory_space<semaphore_mem>>) src(%dma_wait3A_62 : memref<10000x128xf32, #tpu.memory_space<hbm>>) dst(%arg11 : memref<128x128xf32, #tpu.memory_space<vmem>>)
        "tpu.region"() ({
          %run_scoped3A = tpu.sem_alloc : memref<!tpu.dma_semaphore, #tpu.memory_space<semaphore_mem>>
          %dma_start3A_70 = arith.constant 0 : i32
          %dma_start3A_71 = tpu.memref_slice %arg9[%add3A_56, %dma_start3A_70] : memref<40x128xi32, #tpu.memory_space<vmem>> -> memref<1x128xi32, #tpu.memory_space<vmem>>
          %dma_start3A_72 = tpu.memref_squeeze %dma_start3A_71 : memref<1x128xi32, #tpu.memory_space<vmem>> -> memref<128xi32, #tpu.memory_space<vmem>>
          %dma_start3A_73 = arith.constant 0 : i32
          %dma_start3A_74 = arith.constant 0 : i32
          %dma_start3A_75 = tpu.memref_slice %arg12[%dma_start3A_73, %dma_start3A_74] : memref<10112x128xf32, #tpu.memory_space<vmem_shared>> -> memref<10112x128xf32, #tpu.memory_space<vmem_shared>>
          tpu.enqueue_indirect_dma source(%arg11 : memref<128x128xf32, #tpu.memory_space<vmem>>) target(%dma_start3A_75 : memref<10112x128xf32, #tpu.memory_space<vmem_shared>>) offsets(%dma_start3A_72 : memref<128xi32, #tpu.memory_space<vmem>>) semaphore(%run_scoped3A : memref<!tpu.dma_semaphore, #tpu.memory_space<semaphore_mem>>) {add = true}
          %dma_wait3A_76 = arith.constant 0 : i32
          %dma_wait3A_77 = tpu.memref_slice %arg9[%add3A_56, %dma_wait3A_76] : memref<40x128xi32, #tpu.memory_space<vmem>> -> memref<1x128xi32, #tpu.memory_space<vmem>>
          %dma_wait3A_78 = tpu.memref_squeeze %dma_wait3A_77 : memref<1x128xi32, #tpu.memory_space<vmem>> -> memref<128xi32, #tpu.memory_space<vmem>>
          %dma_wait3A_79 = arith.constant 0 : i32
          %dma_wait3A_80 = arith.constant 0 : i32
          %dma_wait3A_81 = tpu.memref_slice %arg12[%dma_wait3A_79, %dma_wait3A_80] : memref<10112x128xf32, #tpu.memory_space<vmem_shared>> -> memref<10112x128xf32, #tpu.memory_space<vmem_shared>>
          tpu.wait_indirect_dma semaphore(%run_scoped3A : memref<!tpu.dma_semaphore, #tpu.memory_space<semaphore_mem>>) src(%arg11 : memref<128x128xf32, #tpu.memory_space<vmem>>) dst(%dma_wait3A_81 : memref<10112x128xf32, #tpu.memory_space<vmem_shared>>)
          tpu.yield
        }) : () -> ()
        %add3A_63 = arith.constant 2 : i32
        %add3A_64 = arith.addi %add3A_56, %add3A_63 : i32
        %lt3A_65 = arith.constant 40 : i32
        %lt3A_66 = arith.cmpi slt, %add3A_64, %lt3A_65 : i32
        %convert_element_type3A_67 = arith.extui %lt3A_66 : i1 to i32
        %cond3A_68 = arith.constant 0 : i32
        %cond3A_69 = arith.cmpi ne, %convert_element_type3A_67, %cond3A_68 : i32
        scf.if %cond3A_69 {
          %add3A_70 = arith.constant 2 : i32
          %add3A_71 = arith.addi %add3A_56, %add3A_70 : i32
          %dma_start3A_72 = arith.constant 0 : i32
          %dma_start3A_73 = tpu.memref_slice %arg8[%add3A_71, %dma_start3A_72] : memref<40x128xi32, #tpu.memory_space<vmem>> -> memref<1x128xi32, #tpu.memory_space<vmem>>
          %dma_start3A_74 = tpu.memref_squeeze %dma_start3A_73 : memref<1x128xi32, #tpu.memory_space<vmem>> -> memref<128xi32, #tpu.memory_space<vmem>>
          %dma_start3A_75 = arith.constant 0 : i32
          %dma_start3A_76 = arith.constant 0 : i32
          %dma_start3A_77 = tpu.memref_slice %arg3[%dma_start3A_75, %dma_start3A_76] : memref<10000x128xf32, #tpu.memory_space<hbm>> -> memref<10000x128xf32, #tpu.memory_space<hbm>>
          tpu.enqueue_indirect_dma source(%dma_start3A_77 : memref<10000x128xf32, #tpu.memory_space<hbm>>) target(%arg11 : memref<128x128xf32, #tpu.memory_space<vmem>>) offsets(%dma_start3A_74 : memref<128xi32, #tpu.memory_space<vmem>>) semaphore(%arg14 : memref<!tpu.dma_semaphore, #tpu.memory_space<semaphore_mem>>)
        } else {
        }
      }
      %scan3A_36 = arith.constant 20 : i32
    } else {
    }
    %barrier3A_10 = arith.constant 0 : index
    tpu.barrier barrier_id(%barrier3A_10)
    %mul3A_11 = arith.constant 632 : i32
    %mul3A_12 = arith.muli %arg1, %mul3A_11 : i32
    %mul3A_13 = arith.constant 632 : i32
    %mul3A_14 = arith.muli %arg1, %mul3A_13 : i32
    "tpu.region"() ({
      %run_scoped3A = tpu.sem_alloc : memref<!tpu.dma_semaphore, #tpu.memory_space<semaphore_mem>>
      %dma_start3A = arith.constant 0 : i32
      %dma_start3A_15 = tpu.memref_slice %arg7[%arg0, %mul3A_14, %dma_start3A] : memref<2x10112x128xf32, #tpu.memory_space<hbm>> -> memref<1x632x128xf32, #tpu.memory_space<hbm>>
      %dma_start3A_16 = tpu.memref_squeeze %dma_start3A_15 : memref<1x632x128xf32, #tpu.memory_space<hbm>> -> memref<632x128xf32, #tpu.memory_space<hbm>>
      %dma_start3A_17 = arith.constant 0 : i32
      %dma_start3A_18 = tpu.memref_slice %arg12[%mul3A_12, %dma_start3A_17] : memref<10112x128xf32, #tpu.memory_space<vmem_shared>> -> memref<632x128xf32, #tpu.memory_space<vmem_shared>>
      tpu.enqueue_dma source(%dma_start3A_18 : memref<632x128xf32, #tpu.memory_space<vmem_shared>>) target(%dma_start3A_16 : memref<632x128xf32, #tpu.memory_space<hbm>>) target_semaphore(%run_scoped3A : memref<!tpu.dma_semaphore, #tpu.memory_space<semaphore_mem>>)
      %dma_wait3A = arith.constant 0 : i32
      %dma_wait3A_19 = tpu.memref_slice %arg7[%arg0, %mul3A_14, %dma_wait3A] : memref<2x10112x128xf32, #tpu.memory_space<hbm>> -> memref<1x632x128xf32, #tpu.memory_space<hbm>>
      %dma_wait3A_20 = tpu.memref_squeeze %dma_wait3A_19 : memref<1x632x128xf32, #tpu.memory_space<hbm>> -> memref<632x128xf32, #tpu.memory_space<hbm>>
      %dma_wait3A_21 = arith.constant 0 : i32
      %dma_wait3A_22 = tpu.memref_slice %arg12[%mul3A_12, %dma_wait3A_21] : memref<10112x128xf32, #tpu.memory_space<vmem_shared>> -> memref<632x128xf32, #tpu.memory_space<vmem_shared>>
      tpu.wait_dma2 semaphore(%run_scoped3A : memref<!tpu.dma_semaphore, #tpu.memory_space<semaphore_mem>>) src(%dma_wait3A_22 : memref<632x128xf32, #tpu.memory_space<vmem_shared>>) dst(%dma_wait3A_20 : memref<632x128xf32, #tpu.memory_space<hbm>>)
      tpu.yield
    }) : () -> ()
    return
  }
}

#map = affine_map<(d0, d1) -> (0, 0)>
#map1 = affine_map<(d0, d1) -> (0, 0, 0)>
module attributes {stable_mosaic.version = 14 : i64} {
  func.func @_seg_sum_body(%arg0: i32, %arg1: i32, %arg2: memref<10000x128xf32, #tpu.memory_space<hbm>>, %arg3: memref<10000x128xf32, #tpu.memory_space<hbm>>, %arg4: memref<2560x128xi32, #tpu.memory_space<hbm>>, %arg5: memref<2560x128xi32, #tpu.memory_space<hbm>>, %arg6: memref<10112x128xf32, #tpu.memory_space<hbm>>, %arg7: memref<2x10112x128xf32, #tpu.memory_space<hbm>>, %arg8: memref<40x128xi32, #tpu.memory_space<vmem>>, %arg9: memref<40x128xi32, #tpu.memory_space<vmem>>, %arg10: memref<128x128xf32, #tpu.memory_space<vmem>>, %arg11: memref<128x128xf32, #tpu.memory_space<vmem>>, %arg12: memref<10112x128xf32, #tpu.memory_space<vmem_shared>>, %arg13: memref<!tpu.dma_semaphore, #tpu.memory_space<semaphore_mem>>, %arg14: memref<!tpu.dma_semaphore, #tpu.memory_space<semaphore_mem>>) attributes {dimension_semantics = [#tpu.dimension_semantics<core_parallel>, #tpu.dimension_semantics<subcore_parallel>], iteration_bounds = array<i64: 2, 16>, scalar_prefetch = 0 : i64, scratch_operands = 7 : i64, tpu.core_type = #tpu.core_type<sc_vector_subcore>, window_params = [{transform_indices = #map}, {transform_indices = #map}, {transform_indices = #map}, {transform_indices = #map}, {transform_indices = #map}, {transform_indices = #map1}]} {
    %mul3A = arith.constant 632 : i32
    %mul3A_0 = arith.muli %arg1, %mul3A : i32
    %mul3A_1 = arith.constant 632 : i32
    %mul3A_2 = arith.muli %arg1, %mul3A_1 : i32
    "tpu.region"() ({
      %run_scoped3A = tpu.sem_alloc : memref<!tpu.dma_semaphore, #tpu.memory_space<semaphore_mem>>
      %dma_start3A = arith.constant 0 : i32
      %dma_start3A_15 = tpu.memref_slice %arg12[%mul3A_2, %dma_start3A] : memref<10112x128xf32, #tpu.memory_space<vmem_shared>> -> memref<632x128xf32, #tpu.memory_space<vmem_shared>>
      %dma_start3A_16 = arith.constant 0 : i32
      %dma_start3A_17 = tpu.memref_slice %arg6[%mul3A_0, %dma_start3A_16] : memref<10112x128xf32, #tpu.memory_space<hbm>> -> memref<632x128xf32, #tpu.memory_space<hbm>>
      tpu.enqueue_dma source(%dma_start3A_17 : memref<632x128xf32, #tpu.memory_space<hbm>>) target(%dma_start3A_15 : memref<632x128xf32, #tpu.memory_space<vmem_shared>>) target_semaphore(%run_scoped3A : memref<!tpu.dma_semaphore, #tpu.memory_space<semaphore_mem>>)
      %dma_wait3A = arith.constant 0 : i32
      %dma_wait3A_18 = tpu.memref_slice %arg12[%mul3A_2, %dma_wait3A] : memref<10112x128xf32, #tpu.memory_space<vmem_shared>> -> memref<632x128xf32, #tpu.memory_space<vmem_shared>>
      %dma_wait3A_19 = arith.constant 0 : i32
      %dma_wait3A_20 = tpu.memref_slice %arg6[%mul3A_0, %dma_wait3A_19] : memref<10112x128xf32, #tpu.memory_space<hbm>> -> memref<632x128xf32, #tpu.memory_space<hbm>>
      tpu.wait_dma2 semaphore(%run_scoped3A : memref<!tpu.dma_semaphore, #tpu.memory_space<semaphore_mem>>) src(%dma_wait3A_20 : memref<632x128xf32, #tpu.memory_space<hbm>>) dst(%dma_wait3A_18 : memref<632x128xf32, #tpu.memory_space<vmem_shared>>)
      tpu.yield
    }) : () -> ()
    %barrier3A = arith.constant 0 : index
    tpu.barrier barrier_id(%barrier3A)
    %eq3A = arith.constant 0 : i32
    %eq3A_3 = arith.cmpi eq, %arg0, %eq3A : i32
    %convert_element_type3A = arith.extui %eq3A_3 : i1 to i32
    %cond3A = arith.constant 0 : i32
    %cond3A_4 = arith.cmpi ne, %convert_element_type3A, %cond3A : i32
    scf.if %cond3A_4 {
      %mul3A_15 = arith.constant 160 : i32
      %mul3A_16 = arith.muli %arg1, %mul3A_15 : i32
      %add3A = arith.constant 0 : i32
      %add3A_17 = arith.addi %mul3A_16, %add3A : i32
      "tpu.region"() ({
        %run_scoped3A = tpu.sem_alloc : memref<!tpu.dma_semaphore, #tpu.memory_space<semaphore_mem>>
        %dma_start3A_77 = arith.constant 0 : i32
        %dma_start3A_78 = arith.constant 0 : i32
        %dma_start3A_79 = tpu.memref_slice %arg8[%dma_start3A_77, %dma_start3A_78] : memref<40x128xi32, #tpu.memory_space<vmem>> -> memref<40x128xi32, #tpu.memory_space<vmem>>
        %dma_start3A_80 = arith.constant 0 : i32
        %dma_start3A_81 = tpu.memref_slice %arg4[%add3A_17, %dma_start3A_80] : memref<2560x128xi32, #tpu.memory_space<hbm>> -> memref<40x128xi32, #tpu.memory_space<hbm>>
        %dma_start3A_82 = arith.constant 0 : i32
        %dma_start3A_83 = arith.constant 0 : i32
        %dma_start3A_84 = tpu.memref_slice %arg8[%dma_start3A_82, %dma_start3A_83] : memref<40x128xi32, #tpu.memory_space<vmem>> -> memref<40x128xi32, #tpu.memory_space<vmem>>
        %dma_start3A_85 = arith.constant 0 : i32
        %dma_start3A_86 = tpu.memref_slice %arg4[%add3A_17, %dma_start3A_85] : memref<2560x128xi32, #tpu.memory_space<hbm>> -> memref<40x128xi32, #tpu.memory_space<hbm>>
        tpu.enqueue_dma source(%dma_start3A_86 : memref<40x128xi32, #tpu.memory_space<hbm>>) target(%dma_start3A_84 : memref<40x128xi32, #tpu.memory_space<vmem>>) target_semaphore(%run_scoped3A : memref<!tpu.dma_semaphore, #tpu.memory_space<semaphore_mem>>)
        %dma_wait3A = arith.constant 0 : i32
        %dma_wait3A_87 = arith.constant 0 : i32
        %dma_wait3A_88 = tpu.memref_slice %arg8[%dma_wait3A, %dma_wait3A_87] : memref<40x128xi32, #tpu.memory_space<vmem>> -> memref<40x128xi32, #tpu.memory_space<vmem>>
        %dma_wait3A_89 = arith.constant 0 : i32
        %dma_wait3A_90 = tpu.memref_slice %arg4[%add3A_17, %dma_wait3A_89] : memref<2560x128xi32, #tpu.memory_space<hbm>> -> memref<40x128xi32, #tpu.memory_space<hbm>>
        %dma_wait3A_91 = arith.constant 0 : i32
        %dma_wait3A_92 = arith.constant 0 : i32
        %dma_wait3A_93 = tpu.memref_slice %arg8[%dma_wait3A_91, %dma_wait3A_92] : memref<40x128xi32, #tpu.memory_space<vmem>> -> memref<40x128xi32, #tpu.memory_space<vmem>>
        %dma_wait3A_94 = arith.constant 0 : i32
        %dma_wait3A_95 = tpu.memref_slice %arg4[%add3A_17, %dma_wait3A_94] : memref<2560x128xi32, #tpu.memory_space<hbm>> -> memref<40x128xi32, #tpu.memory_space<hbm>>
        tpu.wait_dma2 semaphore(%run_scoped3A : memref<!tpu.dma_semaphore, #tpu.memory_space<semaphore_mem>>) src(%dma_wait3A_95 : memref<40x128xi32, #tpu.memory_space<hbm>>) dst(%dma_wait3A_93 : memref<40x128xi32, #tpu.memory_space<vmem>>)
        tpu.yield
      }) : () -> ()
      "tpu.region"() ({
        %run_scoped3A = tpu.sem_alloc : memref<!tpu.dma_semaphore, #tpu.memory_space<semaphore_mem>>
        %dma_start3A_77 = arith.constant 0 : i32
        %dma_start3A_78 = arith.constant 0 : i32
        %dma_start3A_79 = tpu.memref_slice %arg9[%dma_start3A_77, %dma_start3A_78] : memref<40x128xi32, #tpu.memory_space<vmem>> -> memref<40x128xi32, #tpu.memory_space<vmem>>
        %dma_start3A_80 = arith.constant 0 : i32
        %dma_start3A_81 = tpu.memref_slice %arg5[%add3A_17, %dma_start3A_80] : memref<2560x128xi32, #tpu.memory_space<hbm>> -> memref<40x128xi32, #tpu.memory_space<hbm>>
        %dma_start3A_82 = arith.constant 0 : i32
        %dma_start3A_83 = arith.constant 0 : i32
        %dma_start3A_84 = tpu.memref_slice %arg9[%dma_start3A_82, %dma_start3A_83] : memref<40x128xi32, #tpu.memory_space<vmem>> -> memref<40x128xi32, #tpu.memory_space<vmem>>
        %dma_start3A_85 = arith.constant 0 : i32
        %dma_start3A_86 = tpu.memref_slice %arg5[%add3A_17, %dma_start3A_85] : memref<2560x128xi32, #tpu.memory_space<hbm>> -> memref<40x128xi32, #tpu.memory_space<hbm>>
        tpu.enqueue_dma source(%dma_start3A_86 : memref<40x128xi32, #tpu.memory_space<hbm>>) target(%dma_start3A_84 : memref<40x128xi32, #tpu.memory_space<vmem>>) target_semaphore(%run_scoped3A : memref<!tpu.dma_semaphore, #tpu.memory_space<semaphore_mem>>)
        %dma_wait3A = arith.constant 0 : i32
        %dma_wait3A_87 = arith.constant 0 : i32
        %dma_wait3A_88 = tpu.memref_slice %arg9[%dma_wait3A, %dma_wait3A_87] : memref<40x128xi32, #tpu.memory_space<vmem>> -> memref<40x128xi32, #tpu.memory_space<vmem>>
        %dma_wait3A_89 = arith.constant 0 : i32
        %dma_wait3A_90 = tpu.memref_slice %arg5[%add3A_17, %dma_wait3A_89] : memref<2560x128xi32, #tpu.memory_space<hbm>> -> memref<40x128xi32, #tpu.memory_space<hbm>>
        %dma_wait3A_91 = arith.constant 0 : i32
        %dma_wait3A_92 = arith.constant 0 : i32
        %dma_wait3A_93 = tpu.memref_slice %arg9[%dma_wait3A_91, %dma_wait3A_92] : memref<40x128xi32, #tpu.memory_space<vmem>> -> memref<40x128xi32, #tpu.memory_space<vmem>>
        %dma_wait3A_94 = arith.constant 0 : i32
        %dma_wait3A_95 = tpu.memref_slice %arg5[%add3A_17, %dma_wait3A_94] : memref<2560x128xi32, #tpu.memory_space<hbm>> -> memref<40x128xi32, #tpu.memory_space<hbm>>
        tpu.wait_dma2 semaphore(%run_scoped3A : memref<!tpu.dma_semaphore, #tpu.memory_space<semaphore_mem>>) src(%dma_wait3A_95 : memref<40x128xi32, #tpu.memory_space<hbm>>) dst(%dma_wait3A_93 : memref<40x128xi32, #tpu.memory_space<vmem>>)
        tpu.yield
      }) : () -> ()
      %dma_start3A = arith.constant 0 : i32
      %dma_start3A_18 = arith.constant 0 : i32
      %dma_start3A_19 = tpu.memref_slice %arg8[%dma_start3A, %dma_start3A_18] : memref<40x128xi32, #tpu.memory_space<vmem>> -> memref<1x128xi32, #tpu.memory_space<vmem>>
      %dma_start3A_20 = tpu.memref_squeeze %dma_start3A_19 : memref<1x128xi32, #tpu.memory_space<vmem>> -> memref<128xi32, #tpu.memory_space<vmem>>
      %dma_start3A_21 = arith.constant 0 : i32
      %dma_start3A_22 = arith.constant 0 : i32
      %dma_start3A_23 = tpu.memref_slice %arg2[%dma_start3A_21, %dma_start3A_22] : memref<10000x128xf32, #tpu.memory_space<hbm>> -> memref<10000x128xf32, #tpu.memory_space<hbm>>
      tpu.enqueue_indirect_dma source(%dma_start3A_23 : memref<10000x128xf32, #tpu.memory_space<hbm>>) target(%arg10 : memref<128x128xf32, #tpu.memory_space<vmem>>) offsets(%dma_start3A_20 : memref<128xi32, #tpu.memory_space<vmem>>) semaphore(%arg13 : memref<!tpu.dma_semaphore, #tpu.memory_space<semaphore_mem>>)
      %dma_start3A_24 = arith.constant 1 : i32
      %dma_start3A_25 = arith.constant 0 : i32
      %dma_start3A_26 = tpu.memref_slice %arg8[%dma_start3A_24, %dma_start3A_25] : memref<40x128xi32, #tpu.memory_space<vmem>> -> memref<1x128xi32, #tpu.memory_space<vmem>>
      %dma_start3A_27 = tpu.memref_squeeze %dma_start3A_26 : memref<1x128xi32, #tpu.memory_space<vmem>> -> memref<128xi32, #tpu.memory_space<vmem>>
      %dma_start3A_28 = arith.constant 0 : i32
      %dma_start3A_29 = arith.constant 0 : i32
      %dma_start3A_30 = tpu.memref_slice %arg2[%dma_start3A_28, %dma_start3A_29] : memref<10000x128xf32, #tpu.memory_space<hbm>> -> memref<10000x128xf32, #tpu.memory_space<hbm>>
      tpu.enqueue_indirect_dma source(%dma_start3A_30 : memref<10000x128xf32, #tpu.memory_space<hbm>>) target(%arg11 : memref<128x128xf32, #tpu.memory_space<vmem>>) offsets(%dma_start3A_27 : memref<128xi32, #tpu.memory_space<vmem>>) semaphore(%arg14 : memref<!tpu.dma_semaphore, #tpu.memory_space<semaphore_mem>>)
      %scan3A = arith.constant 0 : i32
      %scan3A_31 = arith.constant 20 : i32
      %scan3A_32 = arith.addi %scan3A, %scan3A_31 : i32
      %scan3A_33 = arith.constant 1 : i32
      scf.for %scan3A_77 = %scan3A to %scan3A_32 step %scan3A_33  : i32 {
        %mul3A_78 = arith.constant 2 : i32
        %mul3A_79 = arith.muli %scan3A_77, %mul3A_78 : i32
        %add3A_80 = arith.constant 0 : i32
        %add3A_81 = arith.addi %mul3A_79, %add3A_80 : i32
        %dma_wait3A = arith.constant 0 : i32
        %dma_wait3A_82 = tpu.memref_slice %arg8[%add3A_81, %dma_wait3A] : memref<40x128xi32, #tpu.memory_space<vmem>> -> memref<1x128xi32, #tpu.memory_space<vmem>>
        %dma_wait3A_83 = tpu.memref_squeeze %dma_wait3A_82 : memref<1x128xi32, #tpu.memory_space<vmem>> -> memref<128xi32, #tpu.memory_space<vmem>>
        %dma_wait3A_84 = arith.constant 0 : i32
        %dma_wait3A_85 = arith.constant 0 : i32
        %dma_wait3A_86 = tpu.memref_slice %arg2[%dma_wait3A_84, %dma_wait3A_85] : memref<10000x128xf32, #tpu.memory_space<hbm>> -> memref<10000x128xf32, #tpu.memory_space<hbm>>
        tpu.wait_indirect_dma semaphore(%arg13 : memref<!tpu.dma_semaphore, #tpu.memory_space<semaphore_mem>>) src(%dma_wait3A_86 : memref<10000x128xf32, #tpu.memory_space<hbm>>) dst(%arg10 : memref<128x128xf32, #tpu.memory_space<vmem>>)
        "tpu.region"() ({
          %run_scoped3A = tpu.sem_alloc : memref<!tpu.dma_semaphore, #tpu.memory_space<semaphore_mem>>
          %dma_start3A_110 = arith.constant 0 : i32
          %dma_start3A_111 = tpu.memref_slice %arg9[%add3A_81, %dma_start3A_110] : memref<40x128xi32, #tpu.memory_space<vmem>> -> memref<1x128xi32, #tpu.memory_space<vmem>>
          %dma_start3A_112 = tpu.memref_squeeze %dma_start3A_111 : memref<1x128xi32, #tpu.memory_space<vmem>> -> memref<128xi32, #tpu.memory_space<vmem>>
          %dma_start3A_113 = arith.constant 0 : i32
          %dma_start3A_114 = arith.constant 0 : i32
          %dma_start3A_115 = tpu.memref_slice %arg12[%dma_start3A_113, %dma_start3A_114] : memref<10112x128xf32, #tpu.memory_space<vmem_shared>> -> memref<10112x128xf32, #tpu.memory_space<vmem_shared>>
          tpu.enqueue_indirect_dma source(%arg10 : memref<128x128xf32, #tpu.memory_space<vmem>>) target(%dma_start3A_115 : memref<10112x128xf32, #tpu.memory_space<vmem_shared>>) offsets(%dma_start3A_112 : memref<128xi32, #tpu.memory_space<vmem>>) semaphore(%run_scoped3A : memref<!tpu.dma_semaphore, #tpu.memory_space<semaphore_mem>>) {add = true}
          %dma_wait3A_116 = arith.constant 0 : i32
          %dma_wait3A_117 = tpu.memref_slice %arg9[%add3A_81, %dma_wait3A_116] : memref<40x128xi32, #tpu.memory_space<vmem>> -> memref<1x128xi32, #tpu.memory_space<vmem>>
          %dma_wait3A_118 = tpu.memref_squeeze %dma_wait3A_117 : memref<1x128xi32, #tpu.memory_space<vmem>> -> memref<128xi32, #tpu.memory_space<vmem>>
          %dma_wait3A_119 = arith.constant 0 : i32
          %dma_wait3A_120 = arith.constant 0 : i32
          %dma_wait3A_121 = tpu.memref_slice %arg12[%dma_wait3A_119, %dma_wait3A_120] : memref<10112x128xf32, #tpu.memory_space<vmem_shared>> -> memref<10112x128xf32, #tpu.memory_space<vmem_shared>>
          tpu.wait_indirect_dma semaphore(%run_scoped3A : memref<!tpu.dma_semaphore, #tpu.memory_space<semaphore_mem>>) src(%arg10 : memref<128x128xf32, #tpu.memory_space<vmem>>) dst(%dma_wait3A_121 : memref<10112x128xf32, #tpu.memory_space<vmem_shared>>)
          tpu.yield
        }) : () -> ()
        %add3A_87 = arith.constant 2 : i32
        %add3A_88 = arith.addi %add3A_81, %add3A_87 : i32
        %lt3A = arith.constant 40 : i32
        %lt3A_89 = arith.cmpi slt, %add3A_88, %lt3A : i32
        %convert_element_type3A_90 = arith.extui %lt3A_89 : i1 to i32
        %cond3A_91 = arith.constant 0 : i32
        %cond3A_92 = arith.cmpi ne, %convert_element_type3A_90, %cond3A_91 : i32
        scf.if %cond3A_92 {
          %add3A_110 = arith.constant 2 : i32
          %add3A_111 = arith.addi %add3A_81, %add3A_110 : i32
          %dma_start3A_112 = arith.constant 0 : i32
          %dma_start3A_113 = tpu.memref_slice %arg8[%add3A_111, %dma_start3A_112] : memref<40x128xi32, #tpu.memory_space<vmem>> -> memref<1x128xi32, #tpu.memory_space<vmem>>
          %dma_start3A_114 = tpu.memref_squeeze %dma_start3A_113 : memref<1x128xi32, #tpu.memory_space<vmem>> -> memref<128xi32, #tpu.memory_space<vmem>>
          %dma_start3A_115 = arith.constant 0 : i32
          %dma_start3A_116 = arith.constant 0 : i32
          %dma_start3A_117 = tpu.memref_slice %arg2[%dma_start3A_115, %dma_start3A_116] : memref<10000x128xf32, #tpu.memory_space<hbm>> -> memref<10000x128xf32, #tpu.memory_space<hbm>>
          tpu.enqueue_indirect_dma source(%dma_start3A_117 : memref<10000x128xf32, #tpu.memory_space<hbm>>) target(%arg10 : memref<128x128xf32, #tpu.memory_space<vmem>>) offsets(%dma_start3A_114 : memref<128xi32, #tpu.memory_space<vmem>>) semaphore(%arg13 : memref<!tpu.dma_semaphore, #tpu.memory_space<semaphore_mem>>)
        } else {
        }
        %mul3A_93 = arith.constant 2 : i32
        %mul3A_94 = arith.muli %scan3A_77, %mul3A_93 : i32
        %add3A_95 = arith.constant 1 : i32
        %add3A_96 = arith.addi %mul3A_94, %add3A_95 : i32
        %dma_wait3A_97 = arith.constant 0 : i32
        %dma_wait3A_98 = tpu.memref_slice %arg8[%add3A_96, %dma_wait3A_97] : memref<40x128xi32, #tpu.memory_space<vmem>> -> memref<1x128xi32, #tpu.memory_space<vmem>>
        %dma_wait3A_99 = tpu.memref_squeeze %dma_wait3A_98 : memref<1x128xi32, #tpu.memory_space<vmem>> -> memref<128xi32, #tpu.memory_space<vmem>>
        %dma_wait3A_100 = arith.constant 0 : i32
        %dma_wait3A_101 = arith.constant 0 : i32
        %dma_wait3A_102 = tpu.memref_slice %arg2[%dma_wait3A_100, %dma_wait3A_101] : memref<10000x128xf32, #tpu.memory_space<hbm>> -> memref<10000x128xf32, #tpu.memory_space<hbm>>
        tpu.wait_indirect_dma semaphore(%arg14 : memref<!tpu.dma_semaphore, #tpu.memory_space<semaphore_mem>>) src(%dma_wait3A_102 : memref<10000x128xf32, #tpu.memory_space<hbm>>) dst(%arg11 : memref<128x128xf32, #tpu.memory_space<vmem>>)
        "tpu.region"() ({
          %run_scoped3A = tpu.sem_alloc : memref<!tpu.dma_semaphore, #tpu.memory_space<semaphore_mem>>
          %dma_start3A_110 = arith.constant 0 : i32
          %dma_start3A_111 = tpu.memref_slice %arg9[%add3A_96, %dma_start3A_110] : memref<40x128xi32, #tpu.memory_space<vmem>> -> memref<1x128xi32, #tpu.memory_space<vmem>>
          %dma_start3A_112 = tpu.memref_squeeze %dma_start3A_111 : memref<1x128xi32, #tpu.memory_space<vmem>> -> memref<128xi32, #tpu.memory_space<vmem>>
          %dma_start3A_113 = arith.constant 0 : i32
          %dma_start3A_114 = arith.constant 0 : i32
          %dma_start3A_115 = tpu.memref_slice %arg12[%dma_start3A_113, %dma_start3A_114] : memref<10112x128xf32, #tpu.memory_space<vmem_shared>> -> memref<10112x128xf32, #tpu.memory_space<vmem_shared>>
          tpu.enqueue_indirect_dma source(%arg11 : memref<128x128xf32, #tpu.memory_space<vmem>>) target(%dma_start3A_115 : memref<10112x128xf32, #tpu.memory_space<vmem_shared>>) offsets(%dma_start3A_112 : memref<128xi32, #tpu.memory_space<vmem>>) semaphore(%run_scoped3A : memref<!tpu.dma_semaphore, #tpu.memory_space<semaphore_mem>>) {add = true}
          %dma_wait3A_116 = arith.constant 0 : i32
          %dma_wait3A_117 = tpu.memref_slice %arg9[%add3A_96, %dma_wait3A_116] : memref<40x128xi32, #tpu.memory_space<vmem>> -> memref<1x128xi32, #tpu.memory_space<vmem>>
          %dma_wait3A_118 = tpu.memref_squeeze %dma_wait3A_117 : memref<1x128xi32, #tpu.memory_space<vmem>> -> memref<128xi32, #tpu.memory_space<vmem>>
          %dma_wait3A_119 = arith.constant 0 : i32
          %dma_wait3A_120 = arith.constant 0 : i32
          %dma_wait3A_121 = tpu.memref_slice %arg12[%dma_wait3A_119, %dma_wait3A_120] : memref<10112x128xf32, #tpu.memory_space<vmem_shared>> -> memref<10112x128xf32, #tpu.memory_space<vmem_shared>>
          tpu.wait_indirect_dma semaphore(%run_scoped3A : memref<!tpu.dma_semaphore, #tpu.memory_space<semaphore_mem>>) src(%arg11 : memref<128x128xf32, #tpu.memory_space<vmem>>) dst(%dma_wait3A_121 : memref<10112x128xf32, #tpu.memory_space<vmem_shared>>)
          tpu.yield
        }) : () -> ()
        %add3A_103 = arith.constant 2 : i32
        %add3A_104 = arith.addi %add3A_96, %add3A_103 : i32
        %lt3A_105 = arith.constant 40 : i32
        %lt3A_106 = arith.cmpi slt, %add3A_104, %lt3A_105 : i32
        %convert_element_type3A_107 = arith.extui %lt3A_106 : i1 to i32
        %cond3A_108 = arith.constant 0 : i32
        %cond3A_109 = arith.cmpi ne, %convert_element_type3A_107, %cond3A_108 : i32
        scf.if %cond3A_109 {
          %add3A_110 = arith.constant 2 : i32
          %add3A_111 = arith.addi %add3A_96, %add3A_110 : i32
          %dma_start3A_112 = arith.constant 0 : i32
          %dma_start3A_113 = tpu.memref_slice %arg8[%add3A_111, %dma_start3A_112] : memref<40x128xi32, #tpu.memory_space<vmem>> -> memref<1x128xi32, #tpu.memory_space<vmem>>
          %dma_start3A_114 = tpu.memref_squeeze %dma_start3A_113 : memref<1x128xi32, #tpu.memory_space<vmem>> -> memref<128xi32, #tpu.memory_space<vmem>>
          %dma_start3A_115 = arith.constant 0 : i32
          %dma_start3A_116 = arith.constant 0 : i32
          %dma_start3A_117 = tpu.memref_slice %arg2[%dma_start3A_115, %dma_start3A_116] : memref<10000x128xf32, #tpu.memory_space<hbm>> -> memref<10000x128xf32, #tpu.memory_space<hbm>>
          tpu.enqueue_indirect_dma source(%dma_start3A_117 : memref<10000x128xf32, #tpu.memory_space<hbm>>) target(%arg11 : memref<128x128xf32, #tpu.memory_space<vmem>>) offsets(%dma_start3A_114 : memref<128xi32, #tpu.memory_space<vmem>>) semaphore(%arg14 : memref<!tpu.dma_semaphore, #tpu.memory_space<semaphore_mem>>)
        } else {
        }
      }
      %scan3A_34 = arith.constant 20 : i32
      %add3A_35 = arith.constant 40 : i32
      %add3A_36 = arith.addi %mul3A_16, %add3A_35 : i32
      "tpu.region"() ({
        %run_scoped3A = tpu.sem_alloc : memref<!tpu.dma_semaphore, #tpu.memory_space<semaphore_mem>>
        %dma_start3A_77 = arith.constant 0 : i32
        %dma_start3A_78 = arith.constant 0 : i32
        %dma_start3A_79 = tpu.memref_slice %arg8[%dma_start3A_77, %dma_start3A_78] : memref<40x128xi32, #tpu.memory_space<vmem>> -> memref<40x128xi32, #tpu.memory_space<vmem>>
        %dma_start3A_80 = arith.constant 0 : i32
        %dma_start3A_81 = tpu.memref_slice %arg4[%add3A_36, %dma_start3A_80] : memref<2560x128xi32, #tpu.memory_space<hbm>> -> memref<40x128xi32, #tpu.memory_space<hbm>>
        %dma_start3A_82 = arith.constant 0 : i32
        %dma_start3A_83 = arith.constant 0 : i32
        %dma_start3A_84 = tpu.memref_slice %arg8[%dma_start3A_82, %dma_start3A_83] : memref<40x128xi32, #tpu.memory_space<vmem>> -> memref<40x128xi32, #tpu.memory_space<vmem>>
        %dma_start3A_85 = arith.constant 0 : i32
        %dma_start3A_86 = tpu.memref_slice %arg4[%add3A_36, %dma_start3A_85] : memref<2560x128xi32, #tpu.memory_space<hbm>> -> memref<40x128xi32, #tpu.memory_space<hbm>>
        tpu.enqueue_dma source(%dma_start3A_86 : memref<40x128xi32, #tpu.memory_space<hbm>>) target(%dma_start3A_84 : memref<40x128xi32, #tpu.memory_space<vmem>>) target_semaphore(%run_scoped3A : memref<!tpu.dma_semaphore, #tpu.memory_space<semaphore_mem>>)
        %dma_wait3A = arith.constant 0 : i32
        %dma_wait3A_87 = arith.constant 0 : i32
        %dma_wait3A_88 = tpu.memref_slice %arg8[%dma_wait3A, %dma_wait3A_87] : memref<40x128xi32, #tpu.memory_space<vmem>> -> memref<40x128xi32, #tpu.memory_space<vmem>>
        %dma_wait3A_89 = arith.constant 0 : i32
        %dma_wait3A_90 = tpu.memref_slice %arg4[%add3A_36, %dma_wait3A_89] : memref<2560x128xi32, #tpu.memory_space<hbm>> -> memref<40x128xi32, #tpu.memory_space<hbm>>
        %dma_wait3A_91 = arith.constant 0 : i32
        %dma_wait3A_92 = arith.constant 0 : i32
        %dma_wait3A_93 = tpu.memref_slice %arg8[%dma_wait3A_91, %dma_wait3A_92] : memref<40x128xi32, #tpu.memory_space<vmem>> -> memref<40x128xi32, #tpu.memory_space<vmem>>
        %dma_wait3A_94 = arith.constant 0 : i32
        %dma_wait3A_95 = tpu.memref_slice %arg4[%add3A_36, %dma_wait3A_94] : memref<2560x128xi32, #tpu.memory_space<hbm>> -> memref<40x128xi32, #tpu.memory_space<hbm>>
        tpu.wait_dma2 semaphore(%run_scoped3A : memref<!tpu.dma_semaphore, #tpu.memory_space<semaphore_mem>>) src(%dma_wait3A_95 : memref<40x128xi32, #tpu.memory_space<hbm>>) dst(%dma_wait3A_93 : memref<40x128xi32, #tpu.memory_space<vmem>>)
        tpu.yield
      }) : () -> ()
      "tpu.region"() ({
        %run_scoped3A = tpu.sem_alloc : memref<!tpu.dma_semaphore, #tpu.memory_space<semaphore_mem>>
        %dma_start3A_77 = arith.constant 0 : i32
        %dma_start3A_78 = arith.constant 0 : i32
        %dma_start3A_79 = tpu.memref_slice %arg9[%dma_start3A_77, %dma_start3A_78] : memref<40x128xi32, #tpu.memory_space<vmem>> -> memref<40x128xi32, #tpu.memory_space<vmem>>
        %dma_start3A_80 = arith.constant 0 : i32
        %dma_start3A_81 = tpu.memref_slice %arg5[%add3A_36, %dma_start3A_80] : memref<2560x128xi32, #tpu.memory_space<hbm>> -> memref<40x128xi32, #tpu.memory_space<hbm>>
        %dma_start3A_82 = arith.constant 0 : i32
        %dma_start3A_83 = arith.constant 0 : i32
        %dma_start3A_84 = tpu.memref_slice %arg9[%dma_start3A_82, %dma_start3A_83] : memref<40x128xi32, #tpu.memory_space<vmem>> -> memref<40x128xi32, #tpu.memory_space<vmem>>
        %dma_start3A_85 = arith.constant 0 : i32
        %dma_start3A_86 = tpu.memref_slice %arg5[%add3A_36, %dma_start3A_85] : memref<2560x128xi32, #tpu.memory_space<hbm>> -> memref<40x128xi32, #tpu.memory_space<hbm>>
        tpu.enqueue_dma source(%dma_start3A_86 : memref<40x128xi32, #tpu.memory_space<hbm>>) target(%dma_start3A_84 : memref<40x128xi32, #tpu.memory_space<vmem>>) target_semaphore(%run_scoped3A : memref<!tpu.dma_semaphore, #tpu.memory_space<semaphore_mem>>)
        %dma_wait3A = arith.constant 0 : i32
        %dma_wait3A_87 = arith.constant 0 : i32
        %dma_wait3A_88 = tpu.memref_slice %arg9[%dma_wait3A, %dma_wait3A_87] : memref<40x128xi32, #tpu.memory_space<vmem>> -> memref<40x128xi32, #tpu.memory_space<vmem>>
        %dma_wait3A_89 = arith.constant 0 : i32
        %dma_wait3A_90 = tpu.memref_slice %arg5[%add3A_36, %dma_wait3A_89] : memref<2560x128xi32, #tpu.memory_space<hbm>> -> memref<40x128xi32, #tpu.memory_space<hbm>>
        %dma_wait3A_91 = arith.constant 0 : i32
        %dma_wait3A_92 = arith.constant 0 : i32
        %dma_wait3A_93 = tpu.memref_slice %arg9[%dma_wait3A_91, %dma_wait3A_92] : memref<40x128xi32, #tpu.memory_space<vmem>> -> memref<40x128xi32, #tpu.memory_space<vmem>>
        %dma_wait3A_94 = arith.constant 0 : i32
        %dma_wait3A_95 = tpu.memref_slice %arg5[%add3A_36, %dma_wait3A_94] : memref<2560x128xi32, #tpu.memory_space<hbm>> -> memref<40x128xi32, #tpu.memory_space<hbm>>
        tpu.wait_dma2 semaphore(%run_scoped3A : memref<!tpu.dma_semaphore, #tpu.memory_space<semaphore_mem>>) src(%dma_wait3A_95 : memref<40x128xi32, #tpu.memory_space<hbm>>) dst(%dma_wait3A_93 : memref<40x128xi32, #tpu.memory_space<vmem>>)
        tpu.yield
      }) : () -> ()
      %dma_start3A_37 = arith.constant 0 : i32
      %dma_start3A_38 = arith.constant 0 : i32
      %dma_start3A_39 = tpu.memref_slice %arg8[%dma_start3A_37, %dma_start3A_38] : memref<40x128xi32, #tpu.memory_space<vmem>> -> memref<1x128xi32, #tpu.memory_space<vmem>>
      %dma_start3A_40 = tpu.memref_squeeze %dma_start3A_39 : memref<1x128xi32, #tpu.memory_space<vmem>> -> memref<128xi32, #tpu.memory_space<vmem>>
      %dma_start3A_41 = arith.constant 0 : i32
      %dma_start3A_42 = arith.constant 0 : i32
      %dma_start3A_43 = tpu.memref_slice %arg2[%dma_start3A_41, %dma_start3A_42] : memref<10000x128xf32, #tpu.memory_space<hbm>> -> memref<10000x128xf32, #tpu.memory_space<hbm>>
      tpu.enqueue_indirect_dma source(%dma_start3A_43 : memref<10000x128xf32, #tpu.memory_space<hbm>>) target(%arg10 : memref<128x128xf32, #tpu.memory_space<vmem>>) offsets(%dma_start3A_40 : memref<128xi32, #tpu.memory_space<vmem>>) semaphore(%arg13 : memref<!tpu.dma_semaphore, #tpu.memory_space<semaphore_mem>>)
      %dma_start3A_44 = arith.constant 1 : i32
      %dma_start3A_45 = arith.constant 0 : i32
      %dma_start3A_46 = tpu.memref_slice %arg8[%dma_start3A_44, %dma_start3A_45] : memref<40x128xi32, #tpu.memory_space<vmem>> -> memref<1x128xi32, #tpu.memory_space<vmem>>
      %dma_start3A_47 = tpu.memref_squeeze %dma_start3A_46 : memref<1x128xi32, #tpu.memory_space<vmem>> -> memref<128xi32, #tpu.memory_space<vmem>>
      %dma_start3A_48 = arith.constant 0 : i32
      %dma_start3A_49 = arith.constant 0 : i32
      %dma_start3A_50 = tpu.memref_slice %arg2[%dma_start3A_48, %dma_start3A_49] : memref<10000x128xf32, #tpu.memory_space<hbm>> -> memref<10000x128xf32, #tpu.memory_space<hbm>>
      tpu.enqueue_indirect_dma source(%dma_start3A_50 : memref<10000x128xf32, #tpu.memory_space<hbm>>) target(%arg11 : memref<128x128xf32, #tpu.memory_space<vmem>>) offsets(%dma_start3A_47 : memref<128xi32, #tpu.memory_space<vmem>>) semaphore(%arg14 : memref<!tpu.dma_semaphore, #tpu.memory_space<semaphore_mem>>)
      %scan3A_51 = arith.constant 0 : i32
      %scan3A_52 = arith.constant 20 : i32
      %scan3A_53 = arith.addi %scan3A_51, %scan3A_52 : i32
      %scan3A_54 = arith.constant 1 : i32
      scf.for %scan3A_77 = %scan3A_51 to %scan3A_53 step %scan3A_54  : i32 {
        %mul3A_78 = arith.constant 2 : i32
        %mul3A_79 = arith.muli %scan3A_77, %mul3A_78 : i32
        %add3A_80 = arith.constant 0 : i32
        %add3A_81 = arith.addi %mul3A_79, %add3A_80 : i32
        %dma_wait3A = arith.constant 0 : i32
        %dma_wait3A_82 = tpu.memref_slice %arg8[%add3A_81, %dma_wait3A] : memref<40x128xi32, #tpu.memory_space<vmem>> -> memref<1x128xi32, #tpu.memory_space<vmem>>
        %dma_wait3A_83 = tpu.memref_squeeze %dma_wait3A_82 : memref<1x128xi32, #tpu.memory_space<vmem>> -> memref<128xi32, #tpu.memory_space<vmem>>
        %dma_wait3A_84 = arith.constant 0 : i32
        %dma_wait3A_85 = arith.constant 0 : i32
        %dma_wait3A_86 = tpu.memref_slice %arg2[%dma_wait3A_84, %dma_wait3A_85] : memref<10000x128xf32, #tpu.memory_space<hbm>> -> memref<10000x128xf32, #tpu.memory_space<hbm>>
        tpu.wait_indirect_dma semaphore(%arg13 : memref<!tpu.dma_semaphore, #tpu.memory_space<semaphore_mem>>) src(%dma_wait3A_86 : memref<10000x128xf32, #tpu.memory_space<hbm>>) dst(%arg10 : memref<128x128xf32, #tpu.memory_space<vmem>>)
        "tpu.region"() ({
          %run_scoped3A = tpu.sem_alloc : memref<!tpu.dma_semaphore, #tpu.memory_space<semaphore_mem>>
          %dma_start3A_110 = arith.constant 0 : i32
          %dma_start3A_111 = tpu.memref_slice %arg9[%add3A_81, %dma_start3A_110] : memref<40x128xi32, #tpu.memory_space<vmem>> -> memref<1x128xi32, #tpu.memory_space<vmem>>
          %dma_start3A_112 = tpu.memref_squeeze %dma_start3A_111 : memref<1x128xi32, #tpu.memory_space<vmem>> -> memref<128xi32, #tpu.memory_space<vmem>>
          %dma_start3A_113 = arith.constant 0 : i32
          %dma_start3A_114 = arith.constant 0 : i32
          %dma_start3A_115 = tpu.memref_slice %arg12[%dma_start3A_113, %dma_start3A_114] : memref<10112x128xf32, #tpu.memory_space<vmem_shared>> -> memref<10112x128xf32, #tpu.memory_space<vmem_shared>>
          tpu.enqueue_indirect_dma source(%arg10 : memref<128x128xf32, #tpu.memory_space<vmem>>) target(%dma_start3A_115 : memref<10112x128xf32, #tpu.memory_space<vmem_shared>>) offsets(%dma_start3A_112 : memref<128xi32, #tpu.memory_space<vmem>>) semaphore(%run_scoped3A : memref<!tpu.dma_semaphore, #tpu.memory_space<semaphore_mem>>) {add = true}
          %dma_wait3A_116 = arith.constant 0 : i32
          %dma_wait3A_117 = tpu.memref_slice %arg9[%add3A_81, %dma_wait3A_116] : memref<40x128xi32, #tpu.memory_space<vmem>> -> memref<1x128xi32, #tpu.memory_space<vmem>>
          %dma_wait3A_118 = tpu.memref_squeeze %dma_wait3A_117 : memref<1x128xi32, #tpu.memory_space<vmem>> -> memref<128xi32, #tpu.memory_space<vmem>>
          %dma_wait3A_119 = arith.constant 0 : i32
          %dma_wait3A_120 = arith.constant 0 : i32
          %dma_wait3A_121 = tpu.memref_slice %arg12[%dma_wait3A_119, %dma_wait3A_120] : memref<10112x128xf32, #tpu.memory_space<vmem_shared>> -> memref<10112x128xf32, #tpu.memory_space<vmem_shared>>
          tpu.wait_indirect_dma semaphore(%run_scoped3A : memref<!tpu.dma_semaphore, #tpu.memory_space<semaphore_mem>>) src(%arg10 : memref<128x128xf32, #tpu.memory_space<vmem>>) dst(%dma_wait3A_121 : memref<10112x128xf32, #tpu.memory_space<vmem_shared>>)
          tpu.yield
        }) : () -> ()
        %add3A_87 = arith.constant 2 : i32
        %add3A_88 = arith.addi %add3A_81, %add3A_87 : i32
        %lt3A = arith.constant 40 : i32
        %lt3A_89 = arith.cmpi slt, %add3A_88, %lt3A : i32
        %convert_element_type3A_90 = arith.extui %lt3A_89 : i1 to i32
        %cond3A_91 = arith.constant 0 : i32
        %cond3A_92 = arith.cmpi ne, %convert_element_type3A_90, %cond3A_91 : i32
        scf.if %cond3A_92 {
          %add3A_110 = arith.constant 2 : i32
          %add3A_111 = arith.addi %add3A_81, %add3A_110 : i32
          %dma_start3A_112 = arith.constant 0 : i32
          %dma_start3A_113 = tpu.memref_slice %arg8[%add3A_111, %dma_start3A_112] : memref<40x128xi32, #tpu.memory_space<vmem>> -> memref<1x128xi32, #tpu.memory_space<vmem>>
          %dma_start3A_114 = tpu.memref_squeeze %dma_start3A_113 : memref<1x128xi32, #tpu.memory_space<vmem>> -> memref<128xi32, #tpu.memory_space<vmem>>
          %dma_start3A_115 = arith.constant 0 : i32
          %dma_start3A_116 = arith.constant 0 : i32
          %dma_start3A_117 = tpu.memref_slice %arg2[%dma_start3A_115, %dma_start3A_116] : memref<10000x128xf32, #tpu.memory_space<hbm>> -> memref<10000x128xf32, #tpu.memory_space<hbm>>
          tpu.enqueue_indirect_dma source(%dma_start3A_117 : memref<10000x128xf32, #tpu.memory_space<hbm>>) target(%arg10 : memref<128x128xf32, #tpu.memory_space<vmem>>) offsets(%dma_start3A_114 : memref<128xi32, #tpu.memory_space<vmem>>) semaphore(%arg13 : memref<!tpu.dma_semaphore, #tpu.memory_space<semaphore_mem>>)
        } else {
        }
        %mul3A_93 = arith.constant 2 : i32
        %mul3A_94 = arith.muli %scan3A_77, %mul3A_93 : i32
        %add3A_95 = arith.constant 1 : i32
        %add3A_96 = arith.addi %mul3A_94, %add3A_95 : i32
        %dma_wait3A_97 = arith.constant 0 : i32
        %dma_wait3A_98 = tpu.memref_slice %arg8[%add3A_96, %dma_wait3A_97] : memref<40x128xi32, #tpu.memory_space<vmem>> -> memref<1x128xi32, #tpu.memory_space<vmem>>
        %dma_wait3A_99 = tpu.memref_squeeze %dma_wait3A_98 : memref<1x128xi32, #tpu.memory_space<vmem>> -> memref<128xi32, #tpu.memory_space<vmem>>
        %dma_wait3A_100 = arith.constant 0 : i32
        %dma_wait3A_101 = arith.constant 0 : i32
        %dma_wait3A_102 = tpu.memref_slice %arg2[%dma_wait3A_100, %dma_wait3A_101] : memref<10000x128xf32, #tpu.memory_space<hbm>> -> memref<10000x128xf32, #tpu.memory_space<hbm>>
        tpu.wait_indirect_dma semaphore(%arg14 : memref<!tpu.dma_semaphore, #tpu.memory_space<semaphore_mem>>) src(%dma_wait3A_102 : memref<10000x128xf32, #tpu.memory_space<hbm>>) dst(%arg11 : memref<128x128xf32, #tpu.memory_space<vmem>>)
        "tpu.region"() ({
          %run_scoped3A = tpu.sem_alloc : memref<!tpu.dma_semaphore, #tpu.memory_space<semaphore_mem>>
          %dma_start3A_110 = arith.constant 0 : i32
          %dma_start3A_111 = tpu.memref_slice %arg9[%add3A_96, %dma_start3A_110] : memref<40x128xi32, #tpu.memory_space<vmem>> -> memref<1x128xi32, #tpu.memory_space<vmem>>
          %dma_start3A_112 = tpu.memref_squeeze %dma_start3A_111 : memref<1x128xi32, #tpu.memory_space<vmem>> -> memref<128xi32, #tpu.memory_space<vmem>>
          %dma_start3A_113 = arith.constant 0 : i32
          %dma_start3A_114 = arith.constant 0 : i32
          %dma_start3A_115 = tpu.memref_slice %arg12[%dma_start3A_113, %dma_start3A_114] : memref<10112x128xf32, #tpu.memory_space<vmem_shared>> -> memref<10112x128xf32, #tpu.memory_space<vmem_shared>>
          tpu.enqueue_indirect_dma source(%arg11 : memref<128x128xf32, #tpu.memory_space<vmem>>) target(%dma_start3A_115 : memref<10112x128xf32, #tpu.memory_space<vmem_shared>>) offsets(%dma_start3A_112 : memref<128xi32, #tpu.memory_space<vmem>>) semaphore(%run_scoped3A : memref<!tpu.dma_semaphore, #tpu.memory_space<semaphore_mem>>) {add = true}
          %dma_wait3A_116 = arith.constant 0 : i32
          %dma_wait3A_117 = tpu.memref_slice %arg9[%add3A_96, %dma_wait3A_116] : memref<40x128xi32, #tpu.memory_space<vmem>> -> memref<1x128xi32, #tpu.memory_space<vmem>>
          %dma_wait3A_118 = tpu.memref_squeeze %dma_wait3A_117 : memref<1x128xi32, #tpu.memory_space<vmem>> -> memref<128xi32, #tpu.memory_space<vmem>>
          %dma_wait3A_119 = arith.constant 0 : i32
          %dma_wait3A_120 = arith.constant 0 : i32
          %dma_wait3A_121 = tpu.memref_slice %arg12[%dma_wait3A_119, %dma_wait3A_120] : memref<10112x128xf32, #tpu.memory_space<vmem_shared>> -> memref<10112x128xf32, #tpu.memory_space<vmem_shared>>
          tpu.wait_indirect_dma semaphore(%run_scoped3A : memref<!tpu.dma_semaphore, #tpu.memory_space<semaphore_mem>>) src(%arg11 : memref<128x128xf32, #tpu.memory_space<vmem>>) dst(%dma_wait3A_121 : memref<10112x128xf32, #tpu.memory_space<vmem_shared>>)
          tpu.yield
        }) : () -> ()
        %add3A_103 = arith.constant 2 : i32
        %add3A_104 = arith.addi %add3A_96, %add3A_103 : i32
        %lt3A_105 = arith.constant 40 : i32
        %lt3A_106 = arith.cmpi slt, %add3A_104, %lt3A_105 : i32
        %convert_element_type3A_107 = arith.extui %lt3A_106 : i1 to i32
        %cond3A_108 = arith.constant 0 : i32
        %cond3A_109 = arith.cmpi ne, %convert_element_type3A_107, %cond3A_108 : i32
        scf.if %cond3A_109 {
          %add3A_110 = arith.constant 2 : i32
          %add3A_111 = arith.addi %add3A_96, %add3A_110 : i32
          %dma_start3A_112 = arith.constant 0 : i32
          %dma_start3A_113 = tpu.memref_slice %arg8[%add3A_111, %dma_start3A_112] : memref<40x128xi32, #tpu.memory_space<vmem>> -> memref<1x128xi32, #tpu.memory_space<vmem>>
          %dma_start3A_114 = tpu.memref_squeeze %dma_start3A_113 : memref<1x128xi32, #tpu.memory_space<vmem>> -> memref<128xi32, #tpu.memory_space<vmem>>
          %dma_start3A_115 = arith.constant 0 : i32
          %dma_start3A_116 = arith.constant 0 : i32
          %dma_start3A_117 = tpu.memref_slice %arg2[%dma_start3A_115, %dma_start3A_116] : memref<10000x128xf32, #tpu.memory_space<hbm>> -> memref<10000x128xf32, #tpu.memory_space<hbm>>
          tpu.enqueue_indirect_dma source(%dma_start3A_117 : memref<10000x128xf32, #tpu.memory_space<hbm>>) target(%arg11 : memref<128x128xf32, #tpu.memory_space<vmem>>) offsets(%dma_start3A_114 : memref<128xi32, #tpu.memory_space<vmem>>) semaphore(%arg14 : memref<!tpu.dma_semaphore, #tpu.memory_space<semaphore_mem>>)
        } else {
        }
      }
      %scan3A_55 = arith.constant 20 : i32
      %add3A_56 = arith.constant 80 : i32
      %add3A_57 = arith.addi %mul3A_16, %add3A_56 : i32
      "tpu.region"() ({
        %run_scoped3A = tpu.sem_alloc : memref<!tpu.dma_semaphore, #tpu.memory_space<semaphore_mem>>
        %dma_start3A_77 = arith.constant 0 : i32
        %dma_start3A_78 = arith.constant 0 : i32
        %dma_start3A_79 = tpu.memref_slice %arg8[%dma_start3A_77, %dma_start3A_78] : memref<40x128xi32, #tpu.memory_space<vmem>> -> memref<40x128xi32, #tpu.memory_space<vmem>>
        %dma_start3A_80 = arith.constant 0 : i32
        %dma_start3A_81 = tpu.memref_slice %arg4[%add3A_57, %dma_start3A_80] : memref<2560x128xi32, #tpu.memory_space<hbm>> -> memref<40x128xi32, #tpu.memory_space<hbm>>
        %dma_start3A_82 = arith.constant 0 : i32
        %dma_start3A_83 = arith.constant 0 : i32
        %dma_start3A_84 = tpu.memref_slice %arg8[%dma_start3A_82, %dma_start3A_83] : memref<40x128xi32, #tpu.memory_space<vmem>> -> memref<40x128xi32, #tpu.memory_space<vmem>>
        %dma_start3A_85 = arith.constant 0 : i32
        %dma_start3A_86 = tpu.memref_slice %arg4[%add3A_57, %dma_start3A_85] : memref<2560x128xi32, #tpu.memory_space<hbm>> -> memref<40x128xi32, #tpu.memory_space<hbm>>
        tpu.enqueue_dma source(%dma_start3A_86 : memref<40x128xi32, #tpu.memory_space<hbm>>) target(%dma_start3A_84 : memref<40x128xi32, #tpu.memory_space<vmem>>) target_semaphore(%run_scoped3A : memref<!tpu.dma_semaphore, #tpu.memory_space<semaphore_mem>>)
        %dma_wait3A = arith.constant 0 : i32
        %dma_wait3A_87 = arith.constant 0 : i32
        %dma_wait3A_88 = tpu.memref_slice %arg8[%dma_wait3A, %dma_wait3A_87] : memref<40x128xi32, #tpu.memory_space<vmem>> -> memref<40x128xi32, #tpu.memory_space<vmem>>
        %dma_wait3A_89 = arith.constant 0 : i32
        %dma_wait3A_90 = tpu.memref_slice %arg4[%add3A_57, %dma_wait3A_89] : memref<2560x128xi32, #tpu.memory_space<hbm>> -> memref<40x128xi32, #tpu.memory_space<hbm>>
        %dma_wait3A_91 = arith.constant 0 : i32
        %dma_wait3A_92 = arith.constant 0 : i32
        %dma_wait3A_93 = tpu.memref_slice %arg8[%dma_wait3A_91, %dma_wait3A_92] : memref<40x128xi32, #tpu.memory_space<vmem>> -> memref<40x128xi32, #tpu.memory_space<vmem>>
        %dma_wait3A_94 = arith.constant 0 : i32
        %dma_wait3A_95 = tpu.memref_slice %arg4[%add3A_57, %dma_wait3A_94] : memref<2560x128xi32, #tpu.memory_space<hbm>> -> memref<40x128xi32, #tpu.memory_space<hbm>>
        tpu.wait_dma2 semaphore(%run_scoped3A : memref<!tpu.dma_semaphore, #tpu.memory_space<semaphore_mem>>) src(%dma_wait3A_95 : memref<40x128xi32, #tpu.memory_space<hbm>>) dst(%dma_wait3A_93 : memref<40x128xi32, #tpu.memory_space<vmem>>)
        tpu.yield
      }) : () -> ()
      "tpu.region"() ({
        %run_scoped3A = tpu.sem_alloc : memref<!tpu.dma_semaphore, #tpu.memory_space<semaphore_mem>>
        %dma_start3A_77 = arith.constant 0 : i32
        %dma_start3A_78 = arith.constant 0 : i32
        %dma_start3A_79 = tpu.memref_slice %arg9[%dma_start3A_77, %dma_start3A_78] : memref<40x128xi32, #tpu.memory_space<vmem>> -> memref<40x128xi32, #tpu.memory_space<vmem>>
        %dma_start3A_80 = arith.constant 0 : i32
        %dma_start3A_81 = tpu.memref_slice %arg5[%add3A_57, %dma_start3A_80] : memref<2560x128xi32, #tpu.memory_space<hbm>> -> memref<40x128xi32, #tpu.memory_space<hbm>>
        %dma_start3A_82 = arith.constant 0 : i32
        %dma_start3A_83 = arith.constant 0 : i32
        %dma_start3A_84 = tpu.memref_slice %arg9[%dma_start3A_82, %dma_start3A_83] : memref<40x128xi32, #tpu.memory_space<vmem>> -> memref<40x128xi32, #tpu.memory_space<vmem>>
        %dma_start3A_85 = arith.constant 0 : i32
        %dma_start3A_86 = tpu.memref_slice %arg5[%add3A_57, %dma_start3A_85] : memref<2560x128xi32, #tpu.memory_space<hbm>> -> memref<40x128xi32, #tpu.memory_space<hbm>>
        tpu.enqueue_dma source(%dma_start3A_86 : memref<40x128xi32, #tpu.memory_space<hbm>>) target(%dma_start3A_84 : memref<40x128xi32, #tpu.memory_space<vmem>>) target_semaphore(%run_scoped3A : memref<!tpu.dma_semaphore, #tpu.memory_space<semaphore_mem>>)
        %dma_wait3A = arith.constant 0 : i32
        %dma_wait3A_87 = arith.constant 0 : i32
        %dma_wait3A_88 = tpu.memref_slice %arg9[%dma_wait3A, %dma_wait3A_87] : memref<40x128xi32, #tpu.memory_space<vmem>> -> memref<40x128xi32, #tpu.memory_space<vmem>>
        %dma_wait3A_89 = arith.constant 0 : i32
        %dma_wait3A_90 = tpu.memref_slice %arg5[%add3A_57, %dma_wait3A_89] : memref<2560x128xi32, #tpu.memory_space<hbm>> -> memref<40x128xi32, #tpu.memory_space<hbm>>
        %dma_wait3A_91 = arith.constant 0 : i32
        %dma_wait3A_92 = arith.constant 0 : i32
        %dma_wait3A_93 = tpu.memref_slice %arg9[%dma_wait3A_91, %dma_wait3A_92] : memref<40x128xi32, #tpu.memory_space<vmem>> -> memref<40x128xi32, #tpu.memory_space<vmem>>
        %dma_wait3A_94 = arith.constant 0 : i32
        %dma_wait3A_95 = tpu.memref_slice %arg5[%add3A_57, %dma_wait3A_94] : memref<2560x128xi32, #tpu.memory_space<hbm>> -> memref<40x128xi32, #tpu.memory_space<hbm>>
        tpu.wait_dma2 semaphore(%run_scoped3A : memref<!tpu.dma_semaphore, #tpu.memory_space<semaphore_mem>>) src(%dma_wait3A_95 : memref<40x128xi32, #tpu.memory_space<hbm>>) dst(%dma_wait3A_93 : memref<40x128xi32, #tpu.memory_space<vmem>>)
        tpu.yield
      }) : () -> ()
      %dma_start3A_58 = arith.constant 0 : i32
      %dma_start3A_59 = arith.constant 0 : i32
      %dma_start3A_60 = tpu.memref_slice %arg8[%dma_start3A_58, %dma_start3A_59] : memref<40x128xi32, #tpu.memory_space<vmem>> -> memref<1x128xi32, #tpu.memory_space<vmem>>
      %dma_start3A_61 = tpu.memref_squeeze %dma_start3A_60 : memref<1x128xi32, #tpu.memory_space<vmem>> -> memref<128xi32, #tpu.memory_space<vmem>>
      %dma_start3A_62 = arith.constant 0 : i32
      %dma_start3A_63 = arith.constant 0 : i32
      %dma_start3A_64 = tpu.memref_slice %arg2[%dma_start3A_62, %dma_start3A_63] : memref<10000x128xf32, #tpu.memory_space<hbm>> -> memref<10000x128xf32, #tpu.memory_space<hbm>>
      tpu.enqueue_indirect_dma source(%dma_start3A_64 : memref<10000x128xf32, #tpu.memory_space<hbm>>) target(%arg10 : memref<128x128xf32, #tpu.memory_space<vmem>>) offsets(%dma_start3A_61 : memref<128xi32, #tpu.memory_space<vmem>>) semaphore(%arg13 : memref<!tpu.dma_semaphore, #tpu.memory_space<semaphore_mem>>)
      %dma_start3A_65 = arith.constant 1 : i32
      %dma_start3A_66 = arith.constant 0 : i32
      %dma_start3A_67 = tpu.memref_slice %arg8[%dma_start3A_65, %dma_start3A_66] : memref<40x128xi32, #tpu.memory_space<vmem>> -> memref<1x128xi32, #tpu.memory_space<vmem>>
      %dma_start3A_68 = tpu.memref_squeeze %dma_start3A_67 : memref<1x128xi32, #tpu.memory_space<vmem>> -> memref<128xi32, #tpu.memory_space<vmem>>
      %dma_start3A_69 = arith.constant 0 : i32
      %dma_start3A_70 = arith.constant 0 : i32
      %dma_start3A_71 = tpu.memref_slice %arg2[%dma_start3A_69, %dma_start3A_70] : memref<10000x128xf32, #tpu.memory_space<hbm>> -> memref<10000x128xf32, #tpu.memory_space<hbm>>
      tpu.enqueue_indirect_dma source(%dma_start3A_71 : memref<10000x128xf32, #tpu.memory_space<hbm>>) target(%arg11 : memref<128x128xf32, #tpu.memory_space<vmem>>) offsets(%dma_start3A_68 : memref<128xi32, #tpu.memory_space<vmem>>) semaphore(%arg14 : memref<!tpu.dma_semaphore, #tpu.memory_space<semaphore_mem>>)
      %scan3A_72 = arith.constant 0 : i32
      %scan3A_73 = arith.constant 20 : i32
      %scan3A_74 = arith.addi %scan3A_72, %scan3A_73 : i32
      %scan3A_75 = arith.constant 1 : i32
      scf.for %scan3A_77 = %scan3A_72 to %scan3A_74 step %scan3A_75  : i32 {
        %mul3A_78 = arith.constant 2 : i32
        %mul3A_79 = arith.muli %scan3A_77, %mul3A_78 : i32
        %add3A_80 = arith.constant 0 : i32
        %add3A_81 = arith.addi %mul3A_79, %add3A_80 : i32
        %dma_wait3A = arith.constant 0 : i32
        %dma_wait3A_82 = tpu.memref_slice %arg8[%add3A_81, %dma_wait3A] : memref<40x128xi32, #tpu.memory_space<vmem>> -> memref<1x128xi32, #tpu.memory_space<vmem>>
        %dma_wait3A_83 = tpu.memref_squeeze %dma_wait3A_82 : memref<1x128xi32, #tpu.memory_space<vmem>> -> memref<128xi32, #tpu.memory_space<vmem>>
        %dma_wait3A_84 = arith.constant 0 : i32
        %dma_wait3A_85 = arith.constant 0 : i32
        %dma_wait3A_86 = tpu.memref_slice %arg2[%dma_wait3A_84, %dma_wait3A_85] : memref<10000x128xf32, #tpu.memory_space<hbm>> -> memref<10000x128xf32, #tpu.memory_space<hbm>>
        tpu.wait_indirect_dma semaphore(%arg13 : memref<!tpu.dma_semaphore, #tpu.memory_space<semaphore_mem>>) src(%dma_wait3A_86 : memref<10000x128xf32, #tpu.memory_space<hbm>>) dst(%arg10 : memref<128x128xf32, #tpu.memory_space<vmem>>)
        "tpu.region"() ({
          %run_scoped3A = tpu.sem_alloc : memref<!tpu.dma_semaphore, #tpu.memory_space<semaphore_mem>>
          %dma_start3A_110 = arith.constant 0 : i32
          %dma_start3A_111 = tpu.memref_slice %arg9[%add3A_81, %dma_start3A_110] : memref<40x128xi32, #tpu.memory_space<vmem>> -> memref<1x128xi32, #tpu.memory_space<vmem>>
          %dma_start3A_112 = tpu.memref_squeeze %dma_start3A_111 : memref<1x128xi32, #tpu.memory_space<vmem>> -> memref<128xi32, #tpu.memory_space<vmem>>
          %dma_start3A_113 = arith.constant 0 : i32
          %dma_start3A_114 = arith.constant 0 : i32
          %dma_start3A_115 = tpu.memref_slice %arg12[%dma_start3A_113, %dma_start3A_114] : memref<10112x128xf32, #tpu.memory_space<vmem_shared>> -> memref<10112x128xf32, #tpu.memory_space<vmem_shared>>
          tpu.enqueue_indirect_dma source(%arg10 : memref<128x128xf32, #tpu.memory_space<vmem>>) target(%dma_start3A_115 : memref<10112x128xf32, #tpu.memory_space<vmem_shared>>) offsets(%dma_start3A_112 : memref<128xi32, #tpu.memory_space<vmem>>) semaphore(%run_scoped3A : memref<!tpu.dma_semaphore, #tpu.memory_space<semaphore_mem>>) {add = true}
          %dma_wait3A_116 = arith.constant 0 : i32
          %dma_wait3A_117 = tpu.memref_slice %arg9[%add3A_81, %dma_wait3A_116] : memref<40x128xi32, #tpu.memory_space<vmem>> -> memref<1x128xi32, #tpu.memory_space<vmem>>
          %dma_wait3A_118 = tpu.memref_squeeze %dma_wait3A_117 : memref<1x128xi32, #tpu.memory_space<vmem>> -> memref<128xi32, #tpu.memory_space<vmem>>
          %dma_wait3A_119 = arith.constant 0 : i32
          %dma_wait3A_120 = arith.constant 0 : i32
          %dma_wait3A_121 = tpu.memref_slice %arg12[%dma_wait3A_119, %dma_wait3A_120] : memref<10112x128xf32, #tpu.memory_space<vmem_shared>> -> memref<10112x128xf32, #tpu.memory_space<vmem_shared>>
          tpu.wait_indirect_dma semaphore(%run_scoped3A : memref<!tpu.dma_semaphore, #tpu.memory_space<semaphore_mem>>) src(%arg10 : memref<128x128xf32, #tpu.memory_space<vmem>>) dst(%dma_wait3A_121 : memref<10112x128xf32, #tpu.memory_space<vmem_shared>>)
          tpu.yield
        }) : () -> ()
        %add3A_87 = arith.constant 2 : i32
        %add3A_88 = arith.addi %add3A_81, %add3A_87 : i32
        %lt3A = arith.constant 40 : i32
        %lt3A_89 = arith.cmpi slt, %add3A_88, %lt3A : i32
        %convert_element_type3A_90 = arith.extui %lt3A_89 : i1 to i32
        %cond3A_91 = arith.constant 0 : i32
        %cond3A_92 = arith.cmpi ne, %convert_element_type3A_90, %cond3A_91 : i32
        scf.if %cond3A_92 {
          %add3A_110 = arith.constant 2 : i32
          %add3A_111 = arith.addi %add3A_81, %add3A_110 : i32
          %dma_start3A_112 = arith.constant 0 : i32
          %dma_start3A_113 = tpu.memref_slice %arg8[%add3A_111, %dma_start3A_112] : memref<40x128xi32, #tpu.memory_space<vmem>> -> memref<1x128xi32, #tpu.memory_space<vmem>>
          %dma_start3A_114 = tpu.memref_squeeze %dma_start3A_113 : memref<1x128xi32, #tpu.memory_space<vmem>> -> memref<128xi32, #tpu.memory_space<vmem>>
          %dma_start3A_115 = arith.constant 0 : i32
          %dma_start3A_116 = arith.constant 0 : i32
          %dma_start3A_117 = tpu.memref_slice %arg2[%dma_start3A_115, %dma_start3A_116] : memref<10000x128xf32, #tpu.memory_space<hbm>> -> memref<10000x128xf32, #tpu.memory_space<hbm>>
          tpu.enqueue_indirect_dma source(%dma_start3A_117 : memref<10000x128xf32, #tpu.memory_space<hbm>>) target(%arg10 : memref<128x128xf32, #tpu.memory_space<vmem>>) offsets(%dma_start3A_114 : memref<128xi32, #tpu.memory_space<vmem>>) semaphore(%arg13 : memref<!tpu.dma_semaphore, #tpu.memory_space<semaphore_mem>>)
        } else {
        }
        %mul3A_93 = arith.constant 2 : i32
        %mul3A_94 = arith.muli %scan3A_77, %mul3A_93 : i32
        %add3A_95 = arith.constant 1 : i32
        %add3A_96 = arith.addi %mul3A_94, %add3A_95 : i32
        %dma_wait3A_97 = arith.constant 0 : i32
        %dma_wait3A_98 = tpu.memref_slice %arg8[%add3A_96, %dma_wait3A_97] : memref<40x128xi32, #tpu.memory_space<vmem>> -> memref<1x128xi32, #tpu.memory_space<vmem>>
        %dma_wait3A_99 = tpu.memref_squeeze %dma_wait3A_98 : memref<1x128xi32, #tpu.memory_space<vmem>> -> memref<128xi32, #tpu.memory_space<vmem>>
        %dma_wait3A_100 = arith.constant 0 : i32
        %dma_wait3A_101 = arith.constant 0 : i32
        %dma_wait3A_102 = tpu.memref_slice %arg2[%dma_wait3A_100, %dma_wait3A_101] : memref<10000x128xf32, #tpu.memory_space<hbm>> -> memref<10000x128xf32, #tpu.memory_space<hbm>>
        tpu.wait_indirect_dma semaphore(%arg14 : memref<!tpu.dma_semaphore, #tpu.memory_space<semaphore_mem>>) src(%dma_wait3A_102 : memref<10000x128xf32, #tpu.memory_space<hbm>>) dst(%arg11 : memref<128x128xf32, #tpu.memory_space<vmem>>)
        "tpu.region"() ({
          %run_scoped3A = tpu.sem_alloc : memref<!tpu.dma_semaphore, #tpu.memory_space<semaphore_mem>>
          %dma_start3A_110 = arith.constant 0 : i32
          %dma_start3A_111 = tpu.memref_slice %arg9[%add3A_96, %dma_start3A_110] : memref<40x128xi32, #tpu.memory_space<vmem>> -> memref<1x128xi32, #tpu.memory_space<vmem>>
          %dma_start3A_112 = tpu.memref_squeeze %dma_start3A_111 : memref<1x128xi32, #tpu.memory_space<vmem>> -> memref<128xi32, #tpu.memory_space<vmem>>
          %dma_start3A_113 = arith.constant 0 : i32
          %dma_start3A_114 = arith.constant 0 : i32
          %dma_start3A_115 = tpu.memref_slice %arg12[%dma_start3A_113, %dma_start3A_114] : memref<10112x128xf32, #tpu.memory_space<vmem_shared>> -> memref<10112x128xf32, #tpu.memory_space<vmem_shared>>
          tpu.enqueue_indirect_dma source(%arg11 : memref<128x128xf32, #tpu.memory_space<vmem>>) target(%dma_start3A_115 : memref<10112x128xf32, #tpu.memory_space<vmem_shared>>) offsets(%dma_start3A_112 : memref<128xi32, #tpu.memory_space<vmem>>) semaphore(%run_scoped3A : memref<!tpu.dma_semaphore, #tpu.memory_space<semaphore_mem>>) {add = true}
          %dma_wait3A_116 = arith.constant 0 : i32
          %dma_wait3A_117 = tpu.memref_slice %arg9[%add3A_96, %dma_wait3A_116] : memref<40x128xi32, #tpu.memory_space<vmem>> -> memref<1x128xi32, #tpu.memory_space<vmem>>
          %dma_wait3A_118 = tpu.memref_squeeze %dma_wait3A_117 : memref<1x128xi32, #tpu.memory_space<vmem>> -> memref<128xi32, #tpu.memory_space<vmem>>
          %dma_wait3A_119 = arith.constant 0 : i32
          %dma_wait3A_120 = arith.constant 0 : i32
          %dma_wait3A_121 = tpu.memref_slice %arg12[%dma_wait3A_119, %dma_wait3A_120] : memref<10112x128xf32, #tpu.memory_space<vmem_shared>> -> memref<10112x128xf32, #tpu.memory_space<vmem_shared>>
          tpu.wait_indirect_dma semaphore(%run_scoped3A : memref<!tpu.dma_semaphore, #tpu.memory_space<semaphore_mem>>) src(%arg11 : memref<128x128xf32, #tpu.memory_space<vmem>>) dst(%dma_wait3A_121 : memref<10112x128xf32, #tpu.memory_space<vmem_shared>>)
          tpu.yield
        }) : () -> ()
        %add3A_103 = arith.constant 2 : i32
        %add3A_104 = arith.addi %add3A_96, %add3A_103 : i32
        %lt3A_105 = arith.constant 40 : i32
        %lt3A_106 = arith.cmpi slt, %add3A_104, %lt3A_105 : i32
        %convert_element_type3A_107 = arith.extui %lt3A_106 : i1 to i32
        %cond3A_108 = arith.constant 0 : i32
        %cond3A_109 = arith.cmpi ne, %convert_element_type3A_107, %cond3A_108 : i32
        scf.if %cond3A_109 {
          %add3A_110 = arith.constant 2 : i32
          %add3A_111 = arith.addi %add3A_96, %add3A_110 : i32
          %dma_start3A_112 = arith.constant 0 : i32
          %dma_start3A_113 = tpu.memref_slice %arg8[%add3A_111, %dma_start3A_112] : memref<40x128xi32, #tpu.memory_space<vmem>> -> memref<1x128xi32, #tpu.memory_space<vmem>>
          %dma_start3A_114 = tpu.memref_squeeze %dma_start3A_113 : memref<1x128xi32, #tpu.memory_space<vmem>> -> memref<128xi32, #tpu.memory_space<vmem>>
          %dma_start3A_115 = arith.constant 0 : i32
          %dma_start3A_116 = arith.constant 0 : i32
          %dma_start3A_117 = tpu.memref_slice %arg2[%dma_start3A_115, %dma_start3A_116] : memref<10000x128xf32, #tpu.memory_space<hbm>> -> memref<10000x128xf32, #tpu.memory_space<hbm>>
          tpu.enqueue_indirect_dma source(%dma_start3A_117 : memref<10000x128xf32, #tpu.memory_space<hbm>>) target(%arg11 : memref<128x128xf32, #tpu.memory_space<vmem>>) offsets(%dma_start3A_114 : memref<128xi32, #tpu.memory_space<vmem>>) semaphore(%arg14 : memref<!tpu.dma_semaphore, #tpu.memory_space<semaphore_mem>>)
        } else {
        }
      }
      %scan3A_76 = arith.constant 20 : i32
    } else {
    }
    %eq3A_5 = arith.constant 1 : i32
    %eq3A_6 = arith.cmpi eq, %arg0, %eq3A_5 : i32
    %convert_element_type3A_7 = arith.extui %eq3A_6 : i1 to i32
    %cond3A_8 = arith.constant 0 : i32
    %cond3A_9 = arith.cmpi ne, %convert_element_type3A_7, %cond3A_8 : i32
    scf.if %cond3A_9 {
      %mul3A_15 = arith.constant 160 : i32
      %mul3A_16 = arith.muli %arg1, %mul3A_15 : i32
      %add3A = arith.constant 120 : i32
      %add3A_17 = arith.addi %mul3A_16, %add3A : i32
      %add3A_18 = arith.constant 0 : i32
      %add3A_19 = arith.addi %add3A_17, %add3A_18 : i32
      "tpu.region"() ({
        %run_scoped3A = tpu.sem_alloc : memref<!tpu.dma_semaphore, #tpu.memory_space<semaphore_mem>>
        %dma_start3A_37 = arith.constant 0 : i32
        %dma_start3A_38 = arith.constant 0 : i32
        %dma_start3A_39 = tpu.memref_slice %arg8[%dma_start3A_37, %dma_start3A_38] : memref<40x128xi32, #tpu.memory_space<vmem>> -> memref<40x128xi32, #tpu.memory_space<vmem>>
        %dma_start3A_40 = arith.constant 0 : i32
        %dma_start3A_41 = tpu.memref_slice %arg4[%add3A_19, %dma_start3A_40] : memref<2560x128xi32, #tpu.memory_space<hbm>> -> memref<40x128xi32, #tpu.memory_space<hbm>>
        %dma_start3A_42 = arith.constant 0 : i32
        %dma_start3A_43 = arith.constant 0 : i32
        %dma_start3A_44 = tpu.memref_slice %arg8[%dma_start3A_42, %dma_start3A_43] : memref<40x128xi32, #tpu.memory_space<vmem>> -> memref<40x128xi32, #tpu.memory_space<vmem>>
        %dma_start3A_45 = arith.constant 0 : i32
        %dma_start3A_46 = tpu.memref_slice %arg4[%add3A_19, %dma_start3A_45] : memref<2560x128xi32, #tpu.memory_space<hbm>> -> memref<40x128xi32, #tpu.memory_space<hbm>>
        tpu.enqueue_dma source(%dma_start3A_46 : memref<40x128xi32, #tpu.memory_space<hbm>>) target(%dma_start3A_44 : memref<40x128xi32, #tpu.memory_space<vmem>>) target_semaphore(%run_scoped3A : memref<!tpu.dma_semaphore, #tpu.memory_space<semaphore_mem>>)
        %dma_wait3A = arith.constant 0 : i32
        %dma_wait3A_47 = arith.constant 0 : i32
        %dma_wait3A_48 = tpu.memref_slice %arg8[%dma_wait3A, %dma_wait3A_47] : memref<40x128xi32, #tpu.memory_space<vmem>> -> memref<40x128xi32, #tpu.memory_space<vmem>>
        %dma_wait3A_49 = arith.constant 0 : i32
        %dma_wait3A_50 = tpu.memref_slice %arg4[%add3A_19, %dma_wait3A_49] : memref<2560x128xi32, #tpu.memory_space<hbm>> -> memref<40x128xi32, #tpu.memory_space<hbm>>
        %dma_wait3A_51 = arith.constant 0 : i32
        %dma_wait3A_52 = arith.constant 0 : i32
        %dma_wait3A_53 = tpu.memref_slice %arg8[%dma_wait3A_51, %dma_wait3A_52] : memref<40x128xi32, #tpu.memory_space<vmem>> -> memref<40x128xi32, #tpu.memory_space<vmem>>
        %dma_wait3A_54 = arith.constant 0 : i32
        %dma_wait3A_55 = tpu.memref_slice %arg4[%add3A_19, %dma_wait3A_54] : memref<2560x128xi32, #tpu.memory_space<hbm>> -> memref<40x128xi32, #tpu.memory_space<hbm>>
        tpu.wait_dma2 semaphore(%run_scoped3A : memref<!tpu.dma_semaphore, #tpu.memory_space<semaphore_mem>>) src(%dma_wait3A_55 : memref<40x128xi32, #tpu.memory_space<hbm>>) dst(%dma_wait3A_53 : memref<40x128xi32, #tpu.memory_space<vmem>>)
        tpu.yield
      }) : () -> ()
      "tpu.region"() ({
        %run_scoped3A = tpu.sem_alloc : memref<!tpu.dma_semaphore, #tpu.memory_space<semaphore_mem>>
        %dma_start3A_37 = arith.constant 0 : i32
        %dma_start3A_38 = arith.constant 0 : i32
        %dma_start3A_39 = tpu.memref_slice %arg9[%dma_start3A_37, %dma_start3A_38] : memref<40x128xi32, #tpu.memory_space<vmem>> -> memref<40x128xi32, #tpu.memory_space<vmem>>
        %dma_start3A_40 = arith.constant 0 : i32
        %dma_start3A_41 = tpu.memref_slice %arg5[%add3A_19, %dma_start3A_40] : memref<2560x128xi32, #tpu.memory_space<hbm>> -> memref<40x128xi32, #tpu.memory_space<hbm>>
        %dma_start3A_42 = arith.constant 0 : i32
        %dma_start3A_43 = arith.constant 0 : i32
        %dma_start3A_44 = tpu.memref_slice %arg9[%dma_start3A_42, %dma_start3A_43] : memref<40x128xi32, #tpu.memory_space<vmem>> -> memref<40x128xi32, #tpu.memory_space<vmem>>
        %dma_start3A_45 = arith.constant 0 : i32
        %dma_start3A_46 = tpu.memref_slice %arg5[%add3A_19, %dma_start3A_45] : memref<2560x128xi32, #tpu.memory_space<hbm>> -> memref<40x128xi32, #tpu.memory_space<hbm>>
        tpu.enqueue_dma source(%dma_start3A_46 : memref<40x128xi32, #tpu.memory_space<hbm>>) target(%dma_start3A_44 : memref<40x128xi32, #tpu.memory_space<vmem>>) target_semaphore(%run_scoped3A : memref<!tpu.dma_semaphore, #tpu.memory_space<semaphore_mem>>)
        %dma_wait3A = arith.constant 0 : i32
        %dma_wait3A_47 = arith.constant 0 : i32
        %dma_wait3A_48 = tpu.memref_slice %arg9[%dma_wait3A, %dma_wait3A_47] : memref<40x128xi32, #tpu.memory_space<vmem>> -> memref<40x128xi32, #tpu.memory_space<vmem>>
        %dma_wait3A_49 = arith.constant 0 : i32
        %dma_wait3A_50 = tpu.memref_slice %arg5[%add3A_19, %dma_wait3A_49] : memref<2560x128xi32, #tpu.memory_space<hbm>> -> memref<40x128xi32, #tpu.memory_space<hbm>>
        %dma_wait3A_51 = arith.constant 0 : i32
        %dma_wait3A_52 = arith.constant 0 : i32
        %dma_wait3A_53 = tpu.memref_slice %arg9[%dma_wait3A_51, %dma_wait3A_52] : memref<40x128xi32, #tpu.memory_space<vmem>> -> memref<40x128xi32, #tpu.memory_space<vmem>>
        %dma_wait3A_54 = arith.constant 0 : i32
        %dma_wait3A_55 = tpu.memref_slice %arg5[%add3A_19, %dma_wait3A_54] : memref<2560x128xi32, #tpu.memory_space<hbm>> -> memref<40x128xi32, #tpu.memory_space<hbm>>
        tpu.wait_dma2 semaphore(%run_scoped3A : memref<!tpu.dma_semaphore, #tpu.memory_space<semaphore_mem>>) src(%dma_wait3A_55 : memref<40x128xi32, #tpu.memory_space<hbm>>) dst(%dma_wait3A_53 : memref<40x128xi32, #tpu.memory_space<vmem>>)
        tpu.yield
      }) : () -> ()
      %dma_start3A = arith.constant 0 : i32
      %dma_start3A_20 = arith.constant 0 : i32
      %dma_start3A_21 = tpu.memref_slice %arg8[%dma_start3A, %dma_start3A_20] : memref<40x128xi32, #tpu.memory_space<vmem>> -> memref<1x128xi32, #tpu.memory_space<vmem>>
      %dma_start3A_22 = tpu.memref_squeeze %dma_start3A_21 : memref<1x128xi32, #tpu.memory_space<vmem>> -> memref<128xi32, #tpu.memory_space<vmem>>
      %dma_start3A_23 = arith.constant 0 : i32
      %dma_start3A_24 = arith.constant 0 : i32
      %dma_start3A_25 = tpu.memref_slice %arg3[%dma_start3A_23, %dma_start3A_24] : memref<10000x128xf32, #tpu.memory_space<hbm>> -> memref<10000x128xf32, #tpu.memory_space<hbm>>
      tpu.enqueue_indirect_dma source(%dma_start3A_25 : memref<10000x128xf32, #tpu.memory_space<hbm>>) target(%arg10 : memref<128x128xf32, #tpu.memory_space<vmem>>) offsets(%dma_start3A_22 : memref<128xi32, #tpu.memory_space<vmem>>) semaphore(%arg13 : memref<!tpu.dma_semaphore, #tpu.memory_space<semaphore_mem>>)
      %dma_start3A_26 = arith.constant 1 : i32
      %dma_start3A_27 = arith.constant 0 : i32
      %dma_start3A_28 = tpu.memref_slice %arg8[%dma_start3A_26, %dma_start3A_27] : memref<40x128xi32, #tpu.memory_space<vmem>> -> memref<1x128xi32, #tpu.memory_space<vmem>>
      %dma_start3A_29 = tpu.memref_squeeze %dma_start3A_28 : memref<1x128xi32, #tpu.memory_space<vmem>> -> memref<128xi32, #tpu.memory_space<vmem>>
      %dma_start3A_30 = arith.constant 0 : i32
      %dma_start3A_31 = arith.constant 0 : i32
      %dma_start3A_32 = tpu.memref_slice %arg3[%dma_start3A_30, %dma_start3A_31] : memref<10000x128xf32, #tpu.memory_space<hbm>> -> memref<10000x128xf32, #tpu.memory_space<hbm>>
      tpu.enqueue_indirect_dma source(%dma_start3A_32 : memref<10000x128xf32, #tpu.memory_space<hbm>>) target(%arg11 : memref<128x128xf32, #tpu.memory_space<vmem>>) offsets(%dma_start3A_29 : memref<128xi32, #tpu.memory_space<vmem>>) semaphore(%arg14 : memref<!tpu.dma_semaphore, #tpu.memory_space<semaphore_mem>>)
      %scan3A = arith.constant 0 : i32
      %scan3A_33 = arith.constant 20 : i32
      %scan3A_34 = arith.addi %scan3A, %scan3A_33 : i32
      %scan3A_35 = arith.constant 1 : i32
      scf.for %scan3A_37 = %scan3A to %scan3A_34 step %scan3A_35  : i32 {
        %mul3A_38 = arith.constant 2 : i32
        %mul3A_39 = arith.muli %scan3A_37, %mul3A_38 : i32
        %add3A_40 = arith.constant 0 : i32
        %add3A_41 = arith.addi %mul3A_39, %add3A_40 : i32
        %dma_wait3A = arith.constant 0 : i32
        %dma_wait3A_42 = tpu.memref_slice %arg8[%add3A_41, %dma_wait3A] : memref<40x128xi32, #tpu.memory_space<vmem>> -> memref<1x128xi32, #tpu.memory_space<vmem>>
        %dma_wait3A_43 = tpu.memref_squeeze %dma_wait3A_42 : memref<1x128xi32, #tpu.memory_space<vmem>> -> memref<128xi32, #tpu.memory_space<vmem>>
        %dma_wait3A_44 = arith.constant 0 : i32
        %dma_wait3A_45 = arith.constant 0 : i32
        %dma_wait3A_46 = tpu.memref_slice %arg3[%dma_wait3A_44, %dma_wait3A_45] : memref<10000x128xf32, #tpu.memory_space<hbm>> -> memref<10000x128xf32, #tpu.memory_space<hbm>>
        tpu.wait_indirect_dma semaphore(%arg13 : memref<!tpu.dma_semaphore, #tpu.memory_space<semaphore_mem>>) src(%dma_wait3A_46 : memref<10000x128xf32, #tpu.memory_space<hbm>>) dst(%arg10 : memref<128x128xf32, #tpu.memory_space<vmem>>)
        "tpu.region"() ({
          %run_scoped3A = tpu.sem_alloc : memref<!tpu.dma_semaphore, #tpu.memory_space<semaphore_mem>>
          %dma_start3A_70 = arith.constant 0 : i32
          %dma_start3A_71 = tpu.memref_slice %arg9[%add3A_41, %dma_start3A_70] : memref<40x128xi32, #tpu.memory_space<vmem>> -> memref<1x128xi32, #tpu.memory_space<vmem>>
          %dma_start3A_72 = tpu.memref_squeeze %dma_start3A_71 : memref<1x128xi32, #tpu.memory_space<vmem>> -> memref<128xi32, #tpu.memory_space<vmem>>
          %dma_start3A_73 = arith.constant 0 : i32
          %dma_start3A_74 = arith.constant 0 : i32
          %dma_start3A_75 = tpu.memref_slice %arg12[%dma_start3A_73, %dma_start3A_74] : memref<10112x128xf32, #tpu.memory_space<vmem_shared>> -> memref<10112x128xf32, #tpu.memory_space<vmem_shared>>
          tpu.enqueue_indirect_dma source(%arg10 : memref<128x128xf32, #tpu.memory_space<vmem>>) target(%dma_start3A_75 : memref<10112x128xf32, #tpu.memory_space<vmem_shared>>) offsets(%dma_start3A_72 : memref<128xi32, #tpu.memory_space<vmem>>) semaphore(%run_scoped3A : memref<!tpu.dma_semaphore, #tpu.memory_space<semaphore_mem>>) {add = true}
          %dma_wait3A_76 = arith.constant 0 : i32
          %dma_wait3A_77 = tpu.memref_slice %arg9[%add3A_41, %dma_wait3A_76] : memref<40x128xi32, #tpu.memory_space<vmem>> -> memref<1x128xi32, #tpu.memory_space<vmem>>
          %dma_wait3A_78 = tpu.memref_squeeze %dma_wait3A_77 : memref<1x128xi32, #tpu.memory_space<vmem>> -> memref<128xi32, #tpu.memory_space<vmem>>
          %dma_wait3A_79 = arith.constant 0 : i32
          %dma_wait3A_80 = arith.constant 0 : i32
          %dma_wait3A_81 = tpu.memref_slice %arg12[%dma_wait3A_79, %dma_wait3A_80] : memref<10112x128xf32, #tpu.memory_space<vmem_shared>> -> memref<10112x128xf32, #tpu.memory_space<vmem_shared>>
          tpu.wait_indirect_dma semaphore(%run_scoped3A : memref<!tpu.dma_semaphore, #tpu.memory_space<semaphore_mem>>) src(%arg10 : memref<128x128xf32, #tpu.memory_space<vmem>>) dst(%dma_wait3A_81 : memref<10112x128xf32, #tpu.memory_space<vmem_shared>>)
          tpu.yield
        }) : () -> ()
        %add3A_47 = arith.constant 2 : i32
        %add3A_48 = arith.addi %add3A_41, %add3A_47 : i32
        %lt3A = arith.constant 40 : i32
        %lt3A_49 = arith.cmpi slt, %add3A_48, %lt3A : i32
        %convert_element_type3A_50 = arith.extui %lt3A_49 : i1 to i32
        %cond3A_51 = arith.constant 0 : i32
        %cond3A_52 = arith.cmpi ne, %convert_element_type3A_50, %cond3A_51 : i32
        scf.if %cond3A_52 {
          %add3A_70 = arith.constant 2 : i32
          %add3A_71 = arith.addi %add3A_41, %add3A_70 : i32
          %dma_start3A_72 = arith.constant 0 : i32
          %dma_start3A_73 = tpu.memref_slice %arg8[%add3A_71, %dma_start3A_72] : memref<40x128xi32, #tpu.memory_space<vmem>> -> memref<1x128xi32, #tpu.memory_space<vmem>>
          %dma_start3A_74 = tpu.memref_squeeze %dma_start3A_73 : memref<1x128xi32, #tpu.memory_space<vmem>> -> memref<128xi32, #tpu.memory_space<vmem>>
          %dma_start3A_75 = arith.constant 0 : i32
          %dma_start3A_76 = arith.constant 0 : i32
          %dma_start3A_77 = tpu.memref_slice %arg3[%dma_start3A_75, %dma_start3A_76] : memref<10000x128xf32, #tpu.memory_space<hbm>> -> memref<10000x128xf32, #tpu.memory_space<hbm>>
          tpu.enqueue_indirect_dma source(%dma_start3A_77 : memref<10000x128xf32, #tpu.memory_space<hbm>>) target(%arg10 : memref<128x128xf32, #tpu.memory_space<vmem>>) offsets(%dma_start3A_74 : memref<128xi32, #tpu.memory_space<vmem>>) semaphore(%arg13 : memref<!tpu.dma_semaphore, #tpu.memory_space<semaphore_mem>>)
        } else {
        }
        %mul3A_53 = arith.constant 2 : i32
        %mul3A_54 = arith.muli %scan3A_37, %mul3A_53 : i32
        %add3A_55 = arith.constant 1 : i32
        %add3A_56 = arith.addi %mul3A_54, %add3A_55 : i32
        %dma_wait3A_57 = arith.constant 0 : i32
        %dma_wait3A_58 = tpu.memref_slice %arg8[%add3A_56, %dma_wait3A_57] : memref<40x128xi32, #tpu.memory_space<vmem>> -> memref<1x128xi32, #tpu.memory_space<vmem>>
        %dma_wait3A_59 = tpu.memref_squeeze %dma_wait3A_58 : memref<1x128xi32, #tpu.memory_space<vmem>> -> memref<128xi32, #tpu.memory_space<vmem>>
        %dma_wait3A_60 = arith.constant 0 : i32
        %dma_wait3A_61 = arith.constant 0 : i32
        %dma_wait3A_62 = tpu.memref_slice %arg3[%dma_wait3A_60, %dma_wait3A_61] : memref<10000x128xf32, #tpu.memory_space<hbm>> -> memref<10000x128xf32, #tpu.memory_space<hbm>>
        tpu.wait_indirect_dma semaphore(%arg14 : memref<!tpu.dma_semaphore, #tpu.memory_space<semaphore_mem>>) src(%dma_wait3A_62 : memref<10000x128xf32, #tpu.memory_space<hbm>>) dst(%arg11 : memref<128x128xf32, #tpu.memory_space<vmem>>)
        "tpu.region"() ({
          %run_scoped3A = tpu.sem_alloc : memref<!tpu.dma_semaphore, #tpu.memory_space<semaphore_mem>>
          %dma_start3A_70 = arith.constant 0 : i32
          %dma_start3A_71 = tpu.memref_slice %arg9[%add3A_56, %dma_start3A_70] : memref<40x128xi32, #tpu.memory_space<vmem>> -> memref<1x128xi32, #tpu.memory_space<vmem>>
          %dma_start3A_72 = tpu.memref_squeeze %dma_start3A_71 : memref<1x128xi32, #tpu.memory_space<vmem>> -> memref<128xi32, #tpu.memory_space<vmem>>
          %dma_start3A_73 = arith.constant 0 : i32
          %dma_start3A_74 = arith.constant 0 : i32
          %dma_start3A_75 = tpu.memref_slice %arg12[%dma_start3A_73, %dma_start3A_74] : memref<10112x128xf32, #tpu.memory_space<vmem_shared>> -> memref<10112x128xf32, #tpu.memory_space<vmem_shared>>
          tpu.enqueue_indirect_dma source(%arg11 : memref<128x128xf32, #tpu.memory_space<vmem>>) target(%dma_start3A_75 : memref<10112x128xf32, #tpu.memory_space<vmem_shared>>) offsets(%dma_start3A_72 : memref<128xi32, #tpu.memory_space<vmem>>) semaphore(%run_scoped3A : memref<!tpu.dma_semaphore, #tpu.memory_space<semaphore_mem>>) {add = true}
          %dma_wait3A_76 = arith.constant 0 : i32
          %dma_wait3A_77 = tpu.memref_slice %arg9[%add3A_56, %dma_wait3A_76] : memref<40x128xi32, #tpu.memory_space<vmem>> -> memref<1x128xi32, #tpu.memory_space<vmem>>
          %dma_wait3A_78 = tpu.memref_squeeze %dma_wait3A_77 : memref<1x128xi32, #tpu.memory_space<vmem>> -> memref<128xi32, #tpu.memory_space<vmem>>
          %dma_wait3A_79 = arith.constant 0 : i32
          %dma_wait3A_80 = arith.constant 0 : i32
          %dma_wait3A_81 = tpu.memref_slice %arg12[%dma_wait3A_79, %dma_wait3A_80] : memref<10112x128xf32, #tpu.memory_space<vmem_shared>> -> memref<10112x128xf32, #tpu.memory_space<vmem_shared>>
          tpu.wait_indirect_dma semaphore(%run_scoped3A : memref<!tpu.dma_semaphore, #tpu.memory_space<semaphore_mem>>) src(%arg11 : memref<128x128xf32, #tpu.memory_space<vmem>>) dst(%dma_wait3A_81 : memref<10112x128xf32, #tpu.memory_space<vmem_shared>>)
          tpu.yield
        }) : () -> ()
        %add3A_63 = arith.constant 2 : i32
        %add3A_64 = arith.addi %add3A_56, %add3A_63 : i32
        %lt3A_65 = arith.constant 40 : i32
        %lt3A_66 = arith.cmpi slt, %add3A_64, %lt3A_65 : i32
        %convert_element_type3A_67 = arith.extui %lt3A_66 : i1 to i32
        %cond3A_68 = arith.constant 0 : i32
        %cond3A_69 = arith.cmpi ne, %convert_element_type3A_67, %cond3A_68 : i32
        scf.if %cond3A_69 {
          %add3A_70 = arith.constant 2 : i32
          %add3A_71 = arith.addi %add3A_56, %add3A_70 : i32
          %dma_start3A_72 = arith.constant 0 : i32
          %dma_start3A_73 = tpu.memref_slice %arg8[%add3A_71, %dma_start3A_72] : memref<40x128xi32, #tpu.memory_space<vmem>> -> memref<1x128xi32, #tpu.memory_space<vmem>>
          %dma_start3A_74 = tpu.memref_squeeze %dma_start3A_73 : memref<1x128xi32, #tpu.memory_space<vmem>> -> memref<128xi32, #tpu.memory_space<vmem>>
          %dma_start3A_75 = arith.constant 0 : i32
          %dma_start3A_76 = arith.constant 0 : i32
          %dma_start3A_77 = tpu.memref_slice %arg3[%dma_start3A_75, %dma_start3A_76] : memref<10000x128xf32, #tpu.memory_space<hbm>> -> memref<10000x128xf32, #tpu.memory_space<hbm>>
          tpu.enqueue_indirect_dma source(%dma_start3A_77 : memref<10000x128xf32, #tpu.memory_space<hbm>>) target(%arg11 : memref<128x128xf32, #tpu.memory_space<vmem>>) offsets(%dma_start3A_74 : memref<128xi32, #tpu.memory_space<vmem>>) semaphore(%arg14 : memref<!tpu.dma_semaphore, #tpu.memory_space<semaphore_mem>>)
        } else {
        }
      }
      %scan3A_36 = arith.constant 20 : i32
    } else {
    }
    %barrier3A_10 = arith.constant 0 : index
    tpu.barrier barrier_id(%barrier3A_10)
    %mul3A_11 = arith.constant 632 : i32
    %mul3A_12 = arith.muli %arg1, %mul3A_11 : i32
    %mul3A_13 = arith.constant 632 : i32
    %mul3A_14 = arith.muli %arg1, %mul3A_13 : i32
    "tpu.region"() ({
      %run_scoped3A = tpu.sem_alloc : memref<!tpu.dma_semaphore, #tpu.memory_space<semaphore_mem>>
      %dma_start3A = arith.constant 0 : i32
      %dma_start3A_15 = tpu.memref_slice %arg7[%arg0, %mul3A_14, %dma_start3A] : memref<2x10112x128xf32, #tpu.memory_space<hbm>> -> memref<1x632x128xf32, #tpu.memory_space<hbm>>
      %dma_start3A_16 = tpu.memref_squeeze %dma_start3A_15 : memref<1x632x128xf32, #tpu.memory_space<hbm>> -> memref<632x128xf32, #tpu.memory_space<hbm>>
      %dma_start3A_17 = arith.constant 0 : i32
      %dma_start3A_18 = tpu.memref_slice %arg12[%mul3A_12, %dma_start3A_17] : memref<10112x128xf32, #tpu.memory_space<vmem_shared>> -> memref<632x128xf32, #tpu.memory_space<vmem_shared>>
      tpu.enqueue_dma source(%dma_start3A_18 : memref<632x128xf32, #tpu.memory_space<vmem_shared>>) target(%dma_start3A_16 : memref<632x128xf32, #tpu.memory_space<hbm>>) target_semaphore(%run_scoped3A : memref<!tpu.dma_semaphore, #tpu.memory_space<semaphore_mem>>)
      %dma_wait3A = arith.constant 0 : i32
      %dma_wait3A_19 = tpu.memref_slice %arg7[%arg0, %mul3A_14, %dma_wait3A] : memref<2x10112x128xf32, #tpu.memory_space<hbm>> -> memref<1x632x128xf32, #tpu.memory_space<hbm>>
      %dma_wait3A_20 = tpu.memref_squeeze %dma_wait3A_19 : memref<1x632x128xf32, #tpu.memory_space<hbm>> -> memref<632x128xf32, #tpu.memory_space<hbm>>
      %dma_wait3A_21 = arith.constant 0 : i32
      %dma_wait3A_22 = tpu.memref_slice %arg12[%mul3A_12, %dma_wait3A_21] : memref<10112x128xf32, #tpu.memory_space<vmem_shared>> -> memref<632x128xf32, #tpu.memory_space<vmem_shared>>
      tpu.wait_dma2 semaphore(%run_scoped3A : memref<!tpu.dma_semaphore, #tpu.memory_space<semaphore_mem>>) src(%dma_wait3A_22 : memref<632x128xf32, #tpu.memory_space<vmem_shared>>) dst(%dma_wait3A_20 : memref<632x128xf32, #tpu.memory_space<hbm>>)
      tpu.yield
    }) : () -> ()
    return
  }
}

module attributes {stable_mosaic.version = 14 : i64} {
  func.func @_dup_body(%arg0: i32, %arg1: memref<1000x128xf32, #tpu.memory_space<vmem>>, %arg2: memref<1000x128xf32, #tpu.memory_space<vmem>>, %arg3: memref<1000x128xf32, #tpu.memory_space<vmem>>) attributes {dimension_semantics = [#tpu.dimension_semantics<arbitrary>], iteration_bounds = array<i64: 10>, scalar_prefetch = 0 : i64, scratch_operands = 0 : i64, tpu.core_type = #tpu.core_type<tc>, window_params = [{transform_indices = @transform_0, window_bounds = array<i64: 1000, 128>}, {transform_indices = @transform_1, window_bounds = array<i64: 1000, 128>}, {transform_indices = @transform_2, window_bounds = array<i64: 1000, 128>}]} {
    %get3A = arith.constant 0 : index
    %get3A_0 = arith.constant 0 : index
    %get3A_1 = vector.load %arg1[%get3A, %get3A_0] : memref<1000x128xf32, #tpu.memory_space<vmem>>, vector<1000x128xf32>
    %swap3A = arith.constant 0 : index
    %swap3A_2 = arith.constant 0 : index
    %swap3A_3 = vector.load %arg2[%swap3A, %swap3A_2] : memref<1000x128xf32, #tpu.memory_space<vmem>>, vector<1000x128xf32>
    tpu.vector_store %arg2[%swap3A, %swap3A_2], %get3A_1 {strides = array<i32>} : memref<1000x128xf32, #tpu.memory_space<vmem>>, vector<1000x128xf32>,
    %swap3A_4 = arith.constant 0 : index
    %swap3A_5 = arith.constant 0 : index
    %swap3A_6 = vector.load %arg3[%swap3A_4, %swap3A_5] : memref<1000x128xf32, #tpu.memory_space<vmem>>, vector<1000x128xf32>
    tpu.vector_store %arg3[%swap3A_4, %swap3A_5], %get3A_1 {strides = array<i32>} : memref<1000x128xf32, #tpu.memory_space<vmem>>, vector<1000x128xf32>,
    return
  }
  func.func @transform_0(%arg0: i32) -> (i32, i32) {
    %c0_i32 = arith.constant 0 : i32
    %c0_i32_0 = arith.constant 0 : i32
    return %arg0, %c0_i32 : i32, i32
  }
  func.func @transform_1(%arg0: i32) -> (i32, i32) {
    %c0_i32 = arith.constant 0 : i32
    %c0_i32_0 = arith.constant 0 : i32
    return %arg0, %c0_i32 : i32, i32
  }
  func.func @transform_2(%arg0: i32) -> (i32, i32) {
    %c0_i32 = arith.constant 0 : i32
    %c0_i32_0 = arith.constant 0 : i32
    return %arg0, %c0_i32 : i32, i32
  }
}

module attributes {stable_mosaic.version = 14 : i64} {
  func.func @_dense_layer_body(%arg0: i32, %arg1: memref<1000x128xf32, #tpu.memory_space<vmem>>, %arg2: memref<2x1000x128xf32, #tpu.memory_space<vmem>>, %arg3: memref<128x128xf32, #tpu.memory_space<vmem>>, %arg4: memref<1x128xf32, #tpu.memory_space<vmem>>, %arg5: memref<128x128xf32, #tpu.memory_space<vmem>>, %arg6: memref<1x128xf32, #tpu.memory_space<vmem>>, %arg7: memref<1x128xf32, #tpu.memory_space<vmem>>, %arg8: memref<1x128xf32, #tpu.memory_space<vmem>>, %arg9: memref<1000x128xf32, #tpu.memory_space<vmem>>, %arg10: memref<1000x128xf32, #tpu.memory_space<vmem>>) attributes {dimension_semantics = [#tpu.dimension_semantics<arbitrary>], iteration_bounds = array<i64: 10>, scalar_prefetch = 0 : i64, scratch_operands = 0 : i64, tpu.core_type = #tpu.core_type<tc>, window_params = [{transform_indices = @transform_0, window_bounds = array<i64: 1000, 128>}, {transform_indices = @transform_1, window_bounds = array<i64: 2, 1000, 128>}, {pipeline_mode = #tpu.pipeline_mode<synchronous>, transform_indices = @transform_2, window_bounds = array<i64: 128, 128>}, {pipeline_mode = #tpu.pipeline_mode<synchronous>, transform_indices = @transform_3, window_bounds = array<i64: 1, 128>}, {pipeline_mode = #tpu.pipeline_mode<synchronous>, transform_indices = @transform_4, window_bounds = array<i64: 128, 128>}, {pipeline_mode = #tpu.pipeline_mode<synchronous>, transform_indices = @transform_5, window_bounds = array<i64: 1, 128>}, {pipeline_mode = #tpu.pipeline_mode<synchronous>, transform_indices = @transform_6, window_bounds = array<i64: 1, 128>}, {pipeline_mode = #tpu.pipeline_mode<synchronous>, transform_indices = @transform_7, window_bounds = array<i64: 1, 128>}, {transform_indices = @transform_8, window_bounds = array<i64: 1000, 128>}, {transform_indices = @transform_9, window_bounds = array<i64: 1000, 128>}]} {
    %get3A = arith.constant 0 : index
    %get3A_0 = arith.constant 0 : index
    %get3A_1 = vector.load %arg1[%get3A, %get3A_0] : memref<1000x128xf32, #tpu.memory_space<vmem>>, vector<1000x128xf32>
    %get3A_2 = arith.constant 0 : index
    %get3A_3 = arith.constant 0 : index
    %get3A_4 = arith.constant 0 : index
    %get3A_5 = vector.load %arg2[%get3A_2, %get3A_3, %get3A_4] : memref<2x1000x128xf32, #tpu.memory_space<vmem>>, vector<1x1000x128xf32>
    %get3A_6 = vector.shape_cast %get3A_5 : vector<1x1000x128xf32> to vector<1000x128xf32>
    %add3A = arith.addf %get3A_1, %get3A_6 : vector<1000x128xf32>
    %get3A_7 = arith.constant 1 : index
    %get3A_8 = arith.constant 0 : index
    %get3A_9 = arith.constant 0 : index
    %get3A_10 = vector.load %arg2[%get3A_7, %get3A_8, %get3A_9] : memref<2x1000x128xf32, #tpu.memory_space<vmem>>, vector<1x1000x128xf32>
    %get3A_11 = vector.shape_cast %get3A_10 : vector<1x1000x128xf32> to vector<1000x128xf32>
    %add3A_12 = arith.addf %add3A, %get3A_11 : vector<1000x128xf32>
    %get3A_13 = arith.constant 0 : index
    %get3A_14 = arith.constant 0 : index
    %get3A_15 = vector.load %arg3[%get3A_13, %get3A_14] : memref<128x128xf32, #tpu.memory_space<vmem>>, vector<128x128xf32>
    %dot_general3A = arith.constant dense<0.000000e+00> : vector<1000x128xf32>
    %dot_general3A_16 = tpu.matmul %add3A_12, %get3A_15, %dot_general3A {dimension_numbers = #tpu.dot_dimension_numbers<[1], [0], [0], [1], [0, 0, 1, 1], [], []>, transpose_lhs_hint = false} : vector<1000x128xf32>, vector<128x128xf32>, vector<1000x128xf32> -> vector<1000x128xf32>
    %get3A_17 = arith.constant 0 : index
    %get3A_18 = arith.constant 0 : index
    %get3A_19 = vector.load %arg4[%get3A_17, %get3A_18] : memref<1x128xf32, #tpu.memory_space<vmem>>, vector<1x128xf32>
    %add3A_20 = vector.broadcast %get3A_19 : vector<1x128xf32> to vector<1000x128xf32>
    %add3A_21 = arith.addf %dot_general3A_16, %add3A_20 : vector<1000x128xf32>
    %max3A = arith.constant 0.000000e+00 : f32
    %max3A_22 = vector.broadcast %max3A : f32 to vector<1000x128xf32>
    %max3A_23 = arith.maximumf %add3A_21, %max3A_22 : vector<1000x128xf32>
    %get3A_24 = arith.constant 0 : index
    %get3A_25 = arith.constant 0 : index
    %get3A_26 = vector.load %arg5[%get3A_24, %get3A_25] : memref<128x128xf32, #tpu.memory_space<vmem>>, vector<128x128xf32>
    %dot_general3A_27 = arith.constant dense<0.000000e+00> : vector<1000x128xf32>
    %dot_general3A_28 = tpu.matmul %max3A_23, %get3A_26, %dot_general3A_27 {dimension_numbers = #tpu.dot_dimension_numbers<[1], [0], [0], [1], [0, 0, 1, 1], [], []>, transpose_lhs_hint = false} : vector<1000x128xf32>, vector<128x128xf32>, vector<1000x128xf32> -> vector<1000x128xf32>
    %get3A_29 = arith.constant 0 : index
    %get3A_30 = arith.constant 0 : index
    %get3A_31 = vector.load %arg6[%get3A_29, %get3A_30] : memref<1x128xf32, #tpu.memory_space<vmem>>, vector<1x128xf32>
    %add3A_32 = vector.broadcast %get3A_31 : vector<1x128xf32> to vector<1000x128xf32>
    %add3A_33 = arith.addf %dot_general3A_28, %add3A_32 : vector<1000x128xf32>
    %max3A_34 = arith.constant 0.000000e+00 : f32
    %max3A_35 = vector.broadcast %max3A_34 : f32 to vector<1000x128xf32>
    %max3A_36 = arith.maximumf %add3A_33, %max3A_35 : vector<1000x128xf32>
    %reduce_sum3A = arith.constant dense<0.000000e+00> : vector<1000xf32>
    %reduce_sum3A_37 = vector.multi_reduction <add>, %max3A_36, %reduce_sum3A [1] : vector<1000x128xf32> to vector<1000xf32>
    %broadcast_in_dim3A = vector.shape_cast %reduce_sum3A_37 : vector<1000xf32> to vector<1000x1xf32>
    %div3A = arith.constant 1.280000e+02 : f32
    %div3A_38 = vector.broadcast %div3A : f32 to vector<1000x1xf32>
    %div3A_39 = arith.divf %broadcast_in_dim3A, %div3A_38 : vector<1000x1xf32>
    %sub3A = vector.broadcast %div3A_39 : vector<1000x1xf32> to vector<1000x128xf32>
    %sub3A_40 = arith.subf %max3A_36, %sub3A : vector<1000x128xf32>
    %integer_pow3A = arith.mulf %sub3A_40, %sub3A_40 : vector<1000x128xf32>
    %reduce_sum3A_41 = arith.constant dense<0.000000e+00> : vector<1000xf32>
    %reduce_sum3A_42 = vector.multi_reduction <add>, %integer_pow3A, %reduce_sum3A_41 [1] : vector<1000x128xf32> to vector<1000xf32>
    %broadcast_in_dim3A_43 = vector.shape_cast %reduce_sum3A_42 : vector<1000xf32> to vector<1000x1xf32>
    %div3A_44 = arith.constant 1.280000e+02 : f32
    %div3A_45 = vector.broadcast %div3A_44 : f32 to vector<1000x1xf32>
    %div3A_46 = arith.divf %broadcast_in_dim3A_43, %div3A_45 : vector<1000x1xf32>
    %sub3A_47 = vector.broadcast %div3A_39 : vector<1000x1xf32> to vector<1000x128xf32>
    %sub3A_48 = arith.subf %max3A_36, %sub3A_47 : vector<1000x128xf32>
    %add3A_49 = arith.constant 9.99999974E-6 : f32
    %add3A_50 = vector.broadcast %add3A_49 : f32 to vector<1000x1xf32>
    %add3A_51 = arith.addf %div3A_46, %add3A_50 : vector<1000x1xf32>
    %sqrt3A = math.sqrt %add3A_51 : vector<1000x1xf32>
    %div3A_52 = vector.broadcast %sqrt3A : vector<1000x1xf32> to vector<1000x128xf32>
    %div3A_53 = arith.divf %sub3A_48, %div3A_52 : vector<1000x128xf32>
    %get3A_54 = arith.constant 0 : index
    %get3A_55 = arith.constant 0 : index
    %get3A_56 = vector.load %arg7[%get3A_54, %get3A_55] : memref<1x128xf32, #tpu.memory_space<vmem>>, vector<1x128xf32>
    %mul3A = vector.broadcast %get3A_56 : vector<1x128xf32> to vector<1000x128xf32>
    %mul3A_57 = arith.mulf %div3A_53, %mul3A : vector<1000x128xf32>
    %get3A_58 = arith.constant 0 : index
    %get3A_59 = arith.constant 0 : index
    %get3A_60 = vector.load %arg8[%get3A_58, %get3A_59] : memref<1x128xf32, #tpu.memory_space<vmem>>, vector<1x128xf32>
    %add3A_61 = vector.broadcast %get3A_60 : vector<1x128xf32> to vector<1000x128xf32>
    %add3A_62 = arith.addf %mul3A_57, %add3A_61 : vector<1000x128xf32>
    %swap3A = arith.constant 0 : index
    %swap3A_63 = arith.constant 0 : index
    %swap3A_64 = vector.load %arg9[%swap3A, %swap3A_63] : memref<1000x128xf32, #tpu.memory_space<vmem>>, vector<1000x128xf32>
    tpu.vector_store %arg9[%swap3A, %swap3A_63], %add3A_62 {strides = array<i32>} : memref<1000x128xf32, #tpu.memory_space<vmem>>, vector<1000x128xf32>,
    %swap3A_65 = arith.constant 0 : index
    %swap3A_66 = arith.constant 0 : index
    %swap3A_67 = vector.load %arg10[%swap3A_65, %swap3A_66] : memref<1000x128xf32, #tpu.memory_space<vmem>>, vector<1000x128xf32>
    tpu.vector_store %arg10[%swap3A_65, %swap3A_66], %add3A_62 {strides = array<i32>} : memref<1000x128xf32, #tpu.memory_space<vmem>>, vector<1000x128xf32>,
    return
  }
  func.func @transform_0(%arg0: i32) -> (i32, i32) {
    %c0_i32 = arith.constant 0 : i32
    %c0_i32_0 = arith.constant 0 : i32
    return %arg0, %c0_i32 : i32, i32
  }
  func.func @transform_1(%arg0: i32) -> (i32, i32, i32) {
    %c0_i32 = arith.constant 0 : i32
    %c0_i32_0 = arith.constant 0 : i32
    %c0_i32_1 = arith.constant 0 : i32
    return %c0_i32, %arg0, %c0_i32_0 : i32, i32, i32
  }
  func.func @transform_2(%arg0: i32) -> (i32, i32) {
    %c0_i32 = arith.constant 0 : i32
    %c0_i32_0 = arith.constant 0 : i32
    %c0_i32_1 = arith.constant 0 : i32
    return %c0_i32, %c0_i32_0 : i32, i32
  }
  func.func @transform_3(%arg0: i32) -> (i32, i32) {
    %c0_i32 = arith.constant 0 : i32
    %c0_i32_0 = arith.constant 0 : i32
    %c0_i32_1 = arith.constant 0 : i32
    return %c0_i32, %c0_i32_0 : i32, i32
  }
  func.func @transform_4(%arg0: i32) -> (i32, i32) {
    %c0_i32 = arith.constant 0 : i32
    %c0_i32_0 = arith.constant 0 : i32
    %c0_i32_1 = arith.constant 0 : i32
    return %c0_i32, %c0_i32_0 : i32, i32
  }
  func.func @transform_5(%arg0: i32) -> (i32, i32) {
    %c0_i32 = arith.constant 0 : i32
    %c0_i32_0 = arith.constant 0 : i32
    %c0_i32_1 = arith.constant 0 : i32
    return %c0_i32, %c0_i32_0 : i32, i32
  }
  func.func @transform_6(%arg0: i32) -> (i32, i32) {
    %c0_i32 = arith.constant 0 : i32
    %c0_i32_0 = arith.constant 0 : i32
    %c0_i32_1 = arith.constant 0 : i32
    return %c0_i32, %c0_i32_0 : i32, i32
  }
  func.func @transform_7(%arg0: i32) -> (i32, i32) {
    %c0_i32 = arith.constant 0 : i32
    %c0_i32_0 = arith.constant 0 : i32
    %c0_i32_1 = arith.constant 0 : i32
    return %c0_i32, %c0_i32_0 : i32, i32
  }
  func.func @transform_8(%arg0: i32) -> (i32, i32) {
    %c0_i32 = arith.constant 0 : i32
    %c0_i32_0 = arith.constant 0 : i32
    return %arg0, %c0_i32 : i32, i32
  }
  func.func @transform_9(%arg0: i32) -> (i32, i32) {
    %c0_i32 = arith.constant 0 : i32
    %c0_i32_0 = arith.constant 0 : i32
    return %arg0, %c0_i32 : i32, i32
  }
}

module attributes {stable_mosaic.version = 14 : i64} {
  func.func @_dense_layer_body(%arg0: i32, %arg1: memref<1000x128xf32, #tpu.memory_space<vmem>>, %arg2: memref<2x1000x128xf32, #tpu.memory_space<vmem>>, %arg3: memref<128x128xf32, #tpu.memory_space<vmem>>, %arg4: memref<1x128xf32, #tpu.memory_space<vmem>>, %arg5: memref<128x128xf32, #tpu.memory_space<vmem>>, %arg6: memref<1x128xf32, #tpu.memory_space<vmem>>, %arg7: memref<1x128xf32, #tpu.memory_space<vmem>>, %arg8: memref<1x128xf32, #tpu.memory_space<vmem>>, %arg9: memref<1000x128xf32, #tpu.memory_space<vmem>>, %arg10: memref<1000x128xf32, #tpu.memory_space<vmem>>) attributes {dimension_semantics = [#tpu.dimension_semantics<arbitrary>], iteration_bounds = array<i64: 10>, scalar_prefetch = 0 : i64, scratch_operands = 0 : i64, tpu.core_type = #tpu.core_type<tc>, window_params = [{transform_indices = @transform_0, window_bounds = array<i64: 1000, 128>}, {transform_indices = @transform_1, window_bounds = array<i64: 2, 1000, 128>}, {pipeline_mode = #tpu.pipeline_mode<synchronous>, transform_indices = @transform_2, window_bounds = array<i64: 128, 128>}, {pipeline_mode = #tpu.pipeline_mode<synchronous>, transform_indices = @transform_3, window_bounds = array<i64: 1, 128>}, {pipeline_mode = #tpu.pipeline_mode<synchronous>, transform_indices = @transform_4, window_bounds = array<i64: 128, 128>}, {pipeline_mode = #tpu.pipeline_mode<synchronous>, transform_indices = @transform_5, window_bounds = array<i64: 1, 128>}, {pipeline_mode = #tpu.pipeline_mode<synchronous>, transform_indices = @transform_6, window_bounds = array<i64: 1, 128>}, {pipeline_mode = #tpu.pipeline_mode<synchronous>, transform_indices = @transform_7, window_bounds = array<i64: 1, 128>}, {transform_indices = @transform_8, window_bounds = array<i64: 1000, 128>}, {transform_indices = @transform_9, window_bounds = array<i64: 1000, 128>}]} {
    %get3A = arith.constant 0 : index
    %get3A_0 = arith.constant 0 : index
    %get3A_1 = vector.load %arg1[%get3A, %get3A_0] : memref<1000x128xf32, #tpu.memory_space<vmem>>, vector<1000x128xf32>
    %get3A_2 = arith.constant 0 : index
    %get3A_3 = arith.constant 0 : index
    %get3A_4 = arith.constant 0 : index
    %get3A_5 = vector.load %arg2[%get3A_2, %get3A_3, %get3A_4] : memref<2x1000x128xf32, #tpu.memory_space<vmem>>, vector<1x1000x128xf32>
    %get3A_6 = vector.shape_cast %get3A_5 : vector<1x1000x128xf32> to vector<1000x128xf32>
    %add3A = arith.addf %get3A_1, %get3A_6 : vector<1000x128xf32>
    %get3A_7 = arith.constant 1 : index
    %get3A_8 = arith.constant 0 : index
    %get3A_9 = arith.constant 0 : index
    %get3A_10 = vector.load %arg2[%get3A_7, %get3A_8, %get3A_9] : memref<2x1000x128xf32, #tpu.memory_space<vmem>>, vector<1x1000x128xf32>
    %get3A_11 = vector.shape_cast %get3A_10 : vector<1x1000x128xf32> to vector<1000x128xf32>
    %add3A_12 = arith.addf %add3A, %get3A_11 : vector<1000x128xf32>
    %get3A_13 = arith.constant 0 : index
    %get3A_14 = arith.constant 0 : index
    %get3A_15 = vector.load %arg3[%get3A_13, %get3A_14] : memref<128x128xf32, #tpu.memory_space<vmem>>, vector<128x128xf32>
    %dot_general3A = arith.constant dense<0.000000e+00> : vector<1000x128xf32>
    %dot_general3A_16 = tpu.matmul %add3A_12, %get3A_15, %dot_general3A {dimension_numbers = #tpu.dot_dimension_numbers<[1], [0], [0], [1], [0, 0, 1, 1], [], []>, transpose_lhs_hint = false} : vector<1000x128xf32>, vector<128x128xf32>, vector<1000x128xf32> -> vector<1000x128xf32>
    %get3A_17 = arith.constant 0 : index
    %get3A_18 = arith.constant 0 : index
    %get3A_19 = vector.load %arg4[%get3A_17, %get3A_18] : memref<1x128xf32, #tpu.memory_space<vmem>>, vector<1x128xf32>
    %add3A_20 = vector.broadcast %get3A_19 : vector<1x128xf32> to vector<1000x128xf32>
    %add3A_21 = arith.addf %dot_general3A_16, %add3A_20 : vector<1000x128xf32>
    %max3A = arith.constant 0.000000e+00 : f32
    %max3A_22 = vector.broadcast %max3A : f32 to vector<1000x128xf32>
    %max3A_23 = arith.maximumf %add3A_21, %max3A_22 : vector<1000x128xf32>
    %get3A_24 = arith.constant 0 : index
    %get3A_25 = arith.constant 0 : index
    %get3A_26 = vector.load %arg5[%get3A_24, %get3A_25] : memref<128x128xf32, #tpu.memory_space<vmem>>, vector<128x128xf32>
    %dot_general3A_27 = arith.constant dense<0.000000e+00> : vector<1000x128xf32>
    %dot_general3A_28 = tpu.matmul %max3A_23, %get3A_26, %dot_general3A_27 {dimension_numbers = #tpu.dot_dimension_numbers<[1], [0], [0], [1], [0, 0, 1, 1], [], []>, transpose_lhs_hint = false} : vector<1000x128xf32>, vector<128x128xf32>, vector<1000x128xf32> -> vector<1000x128xf32>
    %get3A_29 = arith.constant 0 : index
    %get3A_30 = arith.constant 0 : index
    %get3A_31 = vector.load %arg6[%get3A_29, %get3A_30] : memref<1x128xf32, #tpu.memory_space<vmem>>, vector<1x128xf32>
    %add3A_32 = vector.broadcast %get3A_31 : vector<1x128xf32> to vector<1000x128xf32>
    %add3A_33 = arith.addf %dot_general3A_28, %add3A_32 : vector<1000x128xf32>
    %max3A_34 = arith.constant 0.000000e+00 : f32
    %max3A_35 = vector.broadcast %max3A_34 : f32 to vector<1000x128xf32>
    %max3A_36 = arith.maximumf %add3A_33, %max3A_35 : vector<1000x128xf32>
    %swap3A = arith.constant 0 : index
    %swap3A_37 = arith.constant 0 : index
    %swap3A_38 = vector.load %arg9[%swap3A, %swap3A_37] : memref<1000x128xf32, #tpu.memory_space<vmem>>, vector<1000x128xf32>
    tpu.vector_store %arg9[%swap3A, %swap3A_37], %max3A_36 {strides = array<i32>} : memref<1000x128xf32, #tpu.memory_space<vmem>>, vector<1000x128xf32>,
    %swap3A_39 = arith.constant 0 : index
    %swap3A_40 = arith.constant 0 : index
    %swap3A_41 = vector.load %arg10[%swap3A_39, %swap3A_40] : memref<1000x128xf32, #tpu.memory_space<vmem>>, vector<1000x128xf32>
    tpu.vector_store %arg10[%swap3A_39, %swap3A_40], %max3A_36 {strides = array<i32>} : memref<1000x128xf32, #tpu.memory_space<vmem>>, vector<1000x128xf32>,
    return
  }
  func.func @transform_0(%arg0: i32) -> (i32, i32) {
    %c0_i32 = arith.constant 0 : i32
    %c0_i32_0 = arith.constant 0 : i32
    return %arg0, %c0_i32 : i32, i32
  }
  func.func @transform_1(%arg0: i32) -> (i32, i32, i32) {
    %c0_i32 = arith.constant 0 : i32
    %c0_i32_0 = arith.constant 0 : i32
    %c0_i32_1 = arith.constant 0 : i32
    return %c0_i32, %arg0, %c0_i32_0 : i32, i32, i32
  }
  func.func @transform_2(%arg0: i32) -> (i32, i32) {
    %c0_i32 = arith.constant 0 : i32
    %c0_i32_0 = arith.constant 0 : i32
    %c0_i32_1 = arith.constant 0 : i32
    return %c0_i32, %c0_i32_0 : i32, i32
  }
  func.func @transform_3(%arg0: i32) -> (i32, i32) {
    %c0_i32 = arith.constant 0 : i32
    %c0_i32_0 = arith.constant 0 : i32
    %c0_i32_1 = arith.constant 0 : i32
    return %c0_i32, %c0_i32_0 : i32, i32
  }
  func.func @transform_4(%arg0: i32) -> (i32, i32) {
    %c0_i32 = arith.constant 0 : i32
    %c0_i32_0 = arith.constant 0 : i32
    %c0_i32_1 = arith.constant 0 : i32
    return %c0_i32, %c0_i32_0 : i32, i32
  }
  func.func @transform_5(%arg0: i32) -> (i32, i32) {
    %c0_i32 = arith.constant 0 : i32
    %c0_i32_0 = arith.constant 0 : i32
    %c0_i32_1 = arith.constant 0 : i32
    return %c0_i32, %c0_i32_0 : i32, i32
  }
  func.func @transform_6(%arg0: i32) -> (i32, i32) {
    %c0_i32 = arith.constant 0 : i32
    %c0_i32_0 = arith.constant 0 : i32
    %c0_i32_1 = arith.constant 0 : i32
    return %c0_i32, %c0_i32_0 : i32, i32
  }
  func.func @transform_7(%arg0: i32) -> (i32, i32) {
    %c0_i32 = arith.constant 0 : i32
    %c0_i32_0 = arith.constant 0 : i32
    %c0_i32_1 = arith.constant 0 : i32
    return %c0_i32, %c0_i32_0 : i32, i32
  }
  func.func @transform_8(%arg0: i32) -> (i32, i32) {
    %c0_i32 = arith.constant 0 : i32
    %c0_i32_0 = arith.constant 0 : i32
    return %arg0, %c0_i32 : i32, i32
  }
  func.func @transform_9(%arg0: i32) -> (i32, i32) {
    %c0_i32 = arith.constant 0 : i32
    %c0_i32_0 = arith.constant 0 : i32
    return %arg0, %c0_i32 : i32, i32
  }
}

module attributes {stable_mosaic.version = 14 : i64} {
  func.func @_pool_head_body(%arg0: memref<10000x128xf32, #tpu.memory_space<vmem>>, %arg1: memref<10000x1xi32, #tpu.memory_space<vmem>>, %arg2: memref<128x128xf32, #tpu.memory_space<vmem>>, %arg3: memref<1x128xf32, #tpu.memory_space<vmem>>, %arg4: memref<128x2xf32, #tpu.memory_space<vmem>>, %arg5: memref<1x2xf32, #tpu.memory_space<vmem>>, %arg6: memref<64x2xf32, #tpu.memory_space<vmem>>, %arg7: memref<64x2xf32, #tpu.memory_space<vmem>>) attributes {dimension_semantics = [], scalar_prefetch = 0 : i64, scratch_operands = 0 : i64, tpu.core_type = #tpu.core_type<tc>} {
    %iota3A = tpu.iota {dimensions = array<i32: 1>} : vector<10000x64xi32>
    %get3A = arith.constant 0 : index
    %get3A_0 = arith.constant 0 : index
    %get3A_1 = vector.load %arg1[%get3A, %get3A_0] : memref<10000x1xi32, #tpu.memory_space<vmem>>, vector<10000x1xi32>
    %eq3A = vector.broadcast %get3A_1 : vector<10000x1xi32> to vector<10000x64xi32>
    %eq3A_2 = arith.cmpi eq, %eq3A, %iota3A : vector<10000x64xi32>
    %jit3A = arith.constant 1.000000e+00 : f32
    %jit3A_3 = arith.constant 0.000000e+00 : f32
    %broadcast_in_dim3A = vector.broadcast %jit3A : f32 to vector<10000x64xf32>
    %broadcast_in_dim3A_4 = vector.broadcast %jit3A_3 : f32 to vector<10000x64xf32>
    %select_n3A = arith.select %eq3A_2, %broadcast_in_dim3A, %broadcast_in_dim3A_4 : vector<10000x64xi1>, vector<10000x64xf32>
    %get3A_5 = arith.constant 0 : index
    %get3A_6 = arith.constant 0 : index
    %get3A_7 = vector.load %arg0[%get3A_5, %get3A_6] : memref<10000x128xf32, #tpu.memory_space<vmem>>, vector<10000x128xf32>
    %dot_general3A = arith.constant dense<0.000000e+00> : vector<64x128xf32>
    %dot_general3A_8 = tpu.matmul %select_n3A, %get3A_7, %dot_general3A {dimension_numbers = #tpu.dot_dimension_numbers<[0], [0], [1], [1], [0, 1, 1, 1], [], []>, transpose_lhs_hint = false} : vector<10000x64xf32>, vector<10000x128xf32>, vector<64x128xf32> -> vector<64x128xf32>
    %reduce_sum3A = arith.constant dense<0.000000e+00> : vector<64xf32>
    %reduce_sum3A_9 = vector.multi_reduction <add>, %select_n3A, %reduce_sum3A [0] : vector<10000x64xf32> to vector<64xf32>
    %reshape3A = vector.shape_cast %reduce_sum3A_9 : vector<64xf32> to vector<64x1xf32>
    %max3A = arith.constant 1.000000e+00 : f32
    %max3A_10 = vector.broadcast %max3A : f32 to vector<64x1xf32>
    %max3A_11 = arith.maximumf %reshape3A, %max3A_10 : vector<64x1xf32>
    %div3A = vector.broadcast %max3A_11 : vector<64x1xf32> to vector<64x128xf32>
    %div3A_12 = arith.divf %dot_general3A_8, %div3A : vector<64x128xf32>
    %get3A_13 = arith.constant 0 : index
    %get3A_14 = arith.constant 0 : index
    %get3A_15 = vector.load %arg2[%get3A_13, %get3A_14] : memref<128x128xf32, #tpu.memory_space<vmem>>, vector<128x128xf32>
    %dot_general3A_16 = arith.constant dense<0.000000e+00> : vector<64x128xf32>
    %dot_general3A_17 = tpu.matmul %div3A_12, %get3A_15, %dot_general3A_16 {dimension_numbers = #tpu.dot_dimension_numbers<[1], [0], [0], [1], [0, 0, 1, 1], [], []>, transpose_lhs_hint = false} : vector<64x128xf32>, vector<128x128xf32>, vector<64x128xf32> -> vector<64x128xf32>
    %get3A_18 = arith.constant 0 : index
    %get3A_19 = arith.constant 0 : index
    %get3A_20 = vector.load %arg3[%get3A_18, %get3A_19] : memref<1x128xf32, #tpu.memory_space<vmem>>, vector<1x128xf32>
    %add3A = vector.broadcast %get3A_20 : vector<1x128xf32> to vector<64x128xf32>
    %add3A_21 = arith.addf %dot_general3A_17, %add3A : vector<64x128xf32>
    %get3A_22 = arith.constant 0 : index
    %get3A_23 = arith.constant 0 : index
    %get3A_24 = vector.load %arg4[%get3A_22, %get3A_23] : memref<128x2xf32, #tpu.memory_space<vmem>>, vector<128x2xf32>
    %dot_general3A_25 = arith.constant dense<0.000000e+00> : vector<64x2xf32>
    %dot_general3A_26 = tpu.matmul %add3A_21, %get3A_24, %dot_general3A_25 {dimension_numbers = #tpu.dot_dimension_numbers<[1], [0], [0], [1], [0, 0, 1, 1], [], []>, transpose_lhs_hint = false} : vector<64x128xf32>, vector<128x2xf32>, vector<64x2xf32> -> vector<64x2xf32>
    %get3A_27 = arith.constant 0 : index
    %get3A_28 = arith.constant 0 : index
    %get3A_29 = vector.load %arg5[%get3A_27, %get3A_28] : memref<1x2xf32, #tpu.memory_space<vmem>>, vector<1x2xf32>
    %add3A_30 = vector.broadcast %get3A_29 : vector<1x2xf32> to vector<64x2xf32>
    %add3A_31 = arith.addf %dot_general3A_26, %add3A_30 : vector<64x2xf32>
    %swap3A = arith.constant 0 : index
    %swap3A_32 = arith.constant 0 : index
    %swap3A_33 = vector.load %arg6[%swap3A, %swap3A_32] : memref<64x2xf32, #tpu.memory_space<vmem>>, vector<64x2xf32>
    tpu.vector_store %arg6[%swap3A, %swap3A_32], %add3A_31 {strides = array<i32>} : memref<64x2xf32, #tpu.memory_space<vmem>>, vector<64x2xf32>,
    %reduce_max3A = arith.constant dense<0xFF800000> : vector<64xf32>
    %reduce_max3A_34 = vector.multi_reduction <maximumf>, %add3A_31, %reduce_max3A [1] : vector<64x2xf32> to vector<64xf32>
    %broadcast_in_dim3A_35 = vector.shape_cast %reduce_max3A_34 : vector<64xf32> to vector<64x1xf32>
    %sub3A = vector.broadcast %broadcast_in_dim3A_35 : vector<64x1xf32> to vector<64x2xf32>
    %sub3A_36 = arith.subf %add3A_31, %sub3A : vector<64x2xf32>
    %exp3A = math.exp %sub3A_36 : vector<64x2xf32>
    %reduce_sum3A_37 = arith.constant dense<0.000000e+00> : vector<64xf32>
    %reduce_sum3A_38 = vector.multi_reduction <add>, %exp3A, %reduce_sum3A_37 [1] : vector<64x2xf32> to vector<64xf32>
    %broadcast_in_dim3A_39 = vector.shape_cast %reduce_sum3A_38 : vector<64xf32> to vector<64x1xf32>
    %log3A = math.log %broadcast_in_dim3A_39 : vector<64x1xf32>
    %add3A_40 = arith.addf %broadcast_in_dim3A_35, %log3A : vector<64x1xf32>
    %sub3A_41 = vector.broadcast %add3A_40 : vector<64x1xf32> to vector<64x2xf32>
    %sub3A_42 = arith.subf %add3A_31, %sub3A_41 : vector<64x2xf32>
    %swap3A_43 = arith.constant 0 : index
    %swap3A_44 = arith.constant 0 : index
    %swap3A_45 = vector.load %arg7[%swap3A_43, %swap3A_44] : memref<64x2xf32, #tpu.memory_space<vmem>>, vector<64x2xf32>
    tpu.vector_store %arg7[%swap3A_43, %swap3A_44], %sub3A_42 {strides = array<i32>} : memref<64x2xf32, #tpu.memory_space<vmem>>, vector<64x2xf32>,
    return
  }
}

</mosaic_0001>

<sc_bundles>
// kernel: kernel.10.cloned.1.call-start
scs
__scs_entry_jumppad:
0x0: {  	(pc) =	sbr.rel $0x88, $3  }
0x1: {  	(tag) =	ssettag $0x0;
	lr =	simm.s32 $0x1  }
0x2: {  	[smem:$0x3F8A] =	sst lr;
	_ =	strace $0xD0000000  }
0x3: {  	_ = 	snop  }
0x4: {  	_ = 	snop  }
0x5: {  	_ = 	snop  }
0x6: {  	_ = 	snop  }
0x7: {  	_ = 	snop  }
__scs_overlays_trampoline_lowered:
0x8: {  	[smem:$0x3F99] =	sst s0  }
0x9: {  	[smem:$0x3F9A] =	sst s1  }
0xa: {  	[smem:$0x3F9B] =	sst s2  }
0xb: {  	[smem:$0x3F9C] =	sst s3  }
0xc: {  	[smem:$0x3F9D] =	sst s4  }
0xd: {  	[smem:$0x3F9E] =	sst s5  }
0xe: {  	[smem:$0x3F9F] =	sst s6  }
0xf: {  	[smem:$0x3FA0] =	sst s7  }
0x10: {  	[smem:$0x3FA1] =	sst s8  }
0x11: {  	[smem:$0x3FA2] =	sst s9;
	s0 =	simm.s32 @!p0 $0x0  }
0x12: {  	s1 =	sld [smem:$0x3F88];
	s0 =	simm.s32 @p0 $0x1  }
0x13: {  	[smem:$0x3FA3] =	sst s0;
	s0 =	simm.s32 @!p1 $0x0  }
0x14: {  	s2 =	sld [smem:$0x3F87];
	s0 =	simm.s32 @p1 $0x1  }
0x15: {  	[smem:$0x3FA4] =	sst s0;
	s0 =	simm.s32 @!p2 $0x0  }
0x16: {  	s3 =	sld [smem:$0x3FDB];
	s0 =	simm.s32 @p2 $0x1  }
0x17: {  	s4 =	simm.s32 $0x1BF5;
	[smem:$0x3FA6] =	sst s0  }
0x18: {  	s0 =	sld [smem:$0x3F89];
	_ =	swait.ge [sflag:s4], $0x0  }
0x19: {  	s7 =	sld [smem:$0x3F8A]  }
0x1a: {  	s8 =	sadd.s32 $0xFFFFE003, lr  }
0x1b: {  	s9 =	sadd.s32 $0xFFFFFEF7, lr;
	s5 =	simm.s32 $0xFFFFFFFF;
	p2 =	slt.u32 s8, $0xFFFFF086  }
0x1c: {  	p1 =	slt.u32 s9, $0xF7A;
	s5 =	simm.s32 @!p2 $0x0  }
0x1d: {  	s5 =	simm.s32 @p1 $0x1;
	p0 =	seq.s32 s7, s2  }
0x1e: {  	s7 =	smul.u32 @!p0 $0xF7A, s2;
	p2 =	seq.s32 @!p0 s5, $0x0  }
0x1f: {  	s9 =	smul.u32 $0xF7A, s1;
	s8 =	simm.s32 @!p0 $0x1BF5;
	p2 =	por !p2, p0  }
0x20: {  	[sflag:s8] =	ssyncset.s32 @!p0 $0xFFFFF086;
	s6 =	sadd.s32 @!p0 s3, s7;
	s7 =	simm.s32 @!p0 $0x108  }
0x21: {  	s3 =	sadd.s32 s3, s9;
	s6 =	sadd.s32 @!p0 $0x88, s6;
	s7 =	simm.s32 @p2 $0x1082  }
0x22: {  	[simem:s7], [sflag:s8] =	dma.local @!p0 [hbm:s6], $0xF7A  }
0x23: {  	s9 =	sor.u32 $0xD0000000, s2;
	s6 =	simm.s32 $0x108;
	_ =	swait.ge @!p0 [sflag:s8], $0x0  }
0x24: {  	s3 =	sadd.s32 $0x88, s3;
	s6 =	simm.s32 @!p1 $0x1082;
	[sflag:s4] =	ssyncset.s32 $0xFFFFF086  }
0x25: {  	[simem:s6], [sflag:s4] =	dma.local [hbm:s3], $0xF7A  }
0x26: {  	[smem:$0x3F8A] =	sst s1;
	(tag) =	ssettag s2;
	_ =	strace s9  }
0x27: {  	s1 =	sld [smem:$0x3F9A]  }
0x28: {  	s2 =	sld [smem:$0x3F9B]  }
0x29: {  	s4 =	sld [smem:$0x3F9D]  }
0x2a: {  	p0 =	seq.s32 s5, $0x0;
	s5 =	sld [smem:$0x3F9E]  }
0x2b: {  	s6 =	sld [smem:$0x3F9F]  }
0x2c: {  	s7 =	sld [smem:$0x3FA0]  }
0x2d: {  	s3 =	simm.s32 $0x108;
	s8 =	sld [smem:$0x3FA1]  }
0x2e: {  	s3 =	simm.s32 @!p0 $0x1082;
	s9 =	sld [smem:$0x3FA2]  }
0x2f: {  	lr =	sadd.s32 s0, s3;
	s0 =	sld [smem:$0x3F99]  }
0x30: {  	s3 =	sld [smem:$0x3F9C]  }
0x31: {  	[smem:$0x3FA5] =	sst s10  }
0x32: {  	s10 =	sld [smem:$0x3FA3];
	_ =	sdelay $0x3  }
0x33: {  	p0 =	seq.s32 s10, $0x1;
	s10 =	sld [smem:$0x3FA5];
	_ =	sdelay $0x3  }
0x34: {  	[smem:$0x3FA5] =	sst s10  }
0x35: {  	s10 =	sld [smem:$0x3FA4];
	_ =	sdelay $0x3  }
0x36: {  	p1 =	seq.s32 s10, $0x1;
	s10 =	sld [smem:$0x3FA5];
	_ =	sdelay $0x3  }
0x37: {  	[smem:$0x3FA5] =	sst s10  }
0x38: {  	s10 =	sld [smem:$0x3FA6]  }
0x39: {  	_ = 	snop;
	(pc) =	sbr.ind lr, $3  }
0x3a: {  	_ = 	snop  }
0x3b: {  	_ = 	snop  }
0x3c: {  	p2 =	seq.s32 s10, $0x1;
	s10 =	sld [smem:$0x3FA5]  }
0x3d: {  	_ =	shalt  }
0x3e: {  	_ =	shalt  }
0x3f: {  	_ =	shalt  }
0x40: {  	_ =	shalt  }
0x41: {  	_ =	shalt  }
0x42: {  	_ =	shalt  }
0x43: {  	_ =	shalt  }
0x44: {  	_ =	shalt  }
0x45: {  	_ =	shalt  }
0x46: {  	_ =	shalt  }
0x47: {  	_ =	shalt  }
0x48: {  	_ =	shalt  }
0x49: {  	_ =	shalt  }
0x4a: {  	_ =	shalt  }
0x4b: {  	_ =	shalt  }
0x4c: {  	_ =	shalt  }
0x4d: {  	_ =	shalt  }
0x4e: {  	_ =	shalt  }
0x4f: {  	_ =	shalt  }
0x50: {  	_ =	shalt  }
0x51: {  	_ =	shalt  }
0x52: {  	_ =	shalt  }
0x53: {  	_ =	shalt  }
0x54: {  	_ =	shalt  }
0x55: {  	_ =	shalt  }
0x56: {  	_ =	shalt  }
0x57: {  	_ =	shalt  }
0x58: {  	_ =	shalt  }
0x59: {  	_ =	shalt  }
0x5a: {  	_ =	shalt  }
0x5b: {  	_ =	shalt  }
0x5c: {  	_ =	shalt  }
0x5d: {  	_ =	shalt  }
0x5e: {  	_ =	shalt  }
0x5f: {  	_ =	shalt  }
0x60: {  	_ =	shalt  }
0x61: {  	_ =	shalt  }
0x62: {  	_ =	shalt  }
0x63: {  	_ =	shalt  }
0x64: {  	_ =	shalt  }
0x65: {  	_ =	shalt  }
0x66: {  	_ =	shalt  }
0x67: {  	_ =	shalt  }
0x68: {  	_ =	shalt  }
0x69: {  	_ =	shalt  }
0x6a: {  	_ =	shalt  }
0x6b: {  	_ =	shalt  }
0x6c: {  	_ =	shalt  }
0x6d: {  	_ =	shalt  }
0x6e: {  	_ =	shalt  }
0x6f: {  	_ =	shalt  }
0x70: {  	_ =	shalt  }
0x71: {  	_ =	shalt  }
0x72: {  	_ =	shalt  }
0x73: {  	_ =	shalt  }
0x74: {  	_ =	shalt  }
0x75: {  	_ =	shalt  }
0x76: {  	_ =	shalt  }
0x77: {  	_ =	shalt  }
0x78: {  	_ =	shalt  }
0x79: {  	_ =	shalt  }
0x7a: {  	_ =	shalt  }
0x7b: {  	_ =	shalt  }
0x7c: {  	_ =	shalt  }
0x7d: {  	_ =	shalt  }
0x7e: {  	_ =	shalt  }
0x7f: {  	_ =	shalt  }
0x80: {  	_ =	shalt  }
0x81: {  	_ =	shalt  }
0x82: {  	_ =	shalt  }
0x83: {  	_ =	shalt  }
0x84: {  	_ =	shalt  }
0x85: {  	_ =	shalt  }
0x86: {  	_ =	shalt  }
0x87: {  	_ =	shalt  }
.Lfunc_end0:
.L_simem_size_0:
called_computation_lowered:
.L_overlay_start_0:
0x88: {  	s2 =	sld [smem:$0x3FD9]  }
0x89: {  	s3 =	sld [smem:$0x3FFE];
	_ =	sdelay $0x1  }
0x8a: {  	s1 =	srdreg.scid  }
0x8b: {  	s0 =	sand.u32 $0x1, s1  }
0x8c: {  	s16 =	sshll.u32 s0, $0xA;
	s2 =	sadd.s32 s3, s2  }
0x8d: {  	s2 =	sadd.s32 s2, s16  }
0x8e: {  	[smem:$0x3FB1] =	sst s2  }
0x8f: {  	_ = 	snop  }
0x90: {  	(tm) =	ssettm $0x1  }
0x91: {  	s17 =	sld [smem:$0x3FFB];
	_ =	sdelay $0x3  }
0x92: {  	_ =	strace s17  }
0x93: {  	s2 =	sld [smem:$0x3FFC];
	_ =	sdelay $0x3  }
0x94: {  	_ =	strace s2  }
0x95: {  	s2 =	sld [smem:$0x3FFD];
	_ =	sdelay $0x3  }
0x96: {  	_ =	strace s2  }
0x97: {  	_ =	strace $0x8FFFFFFF  }
0x98: {  	s18 =	sld [smem:$0x3FDB];
	_ =	sdelay $0x1  }
0x99: {  	s19 =	simm.s32 $_scs_section_size  }
0x9a: {  	s4 =	simm.s32 $_size__tile_overlayer_lowered;
	s5 =	simm.s32 $_tile_overlayer_lowered  }
0x9b: {  	s22 =	simm.s32 $0x1BFF;
	s21 =	sshll.u32 s5, $0x1;
	s2 =	sadd.s32 s19, s18  }
0x9c: {  	s6 =	simm.s32 $0x0;
	s20 =	sshll.u32 s4, $0x1;
	s4 =	sadd.s32 s21, s2  }
0x9d: {  	[timem:s6], [sflag:s22] =	dma.local [hbm:s4], s20  }
0x9e: {  	_ =	swait.ge [sflag:s22], s20  }
0x9f: {  	s3 =	ssub.s32 $0x0, s20;
	[sflag:s22] =	ssyncset.done $0x0  }
0xa0: {  	[sflag:s22] =	ssyncadd.s32 s3;
	_ =	sdelay $0x1  }
0xa1: {  	s23 =	simm.s32 $0x1B8B  }
0xa2: {  	_ =	swait.ge [sflag:s23], $0x1  }
0xa3: {  	[sflag:s23] =	ssyncset.done $0x0  }
0xa4: {  	s25 =	simm.s32 $0x1B8E;
	s24 =	sld [smem:$0x3FFE];
	[sflag:s23] =	ssyncadd.s32 $0xFFFFFFFF  }
0xa5: {  	s26 =	simm.s32 $execute0_lowered;
	[smem:$0x3FD2] =	sst s25  }
0xa6: {  	s4 =	sshll.u32 s26, $0x1;
	_ =	strace $0x80000046;
	[dreg:$0x1] =	wrdreg $0xFFFFFFFF  }
0xa7: {  	s28 =	simm.s32 $_size_execute0_lowered;
	s2 =	sadd.s32 s2, s4;
	[dreg:$0x0] =	wrdreg $0x0  }
0xa8: {  	s4 =	sshll.u32 s28, $0x1;
	[dreg:$0x2] =	wrdreg s2  }
0xa9: {  	[dreg:$0x3] =	wrdreg s4  }
0xaa: {  	[dreg:$0x4] =	wrdreg $0xC0  }
0xab: {  	_ =	task [dreg:s6], $0x5FFFF  }
0xac: {  	[dreg:$0x1] =	wrdreg $0xFFFFFFFF  }
0xad: {  	[dreg:$0x0] =	wrdreg $0x60  }
0xae: {  	[dreg:$0x2] =	wrdreg s24  }
0xaf: {  	[dreg:$0x3] =	wrdreg $0xA8000  }
0xb0: {  	[dreg:$0x4] =	wrdreg $0x9  }
0xb1: {  	_ =	task.clear_ibuf [dreg:s6], $0x5FFFF;
	_ =	strace $0x90000046  }
0xb2: {  	s29 =	simm.s32 $0x9;
	_ =	strace $0x80000048  }
0xb3: {  	_ =	swait.ge [sflag:s29], $0x1  }
0xb4: {  	[sflag:s29] =	ssyncadd.s32 $0xFFFFFFFF  }
0xb5: {  	_ =	strace $0x90000048  }
0xb6: {  	_ =	sfence  }
0xb7: {  	s30 =	sld [smem:$0x0];
	_ =	sdelay $0x2  }
0xb8: {  	s31 =	sshll.u32 s1, $0xD;
	s1 =	sshrl.u32 s1, $0x2  }
0xb9: {  	s3 =	sand.u32 $0x4000, s31;
	s1 =	sadd.s32 s1, s30  }
0xba: {  	s0 =	sor.u32 s3, s0;
	s1 =	sshll.u32 s1, $0x11  }
0xbb: {  	s0 =	sor.u32 s1, s0  }
0xbc: {  	s0 =	sadd.s32 $0x8F2B, s0  }
0xbd: {  	[sflag:s0] =	ssyncadd.remote.s32 $0x1  }
0xbe: {  	_ =	sfence.sel $0xFFFF  }
0xbf: {  	[dreg:$0x0] =	wrdreg $0xFFFFFFFF;
	(pc) =	sbr.abs _section_cstart, $3  }
0xc0: {  	[dreg:$0x1] =	wrdreg $0xFFFFFFFF  }
0xc1: {  	_ =	task.clear_ibuf [dreg:s6], $0x2FFFF;
	_ =	strace $0x9FFFFFFF  }
0xc2: {  	(tm) =	ssettm $0x7FFFFFFF  }
0xc3: {  	_ =	shalt  }
tec
execute0_lowered:
.L_overlay_start_1:
0x0: {  	(tag) =	ssettag $0x1  }
0x1: {  	s6 =	rddreg [dreg:$0x0]  }
0x2: {  	s2 =	rddreg [dreg:$0x1]  }
0x3: {  	s1 =	stileid.u32;
	s4 =	srdreg.scid  }
0x4: {  	s3 =	simm.s32 $0x0;
	s20 =	simm.s32 $0x1400;
	s21 =	simm.s32 $0x80  }
0x5: {  	s22 =	simm.s32 $0x2800;
	s23 =	simm.s32 $0x6800;
	s24 =	simm.s32 $0x1  }
0x6: {  	s25 =	simm.s32 $0x2;
	s28 =	simm.s32 $0x2780;
	s7 =	smul.u32 $0x13C00, s1  }
0x7: {  	s9 =	sand.u32 $0x1, s4;
	[smem:$0x7FF] =	sst s3;
	s10 =	smul.u32 $0x4F000, s1  }
0x8: {  	s4 =	sadd.s32 $0x4E00, s6;
	s5 =	sadd.s32 $0x2C000, s6;
	s11 =	smul.u32 $0x5000, s1  }
0x9: {  	s15 =	sadd.s32 $0x5D200, s6;
	s16 =	sadd.s32 $0x53200, s6;
	s31 =	smul.u32 $0xA00, s1  }
0xa: {  	s30 =	sshll.u32 s1, $0x6;
	s8 =	smul.u32 $0x13C000, s9;
	s26 =	ssub.s32 $0x2, s9  }
0xb: {  	_ =	strace $0x80000047;
	p0 =	seq.s32 s9, $0x1;
	s29 =	sshrl.u32 s26, $0x1  }
0xc: {  	s10 =	sshrl.u32 s10, $0x2;
	s13 =	sshrl.u32 s11, $0x3;
	s9 =	sadd.s32 s15, s31  }
0xd: {  	s8 =	sadd.s32 s7, s8;
	s7 =	sshrl.u32 s7, $0x3;
	s18 =	ssub.s32 s26, s29  }
0xe: {  	s12 =	sadd.s32 $0x280, s13;
	s14 =	sadd.s32 $0x500, s13;
	s19 =	sadd.s32 $0x780, s13  }
0xf: {  	s26 =	simm.s32 $0x2700;
	s8 =	sshrl.u32 s8, $0x3;
	s7 =	sadd.s32 s7, s6  }
.Ltmp0:
0x10: {  	s11 =	sadd.s32 s15, s12;
	s12 =	sadd.s32 s16, s12;
	(pc) =	sbr.rel .LBB2_1-.Ltmp0, $4  }
0x11: {  	s13 =	sadd.s32 s15, s14;
	s14 =	sadd.s32 s16, s14;
	s15 =	sadd.s32 s15, s19  }
0x12: {  	s18 =	smax.u32 s18, $0x1;
	s17 =	sadd.s32 s8, s6;
	s6 =	sadd.s32 s10, s2  }
0x13: {  	s7 =	sadd.s32 $0x67200, s7;
	s8 =	sor.u32 $0x1C03, s30;
	s10 =	sadd.s32 s16, s31  }
0x14: {  	s16 =	sadd.s32 s16, s19;
	s19 =	simm.s32 $0x3;
	s17 =	sadd.s32 $0x8EA00, s17  }
.LBB2_11:
0x15: {  	[tilespmem:s23], [sflag:$0x2] =	stream.indirect.gather [hbm4b:s5+s21], $0x80, s31, s21, $0xb8;
	[tilespmem:$0x1E400] =	vst v63  }
.LBB2_12:
0x16: {  	_ =	swait.ge [sflag:s24], $0x4000  }
0x17: {  	[sflag:s24] =	ssyncset.done $0x0  }
0x18: {  	[sflag:s24] =	ssyncadd.s32 $0xFFFFC000  }
0x19: {  	[spmem:s2] =	stream.indirect.scatter.add.f32 [tilespmem:s22], [sflag:$0x3], $0x80, s26, s21, $0xb8;
	[tilespmem:$0x1E400] =	vst v63  }
0x1a: {  	_ =	swait.ge [sflag:s19], $0x4000  }
0x1b: {  	[sflag:s19] =	ssyncset.done $0x0  }
0x1c: {  	[sflag:s19] =	ssyncadd.s32 $0xFFFFC000  }
0x1d: {  	_ =	swait.ge [sflag:s25], $0x4000  }
0x1e: {  	[sflag:s25] =	ssyncset.done $0x0  }
0x1f: {  	[sflag:s25] =	ssyncadd.s32 $0xFFFFC000  }
0x20: {  	[spmem:s2] =	stream.indirect.scatter.add.f32 [tilespmem:s23], [sflag:$0x3], $0x80, s28, s21, $0xb8;
	[tilespmem:$0x1E400] =	vst v63  }
0x21: {  	_ =	swait.ge [sflag:s19], $0x4000  }
0x22: {  	s3 =	sadd.s32 $0x1, s3;
	[sflag:s19] =	ssyncset.done $0x0  }
0x23: {  	p1 =	sne.s32 s3, s18;
	[sflag:s19] =	ssyncadd.s32 $0xFFFFC000  }
.Ltmp1:
0x24: {  	[bflag:$0x0] =	sbarrier.arrive $0xFFFF;
	(pc) =	sbr.rel @!p1 .LBB2_13-.Ltmp1, $4  }
0x25: {  	[hbm:s17], [sflag:s8] =	dma.local [spmem:s29], $0x2780  }
0x26: {  	_ =	swait.ge [sflag:s19], $0x2780  }
0x27: {  	[sflag:s19] =	ssyncset.done $0x0  }
0x28: {  	[sflag:s19] =	ssyncadd.s32 $0xFFFFD880  }
.LBB2_1:
0x29: {  	s29 =	sshrl.u32 s6, $0x3  }
0x2a: {  	[spmem:s29], [sflag:s8] =	dma.local [hbm:s7], $0x2780  }
.Ltmp2:
0x2b: {  	_ =	swait.ge [sflag:s19], $0x2780;
	(pc) =	sbr.rel @!p0 .LBB2_2-.Ltmp2, $3  }
0x2c: {  	[sflag:s19] =	ssyncset.done $0x0  }
0x2d: {  	[sflag:s19] =	ssyncadd.s32 $0xFFFFD880  }
0x2e: {  	[bflag:$0x0] =	sbarrier.arrive $0xFFFF;
	_ =	sdelay $0x1  }
0x2f: {  	s0 =	simm.s32 $0x0  }
0x30: {  	[tilespmem:s0], [sflag:$0x3] =	stream.linear.gather [hbm4b:s15+s0], $0x1400, $0x38;
	[tilespmem:$0x1E400] =	vst v63  }
0x31: {  	_ =	swait.ge [sflag:s19], $0x1400  }
0x32: {  	[sflag:s19] =	ssyncset.done $0x0  }
0x33: {  	[sflag:s19] =	ssyncadd.s32 $0xFFFFEC00  }
0x34: {  	[tilespmem:s20], [sflag:$0x3] =	stream.linear.gather [hbm4b:s16+s0], $0x1400, $0x38;
	[tilespmem:$0x1E400] =	vst v63  }
0x35: {  	_ =	swait.ge [sflag:s19], $0x1400  }
0x36: {  	[sflag:s19] =	ssyncset.done $0x0  }
0x37: {  	[sflag:s19] =	ssyncadd.s32 $0xFFFFEC00  }
0x38: {  	[tilespmem:s22], [sflag:$0x1] =	stream.indirect.gather [hbm4b:s5+s21], $0x80, s0, s21, $0xb8;
	[tilespmem:$0x1E400] =	vst v63  }
0x39: {  	_ = 	snop  }
0x3a: {  	[tilespmem:s23], [sflag:$0x2] =	stream.indirect.gather [hbm4b:s5+s21], $0x80, s21, s21, $0xb8;
	[tilespmem:$0x1E400] =	vst v63  }
0x3b: {  	_ =	swait.ge [sflag:s24], $0x4000  }
0x3c: {  	[sflag:s24] =	ssyncset.done $0x0  }
0x3d: {  	s0 =	simm.s32 $0x1400;
	[sflag:s24] =	ssyncadd.s32 $0xFFFFC000  }
0x3e: {  	[spmem:s2] =	stream.indirect.scatter.add.f32 [tilespmem:s22], [sflag:$0x3], $0x80, s0, s21, $0xb8;
	[tilespmem:$0x1E400] =	vst v63  }
0x3f: {  	_ =	swait.ge [sflag:s19], $0x4000  }
0x40: {  	[sflag:s19] =	ssyncset.done $0x0  }
0x41: {  	s0 =	simm.s32 $0x100;
	[sflag:s19] =	ssyncadd.s32 $0xFFFFC000  }
0x42: {  	[tilespmem:s22], [sflag:$0x1] =	stream.indirect.gather [hbm4b:s5+s21], $0x80, s0, s21, $0xb8;
	[tilespmem:$0x1E400] =	vst v63  }
0x43: {  	_ =	swait.ge [sflag:s25], $0x4000  }
0x44: {  	[sflag:s25] =	ssyncset.done $0x0  }
0x45: {  	s0 =	simm.s32 $0x1480;
	[sflag:s25] =	ssyncadd.s32 $0xFFFFC000  }
0x46: {  	[spmem:s2] =	stream.indirect.scatter.add.f32 [tilespmem:s23], [sflag:$0x3], $0x80, s0, s21, $0xb8;
	[tilespmem:$0x1E400] =	vst v63  }
0x47: {  	_ =	swait.ge [sflag:s19], $0x4000  }
0x48: {  	[sflag:s19] =	ssyncset.done $0x0  }
0x49: {  	s30 =	simm.s32 $0x400;
	s31 =	simm.s32 $0x180;
	[sflag:s19] =	ssyncadd.s32 $0xFFFFC000  }
.LBB2_10:
0x4a: {  	[tilespmem:s23], [sflag:$0x2] =	stream.indirect.gather [hbm4b:s5+s21], $0x80, s31, s21, $0xb8;
	[tilespmem:$0x1E400] =	vst v63  }
0x4b: {  	s0 =	smov.u32 s30  }
0x4c: {  	p1 =	sne.s32 s30, $0x4800;
	s30 =	sadd.s32 $0x400, s30;
	_ =	swait.ge [sflag:s24], $0x4000  }
0x4d: {  	s0 =	sshra.s32 s0, $0x2;
	[sflag:s24] =	ssyncset.done $0x0  }
0x4e: {  	s31 =	sadd.s32 $0x1400, s0;
	[sflag:s24] =	ssyncadd.s32 $0xFFFFC000  }
0x4f: {  	[spmem:s2] =	stream.indirect.scatter.add.f32 [tilespmem:s22], [sflag:$0x3], $0x80, s31, s21, $0xb8;
	[tilespmem:$0x1E400] =	vst v63  }
0x50: {  	_ =	swait.ge [sflag:s19], $0x4000  }
0x51: {  	[sflag:s19] =	ssyncset.done $0x0  }
0x52: {  	s31 =	sadd.s32 $0x100, s0;
	[sflag:s19] =	ssyncadd.s32 $0xFFFFC000  }
0x53: {  	[tilespmem:s22], [sflag:$0x1] =	stream.indirect.gather [hbm4b:s5+s21], $0x80, s31, s21, $0xb8;
	[tilespmem:$0x1E400] =	vst v63  }
0x54: {  	_ =	swait.ge [sflag:s25], $0x4000  }
0x55: {  	[sflag:s25] =	ssyncset.done $0x0  }
.Ltmp3:
0x56: {  	s31 =	sadd.s32 $0x1480, s0;
	[sflag:s25] =	ssyncadd.s32 $0xFFFFC000;
	(pc) =	sbr.rel @p1 .LBB2_10-.Ltmp3, $4  }
0x57: {  	[spmem:s2] =	stream.indirect.scatter.add.f32 [tilespmem:s23], [sflag:$0x3], $0x80, s31, s21, $0xb8;
	[tilespmem:$0x1E400] =	vst v63  }
0x58: {  	_ =	swait.ge [sflag:s19], $0x4000  }
0x59: {  	[sflag:s19] =	ssyncset.done $0x0  }
0x5a: {  	s31 =	sadd.s32 $0x180, s0;
	[sflag:s19] =	ssyncadd.s32 $0xFFFFC000  }
.Ltmp4:
0x5b: {  	_ = 	snop;
	(pc) =	sbr.rel .LBB2_11-.Ltmp4, $1  }
0x5c: {  	_ =	sdelay $0x3  }
.LBB2_2:
0x5d: {  	s30 =	simm.s32 $0x0  }
0x5e: {  	[tilespmem:s30], [sflag:$0x3] =	stream.linear.gather [hbm4b:s9+s30], $0x1400, $0x38;
	[tilespmem:$0x1E400] =	vst v63  }
0x5f: {  	_ =	swait.ge [sflag:s19], $0x1400  }
0x60: {  	[sflag:s19] =	ssyncset.done $0x0  }
0x61: {  	[sflag:s19] =	ssyncadd.s32 $0xFFFFEC00  }
0x62: {  	[tilespmem:s20], [sflag:$0x3] =	stream.linear.gather [hbm4b:s10+s30], $0x1400, $0x38;
	[tilespmem:$0x1E400] =	vst v63  }
0x63: {  	_ =	swait.ge [sflag:s19], $0x1400  }
0x64: {  	[sflag:s19] =	ssyncset.done $0x0  }
0x65: {  	[sflag:s19] =	ssyncadd.s32 $0xFFFFEC00  }
0x66: {  	[tilespmem:s22], [sflag:$0x1] =	stream.indirect.gather [hbm4b:s4+s21], $0x80, s30, s21, $0xb8;
	[tilespmem:$0x1E400] =	vst v63  }
0x67: {  	_ = 	snop  }
0x68: {  	[tilespmem:s23], [sflag:$0x2] =	stream.indirect.gather [hbm4b:s4+s21], $0x80, s21, s21, $0xb8;
	[tilespmem:$0x1E400] =	vst v63  }
0x69: {  	_ =	swait.ge [sflag:s24], $0x4000  }
0x6a: {  	[sflag:s24] =	ssyncset.done $0x0  }
0x6b: {  	s30 =	simm.s32 $0x1400;
	[sflag:s24] =	ssyncadd.s32 $0xFFFFC000  }
0x6c: {  	[spmem:s2] =	stream.indirect.scatter.add.f32 [tilespmem:s22], [sflag:$0x3], $0x80, s30, s21, $0xb8;
	[tilespmem:$0x1E400] =	vst v63  }
0x6d: {  	_ =	swait.ge [sflag:s19], $0x4000  }
0x6e: {  	[sflag:s19] =	ssyncset.done $0x0  }
0x6f: {  	s30 =	simm.s32 $0x100;
	[sflag:s19] =	ssyncadd.s32 $0xFFFFC000  }
0x70: {  	[tilespmem:s22], [sflag:$0x1] =	stream.indirect.gather [hbm4b:s4+s21], $0x80, s30, s21, $0xb8;
	[tilespmem:$0x1E400] =	vst v63  }
0x71: {  	_ =	swait.ge [sflag:s25], $0x4000  }
0x72: {  	[sflag:s25] =	ssyncset.done $0x0  }
0x73: {  	s30 =	simm.s32 $0x1480;
	[sflag:s25] =	ssyncadd.s32 $0xFFFFC000  }
0x74: {  	[spmem:s2] =	stream.indirect.scatter.add.f32 [tilespmem:s23], [sflag:$0x3], $0x80, s30, s21, $0xb8;
	[tilespmem:$0x1E400] =	vst v63  }
0x75: {  	_ =	swait.ge [sflag:s19], $0x4000  }
0x76: {  	[sflag:s19] =	ssyncset.done $0x0  }
0x77: {  	s31 =	simm.s32 $0x180;
	s30 =	simm.s32 $0x400;
	[sflag:s19] =	ssyncadd.s32 $0xFFFFC000  }
.LBB2_3:
0x78: {  	[tilespmem:s23], [sflag:$0x2] =	stream.indirect.gather [hbm4b:s4+s21], $0x80, s31, s21, $0xb8;
	[tilespmem:$0x1E400] =	vst v63  }
0x79: {  	s31 =	smov.u32 s30  }
0x7a: {  	p1 =	sne.s32 s30, $0x4800;
	s30 =	sadd.s32 $0x400, s30;
	_ =	swait.ge [sflag:s24], $0x4000  }
0x7b: {  	s31 =	sshra.s32 s31, $0x2;
	[sflag:s24] =	ssyncset.done $0x0  }
0x7c: {  	s0 =	sadd.s32 $0x1400, s31;
	[sflag:s24] =	ssyncadd.s32 $0xFFFFC000  }
0x7d: {  	[spmem:s2] =	stream.indirect.scatter.add.f32 [tilespmem:s22], [sflag:$0x3], $0x80, s0, s21, $0xb8;
	[tilespmem:$0x1E400] =	vst v63  }
0x7e: {  	_ =	swait.ge [sflag:s19], $0x4000  }
0x7f: {  	[sflag:s19] =	ssyncset.done $0x0  }
0x80: {  	s0 =	sadd.s32 $0x100, s31;
	[sflag:s19] =	ssyncadd.s32 $0xFFFFC000  }
0x81: {  	[tilespmem:s22], [sflag:$0x1] =	stream.indirect.gather [hbm4b:s4+s21], $0x80, s0, s21, $0xb8;
	[tilespmem:$0x1E400] =	vst v63  }
0x82: {  	_ =	swait.ge [sflag:s25], $0x4000  }
0x83: {  	[sflag:s25] =	ssyncset.done $0x0  }
.Ltmp5:
0x84: {  	s0 =	sadd.s32 $0x1480, s31;
	[sflag:s25] =	ssyncadd.s32 $0xFFFFC000;
	(pc) =	sbr.rel @p1 .LBB2_3-.Ltmp5, $4  }
0x85: {  	[spmem:s2] =	stream.indirect.scatter.add.f32 [tilespmem:s23], [sflag:$0x3], $0x80, s0, s21, $0xb8;
	[tilespmem:$0x1E400] =	vst v63  }
0x86: {  	_ =	swait.ge [sflag:s19], $0x4000  }
0x87: {  	[sflag:s19] =	ssyncset.done $0x0  }
0x88: {  	s31 =	sadd.s32 $0x180, s31;
	[sflag:s19] =	ssyncadd.s32 $0xFFFFC000  }
0x89: {  	[tilespmem:s23], [sflag:$0x2] =	stream.indirect.gather [hbm4b:s4+s21], $0x80, s31, s21, $0xb8;
	[tilespmem:$0x1E400] =	vst v63  }
0x8a: {  	_ =	swait.ge [sflag:s24], $0x4000  }
0x8b: {  	[sflag:s24] =	ssyncset.done $0x0  }
0x8c: {  	[sflag:s24] =	ssyncadd.s32 $0xFFFFC000  }
0x8d: {  	[spmem:s2] =	stream.indirect.scatter.add.f32 [tilespmem:s22], [sflag:$0x3], $0x80, s26, s21, $0xb8;
	[tilespmem:$0x1E400] =	vst v63  }
0x8e: {  	_ =	swait.ge [sflag:s19], $0x4000  }
0x8f: {  	[sflag:s19] =	ssyncset.done $0x0  }
0x90: {  	[sflag:s19] =	ssyncadd.s32 $0xFFFFC000  }
0x91: {  	_ =	swait.ge [sflag:s25], $0x4000  }
0x92: {  	[sflag:s25] =	ssyncset.done $0x0  }
0x93: {  	[sflag:s25] =	ssyncadd.s32 $0xFFFFC000  }
0x94: {  	[spmem:s2] =	stream.indirect.scatter.add.f32 [tilespmem:s23], [sflag:$0x3], $0x80, s28, s21, $0xb8;
	[tilespmem:$0x1E400] =	vst v63  }
0x95: {  	_ =	swait.ge [sflag:s19], $0x4000  }
0x96: {  	[sflag:s19] =	ssyncset.done $0x0  }
0x97: {  	s0 =	simm.s32 $0x0;
	[sflag:s19] =	ssyncadd.s32 $0xFFFFC000  }
0x98: {  	[tilespmem:s0], [sflag:$0x3] =	stream.linear.gather [hbm4b:s11+s0], $0x1400, $0x38;
	[tilespmem:$0x1E400] =	vst v63  }
0x99: {  	_ =	swait.ge [sflag:s19], $0x1400  }
0x9a: {  	[sflag:s19] =	ssyncset.done $0x0  }
0x9b: {  	[sflag:s19] =	ssyncadd.s32 $0xFFFFEC00  }
0x9c: {  	[tilespmem:s20], [sflag:$0x3] =	stream.linear.gather [hbm4b:s12+s0], $0x1400, $0x38;
	[tilespmem:$0x1E400] =	vst v63  }
0x9d: {  	_ =	swait.ge [sflag:s19], $0x1400  }
0x9e: {  	[sflag:s19] =	ssyncset.done $0x0  }
0x9f: {  	[sflag:s19] =	ssyncadd.s32 $0xFFFFEC00  }
0xa0: {  	[tilespmem:s22], [sflag:$0x1] =	stream.indirect.gather [hbm4b:s4+s21], $0x80, s0, s21, $0xb8;
	[tilespmem:$0x1E400] =	vst v63  }
0xa1: {  	_ = 	snop  }
0xa2: {  	[tilespmem:s23], [sflag:$0x2] =	stream.indirect.gather [hbm4b:s4+s21], $0x80, s21, s21, $0xb8;
	[tilespmem:$0x1E400] =	vst v63  }
0xa3: {  	_ =	swait.ge [sflag:s24], $0x4000  }
0xa4: {  	[sflag:s24] =	ssyncset.done $0x0  }
0xa5: {  	s0 =	simm.s32 $0x1400;
	[sflag:s24] =	ssyncadd.s32 $0xFFFFC000  }
0xa6: {  	[spmem:s2] =	stream.indirect.scatter.add.f32 [tilespmem:s22], [sflag:$0x3], $0x80, s0, s21, $0xb8;
	[tilespmem:$0x1E400] =	vst v63  }
0xa7: {  	_ =	swait.ge [sflag:s19], $0x4000  }
0xa8: {  	[sflag:s19] =	ssyncset.done $0x0  }
0xa9: {  	s0 =	simm.s32 $0x100;
	[sflag:s19] =	ssyncadd.s32 $0xFFFFC000  }
0xaa: {  	[tilespmem:s22], [sflag:$0x1] =	stream.indirect.gather [hbm4b:s4+s21], $0x80, s0, s21, $0xb8;
	[tilespmem:$0x1E400] =	vst v63  }
0xab: {  	_ =	swait.ge [sflag:s25], $0x4000  }
0xac: {  	[sflag:s25] =	ssyncset.done $0x0  }
0xad: {  	s0 =	simm.s32 $0x1480;
	[sflag:s25] =	ssyncadd.s32 $0xFFFFC000  }
0xae: {  	[spmem:s2] =	stream.indirect.scatter.add.f32 [tilespmem:s23], [sflag:$0x3], $0x80, s0, s21, $0xb8;
	[tilespmem:$0x1E400] =	vst v63  }
0xaf: {  	_ =	swait.ge [sflag:s19], $0x4000  }
0xb0: {  	[sflag:s19] =	ssyncset.done $0x0  }
0xb1: {  	s30 =	simm.s32 $0x400;
	s31 =	simm.s32 $0x180;
	[sflag:s19] =	ssyncadd.s32 $0xFFFFC000  }
.LBB2_5:
0xb2: {  	[tilespmem:s23], [sflag:$0x2] =	stream.indirect.gather [hbm4b:s4+s21], $0x80, s31, s21, $0xb8;
	[tilespmem:$0x1E400] =	vst v63  }
0xb3: {  	s0 =	smov.u32 s30  }
0xb4: {  	p1 =	sne.s32 s30, $0x4800;
	s30 =	sadd.s32 $0x400, s30;
	_ =	swait.ge [sflag:s24], $0x4000  }
0xb5: {  	s0 =	sshra.s32 s0, $0x2;
	[sflag:s24] =	ssyncset.done $0x0  }
0xb6: {  	s31 =	sadd.s32 $0x1400, s0;
	[sflag:s24] =	ssyncadd.s32 $0xFFFFC000  }
0xb7: {  	[spmem:s2] =	stream.indirect.scatter.add.f32 [tilespmem:s22], [sflag:$0x3], $0x80, s31, s21, $0xb8;
	[tilespmem:$0x1E400] =	vst v63  }
0xb8: {  	_ =	swait.ge [sflag:s19], $0x4000  }
0xb9: {  	[sflag:s19] =	ssyncset.done $0x0  }
0xba: {  	s31 =	sadd.s32 $0x100, s0;
	[sflag:s19] =	ssyncadd.s32 $0xFFFFC000  }
0xbb: {  	[tilespmem:s22], [sflag:$0x1] =	stream.indirect.gather [hbm4b:s4+s21], $0x80, s31, s21, $0xb8;
	[tilespmem:$0x1E400] =	vst v63  }
0xbc: {  	_ =	swait.ge [sflag:s25], $0x4000  }
0xbd: {  	[sflag:s25] =	ssyncset.done $0x0  }
.Ltmp6:
0xbe: {  	s31 =	sadd.s32 $0x1480, s0;
	[sflag:s25] =	ssyncadd.s32 $0xFFFFC000;
	(pc) =	sbr.rel @p1 .LBB2_5-.Ltmp6, $4  }
0xbf: {  	[spmem:s2] =	stream.indirect.scatter.add.f32 [tilespmem:s23], [sflag:$0x3], $0x80, s31, s21, $0xb8;
	[tilespmem:$0x1E400] =	vst v63  }
0xc0: {  	_ =	swait.ge [sflag:s19], $0x4000  }
0xc1: {  	[sflag:s19] =	ssyncset.done $0x0  }
0xc2: {  	s31 =	sadd.s32 $0x180, s0;
	[sflag:s19] =	ssyncadd.s32 $0xFFFFC000  }
0xc3: {  	[tilespmem:s23], [sflag:$0x2] =	stream.indirect.gather [hbm4b:s4+s21], $0x80, s31, s21, $0xb8;
	[tilespmem:$0x1E400] =	vst v63  }
0xc4: {  	_ =	swait.ge [sflag:s24], $0x4000  }
0xc5: {  	[sflag:s24] =	ssyncset.done $0x0  }
0xc6: {  	[sflag:s24] =	ssyncadd.s32 $0xFFFFC000  }
0xc7: {  	[spmem:s2] =	stream.indirect.scatter.add.f32 [tilespmem:s22], [sflag:$0x3], $0x80, s26, s21, $0xb8;
	[tilespmem:$0x1E400] =	vst v63  }
0xc8: {  	_ =	swait.ge [sflag:s19], $0x4000  }
0xc9: {  	[sflag:s19] =	ssyncset.done $0x0  }
0xca: {  	[sflag:s19] =	ssyncadd.s32 $0xFFFFC000  }
0xcb: {  	_ =	swait.ge [sflag:s25], $0x4000  }
0xcc: {  	[sflag:s25] =	ssyncset.done $0x0  }
0xcd: {  	[sflag:s25] =	ssyncadd.s32 $0xFFFFC000  }
0xce: {  	[spmem:s2] =	stream.indirect.scatter.add.f32 [tilespmem:s23], [sflag:$0x3], $0x80, s28, s21, $0xb8;
	[tilespmem:$0x1E400] =	vst v63  }
0xcf: {  	_ =	swait.ge [sflag:s19], $0x4000  }
0xd0: {  	[sflag:s19] =	ssyncset.done $0x0  }
0xd1: {  	s0 =	simm.s32 $0x0;
	[sflag:s19] =	ssyncadd.s32 $0xFFFFC000  }
0xd2: {  	[tilespmem:s0], [sflag:$0x3] =	stream.linear.gather [hbm4b:s13+s0], $0x1400, $0x38;
	[tilespmem:$0x1E400] =	vst v63  }
0xd3: {  	_ =	swait.ge [sflag:s19], $0x1400  }
0xd4: {  	[sflag:s19] =	ssyncset.done $0x0  }
0xd5: {  	[sflag:s19] =	ssyncadd.s32 $0xFFFFEC00  }
0xd6: {  	[tilespmem:s20], [sflag:$0x3] =	stream.linear.gather [hbm4b:s14+s0], $0x1400, $0x38;
	[tilespmem:$0x1E400] =	vst v63  }
0xd7: {  	_ =	swait.ge [sflag:s19], $0x1400  }
0xd8: {  	[sflag:s19] =	ssyncset.done $0x0  }
0xd9: {  	[sflag:s19] =	ssyncadd.s32 $0xFFFFEC00  }
0xda: {  	[tilespmem:s22], [sflag:$0x1] =	stream.indirect.gather [hbm4b:s4+s21], $0x80, s0, s21, $0xb8;
	[tilespmem:$0x1E400] =	vst v63  }
0xdb: {  	_ = 	snop  }
0xdc: {  	[tilespmem:s23], [sflag:$0x2] =	stream.indirect.gather [hbm4b:s4+s21], $0x80, s21, s21, $0xb8;
	[tilespmem:$0x1E400] =	vst v63  }
0xdd: {  	_ =	swait.ge [sflag:s24], $0x4000  }
0xde: {  	[sflag:s24] =	ssyncset.done $0x0  }
0xdf: {  	s0 =	simm.s32 $0x1400;
	[sflag:s24] =	ssyncadd.s32 $0xFFFFC000  }
0xe0: {  	[spmem:s2] =	stream.indirect.scatter.add.f32 [tilespmem:s22], [sflag:$0x3], $0x80, s0, s21, $0xb8;
	[tilespmem:$0x1E400] =	vst v63  }
0xe1: {  	_ =	swait.ge [sflag:s19], $0x4000  }
0xe2: {  	[sflag:s19] =	ssyncset.done $0x0  }
0xe3: {  	s0 =	simm.s32 $0x100;
	[sflag:s19] =	ssyncadd.s32 $0xFFFFC000  }
0xe4: {  	[tilespmem:s22], [sflag:$0x1] =	stream.indirect.gather [hbm4b:s4+s21], $0x80, s0, s21, $0xb8;
	[tilespmem:$0x1E400] =	vst v63  }
0xe5: {  	_ =	swait.ge [sflag:s25], $0x4000  }
0xe6: {  	[sflag:s25] =	ssyncset.done $0x0  }
0xe7: {  	s0 =	simm.s32 $0x1480;
	[sflag:s25] =	ssyncadd.s32 $0xFFFFC000  }
0xe8: {  	[spmem:s2] =	stream.indirect.scatter.add.f32 [tilespmem:s23], [sflag:$0x3], $0x80, s0, s21, $0xb8;
	[tilespmem:$0x1E400] =	vst v63  }
0xe9: {  	_ =	swait.ge [sflag:s19], $0x4000  }
0xea: {  	[sflag:s19] =	ssyncset.done $0x0  }
0xeb: {  	s30 =	simm.s32 $0x400;
	s31 =	simm.s32 $0x180;
	[sflag:s19] =	ssyncadd.s32 $0xFFFFC000  }
.LBB2_7:
0xec: {  	[tilespmem:s23], [sflag:$0x2] =	stream.indirect.gather [hbm4b:s4+s21], $0x80, s31, s21, $0xb8;
	[tilespmem:$0x1E400] =	vst v63  }
0xed: {  	s0 =	smov.u32 s30  }
0xee: {  	p1 =	seq.s32 s30, $0x4800;
	s30 =	sadd.s32 $0x400, s30;
	_ =	swait.ge [sflag:s24], $0x4000  }
0xef: {  	s0 =	sshra.s32 s0, $0x2;
	[sflag:s24] =	ssyncset.done $0x0  }
0xf0: {  	s31 =	sadd.s32 $0x1400, s0;
	[sflag:s24] =	ssyncadd.s32 $0xFFFFC000  }
0xf1: {  	[spmem:s2] =	stream.indirect.scatter.add.f32 [tilespmem:s22], [sflag:$0x3], $0x80, s31, s21, $0xb8;
	[tilespmem:$0x1E400] =	vst v63  }
0xf2: {  	_ =	swait.ge [sflag:s19], $0x4000  }
0xf3: {  	[sflag:s19] =	ssyncset.done $0x0  }
0xf4: {  	s31 =	sadd.s32 $0x100, s0;
	[sflag:s19] =	ssyncadd.s32 $0xFFFFC000  }
0xf5: {  	[tilespmem:s22], [sflag:$0x1] =	stream.indirect.gather [hbm4b:s4+s21], $0x80, s31, s21, $0xb8;
	[tilespmem:$0x1E400] =	vst v63  }
0xf6: {  	_ =	swait.ge [sflag:s25], $0x4000  }
0xf7: {  	[sflag:s25] =	ssyncset.done $0x0  }
.Ltmp7:
0xf8: {  	s31 =	sadd.s32 $0x1480, s0;
	[sflag:s25] =	ssyncadd.s32 $0xFFFFC000;
	(pc) =	sbr.rel @!p1 .LBB2_7-.Ltmp7, $4  }
0xf9: {  	[spmem:s2] =	stream.indirect.scatter.add.f32 [tilespmem:s23], [sflag:$0x3], $0x80, s31, s21, $0xb8;
	[tilespmem:$0x1E400] =	vst v63  }
0xfa: {  	_ =	swait.ge [sflag:s19], $0x4000  }
0xfb: {  	[sflag:s19] =	ssyncset.done $0x0  }
0xfc: {  	s31 =	sadd.s32 $0x180, s0;
	[sflag:s19] =	ssyncadd.s32 $0xFFFFC000  }
.Ltmp8:
0xfd: {  	(pc) =	sbr.rel .LBB2_12-.Ltmp8, $2  }
0xfe: {  	_ =	sdelay $0x2  }
0xff: {  	[tilespmem:s23], [sflag:$0x2] =	stream.indirect.gather [hbm4b:s4+s21], $0x80, s31, s21, $0xb8;
	[tilespmem:$0x1E400] =	vst v63  }
.LBB2_13:
0x100: {  	_ =	sfence.sel $0x180000  }
0x101: {  	[bflag:$0x0] =	sbarrier.arrive $0xFFFF  }
0x102: {  	_ =	strace $0x90000047  }
0x103: {  	[bflag:$0x2] =	sbarrier.arrive $0xFFFF  }
0x104: {  	p0 =	sne.s32 s1, $0x0;
	s0 =	rddreg [dreg:$0x2]  }
0x105: {  	s0 =	sadd.s32 @!p0 $0x100000, s0  }
0x106: {  	[sflag:s0] =	ssyncadd.tile.s32 @!p0 $0x1;
	_ =	shalt  }
.Lfunc_end2:
_tile_overlayer_lowered:
.L_overlay_start_2:
0x107: {  	(tag) =	ssettag $0x2  }
0x108: {  	s0 =	rddreg [dreg:$0x0];
	s2 =	stileid.u32  }
0x109: {  	s1 =	rddreg [dreg:$0x1];
	p0 =	sne.s32 s2, $0x0  }
0x10a: {  	s3 =	rddreg [dreg:$0x2];
	[bflag:$0x3] =	sbarrier.arrive $0xFFFF;
	s2 =	simm.s32 @!p0 $0x1C03  }
0x10b: {  	[timem:s3], [sflag:s2] =	dma.local @!p0 [hbm:s0], s1  }
0x10c: {  	s0 =	simm.s32 @!p0 $0x3  }
0x10d: {  	_ =	swait.ge @!p0 [sflag:s0], s1  }
0x10e: {  	s1 =	ssub.s32 @!p0 $0x0, s1;
	[sflag:s0] =	ssyncset.done @!p0 $0x0  }
0x10f: {  	[sflag:s0] =	ssyncadd.s32 @!p0 s1  }
0x110: {  	[bflag:$0x3] =	sbarrier.arrive $0xFFFF  }
0x111: {  	_ =	shalt  }

// kernel: kernel.13.cloned.1.call-start
scs
__scs_entry_jumppad:
0x0: {  	(pc) =	sbr.rel $0x88, $3  }
0x1: {  	(tag) =	ssettag $0x0;
	lr =	simm.s32 $0x1  }
0x2: {  	[smem:$0x3F8A] =	sst lr;
	_ =	strace $0xD0000000  }
0x3: {  	_ = 	snop  }
0x4: {  	_ = 	snop  }
0x5: {  	_ = 	snop  }
0x6: {  	_ = 	snop  }
0x7: {  	_ = 	snop  }
__scs_overlays_trampoline_lowered:
0x8: {  	[smem:$0x3F99] =	sst s0  }
0x9: {  	[smem:$0x3F9A] =	sst s1  }
0xa: {  	[smem:$0x3F9B] =	sst s2  }
0xb: {  	[smem:$0x3F9C] =	sst s3  }
0xc: {  	[smem:$0x3F9D] =	sst s4  }
0xd: {  	[smem:$0x3F9E] =	sst s5  }
0xe: {  	[smem:$0x3F9F] =	sst s6  }
0xf: {  	[smem:$0x3FA0] =	sst s7  }
0x10: {  	[smem:$0x3FA1] =	sst s8  }
0x11: {  	[smem:$0x3FA2] =	sst s9;
	s0 =	simm.s32 @!p0 $0x0  }
0x12: {  	s1 =	sld [smem:$0x3F88];
	s0 =	simm.s32 @p0 $0x1  }
0x13: {  	[smem:$0x3FA3] =	sst s0;
	s0 =	simm.s32 @!p1 $0x0  }
0x14: {  	s2 =	sld [smem:$0x3F87];
	s0 =	simm.s32 @p1 $0x1  }
0x15: {  	[smem:$0x3FA4] =	sst s0;
	s0 =	simm.s32 @!p2 $0x0  }
0x16: {  	s3 =	sld [smem:$0x3FDB];
	s0 =	simm.s32 @p2 $0x1  }
0x17: {  	s4 =	simm.s32 $0x1BF5;
	[smem:$0x3FA6] =	sst s0  }
0x18: {  	s0 =	sld [smem:$0x3F89];
	_ =	swait.ge [sflag:s4], $0x0  }
0x19: {  	s7 =	sld [smem:$0x3F8A]  }
0x1a: {  	s8 =	sadd.s32 $0xFFFFE003, lr  }
0x1b: {  	s9 =	sadd.s32 $0xFFFFFEF7, lr;
	s5 =	simm.s32 $0xFFFFFFFF;
	p2 =	slt.u32 s8, $0xFFFFF086  }
0x1c: {  	p1 =	slt.u32 s9, $0xF7A;
	s5 =	simm.s32 @!p2 $0x0  }
0x1d: {  	s5 =	simm.s32 @p1 $0x1;
	p0 =	seq.s32 s7, s2  }
0x1e: {  	s7 =	smul.u32 @!p0 $0xF7A, s2;
	p2 =	seq.s32 @!p0 s5, $0x0  }
0x1f: {  	s9 =	smul.u32 $0xF7A, s1;
	s8 =	simm.s32 @!p0 $0x1BF5;
	p2 =	por !p2, p0  }
0x20: {  	[sflag:s8] =	ssyncset.s32 @!p0 $0xFFFFF086;
	s6 =	sadd.s32 @!p0 s3, s7;
	s7 =	simm.s32 @!p0 $0x108  }
0x21: {  	s3 =	sadd.s32 s3, s9;
	s6 =	sadd.s32 @!p0 $0x88, s6;
	s7 =	simm.s32 @p2 $0x1082  }
0x22: {  	[simem:s7], [sflag:s8] =	dma.local @!p0 [hbm:s6], $0xF7A  }
0x23: {  	s9 =	sor.u32 $0xD0000000, s2;
	s6 =	simm.s32 $0x108;
	_ =	swait.ge @!p0 [sflag:s8], $0x0  }
0x24: {  	s3 =	sadd.s32 $0x88, s3;
	s6 =	simm.s32 @!p1 $0x1082;
	[sflag:s4] =	ssyncset.s32 $0xFFFFF086  }
0x25: {  	[simem:s6], [sflag:s4] =	dma.local [hbm:s3], $0xF7A  }
0x26: {  	[smem:$0x3F8A] =	sst s1;
	(tag) =	ssettag s2;
	_ =	strace s9  }
0x27: {  	s1 =	sld [smem:$0x3F9A]  }
0x28: {  	s2 =	sld [smem:$0x3F9B]  }
0x29: {  	s4 =	sld [smem:$0x3F9D]  }
0x2a: {  	p0 =	seq.s32 s5, $0x0;
	s5 =	sld [smem:$0x3F9E]  }
0x2b: {  	s6 =	sld [smem:$0x3F9F]  }
0x2c: {  	s7 =	sld [smem:$0x3FA0]  }
0x2d: {  	s3 =	simm.s32 $0x108;
	s8 =	sld [smem:$0x3FA1]  }
0x2e: {  	s3 =	simm.s32 @!p0 $0x1082;
	s9 =	sld [smem:$0x3FA2]  }
0x2f: {  	lr =	sadd.s32 s0, s3;
	s0 =	sld [smem:$0x3F99]  }
0x30: {  	s3 =	sld [smem:$0x3F9C]  }
0x31: {  	[smem:$0x3FA5] =	sst s10  }
0x32: {  	s10 =	sld [smem:$0x3FA3];
	_ =	sdelay $0x3  }
0x33: {  	p0 =	seq.s32 s10, $0x1;
	s10 =	sld [smem:$0x3FA5];
	_ =	sdelay $0x3  }
0x34: {  	[smem:$0x3FA5] =	sst s10  }
0x35: {  	s10 =	sld [smem:$0x3FA4];
	_ =	sdelay $0x3  }
0x36: {  	p1 =	seq.s32 s10, $0x1;
	s10 =	sld [smem:$0x3FA5];
	_ =	sdelay $0x3  }
0x37: {  	[smem:$0x3FA5] =	sst s10  }
0x38: {  	s10 =	sld [smem:$0x3FA6]  }
0x39: {  	_ = 	snop;
	(pc) =	sbr.ind lr, $3  }
0x3a: {  	_ = 	snop  }
0x3b: {  	_ = 	snop  }
0x3c: {  	p2 =	seq.s32 s10, $0x1;
	s10 =	sld [smem:$0x3FA5]  }
0x3d: {  	_ =	shalt  }
0x3e: {  	_ =	shalt  }
0x3f: {  	_ =	shalt  }
0x40: {  	_ =	shalt  }
0x41: {  	_ =	shalt  }
0x42: {  	_ =	shalt  }
0x43: {  	_ =	shalt  }
0x44: {  	_ =	shalt  }
0x45: {  	_ =	shalt  }
0x46: {  	_ =	shalt  }
0x47: {  	_ =	shalt  }
0x48: {  	_ =	shalt  }
0x49: {  	_ =	shalt  }
0x4a: {  	_ =	shalt  }
0x4b: {  	_ =	shalt  }
0x4c: {  	_ =	shalt  }
0x4d: {  	_ =	shalt  }
0x4e: {  	_ =	shalt  }
0x4f: {  	_ =	shalt  }
0x50: {  	_ =	shalt  }
0x51: {  	_ =	shalt  }
0x52: {  	_ =	shalt  }
0x53: {  	_ =	shalt  }
0x54: {  	_ =	shalt  }
0x55: {  	_ =	shalt  }
0x56: {  	_ =	shalt  }
0x57: {  	_ =	shalt  }
0x58: {  	_ =	shalt  }
0x59: {  	_ =	shalt  }
0x5a: {  	_ =	shalt  }
0x5b: {  	_ =	shalt  }
0x5c: {  	_ =	shalt  }
0x5d: {  	_ =	shalt  }
0x5e: {  	_ =	shalt  }
0x5f: {  	_ =	shalt  }
0x60: {  	_ =	shalt  }
0x61: {  	_ =	shalt  }
0x62: {  	_ =	shalt  }
0x63: {  	_ =	shalt  }
0x64: {  	_ =	shalt  }
0x65: {  	_ =	shalt  }
0x66: {  	_ =	shalt  }
0x67: {  	_ =	shalt  }
0x68: {  	_ =	shalt  }
0x69: {  	_ =	shalt  }
0x6a: {  	_ =	shalt  }
0x6b: {  	_ =	shalt  }
0x6c: {  	_ =	shalt  }
0x6d: {  	_ =	shalt  }
0x6e: {  	_ =	shalt  }
0x6f: {  	_ =	shalt  }
0x70: {  	_ =	shalt  }
0x71: {  	_ =	shalt  }
0x72: {  	_ =	shalt  }
0x73: {  	_ =	shalt  }
0x74: {  	_ =	shalt  }
0x75: {  	_ =	shalt  }
0x76: {  	_ =	shalt  }
0x77: {  	_ =	shalt  }
0x78: {  	_ =	shalt  }
0x79: {  	_ =	shalt  }
0x7a: {  	_ =	shalt  }
0x7b: {  	_ =	shalt  }
0x7c: {  	_ =	shalt  }
0x7d: {  	_ =	shalt  }
0x7e: {  	_ =	shalt  }
0x7f: {  	_ =	shalt  }
0x80: {  	_ =	shalt  }
0x81: {  	_ =	shalt  }
0x82: {  	_ =	shalt  }
0x83: {  	_ =	shalt  }
0x84: {  	_ =	shalt  }
0x85: {  	_ =	shalt  }
0x86: {  	_ =	shalt  }
0x87: {  	_ =	shalt  }
.Lfunc_end0:
.L_simem_size_0:
called_computation.1_lowered:
.L_overlay_start_0:
0x88: {  	s2 =	sld [smem:$0x3FD9]  }
0x89: {  	s3 =	sld [smem:$0x3FFE];
	_ =	sdelay $0x1  }
0x8a: {  	s1 =	srdreg.scid  }
0x8b: {  	s0 =	sand.u32 $0x1, s1  }
0x8c: {  	s16 =	sshll.u32 s0, $0xA;
	s2 =	sadd.s32 s3, s2  }
0x8d: {  	s2 =	sadd.s32 s2, s16  }
0x8e: {  	[smem:$0x3FB1] =	sst s2  }
0x8f: {  	_ = 	snop  }
0x90: {  	(tm) =	ssettm $0x1  }
0x91: {  	s17 =	sld [smem:$0x3FFB];
	_ =	sdelay $0x3  }
0x92: {  	_ =	strace s17  }
0x93: {  	s2 =	sld [smem:$0x3FFC];
	_ =	sdelay $0x3  }
0x94: {  	_ =	strace s2  }
0x95: {  	s2 =	sld [smem:$0x3FFD];
	_ =	sdelay $0x3  }
0x96: {  	_ =	strace s2  }
0x97: {  	_ =	strace $0x8FFFFFFF  }
0x98: {  	s18 =	sld [smem:$0x3FDB];
	_ =	sdelay $0x1  }
0x99: {  	s19 =	simm.s32 $_scs_section_size  }
0x9a: {  	s4 =	simm.s32 $_size__tile_overlayer_lowered;
	s5 =	simm.s32 $_tile_overlayer_lowered  }
0x9b: {  	s22 =	simm.s32 $0x1BFF;
	s21 =	sshll.u32 s5, $0x1;
	s2 =	sadd.s32 s19, s18  }
0x9c: {  	s6 =	simm.s32 $0x0;
	s20 =	sshll.u32 s4, $0x1;
	s4 =	sadd.s32 s21, s2  }
0x9d: {  	[timem:s6], [sflag:s22] =	dma.local [hbm:s4], s20  }
0x9e: {  	_ =	swait.ge [sflag:s22], s20  }
0x9f: {  	s3 =	ssub.s32 $0x0, s20;
	[sflag:s22] =	ssyncset.done $0x0  }
0xa0: {  	[sflag:s22] =	ssyncadd.s32 s3;
	_ =	sdelay $0x1  }
0xa1: {  	s23 =	simm.s32 $0x1B8B  }
0xa2: {  	_ =	swait.ge [sflag:s23], $0x1  }
0xa3: {  	[sflag:s23] =	ssyncset.done $0x0  }
0xa4: {  	s25 =	simm.s32 $0x1B8E;
	s24 =	sld [smem:$0x3FFE];
	[sflag:s23] =	ssyncadd.s32 $0xFFFFFFFF  }
0xa5: {  	s26 =	simm.s32 $execute0_lowered;
	[smem:$0x3FD2] =	sst s25  }
0xa6: {  	s4 =	sshll.u32 s26, $0x1;
	_ =	strace $0x80000049;
	[dreg:$0x1] =	wrdreg $0xFFFFFFFF  }
0xa7: {  	s28 =	simm.s32 $_size_execute0_lowered;
	s2 =	sadd.s32 s2, s4;
	[dreg:$0x0] =	wrdreg $0x0  }
0xa8: {  	s4 =	sshll.u32 s28, $0x1;
	[dreg:$0x2] =	wrdreg s2  }
0xa9: {  	[dreg:$0x3] =	wrdreg s4  }
0xaa: {  	[dreg:$0x4] =	wrdreg $0xC0  }
0xab: {  	_ =	task [dreg:s6], $0x5FFFF  }
0xac: {  	[dreg:$0x1] =	wrdreg $0xFFFFFFFF  }
0xad: {  	[dreg:$0x0] =	wrdreg $0x60  }
0xae: {  	[dreg:$0x2] =	wrdreg s24  }
0xaf: {  	[dreg:$0x3] =	wrdreg $0xA8000  }
0xb0: {  	[dreg:$0x4] =	wrdreg $0x9  }
0xb1: {  	_ =	task.clear_ibuf [dreg:s6], $0x5FFFF;
	_ =	strace $0x90000049  }
0xb2: {  	s29 =	simm.s32 $0x9;
	_ =	strace $0x8000004B  }
0xb3: {  	_ =	swait.ge [sflag:s29], $0x1  }
0xb4: {  	[sflag:s29] =	ssyncadd.s32 $0xFFFFFFFF  }
0xb5: {  	_ =	strace $0x9000004B  }
0xb6: {  	_ =	sfence  }
0xb7: {  	s30 =	sld [smem:$0x0];
	_ =	sdelay $0x2  }
0xb8: {  	s31 =	sshll.u32 s1, $0xD;
	s1 =	sshrl.u32 s1, $0x2  }
0xb9: {  	s3 =	sand.u32 $0x4000, s31;
	s1 =	sadd.s32 s1, s30  }
0xba: {  	s0 =	sor.u32 s3, s0;
	s1 =	sshll.u32 s1, $0x11  }
0xbb: {  	s0 =	sor.u32 s1, s0  }
0xbc: {  	s0 =	sadd.s32 $0x8F2B, s0  }
0xbd: {  	[sflag:s0] =	ssyncadd.remote.s32 $0x1  }
0xbe: {  	_ =	sfence.sel $0xFFFF  }
0xbf: {  	[dreg:$0x0] =	wrdreg $0xFFFFFFFF;
	(pc) =	sbr.abs _section_cstart, $3  }
0xc0: {  	[dreg:$0x1] =	wrdreg $0xFFFFFFFF  }
0xc1: {  	_ =	task.clear_ibuf [dreg:s6], $0x2FFFF;
	_ =	strace $0x9FFFFFFF  }
0xc2: {  	(tm) =	ssettm $0x7FFFFFFF  }
0xc3: {  	_ =	shalt  }
tec
execute0_lowered:
.L_overlay_start_1:
0x0: {  	(tag) =	ssettag $0x1  }
0x1: {  	s6 =	rddreg [dreg:$0x0]  }
0x2: {  	s2 =	rddreg [dreg:$0x1]  }
0x3: {  	s1 =	stileid.u32;
	s4 =	srdreg.scid  }
0x4: {  	s3 =	simm.s32 $0x0;
	s20 =	simm.s32 $0x1400;
	s21 =	simm.s32 $0x80  }
0x5: {  	s22 =	simm.s32 $0x2800;
	s23 =	simm.s32 $0x6800;
	s24 =	simm.s32 $0x1  }
0x6: {  	s25 =	simm.s32 $0x2;
	s28 =	simm.s32 $0x2780;
	s7 =	smul.u32 $0x13C00, s1  }
0x7: {  	s9 =	sand.u32 $0x1, s4;
	[smem:$0x7FF] =	sst s3;
	s10 =	smul.u32 $0x4F000, s1  }
0x8: {  	s4 =	sadd.s32 $0x4E00, s6;
	s5 =	sadd.s32 $0x2C000, s6;
	s11 =	smul.u32 $0x5000, s1  }
0x9: {  	s15 =	sadd.s32 $0x5D200, s6;
	s16 =	sadd.s32 $0x53200, s6;
	s31 =	smul.u32 $0xA00, s1  }
0xa: {  	s30 =	sshll.u32 s1, $0x6;
	s8 =	smul.u32 $0x13C000, s9;
	s26 =	ssub.s32 $0x2, s9  }
0xb: {  	_ =	strace $0x8000004A;
	p0 =	seq.s32 s9, $0x1;
	s29 =	sshrl.u32 s26, $0x1  }
0xc: {  	s10 =	sshrl.u32 s10, $0x2;
	s13 =	sshrl.u32 s11, $0x3;
	s9 =	sadd.s32 s15, s31  }
0xd: {  	s8 =	sadd.s32 s7, s8;
	s7 =	sshrl.u32 s7, $0x3;
	s18 =	ssub.s32 s26, s29  }
0xe: {  	s12 =	sadd.s32 $0x280, s13;
	s14 =	sadd.s32 $0x500, s13;
	s19 =	sadd.s32 $0x780, s13  }
0xf: {  	s26 =	simm.s32 $0x2700;
	s8 =	sshrl.u32 s8, $0x3;
	s7 =	sadd.s32 s7, s6  }
.Ltmp0:
0x10: {  	s11 =	sadd.s32 s15, s12;
	s12 =	sadd.s32 s16, s12;
	(pc) =	sbr.rel .LBB2_1-.Ltmp0, $4  }
0x11: {  	s13 =	sadd.s32 s15, s14;
	s14 =	sadd.s32 s16, s14;
	s15 =	sadd.s32 s15, s19  }
0x12: {  	s18 =	smax.u32 s18, $0x1;
	s17 =	sadd.s32 s8, s6;
	s6 =	sadd.s32 s10, s2  }
0x13: {  	s7 =	sadd.s32 $0x67200, s7;
	s8 =	sor.u32 $0x1C03, s30;
	s10 =	sadd.s32 s16, s31  }
0x14: {  	s16 =	sadd.s32 s16, s19;
	s19 =	simm.s32 $0x3;
	s17 =	sadd.s32 $0x8EA00, s17  }
.LBB2_11:
0x15: {  	[tilespmem:s23], [sflag:$0x2] =	stream.indirect.gather [hbm4b:s5+s21], $0x80, s31, s21, $0xb8;
	[tilespmem:$0x1E400] =	vst v63  }
.LBB2_12:
0x16: {  	_ =	swait.ge [sflag:s24], $0x4000  }
0x17: {  	[sflag:s24] =	ssyncset.done $0x0  }
0x18: {  	[sflag:s24] =	ssyncadd.s32 $0xFFFFC000  }
0x19: {  	[spmem:s2] =	stream.indirect.scatter.add.f32 [tilespmem:s22], [sflag:$0x3], $0x80, s26, s21, $0xb8;
	[tilespmem:$0x1E400] =	vst v63  }
0x1a: {  	_ =	swait.ge [sflag:s19], $0x4000  }
0x1b: {  	[sflag:s19] =	ssyncset.done $0x0  }
0x1c: {  	[sflag:s19] =	ssyncadd.s32 $0xFFFFC000  }
0x1d: {  	_ =	swait.ge [sflag:s25], $0x4000  }
0x1e: {  	[sflag:s25] =	ssyncset.done $0x0  }
0x1f: {  	[sflag:s25] =	ssyncadd.s32 $0xFFFFC000  }
0x20: {  	[spmem:s2] =	stream.indirect.scatter.add.f32 [tilespmem:s23], [sflag:$0x3], $0x80, s28, s21, $0xb8;
	[tilespmem:$0x1E400] =	vst v63  }
0x21: {  	_ =	swait.ge [sflag:s19], $0x4000  }
0x22: {  	s3 =	sadd.s32 $0x1, s3;
	[sflag:s19] =	ssyncset.done $0x0  }
0x23: {  	p1 =	sne.s32 s3, s18;
	[sflag:s19] =	ssyncadd.s32 $0xFFFFC000  }
.Ltmp1:
0x24: {  	[bflag:$0x0] =	sbarrier.arrive $0xFFFF;
	(pc) =	sbr.rel @!p1 .LBB2_13-.Ltmp1, $4  }
0x25: {  	[hbm:s17], [sflag:s8] =	dma.local [spmem:s29], $0x2780  }
0x26: {  	_ =	swait.ge [sflag:s19], $0x2780  }
0x27: {  	[sflag:s19] =	ssyncset.done $0x0  }
0x28: {  	[sflag:s19] =	ssyncadd.s32 $0xFFFFD880  }
.LBB2_1:
0x29: {  	s29 =	sshrl.u32 s6, $0x3  }
0x2a: {  	[spmem:s29], [sflag:s8] =	dma.local [hbm:s7], $0x2780  }
.Ltmp2:
0x2b: {  	_ =	swait.ge [sflag:s19], $0x2780;
	(pc) =	sbr.rel @!p0 .LBB2_2-.Ltmp2, $3  }
0x2c: {  	[sflag:s19] =	ssyncset.done $0x0  }
0x2d: {  	[sflag:s19] =	ssyncadd.s32 $0xFFFFD880  }
0x2e: {  	[bflag:$0x0] =	sbarrier.arrive $0xFFFF;
	_ =	sdelay $0x1  }
0x2f: {  	s0 =	simm.s32 $0x0  }
0x30: {  	[tilespmem:s0], [sflag:$0x3] =	stream.linear.gather [hbm4b:s15+s0], $0x1400, $0x38;
	[tilespmem:$0x1E400] =	vst v63  }
0x31: {  	_ =	swait.ge [sflag:s19], $0x1400  }
0x32: {  	[sflag:s19] =	ssyncset.done $0x0  }
0x33: {  	[sflag:s19] =	ssyncadd.s32 $0xFFFFEC00  }
0x34: {  	[tilespmem:s20], [sflag:$0x3] =	stream.linear.gather [hbm4b:s16+s0], $0x1400, $0x38;
	[tilespmem:$0x1E400] =	vst v63  }
0x35: {  	_ =	swait.ge [sflag:s19], $0x1400  }
0x36: {  	[sflag:s19] =	ssyncset.done $0x0  }
0x37: {  	[sflag:s19] =	ssyncadd.s32 $0xFFFFEC00  }
0x38: {  	[tilespmem:s22], [sflag:$0x1] =	stream.indirect.gather [hbm4b:s5+s21], $0x80, s0, s21, $0xb8;
	[tilespmem:$0x1E400] =	vst v63  }
0x39: {  	_ = 	snop  }
0x3a: {  	[tilespmem:s23], [sflag:$0x2] =	stream.indirect.gather [hbm4b:s5+s21], $0x80, s21, s21, $0xb8;
	[tilespmem:$0x1E400] =	vst v63  }
0x3b: {  	_ =	swait.ge [sflag:s24], $0x4000  }
0x3c: {  	[sflag:s24] =	ssyncset.done $0x0  }
0x3d: {  	s0 =	simm.s32 $0x1400;
	[sflag:s24] =	ssyncadd.s32 $0xFFFFC000  }
0x3e: {  	[spmem:s2] =	stream.indirect.scatter.add.f32 [tilespmem:s22], [sflag:$0x3], $0x80, s0, s21, $0xb8;
	[tilespmem:$0x1E400] =	vst v63  }
0x3f: {  	_ =	swait.ge [sflag:s19], $0x4000  }
0x40: {  	[sflag:s19] =	ssyncset.done $0x0  }
0x41: {  	s0 =	simm.s32 $0x100;
	[sflag:s19] =	ssyncadd.s32 $0xFFFFC000  }
0x42: {  	[tilespmem:s22], [sflag:$0x1] =	stream.indirect.gather [hbm4b:s5+s21], $0x80, s0, s21, $0xb8;
	[tilespmem:$0x1E400] =	vst v63  }
0x43: {  	_ =	swait.ge [sflag:s25], $0x4000  }
0x44: {  	[sflag:s25] =	ssyncset.done $0x0  }
0x45: {  	s0 =	simm.s32 $0x1480;
	[sflag:s25] =	ssyncadd.s32 $0xFFFFC000  }
0x46: {  	[spmem:s2] =	stream.indirect.scatter.add.f32 [tilespmem:s23], [sflag:$0x3], $0x80, s0, s21, $0xb8;
	[tilespmem:$0x1E400] =	vst v63  }
0x47: {  	_ =	swait.ge [sflag:s19], $0x4000  }
0x48: {  	[sflag:s19] =	ssyncset.done $0x0  }
0x49: {  	s30 =	simm.s32 $0x400;
	s31 =	simm.s32 $0x180;
	[sflag:s19] =	ssyncadd.s32 $0xFFFFC000  }
.LBB2_10:
0x4a: {  	[tilespmem:s23], [sflag:$0x2] =	stream.indirect.gather [hbm4b:s5+s21], $0x80, s31, s21, $0xb8;
	[tilespmem:$0x1E400] =	vst v63  }
0x4b: {  	s0 =	smov.u32 s30  }
0x4c: {  	p1 =	sne.s32 s30, $0x4800;
	s30 =	sadd.s32 $0x400, s30;
	_ =	swait.ge [sflag:s24], $0x4000  }
0x4d: {  	s0 =	sshra.s32 s0, $0x2;
	[sflag:s24] =	ssyncset.done $0x0  }
0x4e: {  	s31 =	sadd.s32 $0x1400, s0;
	[sflag:s24] =	ssyncadd.s32 $0xFFFFC000  }
0x4f: {  	[spmem:s2] =	stream.indirect.scatter.add.f32 [tilespmem:s22], [sflag:$0x3], $0x80, s31, s21, $0xb8;
	[tilespmem:$0x1E400] =	vst v63  }
0x50: {  	_ =	swait.ge [sflag:s19], $0x4000  }
0x51: {  	[sflag:s19] =	ssyncset.done $0x0  }
0x52: {  	s31 =	sadd.s32 $0x100, s0;
	[sflag:s19] =	ssyncadd.s32 $0xFFFFC000  }
0x53: {  	[tilespmem:s22], [sflag:$0x1] =	stream.indirect.gather [hbm4b:s5+s21], $0x80, s31, s21, $0xb8;
	[tilespmem:$0x1E400] =	vst v63  }
0x54: {  	_ =	swait.ge [sflag:s25], $0x4000  }
0x55: {  	[sflag:s25] =	ssyncset.done $0x0  }
.Ltmp3:
0x56: {  	s31 =	sadd.s32 $0x1480, s0;
	[sflag:s25] =	ssyncadd.s32 $0xFFFFC000;
	(pc) =	sbr.rel @p1 .LBB2_10-.Ltmp3, $4  }
0x57: {  	[spmem:s2] =	stream.indirect.scatter.add.f32 [tilespmem:s23], [sflag:$0x3], $0x80, s31, s21, $0xb8;
	[tilespmem:$0x1E400] =	vst v63  }
0x58: {  	_ =	swait.ge [sflag:s19], $0x4000  }
0x59: {  	[sflag:s19] =	ssyncset.done $0x0  }
0x5a: {  	s31 =	sadd.s32 $0x180, s0;
	[sflag:s19] =	ssyncadd.s32 $0xFFFFC000  }
.Ltmp4:
0x5b: {  	_ = 	snop;
	(pc) =	sbr.rel .LBB2_11-.Ltmp4, $1  }
0x5c: {  	_ =	sdelay $0x3  }
.LBB2_2:
0x5d: {  	s30 =	simm.s32 $0x0  }
0x5e: {  	[tilespmem:s30], [sflag:$0x3] =	stream.linear.gather [hbm4b:s9+s30], $0x1400, $0x38;
	[tilespmem:$0x1E400] =	vst v63  }
0x5f: {  	_ =	swait.ge [sflag:s19], $0x1400  }
0x60: {  	[sflag:s19] =	ssyncset.done $0x0  }
0x61: {  	[sflag:s19] =	ssyncadd.s32 $0xFFFFEC00  }
0x62: {  	[tilespmem:s20], [sflag:$0x3] =	stream.linear.gather [hbm4b:s10+s30], $0x1400, $0x38;
	[tilespmem:$0x1E400] =	vst v63  }
0x63: {  	_ =	swait.ge [sflag:s19], $0x1400  }
0x64: {  	[sflag:s19] =	ssyncset.done $0x0  }
0x65: {  	[sflag:s19] =	ssyncadd.s32 $0xFFFFEC00  }
0x66: {  	[tilespmem:s22], [sflag:$0x1] =	stream.indirect.gather [hbm4b:s4+s21], $0x80, s30, s21, $0xb8;
	[tilespmem:$0x1E400] =	vst v63  }
0x67: {  	_ = 	snop  }
0x68: {  	[tilespmem:s23], [sflag:$0x2] =	stream.indirect.gather [hbm4b:s4+s21], $0x80, s21, s21, $0xb8;
	[tilespmem:$0x1E400] =	vst v63  }
0x69: {  	_ =	swait.ge [sflag:s24], $0x4000  }
0x6a: {  	[sflag:s24] =	ssyncset.done $0x0  }
0x6b: {  	s30 =	simm.s32 $0x1400;
	[sflag:s24] =	ssyncadd.s32 $0xFFFFC000  }
0x6c: {  	[spmem:s2] =	stream.indirect.scatter.add.f32 [tilespmem:s22], [sflag:$0x3], $0x80, s30, s21, $0xb8;
	[tilespmem:$0x1E400] =	vst v63  }
0x6d: {  	_ =	swait.ge [sflag:s19], $0x4000  }
0x6e: {  	[sflag:s19] =	ssyncset.done $0x0  }
0x6f: {  	s30 =	simm.s32 $0x100;
	[sflag:s19] =	ssyncadd.s32 $0xFFFFC000  }
0x70: {  	[tilespmem:s22], [sflag:$0x1] =	stream.indirect.gather [hbm4b:s4+s21], $0x80, s30, s21, $0xb8;
	[tilespmem:$0x1E400] =	vst v63  }
0x71: {  	_ =	swait.ge [sflag:s25], $0x4000  }
0x72: {  	[sflag:s25] =	ssyncset.done $0x0  }
0x73: {  	s30 =	simm.s32 $0x1480;
	[sflag:s25] =	ssyncadd.s32 $0xFFFFC000  }
0x74: {  	[spmem:s2] =	stream.indirect.scatter.add.f32 [tilespmem:s23], [sflag:$0x3], $0x80, s30, s21, $0xb8;
	[tilespmem:$0x1E400] =	vst v63  }
0x75: {  	_ =	swait.ge [sflag:s19], $0x4000  }
0x76: {  	[sflag:s19] =	ssyncset.done $0x0  }
0x77: {  	s31 =	simm.s32 $0x180;
	s30 =	simm.s32 $0x400;
	[sflag:s19] =	ssyncadd.s32 $0xFFFFC000  }
.LBB2_3:
0x78: {  	[tilespmem:s23], [sflag:$0x2] =	stream.indirect.gather [hbm4b:s4+s21], $0x80, s31, s21, $0xb8;
	[tilespmem:$0x1E400] =	vst v63  }
0x79: {  	s31 =	smov.u32 s30  }
0x7a: {  	p1 =	sne.s32 s30, $0x4800;
	s30 =	sadd.s32 $0x400, s30;
	_ =	swait.ge [sflag:s24], $0x4000  }
0x7b: {  	s31 =	sshra.s32 s31, $0x2;
	[sflag:s24] =	ssyncset.done $0x0  }
0x7c: {  	s0 =	sadd.s32 $0x1400, s31;
	[sflag:s24] =	ssyncadd.s32 $0xFFFFC000  }
0x7d: {  	[spmem:s2] =	stream.indirect.scatter.add.f32 [tilespmem:s22], [sflag:$0x3], $0x80, s0, s21, $0xb8;
	[tilespmem:$0x1E400] =	vst v63  }
0x7e: {  	_ =	swait.ge [sflag:s19], $0x4000  }
0x7f: {  	[sflag:s19] =	ssyncset.done $0x0  }
0x80: {  	s0 =	sadd.s32 $0x100, s31;
	[sflag:s19] =	ssyncadd.s32 $0xFFFFC000  }
0x81: {  	[tilespmem:s22], [sflag:$0x1] =	stream.indirect.gather [hbm4b:s4+s21], $0x80, s0, s21, $0xb8;
	[tilespmem:$0x1E400] =	vst v63  }
0x82: {  	_ =	swait.ge [sflag:s25], $0x4000  }
0x83: {  	[sflag:s25] =	ssyncset.done $0x0  }
.Ltmp5:
0x84: {  	s0 =	sadd.s32 $0x1480, s31;
	[sflag:s25] =	ssyncadd.s32 $0xFFFFC000;
	(pc) =	sbr.rel @p1 .LBB2_3-.Ltmp5, $4  }
0x85: {  	[spmem:s2] =	stream.indirect.scatter.add.f32 [tilespmem:s23], [sflag:$0x3], $0x80, s0, s21, $0xb8;
	[tilespmem:$0x1E400] =	vst v63  }
0x86: {  	_ =	swait.ge [sflag:s19], $0x4000  }
0x87: {  	[sflag:s19] =	ssyncset.done $0x0  }
0x88: {  	s31 =	sadd.s32 $0x180, s31;
	[sflag:s19] =	ssyncadd.s32 $0xFFFFC000  }
0x89: {  	[tilespmem:s23], [sflag:$0x2] =	stream.indirect.gather [hbm4b:s4+s21], $0x80, s31, s21, $0xb8;
	[tilespmem:$0x1E400] =	vst v63  }
0x8a: {  	_ =	swait.ge [sflag:s24], $0x4000  }
0x8b: {  	[sflag:s24] =	ssyncset.done $0x0  }
0x8c: {  	[sflag:s24] =	ssyncadd.s32 $0xFFFFC000  }
0x8d: {  	[spmem:s2] =	stream.indirect.scatter.add.f32 [tilespmem:s22], [sflag:$0x3], $0x80, s26, s21, $0xb8;
	[tilespmem:$0x1E400] =	vst v63  }
0x8e: {  	_ =	swait.ge [sflag:s19], $0x4000  }
0x8f: {  	[sflag:s19] =	ssyncset.done $0x0  }
0x90: {  	[sflag:s19] =	ssyncadd.s32 $0xFFFFC000  }
0x91: {  	_ =	swait.ge [sflag:s25], $0x4000  }
0x92: {  	[sflag:s25] =	ssyncset.done $0x0  }
0x93: {  	[sflag:s25] =	ssyncadd.s32 $0xFFFFC000  }
0x94: {  	[spmem:s2] =	stream.indirect.scatter.add.f32 [tilespmem:s23], [sflag:$0x3], $0x80, s28, s21, $0xb8;
	[tilespmem:$0x1E400] =	vst v63  }
0x95: {  	_ =	swait.ge [sflag:s19], $0x4000  }
0x96: {  	[sflag:s19] =	ssyncset.done $0x0  }
0x97: {  	s0 =	simm.s32 $0x0;
	[sflag:s19] =	ssyncadd.s32 $0xFFFFC000  }
0x98: {  	[tilespmem:s0], [sflag:$0x3] =	stream.linear.gather [hbm4b:s11+s0], $0x1400, $0x38;
	[tilespmem:$0x1E400] =	vst v63  }
0x99: {  	_ =	swait.ge [sflag:s19], $0x1400  }
0x9a: {  	[sflag:s19] =	ssyncset.done $0x0  }
0x9b: {  	[sflag:s19] =	ssyncadd.s32 $0xFFFFEC00  }
0x9c: {  	[tilespmem:s20], [sflag:$0x3] =	stream.linear.gather [hbm4b:s12+s0], $0x1400, $0x38;
	[tilespmem:$0x1E400] =	vst v63  }
0x9d: {  	_ =	swait.ge [sflag:s19], $0x1400  }
0x9e: {  	[sflag:s19] =	ssyncset.done $0x0  }
0x9f: {  	[sflag:s19] =	ssyncadd.s32 $0xFFFFEC00  }
0xa0: {  	[tilespmem:s22], [sflag:$0x1] =	stream.indirect.gather [hbm4b:s4+s21], $0x80, s0, s21, $0xb8;
	[tilespmem:$0x1E400] =	vst v63  }
0xa1: {  	_ = 	snop  }
0xa2: {  	[tilespmem:s23], [sflag:$0x2] =	stream.indirect.gather [hbm4b:s4+s21], $0x80, s21, s21, $0xb8;
	[tilespmem:$0x1E400] =	vst v63  }
0xa3: {  	_ =	swait.ge [sflag:s24], $0x4000  }
0xa4: {  	[sflag:s24] =	ssyncset.done $0x0  }
0xa5: {  	s0 =	simm.s32 $0x1400;
	[sflag:s24] =	ssyncadd.s32 $0xFFFFC000  }
0xa6: {  	[spmem:s2] =	stream.indirect.scatter.add.f32 [tilespmem:s22], [sflag:$0x3], $0x80, s0, s21, $0xb8;
	[tilespmem:$0x1E400] =	vst v63  }
0xa7: {  	_ =	swait.ge [sflag:s19], $0x4000  }
0xa8: {  	[sflag:s19] =	ssyncset.done $0x0  }
0xa9: {  	s0 =	simm.s32 $0x100;
	[sflag:s19] =	ssyncadd.s32 $0xFFFFC000  }
0xaa: {  	[tilespmem:s22], [sflag:$0x1] =	stream.indirect.gather [hbm4b:s4+s21], $0x80, s0, s21, $0xb8;
	[tilespmem:$0x1E400] =	vst v63  }
0xab: {  	_ =	swait.ge [sflag:s25], $0x4000  }
0xac: {  	[sflag:s25] =	ssyncset.done $0x0  }
0xad: {  	s0 =	simm.s32 $0x1480;
	[sflag:s25] =	ssyncadd.s32 $0xFFFFC000  }
0xae: {  	[spmem:s2] =	stream.indirect.scatter.add.f32 [tilespmem:s23], [sflag:$0x3], $0x80, s0, s21, $0xb8;
	[tilespmem:$0x1E400] =	vst v63  }
0xaf: {  	_ =	swait.ge [sflag:s19], $0x4000  }
0xb0: {  	[sflag:s19] =	ssyncset.done $0x0  }
0xb1: {  	s30 =	simm.s32 $0x400;
	s31 =	simm.s32 $0x180;
	[sflag:s19] =	ssyncadd.s32 $0xFFFFC000  }
.LBB2_5:
0xb2: {  	[tilespmem:s23], [sflag:$0x2] =	stream.indirect.gather [hbm4b:s4+s21], $0x80, s31, s21, $0xb8;
	[tilespmem:$0x1E400] =	vst v63  }
0xb3: {  	s0 =	smov.u32 s30  }
0xb4: {  	p1 =	sne.s32 s30, $0x4800;
	s30 =	sadd.s32 $0x400, s30;
	_ =	swait.ge [sflag:s24], $0x4000  }
0xb5: {  	s0 =	sshra.s32 s0, $0x2;
	[sflag:s24] =	ssyncset.done $0x0  }
0xb6: {  	s31 =	sadd.s32 $0x1400, s0;
	[sflag:s24] =	ssyncadd.s32 $0xFFFFC000  }
0xb7: {  	[spmem:s2] =	stream.indirect.scatter.add.f32 [tilespmem:s22], [sflag:$0x3], $0x80, s31, s21, $0xb8;
	[tilespmem:$0x1E400] =	vst v63  }
0xb8: {  	_ =	swait.ge [sflag:s19], $0x4000  }
0xb9: {  	[sflag:s19] =	ssyncset.done $0x0  }
0xba: {  	s31 =	sadd.s32 $0x100, s0;
	[sflag:s19] =	ssyncadd.s32 $0xFFFFC000  }
0xbb: {  	[tilespmem:s22], [sflag:$0x1] =	stream.indirect.gather [hbm4b:s4+s21], $0x80, s31, s21, $0xb8;
	[tilespmem:$0x1E400] =	vst v63  }
0xbc: {  	_ =	swait.ge [sflag:s25], $0x4000  }
0xbd: {  	[sflag:s25] =	ssyncset.done $0x0  }
.Ltmp6:
0xbe: {  	s31 =	sadd.s32 $0x1480, s0;
	[sflag:s25] =	ssyncadd.s32 $0xFFFFC000;
	(pc) =	sbr.rel @p1 .LBB2_5-.Ltmp6, $4  }
0xbf: {  	[spmem:s2] =	stream.indirect.scatter.add.f32 [tilespmem:s23], [sflag:$0x3], $0x80, s31, s21, $0xb8;
	[tilespmem:$0x1E400] =	vst v63  }
0xc0: {  	_ =	swait.ge [sflag:s19], $0x4000  }
0xc1: {  	[sflag:s19] =	ssyncset.done $0x0  }
0xc2: {  	s31 =	sadd.s32 $0x180, s0;
	[sflag:s19] =	ssyncadd.s32 $0xFFFFC000  }
0xc3: {  	[tilespmem:s23], [sflag:$0x2] =	stream.indirect.gather [hbm4b:s4+s21], $0x80, s31, s21, $0xb8;
	[tilespmem:$0x1E400] =	vst v63  }
0xc4: {  	_ =	swait.ge [sflag:s24], $0x4000  }
0xc5: {  	[sflag:s24] =	ssyncset.done $0x0  }
0xc6: {  	[sflag:s24] =	ssyncadd.s32 $0xFFFFC000  }
0xc7: {  	[spmem:s2] =	stream.indirect.scatter.add.f32 [tilespmem:s22], [sflag:$0x3], $0x80, s26, s21, $0xb8;
	[tilespmem:$0x1E400] =	vst v63  }
0xc8: {  	_ =	swait.ge [sflag:s19], $0x4000  }
0xc9: {  	[sflag:s19] =	ssyncset.done $0x0  }
0xca: {  	[sflag:s19] =	ssyncadd.s32 $0xFFFFC000  }
0xcb: {  	_ =	swait.ge [sflag:s25], $0x4000  }
0xcc: {  	[sflag:s25] =	ssyncset.done $0x0  }
0xcd: {  	[sflag:s25] =	ssyncadd.s32 $0xFFFFC000  }
0xce: {  	[spmem:s2] =	stream.indirect.scatter.add.f32 [tilespmem:s23], [sflag:$0x3], $0x80, s28, s21, $0xb8;
	[tilespmem:$0x1E400] =	vst v63  }
0xcf: {  	_ =	swait.ge [sflag:s19], $0x4000  }
0xd0: {  	[sflag:s19] =	ssyncset.done $0x0  }
0xd1: {  	s0 =	simm.s32 $0x0;
	[sflag:s19] =	ssyncadd.s32 $0xFFFFC000  }
0xd2: {  	[tilespmem:s0], [sflag:$0x3] =	stream.linear.gather [hbm4b:s13+s0], $0x1400, $0x38;
	[tilespmem:$0x1E400] =	vst v63  }
0xd3: {  	_ =	swait.ge [sflag:s19], $0x1400  }
0xd4: {  	[sflag:s19] =	ssyncset.done $0x0  }
0xd5: {  	[sflag:s19] =	ssyncadd.s32 $0xFFFFEC00  }
0xd6: {  	[tilespmem:s20], [sflag:$0x3] =	stream.linear.gather [hbm4b:s14+s0], $0x1400, $0x38;
	[tilespmem:$0x1E400] =	vst v63  }
0xd7: {  	_ =	swait.ge [sflag:s19], $0x1400  }
0xd8: {  	[sflag:s19] =	ssyncset.done $0x0  }
0xd9: {  	[sflag:s19] =	ssyncadd.s32 $0xFFFFEC00  }
0xda: {  	[tilespmem:s22], [sflag:$0x1] =	stream.indirect.gather [hbm4b:s4+s21], $0x80, s0, s21, $0xb8;
	[tilespmem:$0x1E400] =	vst v63  }
0xdb: {  	_ = 	snop  }
0xdc: {  	[tilespmem:s23], [sflag:$0x2] =	stream.indirect.gather [hbm4b:s4+s21], $0x80, s21, s21, $0xb8;
	[tilespmem:$0x1E400] =	vst v63  }
0xdd: {  	_ =	swait.ge [sflag:s24], $0x4000  }
0xde: {  	[sflag:s24] =	ssyncset.done $0x0  }
0xdf: {  	s0 =	simm.s32 $0x1400;
	[sflag:s24] =	ssyncadd.s32 $0xFFFFC000  }
0xe0: {  	[spmem:s2] =	stream.indirect.scatter.add.f32 [tilespmem:s22], [sflag:$0x3], $0x80, s0, s21, $0xb8;
	[tilespmem:$0x1E400] =	vst v63  }
0xe1: {  	_ =	swait.ge [sflag:s19], $0x4000  }
0xe2: {  	[sflag:s19] =	ssyncset.done $0x0  }
0xe3: {  	s0 =	simm.s32 $0x100;
	[sflag:s19] =	ssyncadd.s32 $0xFFFFC000  }
0xe4: {  	[tilespmem:s22], [sflag:$0x1] =	stream.indirect.gather [hbm4b:s4+s21], $0x80, s0, s21, $0xb8;
	[tilespmem:$0x1E400] =	vst v63  }
0xe5: {  	_ =	swait.ge [sflag:s25], $0x4000  }
0xe6: {  	[sflag:s25] =	ssyncset.done $0x0  }
0xe7: {  	s0 =	simm.s32 $0x1480;
	[sflag:s25] =	ssyncadd.s32 $0xFFFFC000  }
0xe8: {  	[spmem:s2] =	stream.indirect.scatter.add.f32 [tilespmem:s23], [sflag:$0x3], $0x80, s0, s21, $0xb8;
	[tilespmem:$0x1E400] =	vst v63  }
0xe9: {  	_ =	swait.ge [sflag:s19], $0x4000  }
0xea: {  	[sflag:s19] =	ssyncset.done $0x0  }
0xeb: {  	s30 =	simm.s32 $0x400;
	s31 =	simm.s32 $0x180;
	[sflag:s19] =	ssyncadd.s32 $0xFFFFC000  }
.LBB2_7:
0xec: {  	[tilespmem:s23], [sflag:$0x2] =	stream.indirect.gather [hbm4b:s4+s21], $0x80, s31, s21, $0xb8;
	[tilespmem:$0x1E400] =	vst v63  }
0xed: {  	s0 =	smov.u32 s30  }
0xee: {  	p1 =	seq.s32 s30, $0x4800;
	s30 =	sadd.s32 $0x400, s30;
	_ =	swait.ge [sflag:s24], $0x4000  }
0xef: {  	s0 =	sshra.s32 s0, $0x2;
	[sflag:s24] =	ssyncset.done $0x0  }
0xf0: {  	s31 =	sadd.s32 $0x1400, s0;
	[sflag:s24] =	ssyncadd.s32 $0xFFFFC000  }
0xf1: {  	[spmem:s2] =	stream.indirect.scatter.add.f32 [tilespmem:s22], [sflag:$0x3], $0x80, s31, s21, $0xb8;
	[tilespmem:$0x1E400] =	vst v63  }
0xf2: {  	_ =	swait.ge [sflag:s19], $0x4000  }
0xf3: {  	[sflag:s19] =	ssyncset.done $0x0  }
0xf4: {  	s31 =	sadd.s32 $0x100, s0;
	[sflag:s19] =	ssyncadd.s32 $0xFFFFC000  }
0xf5: {  	[tilespmem:s22], [sflag:$0x1] =	stream.indirect.gather [hbm4b:s4+s21], $0x80, s31, s21, $0xb8;
	[tilespmem:$0x1E400] =	vst v63  }
0xf6: {  	_ =	swait.ge [sflag:s25], $0x4000  }
0xf7: {  	[sflag:s25] =	ssyncset.done $0x0  }
.Ltmp7:
0xf8: {  	s31 =	sadd.s32 $0x1480, s0;
	[sflag:s25] =	ssyncadd.s32 $0xFFFFC000;
	(pc) =	sbr.rel @!p1 .LBB2_7-.Ltmp7, $4  }
0xf9: {  	[spmem:s2] =	stream.indirect.scatter.add.f32 [tilespmem:s23], [sflag:$0x3], $0x80, s31, s21, $0xb8;
	[tilespmem:$0x1E400] =	vst v63  }
0xfa: {  	_ =	swait.ge [sflag:s19], $0x4000  }
0xfb: {  	[sflag:s19] =	ssyncset.done $0x0  }
0xfc: {  	s31 =	sadd.s32 $0x180, s0;
	[sflag:s19] =	ssyncadd.s32 $0xFFFFC000  }
.Ltmp8:
0xfd: {  	(pc) =	sbr.rel .LBB2_12-.Ltmp8, $2  }
0xfe: {  	_ =	sdelay $0x2  }
0xff: {  	[tilespmem:s23], [sflag:$0x2] =	stream.indirect.gather [hbm4b:s4+s21], $0x80, s31, s21, $0xb8;
	[tilespmem:$0x1E400] =	vst v63  }
.LBB2_13:
0x100: {  	_ =	sfence.sel $0x180000  }
0x101: {  	[bflag:$0x0] =	sbarrier.arrive $0xFFFF  }
0x102: {  	_ =	strace $0x9000004A  }
0x103: {  	[bflag:$0x2] =	sbarrier.arrive $0xFFFF  }
0x104: {  	p0 =	sne.s32 s1, $0x0;
	s0 =	rddreg [dreg:$0x2]  }
0x105: {  	s0 =	sadd.s32 @!p0 $0x100000, s0  }
0x106: {  	[sflag:s0] =	ssyncadd.tile.s32 @!p0 $0x1;
	_ =	shalt  }
.Lfunc_end2:
_tile_overlayer_lowered:
.L_overlay_start_2:
0x107: {  	(tag) =	ssettag $0x2  }
0x108: {  	s0 =	rddreg [dreg:$0x0];
	s2 =	stileid.u32  }
0x109: {  	s1 =	rddreg [dreg:$0x1];
	p0 =	sne.s32 s2, $0x0  }
0x10a: {  	s3 =	rddreg [dreg:$0x2];
	[bflag:$0x3] =	sbarrier.arrive $0xFFFF;
	s2 =	simm.s32 @!p0 $0x1C03  }
0x10b: {  	[timem:s3], [sflag:s2] =	dma.local @!p0 [hbm:s0], s1  }
0x10c: {  	s0 =	simm.s32 @!p0 $0x3  }
0x10d: {  	_ =	swait.ge @!p0 [sflag:s0], s1  }
0x10e: {  	s1 =	ssub.s32 @!p0 $0x0, s1;
	[sflag:s0] =	ssyncset.done @!p0 $0x0  }
0x10f: {  	[sflag:s0] =	ssyncadd.s32 @!p0 s1  }
0x110: {  	[bflag:$0x3] =	sbarrier.arrive $0xFFFF  }
0x111: {  	_ =	shalt  }

// kernel: kernel.16.cloned.1.call-start
scs
__scs_entry_jumppad:
0x0: {  	(pc) =	sbr.rel $0x88, $3  }
0x1: {  	(tag) =	ssettag $0x0;
	lr =	simm.s32 $0x1  }
0x2: {  	[smem:$0x3F8A] =	sst lr;
	_ =	strace $0xD0000000  }
0x3: {  	_ = 	snop  }
0x4: {  	_ = 	snop  }
0x5: {  	_ = 	snop  }
0x6: {  	_ = 	snop  }
0x7: {  	_ = 	snop  }
__scs_overlays_trampoline_lowered:
0x8: {  	[smem:$0x3F99] =	sst s0  }
0x9: {  	[smem:$0x3F9A] =	sst s1  }
0xa: {  	[smem:$0x3F9B] =	sst s2  }
0xb: {  	[smem:$0x3F9C] =	sst s3  }
0xc: {  	[smem:$0x3F9D] =	sst s4  }
0xd: {  	[smem:$0x3F9E] =	sst s5  }
0xe: {  	[smem:$0x3F9F] =	sst s6  }
0xf: {  	[smem:$0x3FA0] =	sst s7  }
0x10: {  	[smem:$0x3FA1] =	sst s8  }
0x11: {  	[smem:$0x3FA2] =	sst s9;
	s0 =	simm.s32 @!p0 $0x0  }
0x12: {  	s1 =	sld [smem:$0x3F88];
	s0 =	simm.s32 @p0 $0x1  }
0x13: {  	[smem:$0x3FA3] =	sst s0;
	s0 =	simm.s32 @!p1 $0x0  }
0x14: {  	s2 =	sld [smem:$0x3F87];
	s0 =	simm.s32 @p1 $0x1  }
0x15: {  	[smem:$0x3FA4] =	sst s0;
	s0 =	simm.s32 @!p2 $0x0  }
0x16: {  	s3 =	sld [smem:$0x3FDB];
	s0 =	simm.s32 @p2 $0x1  }
0x17: {  	s4 =	simm.s32 $0x1BF5;
	[smem:$0x3FA6] =	sst s0  }
0x18: {  	s0 =	sld [smem:$0x3F89];
	_ =	swait.ge [sflag:s4], $0x0  }
0x19: {  	s7 =	sld [smem:$0x3F8A]  }
0x1a: {  	s8 =	sadd.s32 $0xFFFFE003, lr  }
0x1b: {  	s9 =	sadd.s32 $0xFFFFFEF7, lr;
	s5 =	simm.s32 $0xFFFFFFFF;
	p2 =	slt.u32 s8, $0xFFFFF086  }
0x1c: {  	p1 =	slt.u32 s9, $0xF7A;
	s5 =	simm.s32 @!p2 $0x0  }
0x1d: {  	s5 =	simm.s32 @p1 $0x1;
	p0 =	seq.s32 s7, s2  }
0x1e: {  	s7 =	smul.u32 @!p0 $0xF7A, s2;
	p2 =	seq.s32 @!p0 s5, $0x0  }
0x1f: {  	s9 =	smul.u32 $0xF7A, s1;
	s8 =	simm.s32 @!p0 $0x1BF5;
	p2 =	por !p2, p0  }
0x20: {  	[sflag:s8] =	ssyncset.s32 @!p0 $0xFFFFF086;
	s6 =	sadd.s32 @!p0 s3, s7;
	s7 =	simm.s32 @!p0 $0x108  }
0x21: {  	s3 =	sadd.s32 s3, s9;
	s6 =	sadd.s32 @!p0 $0x88, s6;
	s7 =	simm.s32 @p2 $0x1082  }
0x22: {  	[simem:s7], [sflag:s8] =	dma.local @!p0 [hbm:s6], $0xF7A  }
0x23: {  	s9 =	sor.u32 $0xD0000000, s2;
	s6 =	simm.s32 $0x108;
	_ =	swait.ge @!p0 [sflag:s8], $0x0  }
0x24: {  	s3 =	sadd.s32 $0x88, s3;
	s6 =	simm.s32 @!p1 $0x1082;
	[sflag:s4] =	ssyncset.s32 $0xFFFFF086  }
0x25: {  	[simem:s6], [sflag:s4] =	dma.local [hbm:s3], $0xF7A  }
0x26: {  	[smem:$0x3F8A] =	sst s1;
	(tag) =	ssettag s2;
	_ =	strace s9  }
0x27: {  	s1 =	sld [smem:$0x3F9A]  }
0x28: {  	s2 =	sld [smem:$0x3F9B]  }
0x29: {  	s4 =	sld [smem:$0x3F9D]  }
0x2a: {  	p0 =	seq.s32 s5, $0x0;
	s5 =	sld [smem:$0x3F9E]  }
0x2b: {  	s6 =	sld [smem:$0x3F9F]  }
0x2c: {  	s7 =	sld [smem:$0x3FA0]  }
0x2d: {  	s3 =	simm.s32 $0x108;
	s8 =	sld [smem:$0x3FA1]  }
0x2e: {  	s3 =	simm.s32 @!p0 $0x1082;
	s9 =	sld [smem:$0x3FA2]  }
0x2f: {  	lr =	sadd.s32 s0, s3;
	s0 =	sld [smem:$0x3F99]  }
0x30: {  	s3 =	sld [smem:$0x3F9C]  }
0x31: {  	[smem:$0x3FA5] =	sst s10  }
0x32: {  	s10 =	sld [smem:$0x3FA3];
	_ =	sdelay $0x3  }
0x33: {  	p0 =	seq.s32 s10, $0x1;
	s10 =	sld [smem:$0x3FA5];
	_ =	sdelay $0x3  }
0x34: {  	[smem:$0x3FA5] =	sst s10  }
0x35: {  	s10 =	sld [smem:$0x3FA4];
	_ =	sdelay $0x3  }
0x36: {  	p1 =	seq.s32 s10, $0x1;
	s10 =	sld [smem:$0x3FA5];
	_ =	sdelay $0x3  }
0x37: {  	[smem:$0x3FA5] =	sst s10  }
0x38: {  	s10 =	sld [smem:$0x3FA6]  }
0x39: {  	_ = 	snop;
	(pc) =	sbr.ind lr, $3  }
0x3a: {  	_ = 	snop  }
0x3b: {  	_ = 	snop  }
0x3c: {  	p2 =	seq.s32 s10, $0x1;
	s10 =	sld [smem:$0x3FA5]  }
0x3d: {  	_ =	shalt  }
0x3e: {  	_ =	shalt  }
0x3f: {  	_ =	shalt  }
0x40: {  	_ =	shalt  }
0x41: {  	_ =	shalt  }
0x42: {  	_ =	shalt  }
0x43: {  	_ =	shalt  }
0x44: {  	_ =	shalt  }
0x45: {  	_ =	shalt  }
0x46: {  	_ =	shalt  }
0x47: {  	_ =	shalt  }
0x48: {  	_ =	shalt  }
0x49: {  	_ =	shalt  }
0x4a: {  	_ =	shalt  }
0x4b: {  	_ =	shalt  }
0x4c: {  	_ =	shalt  }
0x4d: {  	_ =	shalt  }
0x4e: {  	_ =	shalt  }
0x4f: {  	_ =	shalt  }
0x50: {  	_ =	shalt  }
0x51: {  	_ =	shalt  }
0x52: {  	_ =	shalt  }
0x53: {  	_ =	shalt  }
0x54: {  	_ =	shalt  }
0x55: {  	_ =	shalt  }
0x56: {  	_ =	shalt  }
0x57: {  	_ =	shalt  }
0x58: {  	_ =	shalt  }
0x59: {  	_ =	shalt  }
0x5a: {  	_ =	shalt  }
0x5b: {  	_ =	shalt  }
0x5c: {  	_ =	shalt  }
0x5d: {  	_ =	shalt  }
0x5e: {  	_ =	shalt  }
0x5f: {  	_ =	shalt  }
0x60: {  	_ =	shalt  }
0x61: {  	_ =	shalt  }
0x62: {  	_ =	shalt  }
0x63: {  	_ =	shalt  }
0x64: {  	_ =	shalt  }
0x65: {  	_ =	shalt  }
0x66: {  	_ =	shalt  }
0x67: {  	_ =	shalt  }
0x68: {  	_ =	shalt  }
0x69: {  	_ =	shalt  }
0x6a: {  	_ =	shalt  }
0x6b: {  	_ =	shalt  }
0x6c: {  	_ =	shalt  }
0x6d: {  	_ =	shalt  }
0x6e: {  	_ =	shalt  }
0x6f: {  	_ =	shalt  }
0x70: {  	_ =	shalt  }
0x71: {  	_ =	shalt  }
0x72: {  	_ =	shalt  }
0x73: {  	_ =	shalt  }
0x74: {  	_ =	shalt  }
0x75: {  	_ =	shalt  }
0x76: {  	_ =	shalt  }
0x77: {  	_ =	shalt  }
0x78: {  	_ =	shalt  }
0x79: {  	_ =	shalt  }
0x7a: {  	_ =	shalt  }
0x7b: {  	_ =	shalt  }
0x7c: {  	_ =	shalt  }
0x7d: {  	_ =	shalt  }
0x7e: {  	_ =	shalt  }
0x7f: {  	_ =	shalt  }
0x80: {  	_ =	shalt  }
0x81: {  	_ =	shalt  }
0x82: {  	_ =	shalt  }
0x83: {  	_ =	shalt  }
0x84: {  	_ =	shalt  }
0x85: {  	_ =	shalt  }
0x86: {  	_ =	shalt  }
0x87: {  	_ =	shalt  }
.Lfunc_end0:
.L_simem_size_0:
called_computation.2_lowered:
.L_overlay_start_0:
0x88: {  	s2 =	sld [smem:$0x3FD9]  }
0x89: {  	s3 =	sld [smem:$0x3FFE];
	_ =	sdelay $0x1  }
0x8a: {  	s1 =	srdreg.scid  }
0x8b: {  	s0 =	sand.u32 $0x1, s1  }
0x8c: {  	s16 =	sshll.u32 s0, $0xA;
	s2 =	sadd.s32 s3, s2  }
0x8d: {  	s2 =	sadd.s32 s2, s16  }
0x8e: {  	[smem:$0x3FB1] =	sst s2  }
0x8f: {  	_ = 	snop  }
0x90: {  	(tm) =	ssettm $0x1  }
0x91: {  	s17 =	sld [smem:$0x3FFB];
	_ =	sdelay $0x3  }
0x92: {  	_ =	strace s17  }
0x93: {  	s2 =	sld [smem:$0x3FFC];
	_ =	sdelay $0x3  }
0x94: {  	_ =	strace s2  }
0x95: {  	s2 =	sld [smem:$0x3FFD];
	_ =	sdelay $0x3  }
0x96: {  	_ =	strace s2  }
0x97: {  	_ =	strace $0x8FFFFFFF  }
0x98: {  	s18 =	sld [smem:$0x3FDB];
	_ =	sdelay $0x1  }
0x99: {  	s19 =	simm.s32 $_scs_section_size  }
0x9a: {  	s4 =	simm.s32 $_size__tile_overlayer_lowered;
	s5 =	simm.s32 $_tile_overlayer_lowered  }
0x9b: {  	s22 =	simm.s32 $0x1BFF;
	s21 =	sshll.u32 s5, $0x1;
	s2 =	sadd.s32 s19, s18  }
0x9c: {  	s6 =	simm.s32 $0x0;
	s20 =	sshll.u32 s4, $0x1;
	s4 =	sadd.s32 s21, s2  }
0x9d: {  	[timem:s6], [sflag:s22] =	dma.local [hbm:s4], s20  }
0x9e: {  	_ =	swait.ge [sflag:s22], s20  }
0x9f: {  	s3 =	ssub.s32 $0x0, s20;
	[sflag:s22] =	ssyncset.done $0x0  }
0xa0: {  	[sflag:s22] =	ssyncadd.s32 s3;
	_ =	sdelay $0x1  }
0xa1: {  	s23 =	simm.s32 $0x1B8B  }
0xa2: {  	_ =	swait.ge [sflag:s23], $0x1  }
0xa3: {  	[sflag:s23] =	ssyncset.done $0x0  }
0xa4: {  	s25 =	simm.s32 $0x1B8E;
	s24 =	sld [smem:$0x3FFE];
	[sflag:s23] =	ssyncadd.s32 $0xFFFFFFFF  }
0xa5: {  	s26 =	simm.s32 $execute0_lowered;
	[smem:$0x3FD2] =	sst s25  }
0xa6: {  	s4 =	sshll.u32 s26, $0x1;
	_ =	strace $0x8000004C;
	[dreg:$0x1] =	wrdreg $0xFFFFFFFF  }
0xa7: {  	s28 =	simm.s32 $_size_execute0_lowered;
	s2 =	sadd.s32 s2, s4;
	[dreg:$0x0] =	wrdreg $0x0  }
0xa8: {  	s4 =	sshll.u32 s28, $0x1;
	[dreg:$0x2] =	wrdreg s2  }
0xa9: {  	[dreg:$0x3] =	wrdreg s4  }
0xaa: {  	[dreg:$0x4] =	wrdreg $0xC0  }
0xab: {  	_ =	task [dreg:s6], $0x5FFFF  }
0xac: {  	[dreg:$0x1] =	wrdreg $0xFFFFFFFF  }
0xad: {  	[dreg:$0x0] =	wrdreg $0x60  }
0xae: {  	[dreg:$0x2] =	wrdreg s24  }
0xaf: {  	[dreg:$0x3] =	wrdreg $0xA8000  }
0xb0: {  	[dreg:$0x4] =	wrdreg $0x9  }
0xb1: {  	_ =	task.clear_ibuf [dreg:s6], $0x5FFFF;
	_ =	strace $0x9000004C  }
0xb2: {  	s29 =	simm.s32 $0x9;
	_ =	strace $0x8000004E  }
0xb3: {  	_ =	swait.ge [sflag:s29], $0x1  }
0xb4: {  	[sflag:s29] =	ssyncadd.s32 $0xFFFFFFFF  }
0xb5: {  	_ =	strace $0x9000004E  }
0xb6: {  	_ =	sfence  }
0xb7: {  	s30 =	sld [smem:$0x0];
	_ =	sdelay $0x2  }
0xb8: {  	s31 =	sshll.u32 s1, $0xD;
	s1 =	sshrl.u32 s1, $0x2  }
0xb9: {  	s3 =	sand.u32 $0x4000, s31;
	s1 =	sadd.s32 s1, s30  }
0xba: {  	s0 =	sor.u32 s3, s0;
	s1 =	sshll.u32 s1, $0x11  }
0xbb: {  	s0 =	sor.u32 s1, s0  }
0xbc: {  	s0 =	sadd.s32 $0x8F2B, s0  }
0xbd: {  	[sflag:s0] =	ssyncadd.remote.s32 $0x1  }
0xbe: {  	_ =	sfence.sel $0xFFFF  }
0xbf: {  	[dreg:$0x0] =	wrdreg $0xFFFFFFFF;
	(pc) =	sbr.abs _section_cstart, $3  }
0xc0: {  	[dreg:$0x1] =	wrdreg $0xFFFFFFFF  }
0xc1: {  	_ =	task.clear_ibuf [dreg:s6], $0x2FFFF;
	_ =	strace $0x9FFFFFFF  }
0xc2: {  	(tm) =	ssettm $0x7FFFFFFF  }
0xc3: {  	_ =	shalt  }
tec
execute0_lowered:
.L_overlay_start_1:
0x0: {  	(tag) =	ssettag $0x1  }
0x1: {  	s6 =	rddreg [dreg:$0x0]  }
0x2: {  	s2 =	rddreg [dreg:$0x1]  }
0x3: {  	s1 =	stileid.u32;
	s4 =	srdreg.scid  }
0x4: {  	s3 =	simm.s32 $0x0;
	s20 =	simm.s32 $0x1400;
	s21 =	simm.s32 $0x80  }
0x5: {  	s22 =	simm.s32 $0x2800;
	s23 =	simm.s32 $0x6800;
	s24 =	simm.s32 $0x1  }
0x6: {  	s25 =	simm.s32 $0x2;
	s28 =	simm.s32 $0x2780;
	s7 =	smul.u32 $0x13C00, s1  }
0x7: {  	s9 =	sand.u32 $0x1, s4;
	[smem:$0x7FF] =	sst s3;
	s10 =	smul.u32 $0x4F000, s1  }
0x8: {  	s4 =	sadd.s32 $0x4E00, s6;
	s5 =	sadd.s32 $0x2C000, s6;
	s11 =	smul.u32 $0x5000, s1  }
0x9: {  	s15 =	sadd.s32 $0x5D200, s6;
	s16 =	sadd.s32 $0x53200, s6;
	s31 =	smul.u32 $0xA00, s1  }
0xa: {  	s30 =	sshll.u32 s1, $0x6;
	s8 =	smul.u32 $0x13C000, s9;
	s26 =	ssub.s32 $0x2, s9  }
0xb: {  	_ =	strace $0x8000004D;
	p0 =	seq.s32 s9, $0x1;
	s29 =	sshrl.u32 s26, $0x1  }
0xc: {  	s10 =	sshrl.u32 s10, $0x2;
	s13 =	sshrl.u32 s11, $0x3;
	s9 =	sadd.s32 s15, s31  }
0xd: {  	s8 =	sadd.s32 s7, s8;
	s7 =	sshrl.u32 s7, $0x3;
	s18 =	ssub.s32 s26, s29  }
0xe: {  	s12 =	sadd.s32 $0x280, s13;
	s14 =	sadd.s32 $0x500, s13;
	s19 =	sadd.s32 $0x780, s13  }
0xf: {  	s26 =	simm.s32 $0x2700;
	s8 =	sshrl.u32 s8, $0x3;
	s7 =	sadd.s32 s7, s6  }
.Ltmp0:
0x10: {  	s11 =	sadd.s32 s15, s12;
	s12 =	sadd.s32 s16, s12;
	(pc) =	sbr.rel .LBB2_1-.Ltmp0, $4  }
0x11: {  	s13 =	sadd.s32 s15, s14;
	s14 =	sadd.s32 s16, s14;
	s15 =	sadd.s32 s15, s19  }
0x12: {  	s18 =	smax.u32 s18, $0x1;
	s17 =	sadd.s32 s8, s6;
	s6 =	sadd.s32 s10, s2  }
0x13: {  	s7 =	sadd.s32 $0x67200, s7;
	s8 =	sor.u32 $0x1C03, s30;
	s10 =	sadd.s32 s16, s31  }
0x14: {  	s16 =	sadd.s32 s16, s19;
	s19 =	simm.s32 $0x3;
	s17 =	sadd.s32 $0x8EA00, s17  }
.LBB2_11:
0x15: {  	[tilespmem:s23], [sflag:$0x2] =	stream.indirect.gather [hbm4b:s5+s21], $0x80, s31, s21, $0xb8;
	[tilespmem:$0x1E400] =	vst v63  }
.LBB2_12:
0x16: {  	_ =	swait.ge [sflag:s24], $0x4000  }
0x17: {  	[sflag:s24] =	ssyncset.done $0x0  }
0x18: {  	[sflag:s24] =	ssyncadd.s32 $0xFFFFC000  }
0x19: {  	[spmem:s2] =	stream.indirect.scatter.add.f32 [tilespmem:s22], [sflag:$0x3], $0x80, s26, s21, $0xb8;
	[tilespmem:$0x1E400] =	vst v63  }
0x1a: {  	_ =	swait.ge [sflag:s19], $0x4000  }
0x1b: {  	[sflag:s19] =	ssyncset.done $0x0  }
0x1c: {  	[sflag:s19] =	ssyncadd.s32 $0xFFFFC000  }
0x1d: {  	_ =	swait.ge [sflag:s25], $0x4000  }
0x1e: {  	[sflag:s25] =	ssyncset.done $0x0  }
0x1f: {  	[sflag:s25] =	ssyncadd.s32 $0xFFFFC000  }
0x20: {  	[spmem:s2] =	stream.indirect.scatter.add.f32 [tilespmem:s23], [sflag:$0x3], $0x80, s28, s21, $0xb8;
	[tilespmem:$0x1E400] =	vst v63  }
0x21: {  	_ =	swait.ge [sflag:s19], $0x4000  }
0x22: {  	s3 =	sadd.s32 $0x1, s3;
	[sflag:s19] =	ssyncset.done $0x0  }
0x23: {  	p1 =	sne.s32 s3, s18;
	[sflag:s19] =	ssyncadd.s32 $0xFFFFC000  }
.Ltmp1:
0x24: {  	[bflag:$0x0] =	sbarrier.arrive $0xFFFF;
	(pc) =	sbr.rel @!p1 .LBB2_13-.Ltmp1, $4  }
0x25: {  	[hbm:s17], [sflag:s8] =	dma.local [spmem:s29], $0x2780  }
0x26: {  	_ =	swait.ge [sflag:s19], $0x2780  }
0x27: {  	[sflag:s19] =	ssyncset.done $0x0  }
0x28: {  	[sflag:s19] =	ssyncadd.s32 $0xFFFFD880  }
.LBB2_1:
0x29: {  	s29 =	sshrl.u32 s6, $0x3  }
0x2a: {  	[spmem:s29], [sflag:s8] =	dma.local [hbm:s7], $0x2780  }
.Ltmp2:
0x2b: {  	_ =	swait.ge [sflag:s19], $0x2780;
	(pc) =	sbr.rel @!p0 .LBB2_2-.Ltmp2, $3  }
0x2c: {  	[sflag:s19] =	ssyncset.done $0x0  }
0x2d: {  	[sflag:s19] =	ssyncadd.s32 $0xFFFFD880  }
0x2e: {  	[bflag:$0x0] =	sbarrier.arrive $0xFFFF;
	_ =	sdelay $0x1  }
0x2f: {  	s0 =	simm.s32 $0x0  }
0x30: {  	[tilespmem:s0], [sflag:$0x3] =	stream.linear.gather [hbm4b:s15+s0], $0x1400, $0x38;
	[tilespmem:$0x1E400] =	vst v63  }
0x31: {  	_ =	swait.ge [sflag:s19], $0x1400  }
0x32: {  	[sflag:s19] =	ssyncset.done $0x0  }
0x33: {  	[sflag:s19] =	ssyncadd.s32 $0xFFFFEC00  }
0x34: {  	[tilespmem:s20], [sflag:$0x3] =	stream.linear.gather [hbm4b:s16+s0], $0x1400, $0x38;
	[tilespmem:$0x1E400] =	vst v63  }
0x35: {  	_ =	swait.ge [sflag:s19], $0x1400  }
0x36: {  	[sflag:s19] =	ssyncset.done $0x0  }
0x37: {  	[sflag:s19] =	ssyncadd.s32 $0xFFFFEC00  }
0x38: {  	[tilespmem:s22], [sflag:$0x1] =	stream.indirect.gather [hbm4b:s5+s21], $0x80, s0, s21, $0xb8;
	[tilespmem:$0x1E400] =	vst v63  }
0x39: {  	_ = 	snop  }
0x3a: {  	[tilespmem:s23], [sflag:$0x2] =	stream.indirect.gather [hbm4b:s5+s21], $0x80, s21, s21, $0xb8;
	[tilespmem:$0x1E400] =	vst v63  }
0x3b: {  	_ =	swait.ge [sflag:s24], $0x4000  }
0x3c: {  	[sflag:s24] =	ssyncset.done $0x0  }
0x3d: {  	s0 =	simm.s32 $0x1400;
	[sflag:s24] =	ssyncadd.s32 $0xFFFFC000  }
0x3e: {  	[spmem:s2] =	stream.indirect.scatter.add.f32 [tilespmem:s22], [sflag:$0x3], $0x80, s0, s21, $0xb8;
	[tilespmem:$0x1E400] =	vst v63  }
0x3f: {  	_ =	swait.ge [sflag:s19], $0x4000  }
0x40: {  	[sflag:s19] =	ssyncset.done $0x0  }
0x41: {  	s0 =	simm.s32 $0x100;
	[sflag:s19] =	ssyncadd.s32 $0xFFFFC000  }
0x42: {  	[tilespmem:s22], [sflag:$0x1] =	stream.indirect.gather [hbm4b:s5+s21], $0x80, s0, s21, $0xb8;
	[tilespmem:$0x1E400] =	vst v63  }
0x43: {  	_ =	swait.ge [sflag:s25], $0x4000  }
0x44: {  	[sflag:s25] =	ssyncset.done $0x0  }
0x45: {  	s0 =	simm.s32 $0x1480;
	[sflag:s25] =	ssyncadd.s32 $0xFFFFC000  }
0x46: {  	[spmem:s2] =	stream.indirect.scatter.add.f32 [tilespmem:s23], [sflag:$0x3], $0x80, s0, s21, $0xb8;
	[tilespmem:$0x1E400] =	vst v63  }
0x47: {  	_ =	swait.ge [sflag:s19], $0x4000  }
0x48: {  	[sflag:s19] =	ssyncset.done $0x0  }
0x49: {  	s30 =	simm.s32 $0x400;
	s31 =	simm.s32 $0x180;
	[sflag:s19] =	ssyncadd.s32 $0xFFFFC000  }
.LBB2_10:
0x4a: {  	[tilespmem:s23], [sflag:$0x2] =	stream.indirect.gather [hbm4b:s5+s21], $0x80, s31, s21, $0xb8;
	[tilespmem:$0x1E400] =	vst v63  }
0x4b: {  	s0 =	smov.u32 s30  }
0x4c: {  	p1 =	sne.s32 s30, $0x4800;
	s30 =	sadd.s32 $0x400, s30;
	_ =	swait.ge [sflag:s24], $0x4000  }
0x4d: {  	s0 =	sshra.s32 s0, $0x2;
	[sflag:s24] =	ssyncset.done $0x0  }
0x4e: {  	s31 =	sadd.s32 $0x1400, s0;
	[sflag:s24] =	ssyncadd.s32 $0xFFFFC000  }
0x4f: {  	[spmem:s2] =	stream.indirect.scatter.add.f32 [tilespmem:s22], [sflag:$0x3], $0x80, s31, s21, $0xb8;
	[tilespmem:$0x1E400] =	vst v63  }
0x50: {  	_ =	swait.ge [sflag:s19], $0x4000  }
0x51: {  	[sflag:s19] =	ssyncset.done $0x0  }
0x52: {  	s31 =	sadd.s32 $0x100, s0;
	[sflag:s19] =	ssyncadd.s32 $0xFFFFC000  }
0x53: {  	[tilespmem:s22], [sflag:$0x1] =	stream.indirect.gather [hbm4b:s5+s21], $0x80, s31, s21, $0xb8;
	[tilespmem:$0x1E400] =	vst v63  }
0x54: {  	_ =	swait.ge [sflag:s25], $0x4000  }
0x55: {  	[sflag:s25] =	ssyncset.done $0x0  }
.Ltmp3:
0x56: {  	s31 =	sadd.s32 $0x1480, s0;
	[sflag:s25] =	ssyncadd.s32 $0xFFFFC000;
	(pc) =	sbr.rel @p1 .LBB2_10-.Ltmp3, $4  }
0x57: {  	[spmem:s2] =	stream.indirect.scatter.add.f32 [tilespmem:s23], [sflag:$0x3], $0x80, s31, s21, $0xb8;
	[tilespmem:$0x1E400] =	vst v63  }
0x58: {  	_ =	swait.ge [sflag:s19], $0x4000  }
0x59: {  	[sflag:s19] =	ssyncset.done $0x0  }
0x5a: {  	s31 =	sadd.s32 $0x180, s0;
	[sflag:s19] =	ssyncadd.s32 $0xFFFFC000  }
.Ltmp4:
0x5b: {  	_ = 	snop;
	(pc) =	sbr.rel .LBB2_11-.Ltmp4, $1  }
0x5c: {  	_ =	sdelay $0x3  }
.LBB2_2:
0x5d: {  	s30 =	simm.s32 $0x0  }
0x5e: {  	[tilespmem:s30], [sflag:$0x3] =	stream.linear.gather [hbm4b:s9+s30], $0x1400, $0x38;
	[tilespmem:$0x1E400] =	vst v63  }
0x5f: {  	_ =	swait.ge [sflag:s19], $0x1400  }
0x60: {  	[sflag:s19] =	ssyncset.done $0x0  }
0x61: {  	[sflag:s19] =	ssyncadd.s32 $0xFFFFEC00  }
0x62: {  	[tilespmem:s20], [sflag:$0x3] =	stream.linear.gather [hbm4b:s10+s30], $0x1400, $0x38;
	[tilespmem:$0x1E400] =	vst v63  }
0x63: {  	_ =	swait.ge [sflag:s19], $0x1400  }
0x64: {  	[sflag:s19] =	ssyncset.done $0x0  }
0x65: {  	[sflag:s19] =	ssyncadd.s32 $0xFFFFEC00  }
0x66: {  	[tilespmem:s22], [sflag:$0x1] =	stream.indirect.gather [hbm4b:s4+s21], $0x80, s30, s21, $0xb8;
	[tilespmem:$0x1E400] =	vst v63  }
0x67: {  	_ = 	snop  }
0x68: {  	[tilespmem:s23], [sflag:$0x2] =	stream.indirect.gather [hbm4b:s4+s21], $0x80, s21, s21, $0xb8;
	[tilespmem:$0x1E400] =	vst v63  }
0x69: {  	_ =	swait.ge [sflag:s24], $0x4000  }
0x6a: {  	[sflag:s24] =	ssyncset.done $0x0  }
0x6b: {  	s30 =	simm.s32 $0x1400;
	[sflag:s24] =	ssyncadd.s32 $0xFFFFC000  }
0x6c: {  	[spmem:s2] =	stream.indirect.scatter.add.f32 [tilespmem:s22], [sflag:$0x3], $0x80, s30, s21, $0xb8;
	[tilespmem:$0x1E400] =	vst v63  }
0x6d: {  	_ =	swait.ge [sflag:s19], $0x4000  }
0x6e: {  	[sflag:s19] =	ssyncset.done $0x0  }
0x6f: {  	s30 =	simm.s32 $0x100;
	[sflag:s19] =	ssyncadd.s32 $0xFFFFC000  }
0x70: {  	[tilespmem:s22], [sflag:$0x1] =	stream.indirect.gather [hbm4b:s4+s21], $0x80, s30, s21, $0xb8;
	[tilespmem:$0x1E400] =	vst v63  }
0x71: {  	_ =	swait.ge [sflag:s25], $0x4000  }
0x72: {  	[sflag:s25] =	ssyncset.done $0x0  }
0x73: {  	s30 =	simm.s32 $0x1480;
	[sflag:s25] =	ssyncadd.s32 $0xFFFFC000  }
0x74: {  	[spmem:s2] =	stream.indirect.scatter.add.f32 [tilespmem:s23], [sflag:$0x3], $0x80, s30, s21, $0xb8;
	[tilespmem:$0x1E400] =	vst v63  }
0x75: {  	_ =	swait.ge [sflag:s19], $0x4000  }
0x76: {  	[sflag:s19] =	ssyncset.done $0x0  }
0x77: {  	s31 =	simm.s32 $0x180;
	s30 =	simm.s32 $0x400;
	[sflag:s19] =	ssyncadd.s32 $0xFFFFC000  }
.LBB2_3:
0x78: {  	[tilespmem:s23], [sflag:$0x2] =	stream.indirect.gather [hbm4b:s4+s21], $0x80, s31, s21, $0xb8;
	[tilespmem:$0x1E400] =	vst v63  }
0x79: {  	s31 =	smov.u32 s30  }
0x7a: {  	p1 =	sne.s32 s30, $0x4800;
	s30 =	sadd.s32 $0x400, s30;
	_ =	swait.ge [sflag:s24], $0x4000  }
0x7b: {  	s31 =	sshra.s32 s31, $0x2;
	[sflag:s24] =	ssyncset.done $0x0  }
0x7c: {  	s0 =	sadd.s32 $0x1400, s31;
	[sflag:s24] =	ssyncadd.s32 $0xFFFFC000  }
0x7d: {  	[spmem:s2] =	stream.indirect.scatter.add.f32 [tilespmem:s22], [sflag:$0x3], $0x80, s0, s21, $0xb8;
	[tilespmem:$0x1E400] =	vst v63  }
0x7e: {  	_ =	swait.ge [sflag:s19], $0x4000  }
0x7f: {  	[sflag:s19] =	ssyncset.done $0x0  }
0x80: {  	s0 =	sadd.s32 $0x100, s31;
	[sflag:s19] =	ssyncadd.s32 $0xFFFFC000  }
0x81: {  	[tilespmem:s22], [sflag:$0x1] =	stream.indirect.gather [hbm4b:s4+s21], $0x80, s0, s21, $0xb8;
	[tilespmem:$0x1E400] =	vst v63  }
0x82: {  	_ =	swait.ge [sflag:s25], $0x4000  }
0x83: {  	[sflag:s25] =	ssyncset.done $0x0  }
.Ltmp5:
0x84: {  	s0 =	sadd.s32 $0x1480, s31;
	[sflag:s25] =	ssyncadd.s32 $0xFFFFC000;
	(pc) =	sbr.rel @p1 .LBB2_3-.Ltmp5, $4  }
0x85: {  	[spmem:s2] =	stream.indirect.scatter.add.f32 [tilespmem:s23], [sflag:$0x3], $0x80, s0, s21, $0xb8;
	[tilespmem:$0x1E400] =	vst v63  }
0x86: {  	_ =	swait.ge [sflag:s19], $0x4000  }
0x87: {  	[sflag:s19] =	ssyncset.done $0x0  }
0x88: {  	s31 =	sadd.s32 $0x180, s31;
	[sflag:s19] =	ssyncadd.s32 $0xFFFFC000  }
0x89: {  	[tilespmem:s23], [sflag:$0x2] =	stream.indirect.gather [hbm4b:s4+s21], $0x80, s31, s21, $0xb8;
	[tilespmem:$0x1E400] =	vst v63  }
0x8a: {  	_ =	swait.ge [sflag:s24], $0x4000  }
0x8b: {  	[sflag:s24] =	ssyncset.done $0x0  }
0x8c: {  	[sflag:s24] =	ssyncadd.s32 $0xFFFFC000  }
0x8d: {  	[spmem:s2] =	stream.indirect.scatter.add.f32 [tilespmem:s22], [sflag:$0x3], $0x80, s26, s21, $0xb8;
	[tilespmem:$0x1E400] =	vst v63  }
0x8e: {  	_ =	swait.ge [sflag:s19], $0x4000  }
0x8f: {  	[sflag:s19] =	ssyncset.done $0x0  }
0x90: {  	[sflag:s19] =	ssyncadd.s32 $0xFFFFC000  }
0x91: {  	_ =	swait.ge [sflag:s25], $0x4000  }
0x92: {  	[sflag:s25] =	ssyncset.done $0x0  }
0x93: {  	[sflag:s25] =	ssyncadd.s32 $0xFFFFC000  }
0x94: {  	[spmem:s2] =	stream.indirect.scatter.add.f32 [tilespmem:s23], [sflag:$0x3], $0x80, s28, s21, $0xb8;
	[tilespmem:$0x1E400] =	vst v63  }
0x95: {  	_ =	swait.ge [sflag:s19], $0x4000  }
0x96: {  	[sflag:s19] =	ssyncset.done $0x0  }
0x97: {  	s0 =	simm.s32 $0x0;
	[sflag:s19] =	ssyncadd.s32 $0xFFFFC000  }
0x98: {  	[tilespmem:s0], [sflag:$0x3] =	stream.linear.gather [hbm4b:s11+s0], $0x1400, $0x38;
	[tilespmem:$0x1E400] =	vst v63  }
0x99: {  	_ =	swait.ge [sflag:s19], $0x1400  }
0x9a: {  	[sflag:s19] =	ssyncset.done $0x0  }
0x9b: {  	[sflag:s19] =	ssyncadd.s32 $0xFFFFEC00  }
0x9c: {  	[tilespmem:s20], [sflag:$0x3] =	stream.linear.gather [hbm4b:s12+s0], $0x1400, $0x38;
	[tilespmem:$0x1E400] =	vst v63  }
0x9d: {  	_ =	swait.ge [sflag:s19], $0x1400  }
0x9e: {  	[sflag:s19] =	ssyncset.done $0x0  }
0x9f: {  	[sflag:s19] =	ssyncadd.s32 $0xFFFFEC00  }
0xa0: {  	[tilespmem:s22], [sflag:$0x1] =	stream.indirect.gather [hbm4b:s4+s21], $0x80, s0, s21, $0xb8;
	[tilespmem:$0x1E400] =	vst v63  }
0xa1: {  	_ = 	snop  }
0xa2: {  	[tilespmem:s23], [sflag:$0x2] =	stream.indirect.gather [hbm4b:s4+s21], $0x80, s21, s21, $0xb8;
	[tilespmem:$0x1E400] =	vst v63  }
0xa3: {  	_ =	swait.ge [sflag:s24], $0x4000  }
0xa4: {  	[sflag:s24] =	ssyncset.done $0x0  }
0xa5: {  	s0 =	simm.s32 $0x1400;
	[sflag:s24] =	ssyncadd.s32 $0xFFFFC000  }
0xa6: {  	[spmem:s2] =	stream.indirect.scatter.add.f32 [tilespmem:s22], [sflag:$0x3], $0x80, s0, s21, $0xb8;
	[tilespmem:$0x1E400] =	vst v63  }
0xa7: {  	_ =	swait.ge [sflag:s19], $0x4000  }
0xa8: {  	[sflag:s19] =	ssyncset.done $0x0  }
0xa9: {  	s0 =	simm.s32 $0x100;
	[sflag:s19] =	ssyncadd.s32 $0xFFFFC000  }
0xaa: {  	[tilespmem:s22], [sflag:$0x1] =	stream.indirect.gather [hbm4b:s4+s21], $0x80, s0, s21, $0xb8;
	[tilespmem:$0x1E400] =	vst v63  }
0xab: {  	_ =	swait.ge [sflag:s25], $0x4000  }
0xac: {  	[sflag:s25] =	ssyncset.done $0x0  }
0xad: {  	s0 =	simm.s32 $0x1480;
	[sflag:s25] =	ssyncadd.s32 $0xFFFFC000  }
0xae: {  	[spmem:s2] =	stream.indirect.scatter.add.f32 [tilespmem:s23], [sflag:$0x3], $0x80, s0, s21, $0xb8;
	[tilespmem:$0x1E400] =	vst v63  }
0xaf: {  	_ =	swait.ge [sflag:s19], $0x4000  }
0xb0: {  	[sflag:s19] =	ssyncset.done $0x0  }
0xb1: {  	s30 =	simm.s32 $0x400;
	s31 =	simm.s32 $0x180;
	[sflag:s19] =	ssyncadd.s32 $0xFFFFC000  }
.LBB2_5:
0xb2: {  	[tilespmem:s23], [sflag:$0x2] =	stream.indirect.gather [hbm4b:s4+s21], $0x80, s31, s21, $0xb8;
	[tilespmem:$0x1E400] =	vst v63  }
0xb3: {  	s0 =	smov.u32 s30  }
0xb4: {  	p1 =	sne.s32 s30, $0x4800;
	s30 =	sadd.s32 $0x400, s30;
	_ =	swait.ge [sflag:s24], $0x4000  }
0xb5: {  	s0 =	sshra.s32 s0, $0x2;
	[sflag:s24] =	ssyncset.done $0x0  }
0xb6: {  	s31 =	sadd.s32 $0x1400, s0;
	[sflag:s24] =	ssyncadd.s32 $0xFFFFC000  }
0xb7: {  	[spmem:s2] =	stream.indirect.scatter.add.f32 [tilespmem:s22], [sflag:$0x3], $0x80, s31, s21, $0xb8;
	[tilespmem:$0x1E400] =	vst v63  }
0xb8: {  	_ =	swait.ge [sflag:s19], $0x4000  }
0xb9: {  	[sflag:s19] =	ssyncset.done $0x0  }
0xba: {  	s31 =	sadd.s32 $0x100, s0;
	[sflag:s19] =	ssyncadd.s32 $0xFFFFC000  }
0xbb: {  	[tilespmem:s22], [sflag:$0x1] =	stream.indirect.gather [hbm4b:s4+s21], $0x80, s31, s21, $0xb8;
	[tilespmem:$0x1E400] =	vst v63  }
0xbc: {  	_ =	swait.ge [sflag:s25], $0x4000  }
0xbd: {  	[sflag:s25] =	ssyncset.done $0x0  }
.Ltmp6:
0xbe: {  	s31 =	sadd.s32 $0x1480, s0;
	[sflag:s25] =	ssyncadd.s32 $0xFFFFC000;
	(pc) =	sbr.rel @p1 .LBB2_5-.Ltmp6, $4  }
0xbf: {  	[spmem:s2] =	stream.indirect.scatter.add.f32 [tilespmem:s23], [sflag:$0x3], $0x80, s31, s21, $0xb8;
	[tilespmem:$0x1E400] =	vst v63  }
0xc0: {  	_ =	swait.ge [sflag:s19], $0x4000  }
0xc1: {  	[sflag:s19] =	ssyncset.done $0x0  }
0xc2: {  	s31 =	sadd.s32 $0x180, s0;
	[sflag:s19] =	ssyncadd.s32 $0xFFFFC000  }
0xc3: {  	[tilespmem:s23], [sflag:$0x2] =	stream.indirect.gather [hbm4b:s4+s21], $0x80, s31, s21, $0xb8;
	[tilespmem:$0x1E400] =	vst v63  }
0xc4: {  	_ =	swait.ge [sflag:s24], $0x4000  }
0xc5: {  	[sflag:s24] =	ssyncset.done $0x0  }
0xc6: {  	[sflag:s24] =	ssyncadd.s32 $0xFFFFC000  }
0xc7: {  	[spmem:s2] =	stream.indirect.scatter.add.f32 [tilespmem:s22], [sflag:$0x3], $0x80, s26, s21, $0xb8;
	[tilespmem:$0x1E400] =	vst v63  }
0xc8: {  	_ =	swait.ge [sflag:s19], $0x4000  }
0xc9: {  	[sflag:s19] =	ssyncset.done $0x0  }
0xca: {  	[sflag:s19] =	ssyncadd.s32 $0xFFFFC000  }
0xcb: {  	_ =	swait.ge [sflag:s25], $0x4000  }
0xcc: {  	[sflag:s25] =	ssyncset.done $0x0  }
0xcd: {  	[sflag:s25] =	ssyncadd.s32 $0xFFFFC000  }
0xce: {  	[spmem:s2] =	stream.indirect.scatter.add.f32 [tilespmem:s23], [sflag:$0x3], $0x80, s28, s21, $0xb8;
	[tilespmem:$0x1E400] =	vst v63  }
0xcf: {  	_ =	swait.ge [sflag:s19], $0x4000  }
0xd0: {  	[sflag:s19] =	ssyncset.done $0x0  }
0xd1: {  	s0 =	simm.s32 $0x0;
	[sflag:s19] =	ssyncadd.s32 $0xFFFFC000  }
0xd2: {  	[tilespmem:s0], [sflag:$0x3] =	stream.linear.gather [hbm4b:s13+s0], $0x1400, $0x38;
	[tilespmem:$0x1E400] =	vst v63  }
0xd3: {  	_ =	swait.ge [sflag:s19], $0x1400  }
0xd4: {  	[sflag:s19] =	ssyncset.done $0x0  }
0xd5: {  	[sflag:s19] =	ssyncadd.s32 $0xFFFFEC00  }
0xd6: {  	[tilespmem:s20], [sflag:$0x3] =	stream.linear.gather [hbm4b:s14+s0], $0x1400, $0x38;
	[tilespmem:$0x1E400] =	vst v63  }
0xd7: {  	_ =	swait.ge [sflag:s19], $0x1400  }
0xd8: {  	[sflag:s19] =	ssyncset.done $0x0  }
0xd9: {  	[sflag:s19] =	ssyncadd.s32 $0xFFFFEC00  }
0xda: {  	[tilespmem:s22], [sflag:$0x1] =	stream.indirect.gather [hbm4b:s4+s21], $0x80, s0, s21, $0xb8;
	[tilespmem:$0x1E400] =	vst v63  }
0xdb: {  	_ = 	snop  }
0xdc: {  	[tilespmem:s23], [sflag:$0x2] =	stream.indirect.gather [hbm4b:s4+s21], $0x80, s21, s21, $0xb8;
	[tilespmem:$0x1E400] =	vst v63  }
0xdd: {  	_ =	swait.ge [sflag:s24], $0x4000  }
0xde: {  	[sflag:s24] =	ssyncset.done $0x0  }
0xdf: {  	s0 =	simm.s32 $0x1400;
	[sflag:s24] =	ssyncadd.s32 $0xFFFFC000  }
0xe0: {  	[spmem:s2] =	stream.indirect.scatter.add.f32 [tilespmem:s22], [sflag:$0x3], $0x80, s0, s21, $0xb8;
	[tilespmem:$0x1E400] =	vst v63  }
0xe1: {  	_ =	swait.ge [sflag:s19], $0x4000  }
0xe2: {  	[sflag:s19] =	ssyncset.done $0x0  }
0xe3: {  	s0 =	simm.s32 $0x100;
	[sflag:s19] =	ssyncadd.s32 $0xFFFFC000  }
0xe4: {  	[tilespmem:s22], [sflag:$0x1] =	stream.indirect.gather [hbm4b:s4+s21], $0x80, s0, s21, $0xb8;
	[tilespmem:$0x1E400] =	vst v63  }
0xe5: {  	_ =	swait.ge [sflag:s25], $0x4000  }
0xe6: {  	[sflag:s25] =	ssyncset.done $0x0  }
0xe7: {  	s0 =	simm.s32 $0x1480;
	[sflag:s25] =	ssyncadd.s32 $0xFFFFC000  }
0xe8: {  	[spmem:s2] =	stream.indirect.scatter.add.f32 [tilespmem:s23], [sflag:$0x3], $0x80, s0, s21, $0xb8;
	[tilespmem:$0x1E400] =	vst v63  }
0xe9: {  	_ =	swait.ge [sflag:s19], $0x4000  }
0xea: {  	[sflag:s19] =	ssyncset.done $0x0  }
0xeb: {  	s30 =	simm.s32 $0x400;
	s31 =	simm.s32 $0x180;
	[sflag:s19] =	ssyncadd.s32 $0xFFFFC000  }
.LBB2_7:
0xec: {  	[tilespmem:s23], [sflag:$0x2] =	stream.indirect.gather [hbm4b:s4+s21], $0x80, s31, s21, $0xb8;
	[tilespmem:$0x1E400] =	vst v63  }
0xed: {  	s0 =	smov.u32 s30  }
0xee: {  	p1 =	seq.s32 s30, $0x4800;
	s30 =	sadd.s32 $0x400, s30;
	_ =	swait.ge [sflag:s24], $0x4000  }
0xef: {  	s0 =	sshra.s32 s0, $0x2;
	[sflag:s24] =	ssyncset.done $0x0  }
0xf0: {  	s31 =	sadd.s32 $0x1400, s0;
	[sflag:s24] =	ssyncadd.s32 $0xFFFFC000  }
0xf1: {  	[spmem:s2] =	stream.indirect.scatter.add.f32 [tilespmem:s22], [sflag:$0x3], $0x80, s31, s21, $0xb8;
	[tilespmem:$0x1E400] =	vst v63  }
0xf2: {  	_ =	swait.ge [sflag:s19], $0x4000  }
0xf3: {  	[sflag:s19] =	ssyncset.done $0x0  }
0xf4: {  	s31 =	sadd.s32 $0x100, s0;
	[sflag:s19] =	ssyncadd.s32 $0xFFFFC000  }
0xf5: {  	[tilespmem:s22], [sflag:$0x1] =	stream.indirect.gather [hbm4b:s4+s21], $0x80, s31, s21, $0xb8;
	[tilespmem:$0x1E400] =	vst v63  }
0xf6: {  	_ =	swait.ge [sflag:s25], $0x4000  }
0xf7: {  	[sflag:s25] =	ssyncset.done $0x0  }
.Ltmp7:
0xf8: {  	s31 =	sadd.s32 $0x1480, s0;
	[sflag:s25] =	ssyncadd.s32 $0xFFFFC000;
	(pc) =	sbr.rel @!p1 .LBB2_7-.Ltmp7, $4  }
0xf9: {  	[spmem:s2] =	stream.indirect.scatter.add.f32 [tilespmem:s23], [sflag:$0x3], $0x80, s31, s21, $0xb8;
	[tilespmem:$0x1E400] =	vst v63  }
0xfa: {  	_ =	swait.ge [sflag:s19], $0x4000  }
0xfb: {  	[sflag:s19] =	ssyncset.done $0x0  }
0xfc: {  	s31 =	sadd.s32 $0x180, s0;
	[sflag:s19] =	ssyncadd.s32 $0xFFFFC000  }
.Ltmp8:
0xfd: {  	(pc) =	sbr.rel .LBB2_12-.Ltmp8, $2  }
0xfe: {  	_ =	sdelay $0x2  }
0xff: {  	[tilespmem:s23], [sflag:$0x2] =	stream.indirect.gather [hbm4b:s4+s21], $0x80, s31, s21, $0xb8;
	[tilespmem:$0x1E400] =	vst v63  }
.LBB2_13:
0x100: {  	_ =	sfence.sel $0x180000  }
0x101: {  	[bflag:$0x0] =	sbarrier.arrive $0xFFFF  }
0x102: {  	_ =	strace $0x9000004D  }
0x103: {  	[bflag:$0x2] =	sbarrier.arrive $0xFFFF  }
0x104: {  	p0 =	sne.s32 s1, $0x0;
	s0 =	rddreg [dreg:$0x2]  }
0x105: {  	s0 =	sadd.s32 @!p0 $0x100000, s0  }
0x106: {  	[sflag:s0] =	ssyncadd.tile.s32 @!p0 $0x1;
	_ =	shalt  }
.Lfunc_end2:
_tile_overlayer_lowered:
.L_overlay_start_2:
0x107: {  	(tag) =	ssettag $0x2  }
0x108: {  	s0 =	rddreg [dreg:$0x0];
	s2 =	stileid.u32  }
0x109: {  	s1 =	rddreg [dreg:$0x1];
	p0 =	sne.s32 s2, $0x0  }
0x10a: {  	s3 =	rddreg [dreg:$0x2];
	[bflag:$0x3] =	sbarrier.arrive $0xFFFF;
	s2 =	simm.s32 @!p0 $0x1C03  }
0x10b: {  	[timem:s3], [sflag:s2] =	dma.local @!p0 [hbm:s0], s1  }
0x10c: {  	s0 =	simm.s32 @!p0 $0x3  }
0x10d: {  	_ =	swait.ge @!p0 [sflag:s0], s1  }
0x10e: {  	s1 =	ssub.s32 @!p0 $0x0, s1;
	[sflag:s0] =	ssyncset.done @!p0 $0x0  }
0x10f: {  	[sflag:s0] =	ssyncadd.s32 @!p0 s1  }
0x110: {  	[bflag:$0x3] =	sbarrier.arrive $0xFFFF  }
0x111: {  	_ =	shalt  }

</sc_bundles>
